<compile_context>
chip_gen: v7x
topology: tpu7x:2x2x1
jax: 0.10.2.dev20260603
libtpu: 0.0.44.dev20260713+nightly
codegen_flags: <defaults>
</compile_context>

<pallas_src>
import functools

import jax
import jax.numpy as jnp
from jax import lax
from jax.experimental import pallas as pl
from jax.experimental.pallas import tpu as pltpu
from jax.experimental.pallas import tpu_sc as plsc

NHID = 128
HALF = 64
NPER = 16384
E = 262144
NC = 2
NS = 16
CH = 128
EDGES_PER_TILE = E // NS
NCHUNK = EDGES_PER_TILE // CH
ROWS_PER_TILE = NPER // NS


NBUF = 4


def _sc_segsum_body(table, src_hbm, dst_hbm, out, sidx, didx, rows, acc,
                    gsem, ssem):
    c = lax.axis_index("c")
    s = lax.axis_index("s")

    pltpu.sync_copy(src_hbm.at[pl.ds(s * EDGES_PER_TILE, EDGES_PER_TILE)],
                    sidx)
    pltpu.sync_copy(dst_hbm.at[pl.ds(s * NCHUNK, NCHUNK)], didx)
    tabc = table.at[c]
    for b in range(NBUF - 1):
        pltpu.async_copy(tabc.at[sidx.at[pl.ds(b * CH, CH)]], rows[b],
                         gsem[b])

    zero = jnp.zeros((16,), jnp.float32)
    zbuf = rows[NBUF - 1]

    def zrow(i, carry):
        for j in range(HALF // 16):
            zbuf[i, pl.ds(j * 16, 16)] = zero
        return carry

    lax.fori_loop(0, CH, zrow, 0)
    for k in range(ROWS_PER_TILE // CH):
        pltpu.sync_copy(zbuf, acc.at[pl.ds(s * ROWS_PER_TILE + k * CH, CH)])
    plsc.subcore_barrier()

    def step(k2, carry):
        for b in range(NBUF):
            k = k2 * NBUF + b
            pltpu.make_async_copy(tabc.at[sidx.at[pl.ds(0, CH)]], rows[b],
                                  gsem[b]).wait()
            pltpu.async_copy(rows[b], acc.at[didx.at[k]], ssem[b], add=True)
            b3 = (b - 1) % NBUF
            kn = k + NBUF - 1

            @pl.when(kn < NCHUNK)
            def _():
                @pl.when(k >= 1)
                def _():
                    pltpu.make_async_copy(rows[b3], acc.at[didx.at[0]],
                                          ssem[b3]).wait()
                pltpu.async_copy(tabc.at[sidx.at[pl.ds(kn * CH, CH)]],
                                 rows[b3], gsem[b3])

        return carry

    lax.fori_loop(0, NCHUNK // NBUF, step, 0)
    for b in range(NBUF):
        pltpu.make_async_copy(rows[b], acc.at[didx.at[0]], ssem[b]).wait()
    plsc.subcore_barrier()
    pltpu.sync_copy(acc.at[pl.ds(s * ROWS_PER_TILE, ROWS_PER_TILE)],
                    out.at[pl.ds(c * NPER + s * ROWS_PER_TILE,
                                 ROWS_PER_TILE)])


@functools.cache
def _get_sc_segsum():
    return functools.partial(
        pl.kernel,
        mesh=plsc.VectorSubcoreMesh(core_axis_name="c", subcore_axis_name="s"),
        out_type=jax.ShapeDtypeStruct((NC * NPER, HALF), jnp.float32),
        scratch_types=[
            pltpu.VMEM((EDGES_PER_TILE,), jnp.int32),
            pltpu.VMEM((NCHUNK, CH), jnp.int32),
            [pltpu.VMEM((CH, HALF), jnp.float32)] * NBUF,
            pltpu.VMEM_SHARED((NPER, HALF), jnp.float32),
            [pltpu.SemaphoreType.DMA] * NBUF,
            [pltpu.SemaphoreType.DMA] * NBUF,
        ],
        compiler_params=pltpu.CompilerParams(use_tc_tiling_on_sc=False),
    )(_sc_segsum_body)


def _sc_segsum(table, src_idx2, dst_idx2):
    return _get_sc_segsum()(table, src_idx2, dst_idx2)


SHLF = NPER // 2


def _dot_t(x, w):
    return lax.dot_general(x, w, (((1,), (1,)), ((), ())),
                           preferred_element_type=jnp.float32)


def _mlp_core(a_ref, xres_ref, w0_ref, g0_ref, b0_ref, w1_ref, g1_ref,
              b1_ref, eps_ref):
    e0 = a_ref[0:SHLF, 0:HALF]
    o0 = a_ref[0:SHLF, HALF:NHID]
    e1 = a_ref[SHLF:NPER, 0:HALF]
    o1 = a_ref[SHLF:NPER, HALF:NHID]
    w0 = w0_ref[...]
    w0t = w0[:, 0:HALF]
    w0b = w0[:, HALF:NHID]
    h_e = _dot_t(e0, w0t) + _dot_t(e1, w0b)
    h_o = _dot_t(o0, w0t) + _dot_t(o1, w0b)
    n = float(NPER)
    m = (jnp.sum(h_e, 0, keepdims=True) + jnp.sum(h_o, 0, keepdims=True)) / n
    hm_e = h_e - m
    hm_o = h_o - m
    v = (jnp.sum(hm_e * hm_e, 0, keepdims=True)
         + jnp.sum(hm_o * hm_o, 0, keepdims=True)) / n
    r0 = lax.rsqrt(v + 1e-5) * g0_ref[...]
    x1_e = jnp.maximum(hm_e * r0 + b0_ref[...], 0.0)
    x1_o = jnp.maximum(hm_o * r0 + b0_ref[...], 0.0)
    w1 = w1_ref[...]
    h2_e = _dot_t(x1_e, w1)
    h2_o = _dot_t(x1_o, w1)
    m2 = (jnp.sum(h2_e, 0, keepdims=True)
          + jnp.sum(h2_o, 0, keepdims=True)) / n
    hm2_e = h2_e - m2
    hm2_o = h2_o - m2
    v2 = (jnp.sum(hm2_e * hm2_e, 0, keepdims=True)
          + jnp.sum(hm2_o * hm2_o, 0, keepdims=True)) / n
    r1 = lax.rsqrt(v2 + 1e-5) * g1_ref[...]
    y_e = jnp.maximum(hm2_e * r1 + b1_ref[...], 0.0)
    y_o = jnp.maximum(hm2_o * r1 + b1_ref[...], 0.0)
    sc = 1.0 + eps_ref[0, 0]
    xr = xres_ref[...]
    out_e = sc * xr[:, 0:NHID] + y_e
    out_o = sc * xr[:, NHID:2 * NHID] + y_o
    return out_e, out_o


def _write_split(split_ref, out_e, out_o):
    split_ref[0:SHLF, :] = jnp.concatenate(
        [out_e[:, 0:HALF], out_o[:, 0:HALF]], axis=1)
    split_ref[SHLF:NPER, :] = jnp.concatenate(
        [out_e[:, HALF:NHID], out_o[:, HALF:NHID]], axis=1)


def _mlp_body(a_ref, xres_ref, w0_ref, g0_ref, b0_ref, w1_ref, g1_ref,
              b1_ref, eps_ref, split_ref, full_ref):
    out_e, out_o = _mlp_core(a_ref, xres_ref, w0_ref, g0_ref, b0_ref,
                             w1_ref, g1_ref, b1_ref, eps_ref)
    full_ref[...] = jnp.concatenate([out_e, out_o], axis=1)
    _write_split(split_ref, out_e, out_o)


def _mlp_mid_body(lvl, a_ref, xres_ref, w0_ref, g0_ref, b0_ref, w1_ref,
                  g1_ref, b1_ref, eps_ref, split_ref, xs_ref, fbuf, sem):
    out_e, out_o = _mlp_core(a_ref, xres_ref, w0_ref, g0_ref, b0_ref,
                             w1_ref, g1_ref, b1_ref, eps_ref)
    _write_split(split_ref, out_e, out_o)
    fbuf[...] = jnp.concatenate([out_e, out_o], axis=1)
    pltpu.async_copy(fbuf, xs_ref.at[pl.ds(lvl * SHLF, SHLF)], sem).wait()


def _mlp_last_body(lvl, a_ref, xres_ref, w0_ref, g0_ref, b0_ref, w1_ref,
                   g1_ref, b1_ref, eps_ref, xsin_ref, xs_ref, fbuf, sem):
    out_e, out_o = _mlp_core(a_ref, xres_ref, w0_ref, g0_ref, b0_ref,
                             w1_ref, g1_ref, b1_ref, eps_ref)
    fbuf[...] = jnp.concatenate([out_e, out_o], axis=1)
    pltpu.async_copy(fbuf, xs_ref.at[pl.ds(lvl * SHLF, SHLF)], sem).wait()


def _mlp_mid2_body(lvl, a_ref, xres_ref, w0_ref, g0_ref, b0_ref, w1_ref,
                   g1_ref, b1_ref, eps_ref, xsin_ref, split_ref, xs_ref,
                   fbuf, sem):
    _mlp_mid_body(lvl, a_ref, xres_ref, w0_ref, g0_ref, b0_ref, w1_ref,
                  g1_ref, b1_ref, eps_ref, split_ref, xs_ref, fbuf, sem)


_SPECS9 = ([pl.BlockSpec(memory_space=pltpu.VMEM)] * 8
           + [pl.BlockSpec(memory_space=pltpu.SMEM)])
_FSCRATCH = [pltpu.VMEM((SHLF, 2 * NHID), jnp.float32),
             pltpu.SemaphoreType.DMA]

_mlp = pl.pallas_call(
    _mlp_body,
    out_shape=(jax.ShapeDtypeStruct((NPER, NHID), jnp.float32),
               jax.ShapeDtypeStruct((SHLF, 2 * NHID), jnp.float32)),
    in_specs=_SPECS9,
)

_mlp_first_final = pl.pallas_call(
    functools.partial(_mlp_mid_body, 0),
    out_shape=(jax.ShapeDtypeStruct((NPER, NHID), jnp.float32),
               jax.ShapeDtypeStruct((3 * SHLF, 2 * NHID), jnp.float32)),
    in_specs=_SPECS9,
    out_specs=(pl.BlockSpec(memory_space=pltpu.VMEM),
               pl.BlockSpec(memory_space=pl.ANY)),
    scratch_shapes=_FSCRATCH,
)

_mlp_mid_final = pl.pallas_call(
    functools.partial(_mlp_mid2_body, 1),
    out_shape=(jax.ShapeDtypeStruct((NPER, NHID), jnp.float32),
               jax.ShapeDtypeStruct((3 * SHLF, 2 * NHID), jnp.float32)),
    in_specs=_SPECS9 + [pl.BlockSpec(memory_space=pl.ANY)],
    out_specs=(pl.BlockSpec(memory_space=pltpu.VMEM),
               pl.BlockSpec(memory_space=pl.ANY)),
    input_output_aliases={9: 1},
    scratch_shapes=_FSCRATCH,
)

_mlp_last_final = pl.pallas_call(
    functools.partial(_mlp_last_body, 2),
    out_shape=jax.ShapeDtypeStruct((3 * SHLF, 2 * NHID), jnp.float32),
    in_specs=_SPECS9 + [pl.BlockSpec(memory_space=pl.ANY)],
    out_specs=pl.BlockSpec(memory_space=pl.ANY),
    input_output_aliases={9: 0},
    scratch_shapes=_FSCRATCH,
)


def _split_body(v_ref, out_ref):
    v = v_ref[...]
    out_ref[0:SHLF, :] = jnp.concatenate(
        [v[:, 0:HALF], v[:, NHID:NHID + HALF]], axis=1)
    out_ref[SHLF:NPER, :] = jnp.concatenate(
        [v[:, HALF:NHID], v[:, NHID + HALF:2 * NHID]], axis=1)


_split_k = pl.pallas_call(
    _split_body,
    out_shape=jax.ShapeDtypeStruct((NPER, NHID), jnp.float32),
)


def _seg(tab_b, src_idx, dst_idx):
    agg = _sc_segsum(tab_b.reshape(NC, NPER, HALF), src_idx,
                     dst_idx.reshape(NS * NCHUNK, CH))
    return agg.reshape(NPER, NHID)


def _wargs(W0, g0, b0, W1, g1, b1, eps):
    return (W0, g0.reshape(1, NHID), b0.reshape(1, NHID),
            W1, g1.reshape(1, NHID), b1.reshape(1, NHID), eps.reshape(1, 1))


def kernel(xs, k_batch, bipartites, bw_W0, bw_g0, bw_b0, bw_W1, bw_g1, bw_b1,
           fw_W0, fw_g0, fw_b0, fw_W1, fw_g1, fw_b1, bw_eps, fw_eps):
    pv = lambda x: x.reshape(SHLF, 2 * NHID)
    L0 = pv(xs[0:NPER])
    L1 = pv(xs[NPER:2 * NPER])
    L2 = pv(xs[2 * NPER:3 * NPER])
    ei0 = bipartites[0]
    ei1 = bipartites[1]

    agg = _seg(_split_k(L2), ei1[1], ei1[0])
    nl1_s, nl1_f = _mlp(agg, L1, *_wargs(bw_W0[1], bw_g0[1], bw_b0[1],
                                         bw_W1[1], bw_g1[1], bw_b1[1],
                                         bw_eps[1]))
    agg = _seg(nl1_s, ei0[1], ei0[0])
    nl0_s, xsb = _mlp_first_final(agg, L0, *_wargs(bw_W0[0], bw_g0[0],
                                                   bw_b0[0], bw_W1[0],
                                                   bw_g1[0], bw_b1[0],
                                                   bw_eps[0]))
    agg = _seg(nl0_s, ei0[0], ei0[1])
    nl1b_s, xsb = _mlp_mid_final(agg, nl1_f, *_wargs(fw_W0[0], fw_g0[0],
                                                     fw_b0[0], fw_W1[0],
                                                     fw_g1[0], fw_b1[0],
                                                     fw_eps[0]), xsb)
    agg = _seg(nl1b_s, ei1[0], ei1[1])
    xsb = _mlp_last_final(agg, L2, *_wargs(fw_W0[1], fw_g0[1], fw_b0[1],
                                           fw_W1[1], fw_g1[1], fw_b1[1],
                                           fw_eps[1]), xsb)
    return xsb.reshape(3 * NPER, NHID)

# --- scband reference (transcript-rebuilt; emitter-appended) ---
"""Pipeline reference for scband-multi-bipartites-layer-54425825575196 (READ-ONLY COPY).

The authoritative reference and input builder live on the scoring server;
editing this copy changes nothing except your own understanding.
"""

import jax, jax.numpy as jnp
import numpy as np

def mlp_apply(x, W0, g0, b0, W1, g1, b1):
    x = x @ W0.T
    m = jnp.mean(x, axis=0)
    v = jnp.var(x, axis=0)
    x = jax.nn.relu((x - m) / jnp.sqrt(v + 1e-5) * g0 + b0)
    x = x @ W1.T
    m = jnp.mean(x, axis=0)
    v = jnp.var(x, axis=0)
    x = jax.nn.relu((x - m) / jnp.sqrt(v + 1e-5) * g1 + b1)
    return x

def setup_inputs(seed: int = 0):
    key = jax.random.key(seed)
    ks = jax.random.split(key, 8)
    nhid = 128
    nb = 2
    n_per = 16384
    L = nb + 1
    N = L * n_per
    E = 262144
    xs = jax.random.normal(ks[0], (N, nhid), dtype=jnp.float32)
    k_batch = jnp.repeat(jnp.arange(L, dtype=jnp.int32), n_per)
    bipartites = jax.random.randint(ks[1], (nb, 2, E), 0, n_per, dtype=jnp.int32)
    s = 1.0 / np.sqrt(nhid)
    bw_W0 = jax.random.uniform(ks[2], (nb, nhid, nhid), minval=-s, maxval=s, dtype=jnp.float32)
    bw_W1 = jax.random.uniform(ks[3], (nb, nhid, nhid), minval=-s, maxval=s, dtype=jnp.float32)
    fw_W0 = jax.random.uniform(ks[4], (nb, nhid, nhid), minval=-s, maxval=s, dtype=jnp.float32)
    fw_W1 = jax.random.uniform(ks[5], (nb, nhid, nhid), minval=-s, maxval=s, dtype=jnp.float32)
    bw_g0 = jnp.ones((nb, nhid), dtype=jnp.float32)
    bw_b0 = jnp.zeros((nb, nhid), dtype=jnp.float32)
    bw_g1 = jnp.ones((nb, nhid), dtype=jnp.float32)
    bw_b1 = jnp.zeros((nb, nhid), dtype=jnp.float32)
    fw_g0 = jnp.ones((nb, nhid), dtype=jnp.float32)
    fw_b0 = jnp.zeros((nb, nhid), dtype=jnp.float32)
    fw_g1 = jnp.ones((nb, nhid), dtype=jnp.float32)
    fw_b1 = jnp.zeros((nb, nhid), dtype=jnp.float32)
    bw_eps = jnp.zeros((nb,), dtype=jnp.float32)
    fw_eps = jnp.zeros((nb,), dtype=jnp.float32)
    return dict(xs=xs, k_batch=k_batch, bipartites=bipartites,
                bw_W0=bw_W0, bw_g0=bw_g0, bw_b0=bw_b0, bw_W1=bw_W1, bw_g1=bw_g1, bw_b1=bw_b1,
                fw_W0=fw_W0, fw_g0=fw_g0, fw_b0=fw_b0, fw_W1=fw_W1, fw_g1=fw_g1, fw_b1=fw_b1,
                bw_eps=bw_eps, fw_eps=fw_eps)

def reference(xs, k_batch, bipartites, bw_W0, bw_g0, bw_b0, bw_W1, bw_g1, bw_b1, fw_W0, fw_g0, fw_b0, fw_W1, fw_g1, fw_b1, bw_eps, fw_eps):
    nb = int(bipartites.shape[0])
    n_per = k_batch.shape[0] // (nb + 1)
    off = [i * n_per for i in range(nb + 2)]
    for i in reversed(range(nb)):
        ei = bipartites[i]
        s0, e0 = off[i], off[i + 1]
        s1, e1 = off[i + 1], off[i + 2]
        x_left = xs[s0:e0]
        x_right = xs[s1:e1]
        agg = jax.ops.segment_sum(x_right[ei[1]], ei[0], num_segments=e0 - s0)
        new_left = (1.0 + bw_eps[i]) * x_left + mlp_apply(agg, bw_W0[i], bw_g0[i], bw_b0[i], bw_W1[i], bw_g1[i], bw_b1[i])
        xs = xs.at[s0:e0].set(new_left)
    for i in range(nb):
        ei = bipartites[i]
        s0, e0 = off[i], off[i + 1]
        s1, e1 = off[i + 1], off[i + 2]
        x_left = xs[s0:e0]
        x_right = xs[s1:e1]
        agg = jax.ops.segment_sum(x_left[ei[0]], ei[1], num_segments=e1 - s1)
        new_right = (1.0 + fw_eps[i]) * x_right + mlp_apply(agg, fw_W0[i], fw_g0[i], fw_b0[i], fw_W1[i], fw_g1[i], fw_b1[i])
        xs = xs.at[s1:e1].set(new_right)
    return xs

if __name__ == "__main__":
    import jax
    _d = setup_inputs()
    print(jax.jit(kernel)(*tuple(_d.values())))

</pallas_src>

<mosaic_0001>
#map = affine_map<(d0, d1) -> (0, 0, 0)>
#map1 = affine_map<(d0, d1) -> (0)>
#map2 = affine_map<(d0, d1) -> (0, 0)>
module attributes {stable_mosaic.version = 14 : i64} {
  func.func @_sc_segsum_body(%arg0: i32, %arg1: i32, %arg2: memref<2x16384x64xf32, #tpu.memory_space<hbm>>, %arg3: memref<262144xi32, #tpu.memory_space<hbm>>, %arg4: memref<2048x128xi32, #tpu.memory_space<hbm>>, %arg5: memref<32768x64xf32, #tpu.memory_space<hbm>>, %arg6: memref<16384xi32, #tpu.memory_space<vmem>>, %arg7: memref<128x128xi32, #tpu.memory_space<vmem>>, %arg8: memref<128x64xf32, #tpu.memory_space<vmem>>, %arg9: memref<128x64xf32, #tpu.memory_space<vmem>>, %arg10: memref<128x64xf32, #tpu.memory_space<vmem>>, %arg11: memref<128x64xf32, #tpu.memory_space<vmem>>, %arg12: memref<16384x64xf32, #tpu.memory_space<vmem_shared>>, %arg13: memref<!tpu.dma_semaphore, #tpu.memory_space<semaphore_mem>>, %arg14: memref<!tpu.dma_semaphore, #tpu.memory_space<semaphore_mem>>, %arg15: memref<!tpu.dma_semaphore, #tpu.memory_space<semaphore_mem>>, %arg16: memref<!tpu.dma_semaphore, #tpu.memory_space<semaphore_mem>>, %arg17: memref<!tpu.dma_semaphore, #tpu.memory_space<semaphore_mem>>, %arg18: memref<!tpu.dma_semaphore, #tpu.memory_space<semaphore_mem>>, %arg19: memref<!tpu.dma_semaphore, #tpu.memory_space<semaphore_mem>>, %arg20: memref<!tpu.dma_semaphore, #tpu.memory_space<semaphore_mem>>) attributes {dimension_semantics = [#tpu.dimension_semantics<core_parallel>, #tpu.dimension_semantics<subcore_parallel>], iteration_bounds = array<i64: 2, 16>, scalar_prefetch = 0 : i64, scratch_operands = 15 : i64, tpu.core_type = #tpu.core_type<sc_vector_subcore>, window_params = [{transform_indices = #map}, {transform_indices = #map1}, {transform_indices = #map2}, {transform_indices = #map2}]} {
    %mul3A = arith.constant 16384 : i32
    %mul3A_0 = arith.muli %arg1, %mul3A : i32
    "tpu.region"() ({
      %run_scoped3A = tpu.sem_alloc : memref<!tpu.dma_semaphore, #tpu.memory_space<semaphore_mem>>
      %dma_start3A_107 = tpu.memref_slice %arg3[%mul3A_0] : memref<262144xi32, #tpu.memory_space<hbm>> -> memref<16384xi32, #tpu.memory_space<hbm>>
      %dma_start3A_108 = tpu.memref_slice %arg3[%mul3A_0] : memref<262144xi32, #tpu.memory_space<hbm>> -> memref<16384xi32, #tpu.memory_space<hbm>>
      tpu.enqueue_dma source(%dma_start3A_108 : memref<16384xi32, #tpu.memory_space<hbm>>) target(%arg6 : memref<16384xi32, #tpu.memory_space<vmem>>) target_semaphore(%run_scoped3A : memref<!tpu.dma_semaphore, #tpu.memory_space<semaphore_mem>>)
      %dma_wait3A_109 = tpu.memref_slice %arg3[%mul3A_0] : memref<262144xi32, #tpu.memory_space<hbm>> -> memref<16384xi32, #tpu.memory_space<hbm>>
      %dma_wait3A_110 = tpu.memref_slice %arg3[%mul3A_0] : memref<262144xi32, #tpu.memory_space<hbm>> -> memref<16384xi32, #tpu.memory_space<hbm>>
      tpu.wait_dma2 semaphore(%run_scoped3A : memref<!tpu.dma_semaphore, #tpu.memory_space<semaphore_mem>>) src(%dma_wait3A_110 : memref<16384xi32, #tpu.memory_space<hbm>>) dst(%arg6 : memref<16384xi32, #tpu.memory_space<vmem>>)
      tpu.yield
    }) : () -> ()
    %mul3A_1 = arith.constant 128 : i32
    %mul3A_2 = arith.muli %arg1, %mul3A_1 : i32
    "tpu.region"() ({
      %run_scoped3A = tpu.sem_alloc : memref<!tpu.dma_semaphore, #tpu.memory_space<semaphore_mem>>
      %dma_start3A_107 = arith.constant 0 : i32
      %dma_start3A_108 = tpu.memref_slice %arg4[%mul3A_2, %dma_start3A_107] : memref<2048x128xi32, #tpu.memory_space<hbm>> -> memref<128x128xi32, #tpu.memory_space<hbm>>
      %dma_start3A_109 = arith.constant 0 : i32
      %dma_start3A_110 = tpu.memref_slice %arg4[%mul3A_2, %dma_start3A_109] : memref<2048x128xi32, #tpu.memory_space<hbm>> -> memref<128x128xi32, #tpu.memory_space<hbm>>
      tpu.enqueue_dma source(%dma_start3A_110 : memref<128x128xi32, #tpu.memory_space<hbm>>) target(%arg7 : memref<128x128xi32, #tpu.memory_space<vmem>>) target_semaphore(%run_scoped3A : memref<!tpu.dma_semaphore, #tpu.memory_space<semaphore_mem>>)
      %dma_wait3A_111 = arith.constant 0 : i32
      %dma_wait3A_112 = tpu.memref_slice %arg4[%mul3A_2, %dma_wait3A_111] : memref<2048x128xi32, #tpu.memory_space<hbm>> -> memref<128x128xi32, #tpu.memory_space<hbm>>
      %dma_wait3A_113 = arith.constant 0 : i32
      %dma_wait3A_114 = tpu.memref_slice %arg4[%mul3A_2, %dma_wait3A_113] : memref<2048x128xi32, #tpu.memory_space<hbm>> -> memref<128x128xi32, #tpu.memory_space<hbm>>
      tpu.wait_dma2 semaphore(%run_scoped3A : memref<!tpu.dma_semaphore, #tpu.memory_space<semaphore_mem>>) src(%dma_wait3A_114 : memref<128x128xi32, #tpu.memory_space<hbm>>) dst(%arg7 : memref<128x128xi32, #tpu.memory_space<vmem>>)
      tpu.yield
    }) : () -> ()
    %dma_start3A = arith.constant 0 : i32
    %dma_start3A_3 = tpu.memref_slice %arg6[%dma_start3A] : memref<16384xi32, #tpu.memory_space<vmem>> -> memref<128xi32, #tpu.memory_space<vmem>>
    %dma_start3A_4 = arith.constant 0 : i32
    %dma_start3A_5 = arith.constant 0 : i32
    %dma_start3A_6 = tpu.memref_slice %arg2[%arg0, %dma_start3A_4, %dma_start3A_5] : memref<2x16384x64xf32, #tpu.memory_space<hbm>> -> memref<1x16384x64xf32, #tpu.memory_space<hbm>>
    %dma_start3A_7 = tpu.memref_squeeze %dma_start3A_6 : memref<1x16384x64xf32, #tpu.memory_space<hbm>> -> memref<16384x64xf32, #tpu.memory_space<hbm>>
    %dma_start3A_8 = arith.constant 0 : i32
    %dma_start3A_9 = arith.constant 0 : i32
    %dma_start3A_10 = tpu.memref_slice %dma_start3A_7[%dma_start3A_8, %dma_start3A_9] : memref<16384x64xf32, #tpu.memory_space<hbm>> -> memref<16384x64xf32, #tpu.memory_space<hbm>>
    tpu.enqueue_indirect_dma source(%dma_start3A_10 : memref<16384x64xf32, #tpu.memory_space<hbm>>) target(%arg8 : memref<128x64xf32, #tpu.memory_space<vmem>>) offsets(%dma_start3A_3 : memref<128xi32, #tpu.memory_space<vmem>>) semaphore(%arg13 : memref<!tpu.dma_semaphore, #tpu.memory_space<semaphore_mem>>)
    %dma_start3A_11 = arith.constant 128 : i32
    %dma_start3A_12 = tpu.memref_slice %arg6[%dma_start3A_11] : memref<16384xi32, #tpu.memory_space<vmem>> -> memref<128xi32, #tpu.memory_space<vmem>>
    %dma_start3A_13 = arith.constant 0 : i32
    %dma_start3A_14 = arith.constant 0 : i32
    %dma_start3A_15 = tpu.memref_slice %arg2[%arg0, %dma_start3A_13, %dma_start3A_14] : memref<2x16384x64xf32, #tpu.memory_space<hbm>> -> memref<1x16384x64xf32, #tpu.memory_space<hbm>>
    %dma_start3A_16 = tpu.memref_squeeze %dma_start3A_15 : memref<1x16384x64xf32, #tpu.memory_space<hbm>> -> memref<16384x64xf32, #tpu.memory_space<hbm>>
    %dma_start3A_17 = arith.constant 0 : i32
    %dma_start3A_18 = arith.constant 0 : i32
    %dma_start3A_19 = tpu.memref_slice %dma_start3A_16[%dma_start3A_17, %dma_start3A_18] : memref<16384x64xf32, #tpu.memory_space<hbm>> -> memref<16384x64xf32, #tpu.memory_space<hbm>>
    tpu.enqueue_indirect_dma source(%dma_start3A_19 : memref<16384x64xf32, #tpu.memory_space<hbm>>) target(%arg9 : memref<128x64xf32, #tpu.memory_space<vmem>>) offsets(%dma_start3A_12 : memref<128xi32, #tpu.memory_space<vmem>>) semaphore(%arg14 : memref<!tpu.dma_semaphore, #tpu.memory_space<semaphore_mem>>)
    %dma_start3A_20 = arith.constant 256 : i32
    %dma_start3A_21 = tpu.memref_slice %arg6[%dma_start3A_20] : memref<16384xi32, #tpu.memory_space<vmem>> -> memref<128xi32, #tpu.memory_space<vmem>>
    %dma_start3A_22 = arith.constant 0 : i32
    %dma_start3A_23 = arith.constant 0 : i32
    %dma_start3A_24 = tpu.memref_slice %arg2[%arg0, %dma_start3A_22, %dma_start3A_23] : memref<2x16384x64xf32, #tpu.memory_space<hbm>> -> memref<1x16384x64xf32, #tpu.memory_space<hbm>>
    %dma_start3A_25 = tpu.memref_squeeze %dma_start3A_24 : memref<1x16384x64xf32, #tpu.memory_space<hbm>> -> memref<16384x64xf32, #tpu.memory_space<hbm>>
    %dma_start3A_26 = arith.constant 0 : i32
    %dma_start3A_27 = arith.constant 0 : i32
    %dma_start3A_28 = tpu.memref_slice %dma_start3A_25[%dma_start3A_26, %dma_start3A_27] : memref<16384x64xf32, #tpu.memory_space<hbm>> -> memref<16384x64xf32, #tpu.memory_space<hbm>>
    tpu.enqueue_indirect_dma source(%dma_start3A_28 : memref<16384x64xf32, #tpu.memory_space<hbm>>) target(%arg10 : memref<128x64xf32, #tpu.memory_space<vmem>>) offsets(%dma_start3A_21 : memref<128xi32, #tpu.memory_space<vmem>>) semaphore(%arg15 : memref<!tpu.dma_semaphore, #tpu.memory_space<semaphore_mem>>)
    %broadcast_in_dim3A = arith.constant 0.000000e+00 : f32
    %broadcast_in_dim3A_29 = vector.broadcast %broadcast_in_dim3A : f32 to vector<16xf32>
    %scan3A = arith.constant 0 : i32
    %scan3A_30 = arith.constant 0 : i32
    %scan3A_31 = arith.constant 128 : i32
    %scan3A_32 = arith.addi %scan3A_30, %scan3A_31 : i32
    %scan3A_33 = arith.constant 1 : i32
    scf.for %scan3A_107 = %scan3A_30 to %scan3A_32 step %scan3A_33  : i32 {
      %swap3A = arith.index_cast %scan3A_107 : i32 to index
      %swap3A_108 = arith.constant 0 : index
      %swap3A_109 = tpu.vector_load %arg11[%swap3A, %swap3A_108] {strides = array<i32>} : memref<128x64xf32, #tpu.memory_space<vmem>>, vector<1x16xf32>,
      %swap3A_110 = vector.shape_cast %swap3A_109 : vector<1x16xf32> to vector<16xf32>
      %swap3A_111 = vector.shape_cast %broadcast_in_dim3A_29 : vector<16xf32> to vector<1x16xf32>
      tpu.vector_store %arg11[%swap3A, %swap3A_108], %swap3A_111 {strides = array<i32>} : memref<128x64xf32, #tpu.memory_space<vmem>>, vector<1x16xf32>,
      %swap3A_112 = arith.index_cast %scan3A_107 : i32 to index
      %swap3A_113 = arith.constant 16 : index
      %swap3A_114 = tpu.vector_load %arg11[%swap3A_112, %swap3A_113] {strides = array<i32>} : memref<128x64xf32, #tpu.memory_space<vmem>>, vector<1x16xf32>,
      %swap3A_115 = vector.shape_cast %swap3A_114 : vector<1x16xf32> to vector<16xf32>
      %swap3A_116 = vector.shape_cast %broadcast_in_dim3A_29 : vector<16xf32> to vector<1x16xf32>
      tpu.vector_store %arg11[%swap3A_112, %swap3A_113], %swap3A_116 {strides = array<i32>} : memref<128x64xf32, #tpu.memory_space<vmem>>, vector<1x16xf32>,
      %swap3A_117 = arith.index_cast %scan3A_107 : i32 to index
      %swap3A_118 = arith.constant 32 : index
      %swap3A_119 = tpu.vector_load %arg11[%swap3A_117, %swap3A_118] {strides = array<i32>} : memref<128x64xf32, #tpu.memory_space<vmem>>, vector<1x16xf32>,
      %swap3A_120 = vector.shape_cast %swap3A_119 : vector<1x16xf32> to vector<16xf32>
      %swap3A_121 = vector.shape_cast %broadcast_in_dim3A_29 : vector<16xf32> to vector<1x16xf32>
      tpu.vector_store %arg11[%swap3A_117, %swap3A_118], %swap3A_121 {strides = array<i32>} : memref<128x64xf32, #tpu.memory_space<vmem>>, vector<1x16xf32>,
      %swap3A_122 = arith.index_cast %scan3A_107 : i32 to index
      %swap3A_123 = arith.constant 48 : index
      %swap3A_124 = tpu.vector_load %arg11[%swap3A_122, %swap3A_123] {strides = array<i32>} : memref<128x64xf32, #tpu.memory_space<vmem>>, vector<1x16xf32>,
      %swap3A_125 = vector.shape_cast %swap3A_124 : vector<1x16xf32> to vector<16xf32>
      %swap3A_126 = vector.shape_cast %broadcast_in_dim3A_29 : vector<16xf32> to vector<1x16xf32>
      tpu.vector_store %arg11[%swap3A_122, %swap3A_123], %swap3A_126 {strides = array<i32>} : memref<128x64xf32, #tpu.memory_space<vmem>>, vector<1x16xf32>,
    }
    %scan3A_34 = arith.constant 128 : i32
    %mul3A_35 = arith.constant 1024 : i32
    %mul3A_36 = arith.muli %arg1, %mul3A_35 : i32
    %add3A = arith.constant 0 : i32
    %add3A_37 = arith.addi %mul3A_36, %add3A : i32
    "tpu.region"() ({
      %run_scoped3A = tpu.sem_alloc : memref<!tpu.dma_semaphore, #tpu.memory_space<semaphore_mem>>
      %dma_start3A_107 = arith.constant 0 : i32
      %dma_start3A_108 = tpu.memref_slice %arg12[%add3A_37, %dma_start3A_107] : memref<16384x64xf32, #tpu.memory_space<vmem_shared>> -> memref<128x64xf32, #tpu.memory_space<vmem_shared>>
      %dma_start3A_109 = arith.constant 0 : i32
      %dma_start3A_110 = tpu.memref_slice %arg12[%add3A_37, %dma_start3A_109] : memref<16384x64xf32, #tpu.memory_space<vmem_shared>> -> memref<128x64xf32, #tpu.memory_space<vmem_shared>>
      tpu.enqueue_dma source(%arg11 : memref<128x64xf32, #tpu.memory_space<vmem>>) target(%dma_start3A_110 : memref<128x64xf32, #tpu.memory_space<vmem_shared>>) target_semaphore(%run_scoped3A : memref<!tpu.dma_semaphore, #tpu.memory_space<semaphore_mem>>)
      %dma_wait3A_111 = arith.constant 0 : i32
      %dma_wait3A_112 = tpu.memref_slice %arg12[%add3A_37, %dma_wait3A_111] : memref<16384x64xf32, #tpu.memory_space<vmem_shared>> -> memref<128x64xf32, #tpu.memory_space<vmem_shared>>
      %dma_wait3A_113 = arith.constant 0 : i32
      %dma_wait3A_114 = tpu.memref_slice %arg12[%add3A_37, %dma_wait3A_113] : memref<16384x64xf32, #tpu.memory_space<vmem_shared>> -> memref<128x64xf32, #tpu.memory_space<vmem_shared>>
      tpu.wait_dma2 semaphore(%run_scoped3A : memref<!tpu.dma_semaphore, #tpu.memory_space<semaphore_mem>>) src(%arg11 : memref<128x64xf32, #tpu.memory_space<vmem>>) dst(%dma_wait3A_114 : memref<128x64xf32, #tpu.memory_space<vmem_shared>>)
      tpu.yield
    }) : () -> ()
    %mul3A_38 = arith.constant 1024 : i32
    %mul3A_39 = arith.muli %arg1, %mul3A_38 : i32
    %add3A_40 = arith.constant 128 : i32
    %add3A_41 = arith.addi %mul3A_39, %add3A_40 : i32
    "tpu.region"() ({
      %run_scoped3A = tpu.sem_alloc : memref<!tpu.dma_semaphore, #tpu.memory_space<semaphore_mem>>
      %dma_start3A_107 = arith.constant 0 : i32
      %dma_start3A_108 = tpu.memref_slice %arg12[%add3A_41, %dma_start3A_107] : memref<16384x64xf32, #tpu.memory_space<vmem_shared>> -> memref<128x64xf32, #tpu.memory_space<vmem_shared>>
      %dma_start3A_109 = arith.constant 0 : i32
      %dma_start3A_110 = tpu.memref_slice %arg12[%add3A_41, %dma_start3A_109] : memref<16384x64xf32, #tpu.memory_space<vmem_shared>> -> memref<128x64xf32, #tpu.memory_space<vmem_shared>>
      tpu.enqueue_dma source(%arg11 : memref<128x64xf32, #tpu.memory_space<vmem>>) target(%dma_start3A_110 : memref<128x64xf32, #tpu.memory_space<vmem_shared>>) target_semaphore(%run_scoped3A : memref<!tpu.dma_semaphore, #tpu.memory_space<semaphore_mem>>)
      %dma_wait3A_111 = arith.constant 0 : i32
      %dma_wait3A_112 = tpu.memref_slice %arg12[%add3A_41, %dma_wait3A_111] : memref<16384x64xf32, #tpu.memory_space<vmem_shared>> -> memref<128x64xf32, #tpu.memory_space<vmem_shared>>
      %dma_wait3A_113 = arith.constant 0 : i32
      %dma_wait3A_114 = tpu.memref_slice %arg12[%add3A_41, %dma_wait3A_113] : memref<16384x64xf32, #tpu.memory_space<vmem_shared>> -> memref<128x64xf32, #tpu.memory_space<vmem_shared>>
      tpu.wait_dma2 semaphore(%run_scoped3A : memref<!tpu.dma_semaphore, #tpu.memory_space<semaphore_mem>>) src(%arg11 : memref<128x64xf32, #tpu.memory_space<vmem>>) dst(%dma_wait3A_114 : memref<128x64xf32, #tpu.memory_space<vmem_shared>>)
      tpu.yield
    }) : () -> ()
    %mul3A_42 = arith.constant 1024 : i32
    %mul3A_43 = arith.muli %arg1, %mul3A_42 : i32
    %add3A_44 = arith.constant 256 : i32
    %add3A_45 = arith.addi %mul3A_43, %add3A_44 : i32
    "tpu.region"() ({
      %run_scoped3A = tpu.sem_alloc : memref<!tpu.dma_semaphore, #tpu.memory_space<semaphore_mem>>
      %dma_start3A_107 = arith.constant 0 : i32
      %dma_start3A_108 = tpu.memref_slice %arg12[%add3A_45, %dma_start3A_107] : memref<16384x64xf32, #tpu.memory_space<vmem_shared>> -> memref<128x64xf32, #tpu.memory_space<vmem_shared>>
      %dma_start3A_109 = arith.constant 0 : i32
      %dma_start3A_110 = tpu.memref_slice %arg12[%add3A_45, %dma_start3A_109] : memref<16384x64xf32, #tpu.memory_space<vmem_shared>> -> memref<128x64xf32, #tpu.memory_space<vmem_shared>>
      tpu.enqueue_dma source(%arg11 : memref<128x64xf32, #tpu.memory_space<vmem>>) target(%dma_start3A_110 : memref<128x64xf32, #tpu.memory_space<vmem_shared>>) target_semaphore(%run_scoped3A : memref<!tpu.dma_semaphore, #tpu.memory_space<semaphore_mem>>)
      %dma_wait3A_111 = arith.constant 0 : i32
      %dma_wait3A_112 = tpu.memref_slice %arg12[%add3A_45, %dma_wait3A_111] : memref<16384x64xf32, #tpu.memory_space<vmem_shared>> -> memref<128x64xf32, #tpu.memory_space<vmem_shared>>
      %dma_wait3A_113 = arith.constant 0 : i32
      %dma_wait3A_114 = tpu.memref_slice %arg12[%add3A_45, %dma_wait3A_113] : memref<16384x64xf32, #tpu.memory_space<vmem_shared>> -> memref<128x64xf32, #tpu.memory_space<vmem_shared>>
      tpu.wait_dma2 semaphore(%run_scoped3A : memref<!tpu.dma_semaphore, #tpu.memory_space<semaphore_mem>>) src(%arg11 : memref<128x64xf32, #tpu.memory_space<vmem>>) dst(%dma_wait3A_114 : memref<128x64xf32, #tpu.memory_space<vmem_shared>>)
      tpu.yield
    }) : () -> ()
    %mul3A_46 = arith.constant 1024 : i32
    %mul3A_47 = arith.muli %arg1, %mul3A_46 : i32
    %add3A_48 = arith.constant 384 : i32
    %add3A_49 = arith.addi %mul3A_47, %add3A_48 : i32
    "tpu.region"() ({
      %run_scoped3A = tpu.sem_alloc : memref<!tpu.dma_semaphore, #tpu.memory_space<semaphore_mem>>
      %dma_start3A_107 = arith.constant 0 : i32
      %dma_start3A_108 = tpu.memref_slice %arg12[%add3A_49, %dma_start3A_107] : memref<16384x64xf32, #tpu.memory_space<vmem_shared>> -> memref<128x64xf32, #tpu.memory_space<vmem_shared>>
      %dma_start3A_109 = arith.constant 0 : i32
      %dma_start3A_110 = tpu.memref_slice %arg12[%add3A_49, %dma_start3A_109] : memref<16384x64xf32, #tpu.memory_space<vmem_shared>> -> memref<128x64xf32, #tpu.memory_space<vmem_shared>>
      tpu.enqueue_dma source(%arg11 : memref<128x64xf32, #tpu.memory_space<vmem>>) target(%dma_start3A_110 : memref<128x64xf32, #tpu.memory_space<vmem_shared>>) target_semaphore(%run_scoped3A : memref<!tpu.dma_semaphore, #tpu.memory_space<semaphore_mem>>)
      %dma_wait3A_111 = arith.constant 0 : i32
      %dma_wait3A_112 = tpu.memref_slice %arg12[%add3A_49, %dma_wait3A_111] : memref<16384x64xf32, #tpu.memory_space<vmem_shared>> -> memref<128x64xf32, #tpu.memory_space<vmem_shared>>
      %dma_wait3A_113 = arith.constant 0 : i32
      %dma_wait3A_114 = tpu.memref_slice %arg12[%add3A_49, %dma_wait3A_113] : memref<16384x64xf32, #tpu.memory_space<vmem_shared>> -> memref<128x64xf32, #tpu.memory_space<vmem_shared>>
      tpu.wait_dma2 semaphore(%run_scoped3A : memref<!tpu.dma_semaphore, #tpu.memory_space<semaphore_mem>>) src(%arg11 : memref<128x64xf32, #tpu.memory_space<vmem>>) dst(%dma_wait3A_114 : memref<128x64xf32, #tpu.memory_space<vmem_shared>>)
      tpu.yield
    }) : () -> ()
    %mul3A_50 = arith.constant 1024 : i32
    %mul3A_51 = arith.muli %arg1, %mul3A_50 : i32
    %add3A_52 = arith.constant 512 : i32
    %add3A_53 = arith.addi %mul3A_51, %add3A_52 : i32
    "tpu.region"() ({
      %run_scoped3A = tpu.sem_alloc : memref<!tpu.dma_semaphore, #tpu.memory_space<semaphore_mem>>
      %dma_start3A_107 = arith.constant 0 : i32
      %dma_start3A_108 = tpu.memref_slice %arg12[%add3A_53, %dma_start3A_107] : memref<16384x64xf32, #tpu.memory_space<vmem_shared>> -> memref<128x64xf32, #tpu.memory_space<vmem_shared>>
      %dma_start3A_109 = arith.constant 0 : i32
      %dma_start3A_110 = tpu.memref_slice %arg12[%add3A_53, %dma_start3A_109] : memref<16384x64xf32, #tpu.memory_space<vmem_shared>> -> memref<128x64xf32, #tpu.memory_space<vmem_shared>>
      tpu.enqueue_dma source(%arg11 : memref<128x64xf32, #tpu.memory_space<vmem>>) target(%dma_start3A_110 : memref<128x64xf32, #tpu.memory_space<vmem_shared>>) target_semaphore(%run_scoped3A : memref<!tpu.dma_semaphore, #tpu.memory_space<semaphore_mem>>)
      %dma_wait3A_111 = arith.constant 0 : i32
      %dma_wait3A_112 = tpu.memref_slice %arg12[%add3A_53, %dma_wait3A_111] : memref<16384x64xf32, #tpu.memory_space<vmem_shared>> -> memref<128x64xf32, #tpu.memory_space<vmem_shared>>
      %dma_wait3A_113 = arith.constant 0 : i32
      %dma_wait3A_114 = tpu.memref_slice %arg12[%add3A_53, %dma_wait3A_113] : memref<16384x64xf32, #tpu.memory_space<vmem_shared>> -> memref<128x64xf32, #tpu.memory_space<vmem_shared>>
      tpu.wait_dma2 semaphore(%run_scoped3A : memref<!tpu.dma_semaphore, #tpu.memory_space<semaphore_mem>>) src(%arg11 : memref<128x64xf32, #tpu.memory_space<vmem>>) dst(%dma_wait3A_114 : memref<128x64xf32, #tpu.memory_space<vmem_shared>>)
      tpu.yield
    }) : () -> ()
    %mul3A_54 = arith.constant 1024 : i32
    %mul3A_55 = arith.muli %arg1, %mul3A_54 : i32
    %add3A_56 = arith.constant 640 : i32
    %add3A_57 = arith.addi %mul3A_55, %add3A_56 : i32
    "tpu.region"() ({
      %run_scoped3A = tpu.sem_alloc : memref<!tpu.dma_semaphore, #tpu.memory_space<semaphore_mem>>
      %dma_start3A_107 = arith.constant 0 : i32
      %dma_start3A_108 = tpu.memref_slice %arg12[%add3A_57, %dma_start3A_107] : memref<16384x64xf32, #tpu.memory_space<vmem_shared>> -> memref<128x64xf32, #tpu.memory_space<vmem_shared>>
      %dma_start3A_109 = arith.constant 0 : i32
      %dma_start3A_110 = tpu.memref_slice %arg12[%add3A_57, %dma_start3A_109] : memref<16384x64xf32, #tpu.memory_space<vmem_shared>> -> memref<128x64xf32, #tpu.memory_space<vmem_shared>>
      tpu.enqueue_dma source(%arg11 : memref<128x64xf32, #tpu.memory_space<vmem>>) target(%dma_start3A_110 : memref<128x64xf32, #tpu.memory_space<vmem_shared>>) target_semaphore(%run_scoped3A : memref<!tpu.dma_semaphore, #tpu.memory_space<semaphore_mem>>)
      %dma_wait3A_111 = arith.constant 0 : i32
      %dma_wait3A_112 = tpu.memref_slice %arg12[%add3A_57, %dma_wait3A_111] : memref<16384x64xf32, #tpu.memory_space<vmem_shared>> -> memref<128x64xf32, #tpu.memory_space<vmem_shared>>
      %dma_wait3A_113 = arith.constant 0 : i32
      %dma_wait3A_114 = tpu.memref_slice %arg12[%add3A_57, %dma_wait3A_113] : memref<16384x64xf32, #tpu.memory_space<vmem_shared>> -> memref<128x64xf32, #tpu.memory_space<vmem_shared>>
      tpu.wait_dma2 semaphore(%run_scoped3A : memref<!tpu.dma_semaphore, #tpu.memory_space<semaphore_mem>>) src(%arg11 : memref<128x64xf32, #tpu.memory_space<vmem>>) dst(%dma_wait3A_114 : memref<128x64xf32, #tpu.memory_space<vmem_shared>>)
      tpu.yield
    }) : () -> ()
    %mul3A_58 = arith.constant 1024 : i32
    %mul3A_59 = arith.muli %arg1, %mul3A_58 : i32
    %add3A_60 = arith.constant 768 : i32
    %add3A_61 = arith.addi %mul3A_59, %add3A_60 : i32
    "tpu.region"() ({
      %run_scoped3A = tpu.sem_alloc : memref<!tpu.dma_semaphore, #tpu.memory_space<semaphore_mem>>
      %dma_start3A_107 = arith.constant 0 : i32
      %dma_start3A_108 = tpu.memref_slice %arg12[%add3A_61, %dma_start3A_107] : memref<16384x64xf32, #tpu.memory_space<vmem_shared>> -> memref<128x64xf32, #tpu.memory_space<vmem_shared>>
      %dma_start3A_109 = arith.constant 0 : i32
      %dma_start3A_110 = tpu.memref_slice %arg12[%add3A_61, %dma_start3A_109] : memref<16384x64xf32, #tpu.memory_space<vmem_shared>> -> memref<128x64xf32, #tpu.memory_space<vmem_shared>>
      tpu.enqueue_dma source(%arg11 : memref<128x64xf32, #tpu.memory_space<vmem>>) target(%dma_start3A_110 : memref<128x64xf32, #tpu.memory_space<vmem_shared>>) target_semaphore(%run_scoped3A : memref<!tpu.dma_semaphore, #tpu.memory_space<semaphore_mem>>)
      %dma_wait3A_111 = arith.constant 0 : i32
      %dma_wait3A_112 = tpu.memref_slice %arg12[%add3A_61, %dma_wait3A_111] : memref<16384x64xf32, #tpu.memory_space<vmem_shared>> -> memref<128x64xf32, #tpu.memory_space<vmem_shared>>
      %dma_wait3A_113 = arith.constant 0 : i32
      %dma_wait3A_114 = tpu.memref_slice %arg12[%add3A_61, %dma_wait3A_113] : memref<16384x64xf32, #tpu.memory_space<vmem_shared>> -> memref<128x64xf32, #tpu.memory_space<vmem_shared>>
      tpu.wait_dma2 semaphore(%run_scoped3A : memref<!tpu.dma_semaphore, #tpu.memory_space<semaphore_mem>>) src(%arg11 : memref<128x64xf32, #tpu.memory_space<vmem>>) dst(%dma_wait3A_114 : memref<128x64xf32, #tpu.memory_space<vmem_shared>>)
      tpu.yield
    }) : () -> ()
    %mul3A_62 = arith.constant 1024 : i32
    %mul3A_63 = arith.muli %arg1, %mul3A_62 : i32
    %add3A_64 = arith.constant 896 : i32
    %add3A_65 = arith.addi %mul3A_63, %add3A_64 : i32
    "tpu.region"() ({
      %run_scoped3A = tpu.sem_alloc : memref<!tpu.dma_semaphore, #tpu.memory_space<semaphore_mem>>
      %dma_start3A_107 = arith.constant 0 : i32
      %dma_start3A_108 = tpu.memref_slice %arg12[%add3A_65, %dma_start3A_107] : memref<16384x64xf32, #tpu.memory_space<vmem_shared>> -> memref<128x64xf32, #tpu.memory_space<vmem_shared>>
      %dma_start3A_109 = arith.constant 0 : i32
      %dma_start3A_110 = tpu.memref_slice %arg12[%add3A_65, %dma_start3A_109] : memref<16384x64xf32, #tpu.memory_space<vmem_shared>> -> memref<128x64xf32, #tpu.memory_space<vmem_shared>>
      tpu.enqueue_dma source(%arg11 : memref<128x64xf32, #tpu.memory_space<vmem>>) target(%dma_start3A_110 : memref<128x64xf32, #tpu.memory_space<vmem_shared>>) target_semaphore(%run_scoped3A : memref<!tpu.dma_semaphore, #tpu.memory_space<semaphore_mem>>)
      %dma_wait3A_111 = arith.constant 0 : i32
      %dma_wait3A_112 = tpu.memref_slice %arg12[%add3A_65, %dma_wait3A_111] : memref<16384x64xf32, #tpu.memory_space<vmem_shared>> -> memref<128x64xf32, #tpu.memory_space<vmem_shared>>
      %dma_wait3A_113 = arith.constant 0 : i32
      %dma_wait3A_114 = tpu.memref_slice %arg12[%add3A_65, %dma_wait3A_113] : memref<16384x64xf32, #tpu.memory_space<vmem_shared>> -> memref<128x64xf32, #tpu.memory_space<vmem_shared>>
      tpu.wait_dma2 semaphore(%run_scoped3A : memref<!tpu.dma_semaphore, #tpu.memory_space<semaphore_mem>>) src(%arg11 : memref<128x64xf32, #tpu.memory_space<vmem>>) dst(%dma_wait3A_114 : memref<128x64xf32, #tpu.memory_space<vmem_shared>>)
      tpu.yield
    }) : () -> ()
    %barrier3A = arith.constant 0 : index
    tpu.barrier barrier_id(%barrier3A)
    %scan3A_66 = arith.constant 0 : i32
    %scan3A_67 = arith.constant 0 : i32
    %scan3A_68 = arith.constant 32 : i32
    %scan3A_69 = arith.addi %scan3A_67, %scan3A_68 : i32
    %scan3A_70 = arith.constant 1 : i32
    scf.for %scan3A_107 = %scan3A_67 to %scan3A_69 step %scan3A_70  : i32 {
      %mul3A_108 = arith.constant 4 : i32
      %mul3A_109 = arith.muli %scan3A_107, %mul3A_108 : i32
      %add3A_110 = arith.constant 0 : i32
      %add3A_111 = arith.addi %mul3A_109, %add3A_110 : i32
      %dma_wait3A_112 = arith.constant 0 : i32
      %dma_wait3A_113 = tpu.memref_slice %arg6[%dma_wait3A_112] : memref<16384xi32, #tpu.memory_space<vmem>> -> memref<128xi32, #tpu.memory_space<vmem>>
      %dma_wait3A_114 = arith.constant 0 : i32
      %dma_wait3A_115 = arith.constant 0 : i32
      %dma_wait3A_116 = tpu.memref_slice %arg2[%arg0, %dma_wait3A_114, %dma_wait3A_115] : memref<2x16384x64xf32, #tpu.memory_space<hbm>> -> memref<1x16384x64xf32, #tpu.memory_space<hbm>>
      %dma_wait3A_117 = tpu.memref_squeeze %dma_wait3A_116 : memref<1x16384x64xf32, #tpu.memory_space<hbm>> -> memref<16384x64xf32, #tpu.memory_space<hbm>>
      %dma_wait3A_118 = arith.constant 0 : i32
      %dma_wait3A_119 = arith.constant 0 : i32
      %dma_wait3A_120 = tpu.memref_slice %dma_wait3A_117[%dma_wait3A_118, %dma_wait3A_119] : memref<16384x64xf32, #tpu.memory_space<hbm>> -> memref<16384x64xf32, #tpu.memory_space<hbm>>
      tpu.wait_indirect_dma semaphore(%arg13 : memref<!tpu.dma_semaphore, #tpu.memory_space<semaphore_mem>>) src(%dma_wait3A_120 : memref<16384x64xf32, #tpu.memory_space<hbm>>) dst(%arg8 : memref<128x64xf32, #tpu.memory_space<vmem>>)
      %dma_start3A_121 = arith.constant 0 : i32
      %dma_start3A_122 = tpu.memref_slice %arg7[%add3A_111, %dma_start3A_121] : memref<128x128xi32, #tpu.memory_space<vmem>> -> memref<1x128xi32, #tpu.memory_space<vmem>>
      %dma_start3A_123 = tpu.memref_squeeze %dma_start3A_122 : memref<1x128xi32, #tpu.memory_space<vmem>> -> memref<128xi32, #tpu.memory_space<vmem>>
      %dma_start3A_124 = arith.constant 0 : i32
      %dma_start3A_125 = arith.constant 0 : i32
      %dma_start3A_126 = tpu.memref_slice %arg12[%dma_start3A_124, %dma_start3A_125] : memref<16384x64xf32, #tpu.memory_space<vmem_shared>> -> memref<16384x64xf32, #tpu.memory_space<vmem_shared>>
      tpu.enqueue_indirect_dma source(%arg8 : memref<128x64xf32, #tpu.memory_space<vmem>>) target(%dma_start3A_126 : memref<16384x64xf32, #tpu.memory_space<vmem_shared>>) offsets(%dma_start3A_123 : memref<128xi32, #tpu.memory_space<vmem>>) semaphore(%arg17 : memref<!tpu.dma_semaphore, #tpu.memory_space<semaphore_mem>>) {add = true}
      %add3A_127 = arith.constant 4 : i32
      %add3A_128 = arith.addi %add3A_111, %add3A_127 : i32
      %sub3A = arith.constant 1 : i32
      %sub3A_129 = arith.subi %add3A_128, %sub3A : i32
      %lt3A = arith.constant 128 : i32
      %lt3A_130 = arith.cmpi slt, %sub3A_129, %lt3A : i32
      %convert_element_type3A = arith.extui %lt3A_130 : i1 to i32
      %cond3A = arith.constant 0 : i32
      %cond3A_131 = arith.cmpi ne, %convert_element_type3A, %cond3A : i32
      scf.if %cond3A_131 {
        %ge3A = arith.constant 1 : i32
        %ge3A_216 = arith.cmpi sge, %add3A_111, %ge3A : i32
        %convert_element_type3A_217 = arith.extui %ge3A_216 : i1 to i32
        %cond3A_218 = arith.constant 0 : i32
        %cond3A_219 = arith.cmpi ne, %convert_element_type3A_217, %cond3A_218 : i32
        scf.if %cond3A_219 {
          %dma_wait3A_230 = arith.constant 0 : i32
          %dma_wait3A_231 = arith.constant 0 : i32
          %dma_wait3A_232 = tpu.memref_slice %arg7[%dma_wait3A_230, %dma_wait3A_231] : memref<128x128xi32, #tpu.memory_space<vmem>> -> memref<1x128xi32, #tpu.memory_space<vmem>>
          %dma_wait3A_233 = tpu.memref_squeeze %dma_wait3A_232 : memref<1x128xi32, #tpu.memory_space<vmem>> -> memref<128xi32, #tpu.memory_space<vmem>>
          %dma_wait3A_234 = arith.constant 0 : i32
          %dma_wait3A_235 = arith.constant 0 : i32
          %dma_wait3A_236 = tpu.memref_slice %arg12[%dma_wait3A_234, %dma_wait3A_235] : memref<16384x64xf32, #tpu.memory_space<vmem_shared>> -> memref<16384x64xf32, #tpu.memory_space<vmem_shared>>
          tpu.wait_indirect_dma semaphore(%arg20 : memref<!tpu.dma_semaphore, #tpu.memory_space<semaphore_mem>>) src(%arg11 : memref<128x64xf32, #tpu.memory_space<vmem>>) dst(%dma_wait3A_236 : memref<16384x64xf32, #tpu.memory_space<vmem_shared>>)
        } else {
        }
        %mul3A_220 = arith.constant 128 : i32
        %mul3A_221 = arith.muli %sub3A_129, %mul3A_220 : i32
        %dma_start3A_222 = tpu.memref_slice %arg6[%mul3A_221] : memref<16384xi32, #tpu.memory_space<vmem>> -> memref<128xi32, #tpu.memory_space<vmem>>
        %dma_start3A_223 = arith.constant 0 : i32
        %dma_start3A_224 = arith.constant 0 : i32
        %dma_start3A_225 = tpu.memref_slice %arg2[%arg0, %dma_start3A_223, %dma_start3A_224] : memref<2x16384x64xf32, #tpu.memory_space<hbm>> -> memref<1x16384x64xf32, #tpu.memory_space<hbm>>
        %dma_start3A_226 = tpu.memref_squeeze %dma_start3A_225 : memref<1x16384x64xf32, #tpu.memory_space<hbm>> -> memref<16384x64xf32, #tpu.memory_space<hbm>>
        %dma_start3A_227 = arith.constant 0 : i32
        %dma_start3A_228 = arith.constant 0 : i32
        %dma_start3A_229 = tpu.memref_slice %dma_start3A_226[%dma_start3A_227, %dma_start3A_228] : memref<16384x64xf32, #tpu.memory_space<hbm>> -> memref<16384x64xf32, #tpu.memory_space<hbm>>
        tpu.enqueue_indirect_dma source(%dma_start3A_229 : memref<16384x64xf32, #tpu.memory_space<hbm>>) target(%arg11 : memref<128x64xf32, #tpu.memory_space<vmem>>) offsets(%dma_start3A_222 : memref<128xi32, #tpu.memory_space<vmem>>) semaphore(%arg16 : memref<!tpu.dma_semaphore, #tpu.memory_space<semaphore_mem>>)
      } else {
      }
      %mul3A_132 = arith.constant 4 : i32
      %mul3A_133 = arith.muli %scan3A_107, %mul3A_132 : i32
      %add3A_134 = arith.constant 1 : i32
      %add3A_135 = arith.addi %mul3A_133, %add3A_134 : i32
      %dma_wait3A_136 = arith.constant 0 : i32
      %dma_wait3A_137 = tpu.memref_slice %arg6[%dma_wait3A_136] : memref<16384xi32, #tpu.memory_space<vmem>> -> memref<128xi32, #tpu.memory_space<vmem>>
      %dma_wait3A_138 = arith.constant 0 : i32
      %dma_wait3A_139 = arith.constant 0 : i32
      %dma_wait3A_140 = tpu.memref_slice %arg2[%arg0, %dma_wait3A_138, %dma_wait3A_139] : memref<2x16384x64xf32, #tpu.memory_space<hbm>> -> memref<1x16384x64xf32, #tpu.memory_space<hbm>>
      %dma_wait3A_141 = tpu.memref_squeeze %dma_wait3A_140 : memref<1x16384x64xf32, #tpu.memory_space<hbm>> -> memref<16384x64xf32, #tpu.memory_space<hbm>>
      %dma_wait3A_142 = arith.constant 0 : i32
      %dma_wait3A_143 = arith.constant 0 : i32
      %dma_wait3A_144 = tpu.memref_slice %dma_wait3A_141[%dma_wait3A_142, %dma_wait3A_143] : memref<16384x64xf32, #tpu.memory_space<hbm>> -> memref<16384x64xf32, #tpu.memory_space<hbm>>
      tpu.wait_indirect_dma semaphore(%arg14 : memref<!tpu.dma_semaphore, #tpu.memory_space<semaphore_mem>>) src(%dma_wait3A_144 : memref<16384x64xf32, #tpu.memory_space<hbm>>) dst(%arg9 : memref<128x64xf32, #tpu.memory_space<vmem>>)
      %dma_start3A_145 = arith.constant 0 : i32
      %dma_start3A_146 = tpu.memref_slice %arg7[%add3A_135, %dma_start3A_145] : memref<128x128xi32, #tpu.memory_space<vmem>> -> memref<1x128xi32, #tpu.memory_space<vmem>>
      %dma_start3A_147 = tpu.memref_squeeze %dma_start3A_146 : memref<1x128xi32, #tpu.memory_space<vmem>> -> memref<128xi32, #tpu.memory_space<vmem>>
      %dma_start3A_148 = arith.constant 0 : i32
      %dma_start3A_149 = arith.constant 0 : i32
      %dma_start3A_150 = tpu.memref_slice %arg12[%dma_start3A_148, %dma_start3A_149] : memref<16384x64xf32, #tpu.memory_space<vmem_shared>> -> memref<16384x64xf32, #tpu.memory_space<vmem_shared>>
      tpu.enqueue_indirect_dma source(%arg9 : memref<128x64xf32, #tpu.memory_space<vmem>>) target(%dma_start3A_150 : memref<16384x64xf32, #tpu.memory_space<vmem_shared>>) offsets(%dma_start3A_147 : memref<128xi32, #tpu.memory_space<vmem>>) semaphore(%arg18 : memref<!tpu.dma_semaphore, #tpu.memory_space<semaphore_mem>>) {add = true}
      %add3A_151 = arith.constant 4 : i32
      %add3A_152 = arith.addi %add3A_135, %add3A_151 : i32
      %sub3A_153 = arith.constant 1 : i32
      %sub3A_154 = arith.subi %add3A_152, %sub3A_153 : i32
      %lt3A_155 = arith.constant 128 : i32
      %lt3A_156 = arith.cmpi slt, %sub3A_154, %lt3A_155 : i32
      %convert_element_type3A_157 = arith.extui %lt3A_156 : i1 to i32
      %cond3A_158 = arith.constant 0 : i32
      %cond3A_159 = arith.cmpi ne, %convert_element_type3A_157, %cond3A_158 : i32
      scf.if %cond3A_159 {
        %ge3A = arith.constant 1 : i32
        %ge3A_216 = arith.cmpi sge, %add3A_135, %ge3A : i32
        %convert_element_type3A_217 = arith.extui %ge3A_216 : i1 to i32
        %cond3A_218 = arith.constant 0 : i32
        %cond3A_219 = arith.cmpi ne, %convert_element_type3A_217, %cond3A_218 : i32
        scf.if %cond3A_219 {
          %dma_wait3A_230 = arith.constant 0 : i32
          %dma_wait3A_231 = arith.constant 0 : i32
          %dma_wait3A_232 = tpu.memref_slice %arg7[%dma_wait3A_230, %dma_wait3A_231] : memref<128x128xi32, #tpu.memory_space<vmem>> -> memref<1x128xi32, #tpu.memory_space<vmem>>
          %dma_wait3A_233 = tpu.memref_squeeze %dma_wait3A_232 : memref<1x128xi32, #tpu.memory_space<vmem>> -> memref<128xi32, #tpu.memory_space<vmem>>
          %dma_wait3A_234 = arith.constant 0 : i32
          %dma_wait3A_235 = arith.constant 0 : i32
          %dma_wait3A_236 = tpu.memref_slice %arg12[%dma_wait3A_234, %dma_wait3A_235] : memref<16384x64xf32, #tpu.memory_space<vmem_shared>> -> memref<16384x64xf32, #tpu.memory_space<vmem_shared>>
          tpu.wait_indirect_dma semaphore(%arg17 : memref<!tpu.dma_semaphore, #tpu.memory_space<semaphore_mem>>) src(%arg8 : memref<128x64xf32, #tpu.memory_space<vmem>>) dst(%dma_wait3A_236 : memref<16384x64xf32, #tpu.memory_space<vmem_shared>>)
        } else {
        }
        %mul3A_220 = arith.constant 128 : i32
        %mul3A_221 = arith.muli %sub3A_154, %mul3A_220 : i32
        %dma_start3A_222 = tpu.memref_slice %arg6[%mul3A_221] : memref<16384xi32, #tpu.memory_space<vmem>> -> memref<128xi32, #tpu.memory_space<vmem>>
        %dma_start3A_223 = arith.constant 0 : i32
        %dma_start3A_224 = arith.constant 0 : i32
        %dma_start3A_225 = tpu.memref_slice %arg2[%arg0, %dma_start3A_223, %dma_start3A_224] : memref<2x16384x64xf32, #tpu.memory_space<hbm>> -> memref<1x16384x64xf32, #tpu.memory_space<hbm>>
        %dma_start3A_226 = tpu.memref_squeeze %dma_start3A_225 : memref<1x16384x64xf32, #tpu.memory_space<hbm>> -> memref<16384x64xf32, #tpu.memory_space<hbm>>
        %dma_start3A_227 = arith.constant 0 : i32
        %dma_start3A_228 = arith.constant 0 : i32
        %dma_start3A_229 = tpu.memref_slice %dma_start3A_226[%dma_start3A_227, %dma_start3A_228] : memref<16384x64xf32, #tpu.memory_space<hbm>> -> memref<16384x64xf32, #tpu.memory_space<hbm>>
        tpu.enqueue_indirect_dma source(%dma_start3A_229 : memref<16384x64xf32, #tpu.memory_space<hbm>>) target(%arg8 : memref<128x64xf32, #tpu.memory_space<vmem>>) offsets(%dma_start3A_222 : memref<128xi32, #tpu.memory_space<vmem>>) semaphore(%arg13 : memref<!tpu.dma_semaphore, #tpu.memory_space<semaphore_mem>>)
      } else {
      }
      %mul3A_160 = arith.constant 4 : i32
      %mul3A_161 = arith.muli %scan3A_107, %mul3A_160 : i32
      %add3A_162 = arith.constant 2 : i32
      %add3A_163 = arith.addi %mul3A_161, %add3A_162 : i32
      %dma_wait3A_164 = arith.constant 0 : i32
      %dma_wait3A_165 = tpu.memref_slice %arg6[%dma_wait3A_164] : memref<16384xi32, #tpu.memory_space<vmem>> -> memref<128xi32, #tpu.memory_space<vmem>>
      %dma_wait3A_166 = arith.constant 0 : i32
      %dma_wait3A_167 = arith.constant 0 : i32
      %dma_wait3A_168 = tpu.memref_slice %arg2[%arg0, %dma_wait3A_166, %dma_wait3A_167] : memref<2x16384x64xf32, #tpu.memory_space<hbm>> -> memref<1x16384x64xf32, #tpu.memory_space<hbm>>
      %dma_wait3A_169 = tpu.memref_squeeze %dma_wait3A_168 : memref<1x16384x64xf32, #tpu.memory_space<hbm>> -> memref<16384x64xf32, #tpu.memory_space<hbm>>
      %dma_wait3A_170 = arith.constant 0 : i32
      %dma_wait3A_171 = arith.constant 0 : i32
      %dma_wait3A_172 = tpu.memref_slice %dma_wait3A_169[%dma_wait3A_170, %dma_wait3A_171] : memref<16384x64xf32, #tpu.memory_space<hbm>> -> memref<16384x64xf32, #tpu.memory_space<hbm>>
      tpu.wait_indirect_dma semaphore(%arg15 : memref<!tpu.dma_semaphore, #tpu.memory_space<semaphore_mem>>) src(%dma_wait3A_172 : memref<16384x64xf32, #tpu.memory_space<hbm>>) dst(%arg10 : memref<128x64xf32, #tpu.memory_space<vmem>>)
      %dma_start3A_173 = arith.constant 0 : i32
      %dma_start3A_174 = tpu.memref_slice %arg7[%add3A_163, %dma_start3A_173] : memref<128x128xi32, #tpu.memory_space<vmem>> -> memref<1x128xi32, #tpu.memory_space<vmem>>
      %dma_start3A_175 = tpu.memref_squeeze %dma_start3A_174 : memref<1x128xi32, #tpu.memory_space<vmem>> -> memref<128xi32, #tpu.memory_space<vmem>>
      %dma_start3A_176 = arith.constant 0 : i32
      %dma_start3A_177 = arith.constant 0 : i32
      %dma_start3A_178 = tpu.memref_slice %arg12[%dma_start3A_176, %dma_start3A_177] : memref<16384x64xf32, #tpu.memory_space<vmem_shared>> -> memref<16384x64xf32, #tpu.memory_space<vmem_shared>>
      tpu.enqueue_indirect_dma source(%arg10 : memref<128x64xf32, #tpu.memory_space<vmem>>) target(%dma_start3A_178 : memref<16384x64xf32, #tpu.memory_space<vmem_shared>>) offsets(%dma_start3A_175 : memref<128xi32, #tpu.memory_space<vmem>>) semaphore(%arg19 : memref<!tpu.dma_semaphore, #tpu.memory_space<semaphore_mem>>) {add = true}
      %add3A_179 = arith.constant 4 : i32
      %add3A_180 = arith.addi %add3A_163, %add3A_179 : i32
      %sub3A_181 = arith.constant 1 : i32
      %sub3A_182 = arith.subi %add3A_180, %sub3A_181 : i32
      %lt3A_183 = arith.constant 128 : i32
      %lt3A_184 = arith.cmpi slt, %sub3A_182, %lt3A_183 : i32
      %convert_element_type3A_185 = arith.extui %lt3A_184 : i1 to i32
      %cond3A_186 = arith.constant 0 : i32
      %cond3A_187 = arith.cmpi ne, %convert_element_type3A_185, %cond3A_186 : i32
      scf.if %cond3A_187 {
        %ge3A = arith.constant 1 : i32
        %ge3A_216 = arith.cmpi sge, %add3A_163, %ge3A : i32
        %convert_element_type3A_217 = arith.extui %ge3A_216 : i1 to i32
        %cond3A_218 = arith.constant 0 : i32
        %cond3A_219 = arith.cmpi ne, %convert_element_type3A_217, %cond3A_218 : i32
        scf.if %cond3A_219 {
          %dma_wait3A_230 = arith.constant 0 : i32
          %dma_wait3A_231 = arith.constant 0 : i32
          %dma_wait3A_232 = tpu.memref_slice %arg7[%dma_wait3A_230, %dma_wait3A_231] : memref<128x128xi32, #tpu.memory_space<vmem>> -> memref<1x128xi32, #tpu.memory_space<vmem>>
          %dma_wait3A_233 = tpu.memref_squeeze %dma_wait3A_232 : memref<1x128xi32, #tpu.memory_space<vmem>> -> memref<128xi32, #tpu.memory_space<vmem>>
          %dma_wait3A_234 = arith.constant 0 : i32
          %dma_wait3A_235 = arith.constant 0 : i32
          %dma_wait3A_236 = tpu.memref_slice %arg12[%dma_wait3A_234, %dma_wait3A_235] : memref<16384x64xf32, #tpu.memory_space<vmem_shared>> -> memref<16384x64xf32, #tpu.memory_space<vmem_shared>>
          tpu.wait_indirect_dma semaphore(%arg18 : memref<!tpu.dma_semaphore, #tpu.memory_space<semaphore_mem>>) src(%arg9 : memref<128x64xf32, #tpu.memory_space<vmem>>) dst(%dma_wait3A_236 : memref<16384x64xf32, #tpu.memory_space<vmem_shared>>)
        } else {
        }
        %mul3A_220 = arith.constant 128 : i32
        %mul3A_221 = arith.muli %sub3A_182, %mul3A_220 : i32
        %dma_start3A_222 = tpu.memref_slice %arg6[%mul3A_221] : memref<16384xi32, #tpu.memory_space<vmem>> -> memref<128xi32, #tpu.memory_space<vmem>>
        %dma_start3A_223 = arith.constant 0 : i32
        %dma_start3A_224 = arith.constant 0 : i32
        %dma_start3A_225 = tpu.memref_slice %arg2[%arg0, %dma_start3A_223, %dma_start3A_224] : memref<2x16384x64xf32, #tpu.memory_space<hbm>> -> memref<1x16384x64xf32, #tpu.memory_space<hbm>>
        %dma_start3A_226 = tpu.memref_squeeze %dma_start3A_225 : memref<1x16384x64xf32, #tpu.memory_space<hbm>> -> memref<16384x64xf32, #tpu.memory_space<hbm>>
        %dma_start3A_227 = arith.constant 0 : i32
        %dma_start3A_228 = arith.constant 0 : i32
        %dma_start3A_229 = tpu.memref_slice %dma_start3A_226[%dma_start3A_227, %dma_start3A_228] : memref<16384x64xf32, #tpu.memory_space<hbm>> -> memref<16384x64xf32, #tpu.memory_space<hbm>>
        tpu.enqueue_indirect_dma source(%dma_start3A_229 : memref<16384x64xf32, #tpu.memory_space<hbm>>) target(%arg9 : memref<128x64xf32, #tpu.memory_space<vmem>>) offsets(%dma_start3A_222 : memref<128xi32, #tpu.memory_space<vmem>>) semaphore(%arg14 : memref<!tpu.dma_semaphore, #tpu.memory_space<semaphore_mem>>)
      } else {
      }
      %mul3A_188 = arith.constant 4 : i32
      %mul3A_189 = arith.muli %scan3A_107, %mul3A_188 : i32
      %add3A_190 = arith.constant 3 : i32
      %add3A_191 = arith.addi %mul3A_189, %add3A_190 : i32
      %dma_wait3A_192 = arith.constant 0 : i32
      %dma_wait3A_193 = tpu.memref_slice %arg6[%dma_wait3A_192] : memref<16384xi32, #tpu.memory_space<vmem>> -> memref<128xi32, #tpu.memory_space<vmem>>
      %dma_wait3A_194 = arith.constant 0 : i32
      %dma_wait3A_195 = arith.constant 0 : i32
      %dma_wait3A_196 = tpu.memref_slice %arg2[%arg0, %dma_wait3A_194, %dma_wait3A_195] : memref<2x16384x64xf32, #tpu.memory_space<hbm>> -> memref<1x16384x64xf32, #tpu.memory_space<hbm>>
      %dma_wait3A_197 = tpu.memref_squeeze %dma_wait3A_196 : memref<1x16384x64xf32, #tpu.memory_space<hbm>> -> memref<16384x64xf32, #tpu.memory_space<hbm>>
      %dma_wait3A_198 = arith.constant 0 : i32
      %dma_wait3A_199 = arith.constant 0 : i32
      %dma_wait3A_200 = tpu.memref_slice %dma_wait3A_197[%dma_wait3A_198, %dma_wait3A_199] : memref<16384x64xf32, #tpu.memory_space<hbm>> -> memref<16384x64xf32, #tpu.memory_space<hbm>>
      tpu.wait_indirect_dma semaphore(%arg16 : memref<!tpu.dma_semaphore, #tpu.memory_space<semaphore_mem>>) src(%dma_wait3A_200 : memref<16384x64xf32, #tpu.memory_space<hbm>>) dst(%arg11 : memref<128x64xf32, #tpu.memory_space<vmem>>)
      %dma_start3A_201 = arith.constant 0 : i32
      %dma_start3A_202 = tpu.memref_slice %arg7[%add3A_191, %dma_start3A_201] : memref<128x128xi32, #tpu.memory_space<vmem>> -> memref<1x128xi32, #tpu.memory_space<vmem>>
      %dma_start3A_203 = tpu.memref_squeeze %dma_start3A_202 : memref<1x128xi32, #tpu.memory_space<vmem>> -> memref<128xi32, #tpu.memory_space<vmem>>
      %dma_start3A_204 = arith.constant 0 : i32
      %dma_start3A_205 = arith.constant 0 : i32
      %dma_start3A_206 = tpu.memref_slice %arg12[%dma_start3A_204, %dma_start3A_205] : memref<16384x64xf32, #tpu.memory_space<vmem_shared>> -> memref<16384x64xf32, #tpu.memory_space<vmem_shared>>
      tpu.enqueue_indirect_dma source(%arg11 : memref<128x64xf32, #tpu.memory_space<vmem>>) target(%dma_start3A_206 : memref<16384x64xf32, #tpu.memory_space<vmem_shared>>) offsets(%dma_start3A_203 : memref<128xi32, #tpu.memory_space<vmem>>) semaphore(%arg20 : memref<!tpu.dma_semaphore, #tpu.memory_space<semaphore_mem>>) {add = true}
      %add3A_207 = arith.constant 4 : i32
      %add3A_208 = arith.addi %add3A_191, %add3A_207 : i32
      %sub3A_209 = arith.constant 1 : i32
      %sub3A_210 = arith.subi %add3A_208, %sub3A_209 : i32
      %lt3A_211 = arith.constant 128 : i32
      %lt3A_212 = arith.cmpi slt, %sub3A_210, %lt3A_211 : i32
      %convert_element_type3A_213 = arith.extui %lt3A_212 : i1 to i32
      %cond3A_214 = arith.constant 0 : i32
      %cond3A_215 = arith.cmpi ne, %convert_element_type3A_213, %cond3A_214 : i32
      scf.if %cond3A_215 {
        %ge3A = arith.constant 1 : i32
        %ge3A_216 = arith.cmpi sge, %add3A_191, %ge3A : i32
        %convert_element_type3A_217 = arith.extui %ge3A_216 : i1 to i32
        %cond3A_218 = arith.constant 0 : i32
        %cond3A_219 = arith.cmpi ne, %convert_element_type3A_217, %cond3A_218 : i32
        scf.if %cond3A_219 {
          %dma_wait3A_230 = arith.constant 0 : i32
          %dma_wait3A_231 = arith.constant 0 : i32
          %dma_wait3A_232 = tpu.memref_slice %arg7[%dma_wait3A_230, %dma_wait3A_231] : memref<128x128xi32, #tpu.memory_space<vmem>> -> memref<1x128xi32, #tpu.memory_space<vmem>>
          %dma_wait3A_233 = tpu.memref_squeeze %dma_wait3A_232 : memref<1x128xi32, #tpu.memory_space<vmem>> -> memref<128xi32, #tpu.memory_space<vmem>>
          %dma_wait3A_234 = arith.constant 0 : i32
          %dma_wait3A_235 = arith.constant 0 : i32
          %dma_wait3A_236 = tpu.memref_slice %arg12[%dma_wait3A_234, %dma_wait3A_235] : memref<16384x64xf32, #tpu.memory_space<vmem_shared>> -> memref<16384x64xf32, #tpu.memory_space<vmem_shared>>
          tpu.wait_indirect_dma semaphore(%arg19 : memref<!tpu.dma_semaphore, #tpu.memory_space<semaphore_mem>>) src(%arg10 : memref<128x64xf32, #tpu.memory_space<vmem>>) dst(%dma_wait3A_236 : memref<16384x64xf32, #tpu.memory_space<vmem_shared>>)
        } else {
        }
        %mul3A_220 = arith.constant 128 : i32
        %mul3A_221 = arith.muli %sub3A_210, %mul3A_220 : i32
        %dma_start3A_222 = tpu.memref_slice %arg6[%mul3A_221] : memref<16384xi32, #tpu.memory_space<vmem>> -> memref<128xi32, #tpu.memory_space<vmem>>
        %dma_start3A_223 = arith.constant 0 : i32
        %dma_start3A_224 = arith.constant 0 : i32
        %dma_start3A_225 = tpu.memref_slice %arg2[%arg0, %dma_start3A_223, %dma_start3A_224] : memref<2x16384x64xf32, #tpu.memory_space<hbm>> -> memref<1x16384x64xf32, #tpu.memory_space<hbm>>
        %dma_start3A_226 = tpu.memref_squeeze %dma_start3A_225 : memref<1x16384x64xf32, #tpu.memory_space<hbm>> -> memref<16384x64xf32, #tpu.memory_space<hbm>>
        %dma_start3A_227 = arith.constant 0 : i32
        %dma_start3A_228 = arith.constant 0 : i32
        %dma_start3A_229 = tpu.memref_slice %dma_start3A_226[%dma_start3A_227, %dma_start3A_228] : memref<16384x64xf32, #tpu.memory_space<hbm>> -> memref<16384x64xf32, #tpu.memory_space<hbm>>
        tpu.enqueue_indirect_dma source(%dma_start3A_229 : memref<16384x64xf32, #tpu.memory_space<hbm>>) target(%arg10 : memref<128x64xf32, #tpu.memory_space<vmem>>) offsets(%dma_start3A_222 : memref<128xi32, #tpu.memory_space<vmem>>) semaphore(%arg15 : memref<!tpu.dma_semaphore, #tpu.memory_space<semaphore_mem>>)
      } else {
      }
    }
    %scan3A_71 = arith.constant 32 : i32
    %dma_wait3A = arith.constant 0 : i32
    %dma_wait3A_72 = arith.constant 0 : i32
    %dma_wait3A_73 = tpu.memref_slice %arg7[%dma_wait3A, %dma_wait3A_72] : memref<128x128xi32, #tpu.memory_space<vmem>> -> memref<1x128xi32, #tpu.memory_space<vmem>>
    %dma_wait3A_74 = tpu.memref_squeeze %dma_wait3A_73 : memref<1x128xi32, #tpu.memory_space<vmem>> -> memref<128xi32, #tpu.memory_space<vmem>>
    %dma_wait3A_75 = arith.constant 0 : i32
    %dma_wait3A_76 = arith.constant 0 : i32
    %dma_wait3A_77 = tpu.memref_slice %arg12[%dma_wait3A_75, %dma_wait3A_76] : memref<16384x64xf32, #tpu.memory_space<vmem_shared>> -> memref<16384x64xf32, #tpu.memory_space<vmem_shared>>
    tpu.wait_indirect_dma semaphore(%arg17 : memref<!tpu.dma_semaphore, #tpu.memory_space<semaphore_mem>>) src(%arg8 : memref<128x64xf32, #tpu.memory_space<vmem>>) dst(%dma_wait3A_77 : memref<16384x64xf32, #tpu.memory_space<vmem_shared>>)
    %dma_wait3A_78 = arith.constant 0 : i32
    %dma_wait3A_79 = arith.constant 0 : i32
    %dma_wait3A_80 = tpu.memref_slice %arg7[%dma_wait3A_78, %dma_wait3A_79] : memref<128x128xi32, #tpu.memory_space<vmem>> -> memref<1x128xi32, #tpu.memory_space<vmem>>
    %dma_wait3A_81 = tpu.memref_squeeze %dma_wait3A_80 : memref<1x128xi32, #tpu.memory_space<vmem>> -> memref<128xi32, #tpu.memory_space<vmem>>
    %dma_wait3A_82 = arith.constant 0 : i32
    %dma_wait3A_83 = arith.constant 0 : i32
    %dma_wait3A_84 = tpu.memref_slice %arg12[%dma_wait3A_82, %dma_wait3A_83] : memref<16384x64xf32, #tpu.memory_space<vmem_shared>> -> memref<16384x64xf32, #tpu.memory_space<vmem_shared>>
    tpu.wait_indirect_dma semaphore(%arg18 : memref<!tpu.dma_semaphore, #tpu.memory_space<semaphore_mem>>) src(%arg9 : memref<128x64xf32, #tpu.memory_space<vmem>>) dst(%dma_wait3A_84 : memref<16384x64xf32, #tpu.memory_space<vmem_shared>>)
    %dma_wait3A_85 = arith.constant 0 : i32
    %dma_wait3A_86 = arith.constant 0 : i32
    %dma_wait3A_87 = tpu.memref_slice %arg7[%dma_wait3A_85, %dma_wait3A_86] : memref<128x128xi32, #tpu.memory_space<vmem>> -> memref<1x128xi32, #tpu.memory_space<vmem>>
    %dma_wait3A_88 = tpu.memref_squeeze %dma_wait3A_87 : memref<1x128xi32, #tpu.memory_space<vmem>> -> memref<128xi32, #tpu.memory_space<vmem>>
    %dma_wait3A_89 = arith.constant 0 : i32
    %dma_wait3A_90 = arith.constant 0 : i32
    %dma_wait3A_91 = tpu.memref_slice %arg12[%dma_wait3A_89, %dma_wait3A_90] : memref<16384x64xf32, #tpu.memory_space<vmem_shared>> -> memref<16384x64xf32, #tpu.memory_space<vmem_shared>>
    tpu.wait_indirect_dma semaphore(%arg19 : memref<!tpu.dma_semaphore, #tpu.memory_space<semaphore_mem>>) src(%arg10 : memref<128x64xf32, #tpu.memory_space<vmem>>) dst(%dma_wait3A_91 : memref<16384x64xf32, #tpu.memory_space<vmem_shared>>)
    %dma_wait3A_92 = arith.constant 0 : i32
    %dma_wait3A_93 = arith.constant 0 : i32
    %dma_wait3A_94 = tpu.memref_slice %arg7[%dma_wait3A_92, %dma_wait3A_93] : memref<128x128xi32, #tpu.memory_space<vmem>> -> memref<1x128xi32, #tpu.memory_space<vmem>>
    %dma_wait3A_95 = tpu.memref_squeeze %dma_wait3A_94 : memref<1x128xi32, #tpu.memory_space<vmem>> -> memref<128xi32, #tpu.memory_space<vmem>>
    %dma_wait3A_96 = arith.constant 0 : i32
    %dma_wait3A_97 = arith.constant 0 : i32
    %dma_wait3A_98 = tpu.memref_slice %arg12[%dma_wait3A_96, %dma_wait3A_97] : memref<16384x64xf32, #tpu.memory_space<vmem_shared>> -> memref<16384x64xf32, #tpu.memory_space<vmem_shared>>
    tpu.wait_indirect_dma semaphore(%arg20 : memref<!tpu.dma_semaphore, #tpu.memory_space<semaphore_mem>>) src(%arg11 : memref<128x64xf32, #tpu.memory_space<vmem>>) dst(%dma_wait3A_98 : memref<16384x64xf32, #tpu.memory_space<vmem_shared>>)
    %barrier3A_99 = arith.constant 0 : index
    tpu.barrier barrier_id(%barrier3A_99)
    %mul3A_100 = arith.constant 1024 : i32
    %mul3A_101 = arith.muli %arg1, %mul3A_100 : i32
    %mul3A_102 = arith.constant 16384 : i32
    %mul3A_103 = arith.muli %arg0, %mul3A_102 : i32
    %mul3A_104 = arith.constant 1024 : i32
    %mul3A_105 = arith.muli %arg1, %mul3A_104 : i32
    %add3A_106 = arith.addi %mul3A_103, %mul3A_105 : i32
    "tpu.region"() ({
      %run_scoped3A = tpu.sem_alloc : memref<!tpu.dma_semaphore, #tpu.memory_space<semaphore_mem>>
      %dma_start3A_107 = arith.constant 0 : i32
      %dma_start3A_108 = tpu.memref_slice %arg5[%add3A_106, %dma_start3A_107] : memref<32768x64xf32, #tpu.memory_space<hbm>> -> memref<1024x64xf32, #tpu.memory_space<hbm>>
      %dma_start3A_109 = arith.constant 0 : i32
      %dma_start3A_110 = tpu.memref_slice %arg12[%mul3A_101, %dma_start3A_109] : memref<16384x64xf32, #tpu.memory_space<vmem_shared>> -> memref<1024x64xf32, #tpu.memory_space<vmem_shared>>
      tpu.enqueue_dma source(%dma_start3A_110 : memref<1024x64xf32, #tpu.memory_space<vmem_shared>>) target(%dma_start3A_108 : memref<1024x64xf32, #tpu.memory_space<hbm>>) target_semaphore(%run_scoped3A : memref<!tpu.dma_semaphore, #tpu.memory_space<semaphore_mem>>)
      %dma_wait3A_111 = arith.constant 0 : i32
      %dma_wait3A_112 = tpu.memref_slice %arg5[%add3A_106, %dma_wait3A_111] : memref<32768x64xf32, #tpu.memory_space<hbm>> -> memref<1024x64xf32, #tpu.memory_space<hbm>>
      %dma_wait3A_113 = arith.constant 0 : i32
      %dma_wait3A_114 = tpu.memref_slice %arg12[%mul3A_101, %dma_wait3A_113] : memref<16384x64xf32, #tpu.memory_space<vmem_shared>> -> memref<1024x64xf32, #tpu.memory_space<vmem_shared>>
      tpu.wait_dma2 semaphore(%run_scoped3A : memref<!tpu.dma_semaphore, #tpu.memory_space<semaphore_mem>>) src(%dma_wait3A_114 : memref<1024x64xf32, #tpu.memory_space<vmem_shared>>) dst(%dma_wait3A_112 : memref<1024x64xf32, #tpu.memory_space<hbm>>)
      tpu.yield
    }) : () -> ()
    return
  }
}

#map = affine_map<(d0, d1) -> (0, 0, 0)>
#map1 = affine_map<(d0, d1) -> (0)>
#map2 = affine_map<(d0, d1) -> (0, 0)>
module attributes {stable_mosaic.version = 14 : i64} {
  func.func @_sc_segsum_body(%arg0: i32, %arg1: i32, %arg2: memref<2x16384x64xf32, #tpu.memory_space<hbm>>, %arg3: memref<262144xi32, #tpu.memory_space<hbm>>, %arg4: memref<2048x128xi32, #tpu.memory_space<hbm>>, %arg5: memref<32768x64xf32, #tpu.memory_space<hbm>>, %arg6: memref<16384xi32, #tpu.memory_space<vmem>>, %arg7: memref<128x128xi32, #tpu.memory_space<vmem>>, %arg8: memref<128x64xf32, #tpu.memory_space<vmem>>, %arg9: memref<128x64xf32, #tpu.memory_space<vmem>>, %arg10: memref<128x64xf32, #tpu.memory_space<vmem>>, %arg11: memref<128x64xf32, #tpu.memory_space<vmem>>, %arg12: memref<16384x64xf32, #tpu.memory_space<vmem_shared>>, %arg13: memref<!tpu.dma_semaphore, #tpu.memory_space<semaphore_mem>>, %arg14: memref<!tpu.dma_semaphore, #tpu.memory_space<semaphore_mem>>, %arg15: memref<!tpu.dma_semaphore, #tpu.memory_space<semaphore_mem>>, %arg16: memref<!tpu.dma_semaphore, #tpu.memory_space<semaphore_mem>>, %arg17: memref<!tpu.dma_semaphore, #tpu.memory_space<semaphore_mem>>, %arg18: memref<!tpu.dma_semaphore, #tpu.memory_space<semaphore_mem>>, %arg19: memref<!tpu.dma_semaphore, #tpu.memory_space<semaphore_mem>>, %arg20: memref<!tpu.dma_semaphore, #tpu.memory_space<semaphore_mem>>) attributes {dimension_semantics = [#tpu.dimension_semantics<core_parallel>, #tpu.dimension_semantics<subcore_parallel>], iteration_bounds = array<i64: 2, 16>, scalar_prefetch = 0 : i64, scratch_operands = 15 : i64, tpu.core_type = #tpu.core_type<sc_vector_subcore>, window_params = [{transform_indices = #map}, {transform_indices = #map1}, {transform_indices = #map2}, {transform_indices = #map2}]} {
    %mul3A = arith.constant 16384 : i32
    %mul3A_0 = arith.muli %arg1, %mul3A : i32
    "tpu.region"() ({
      %run_scoped3A = tpu.sem_alloc : memref<!tpu.dma_semaphore, #tpu.memory_space<semaphore_mem>>
      %dma_start3A_107 = tpu.memref_slice %arg3[%mul3A_0] : memref<262144xi32, #tpu.memory_space<hbm>> -> memref<16384xi32, #tpu.memory_space<hbm>>
      %dma_start3A_108 = tpu.memref_slice %arg3[%mul3A_0] : memref<262144xi32, #tpu.memory_space<hbm>> -> memref<16384xi32, #tpu.memory_space<hbm>>
      tpu.enqueue_dma source(%dma_start3A_108 : memref<16384xi32, #tpu.memory_space<hbm>>) target(%arg6 : memref<16384xi32, #tpu.memory_space<vmem>>) target_semaphore(%run_scoped3A : memref<!tpu.dma_semaphore, #tpu.memory_space<semaphore_mem>>)
      %dma_wait3A_109 = tpu.memref_slice %arg3[%mul3A_0] : memref<262144xi32, #tpu.memory_space<hbm>> -> memref<16384xi32, #tpu.memory_space<hbm>>
      %dma_wait3A_110 = tpu.memref_slice %arg3[%mul3A_0] : memref<262144xi32, #tpu.memory_space<hbm>> -> memref<16384xi32, #tpu.memory_space<hbm>>
      tpu.wait_dma2 semaphore(%run_scoped3A : memref<!tpu.dma_semaphore, #tpu.memory_space<semaphore_mem>>) src(%dma_wait3A_110 : memref<16384xi32, #tpu.memory_space<hbm>>) dst(%arg6 : memref<16384xi32, #tpu.memory_space<vmem>>)
      tpu.yield
    }) : () -> ()
    %mul3A_1 = arith.constant 128 : i32
    %mul3A_2 = arith.muli %arg1, %mul3A_1 : i32
    "tpu.region"() ({
      %run_scoped3A = tpu.sem_alloc : memref<!tpu.dma_semaphore, #tpu.memory_space<semaphore_mem>>
      %dma_start3A_107 = arith.constant 0 : i32
      %dma_start3A_108 = tpu.memref_slice %arg4[%mul3A_2, %dma_start3A_107] : memref<2048x128xi32, #tpu.memory_space<hbm>> -> memref<128x128xi32, #tpu.memory_space<hbm>>
      %dma_start3A_109 = arith.constant 0 : i32
      %dma_start3A_110 = tpu.memref_slice %arg4[%mul3A_2, %dma_start3A_109] : memref<2048x128xi32, #tpu.memory_space<hbm>> -> memref<128x128xi32, #tpu.memory_space<hbm>>
      tpu.enqueue_dma source(%dma_start3A_110 : memref<128x128xi32, #tpu.memory_space<hbm>>) target(%arg7 : memref<128x128xi32, #tpu.memory_space<vmem>>) target_semaphore(%run_scoped3A : memref<!tpu.dma_semaphore, #tpu.memory_space<semaphore_mem>>)
      %dma_wait3A_111 = arith.constant 0 : i32
      %dma_wait3A_112 = tpu.memref_slice %arg4[%mul3A_2, %dma_wait3A_111] : memref<2048x128xi32, #tpu.memory_space<hbm>> -> memref<128x128xi32, #tpu.memory_space<hbm>>
      %dma_wait3A_113 = arith.constant 0 : i32
      %dma_wait3A_114 = tpu.memref_slice %arg4[%mul3A_2, %dma_wait3A_113] : memref<2048x128xi32, #tpu.memory_space<hbm>> -> memref<128x128xi32, #tpu.memory_space<hbm>>
      tpu.wait_dma2 semaphore(%run_scoped3A : memref<!tpu.dma_semaphore, #tpu.memory_space<semaphore_mem>>) src(%dma_wait3A_114 : memref<128x128xi32, #tpu.memory_space<hbm>>) dst(%arg7 : memref<128x128xi32, #tpu.memory_space<vmem>>)
      tpu.yield
    }) : () -> ()
    %dma_start3A = arith.constant 0 : i32
    %dma_start3A_3 = tpu.memref_slice %arg6[%dma_start3A] : memref<16384xi32, #tpu.memory_space<vmem>> -> memref<128xi32, #tpu.memory_space<vmem>>
    %dma_start3A_4 = arith.constant 0 : i32
    %dma_start3A_5 = arith.constant 0 : i32
    %dma_start3A_6 = tpu.memref_slice %arg2[%arg0, %dma_start3A_4, %dma_start3A_5] : memref<2x16384x64xf32, #tpu.memory_space<hbm>> -> memref<1x16384x64xf32, #tpu.memory_space<hbm>>
    %dma_start3A_7 = tpu.memref_squeeze %dma_start3A_6 : memref<1x16384x64xf32, #tpu.memory_space<hbm>> -> memref<16384x64xf32, #tpu.memory_space<hbm>>
    %dma_start3A_8 = arith.constant 0 : i32
    %dma_start3A_9 = arith.constant 0 : i32
    %dma_start3A_10 = tpu.memref_slice %dma_start3A_7[%dma_start3A_8, %dma_start3A_9] : memref<16384x64xf32, #tpu.memory_space<hbm>> -> memref<16384x64xf32, #tpu.memory_space<hbm>>
    tpu.enqueue_indirect_dma source(%dma_start3A_10 : memref<16384x64xf32, #tpu.memory_space<hbm>>) target(%arg8 : memref<128x64xf32, #tpu.memory_space<vmem>>) offsets(%dma_start3A_3 : memref<128xi32, #tpu.memory_space<vmem>>) semaphore(%arg13 : memref<!tpu.dma_semaphore, #tpu.memory_space<semaphore_mem>>)
    %dma_start3A_11 = arith.constant 128 : i32
    %dma_start3A_12 = tpu.memref_slice %arg6[%dma_start3A_11] : memref<16384xi32, #tpu.memory_space<vmem>> -> memref<128xi32, #tpu.memory_space<vmem>>
    %dma_start3A_13 = arith.constant 0 : i32
    %dma_start3A_14 = arith.constant 0 : i32
    %dma_start3A_15 = tpu.memref_slice %arg2[%arg0, %dma_start3A_13, %dma_start3A_14] : memref<2x16384x64xf32, #tpu.memory_space<hbm>> -> memref<1x16384x64xf32, #tpu.memory_space<hbm>>
    %dma_start3A_16 = tpu.memref_squeeze %dma_start3A_15 : memref<1x16384x64xf32, #tpu.memory_space<hbm>> -> memref<16384x64xf32, #tpu.memory_space<hbm>>
    %dma_start3A_17 = arith.constant 0 : i32
    %dma_start3A_18 = arith.constant 0 : i32
    %dma_start3A_19 = tpu.memref_slice %dma_start3A_16[%dma_start3A_17, %dma_start3A_18] : memref<16384x64xf32, #tpu.memory_space<hbm>> -> memref<16384x64xf32, #tpu.memory_space<hbm>>
    tpu.enqueue_indirect_dma source(%dma_start3A_19 : memref<16384x64xf32, #tpu.memory_space<hbm>>) target(%arg9 : memref<128x64xf32, #tpu.memory_space<vmem>>) offsets(%dma_start3A_12 : memref<128xi32, #tpu.memory_space<vmem>>) semaphore(%arg14 : memref<!tpu.dma_semaphore, #tpu.memory_space<semaphore_mem>>)
    %dma_start3A_20 = arith.constant 256 : i32
    %dma_start3A_21 = tpu.memref_slice %arg6[%dma_start3A_20] : memref<16384xi32, #tpu.memory_space<vmem>> -> memref<128xi32, #tpu.memory_space<vmem>>
    %dma_start3A_22 = arith.constant 0 : i32
    %dma_start3A_23 = arith.constant 0 : i32
    %dma_start3A_24 = tpu.memref_slice %arg2[%arg0, %dma_start3A_22, %dma_start3A_23] : memref<2x16384x64xf32, #tpu.memory_space<hbm>> -> memref<1x16384x64xf32, #tpu.memory_space<hbm>>
    %dma_start3A_25 = tpu.memref_squeeze %dma_start3A_24 : memref<1x16384x64xf32, #tpu.memory_space<hbm>> -> memref<16384x64xf32, #tpu.memory_space<hbm>>
    %dma_start3A_26 = arith.constant 0 : i32
    %dma_start3A_27 = arith.constant 0 : i32
    %dma_start3A_28 = tpu.memref_slice %dma_start3A_25[%dma_start3A_26, %dma_start3A_27] : memref<16384x64xf32, #tpu.memory_space<hbm>> -> memref<16384x64xf32, #tpu.memory_space<hbm>>
    tpu.enqueue_indirect_dma source(%dma_start3A_28 : memref<16384x64xf32, #tpu.memory_space<hbm>>) target(%arg10 : memref<128x64xf32, #tpu.memory_space<vmem>>) offsets(%dma_start3A_21 : memref<128xi32, #tpu.memory_space<vmem>>) semaphore(%arg15 : memref<!tpu.dma_semaphore, #tpu.memory_space<semaphore_mem>>)
    %broadcast_in_dim3A = arith.constant 0.000000e+00 : f32
    %broadcast_in_dim3A_29 = vector.broadcast %broadcast_in_dim3A : f32 to vector<16xf32>
    %scan3A = arith.constant 0 : i32
    %scan3A_30 = arith.constant 0 : i32
    %scan3A_31 = arith.constant 128 : i32
    %scan3A_32 = arith.addi %scan3A_30, %scan3A_31 : i32
    %scan3A_33 = arith.constant 1 : i32
    scf.for %scan3A_107 = %scan3A_30 to %scan3A_32 step %scan3A_33  : i32 {
      %swap3A = arith.index_cast %scan3A_107 : i32 to index
      %swap3A_108 = arith.constant 0 : index
      %swap3A_109 = tpu.vector_load %arg11[%swap3A, %swap3A_108] {strides = array<i32>} : memref<128x64xf32, #tpu.memory_space<vmem>>, vector<1x16xf32>,
      %swap3A_110 = vector.shape_cast %swap3A_109 : vector<1x16xf32> to vector<16xf32>
      %swap3A_111 = vector.shape_cast %broadcast_in_dim3A_29 : vector<16xf32> to vector<1x16xf32>
      tpu.vector_store %arg11[%swap3A, %swap3A_108], %swap3A_111 {strides = array<i32>} : memref<128x64xf32, #tpu.memory_space<vmem>>, vector<1x16xf32>,
      %swap3A_112 = arith.index_cast %scan3A_107 : i32 to index
      %swap3A_113 = arith.constant 16 : index
      %swap3A_114 = tpu.vector_load %arg11[%swap3A_112, %swap3A_113] {strides = array<i32>} : memref<128x64xf32, #tpu.memory_space<vmem>>, vector<1x16xf32>,
      %swap3A_115 = vector.shape_cast %swap3A_114 : vector<1x16xf32> to vector<16xf32>
      %swap3A_116 = vector.shape_cast %broadcast_in_dim3A_29 : vector<16xf32> to vector<1x16xf32>
      tpu.vector_store %arg11[%swap3A_112, %swap3A_113], %swap3A_116 {strides = array<i32>} : memref<128x64xf32, #tpu.memory_space<vmem>>, vector<1x16xf32>,
      %swap3A_117 = arith.index_cast %scan3A_107 : i32 to index
      %swap3A_118 = arith.constant 32 : index
      %swap3A_119 = tpu.vector_load %arg11[%swap3A_117, %swap3A_118] {strides = array<i32>} : memref<128x64xf32, #tpu.memory_space<vmem>>, vector<1x16xf32>,
      %swap3A_120 = vector.shape_cast %swap3A_119 : vector<1x16xf32> to vector<16xf32>
      %swap3A_121 = vector.shape_cast %broadcast_in_dim3A_29 : vector<16xf32> to vector<1x16xf32>
      tpu.vector_store %arg11[%swap3A_117, %swap3A_118], %swap3A_121 {strides = array<i32>} : memref<128x64xf32, #tpu.memory_space<vmem>>, vector<1x16xf32>,
      %swap3A_122 = arith.index_cast %scan3A_107 : i32 to index
      %swap3A_123 = arith.constant 48 : index
      %swap3A_124 = tpu.vector_load %arg11[%swap3A_122, %swap3A_123] {strides = array<i32>} : memref<128x64xf32, #tpu.memory_space<vmem>>, vector<1x16xf32>,
      %swap3A_125 = vector.shape_cast %swap3A_124 : vector<1x16xf32> to vector<16xf32>
      %swap3A_126 = vector.shape_cast %broadcast_in_dim3A_29 : vector<16xf32> to vector<1x16xf32>
      tpu.vector_store %arg11[%swap3A_122, %swap3A_123], %swap3A_126 {strides = array<i32>} : memref<128x64xf32, #tpu.memory_space<vmem>>, vector<1x16xf32>,
    }
    %scan3A_34 = arith.constant 128 : i32
    %mul3A_35 = arith.constant 1024 : i32
    %mul3A_36 = arith.muli %arg1, %mul3A_35 : i32
    %add3A = arith.constant 0 : i32
    %add3A_37 = arith.addi %mul3A_36, %add3A : i32
    "tpu.region"() ({
      %run_scoped3A = tpu.sem_alloc : memref<!tpu.dma_semaphore, #tpu.memory_space<semaphore_mem>>
      %dma_start3A_107 = arith.constant 0 : i32
      %dma_start3A_108 = tpu.memref_slice %arg12[%add3A_37, %dma_start3A_107] : memref<16384x64xf32, #tpu.memory_space<vmem_shared>> -> memref<128x64xf32, #tpu.memory_space<vmem_shared>>
      %dma_start3A_109 = arith.constant 0 : i32
      %dma_start3A_110 = tpu.memref_slice %arg12[%add3A_37, %dma_start3A_109] : memref<16384x64xf32, #tpu.memory_space<vmem_shared>> -> memref<128x64xf32, #tpu.memory_space<vmem_shared>>
      tpu.enqueue_dma source(%arg11 : memref<128x64xf32, #tpu.memory_space<vmem>>) target(%dma_start3A_110 : memref<128x64xf32, #tpu.memory_space<vmem_shared>>) target_semaphore(%run_scoped3A : memref<!tpu.dma_semaphore, #tpu.memory_space<semaphore_mem>>)
      %dma_wait3A_111 = arith.constant 0 : i32
      %dma_wait3A_112 = tpu.memref_slice %arg12[%add3A_37, %dma_wait3A_111] : memref<16384x64xf32, #tpu.memory_space<vmem_shared>> -> memref<128x64xf32, #tpu.memory_space<vmem_shared>>
      %dma_wait3A_113 = arith.constant 0 : i32
      %dma_wait3A_114 = tpu.memref_slice %arg12[%add3A_37, %dma_wait3A_113] : memref<16384x64xf32, #tpu.memory_space<vmem_shared>> -> memref<128x64xf32, #tpu.memory_space<vmem_shared>>
      tpu.wait_dma2 semaphore(%run_scoped3A : memref<!tpu.dma_semaphore, #tpu.memory_space<semaphore_mem>>) src(%arg11 : memref<128x64xf32, #tpu.memory_space<vmem>>) dst(%dma_wait3A_114 : memref<128x64xf32, #tpu.memory_space<vmem_shared>>)
      tpu.yield
    }) : () -> ()
    %mul3A_38 = arith.constant 1024 : i32
    %mul3A_39 = arith.muli %arg1, %mul3A_38 : i32
    %add3A_40 = arith.constant 128 : i32
    %add3A_41 = arith.addi %mul3A_39, %add3A_40 : i32
    "tpu.region"() ({
      %run_scoped3A = tpu.sem_alloc : memref<!tpu.dma_semaphore, #tpu.memory_space<semaphore_mem>>
      %dma_start3A_107 = arith.constant 0 : i32
      %dma_start3A_108 = tpu.memref_slice %arg12[%add3A_41, %dma_start3A_107] : memref<16384x64xf32, #tpu.memory_space<vmem_shared>> -> memref<128x64xf32, #tpu.memory_space<vmem_shared>>
      %dma_start3A_109 = arith.constant 0 : i32
      %dma_start3A_110 = tpu.memref_slice %arg12[%add3A_41, %dma_start3A_109] : memref<16384x64xf32, #tpu.memory_space<vmem_shared>> -> memref<128x64xf32, #tpu.memory_space<vmem_shared>>
      tpu.enqueue_dma source(%arg11 : memref<128x64xf32, #tpu.memory_space<vmem>>) target(%dma_start3A_110 : memref<128x64xf32, #tpu.memory_space<vmem_shared>>) target_semaphore(%run_scoped3A : memref<!tpu.dma_semaphore, #tpu.memory_space<semaphore_mem>>)
      %dma_wait3A_111 = arith.constant 0 : i32
      %dma_wait3A_112 = tpu.memref_slice %arg12[%add3A_41, %dma_wait3A_111] : memref<16384x64xf32, #tpu.memory_space<vmem_shared>> -> memref<128x64xf32, #tpu.memory_space<vmem_shared>>
      %dma_wait3A_113 = arith.constant 0 : i32
      %dma_wait3A_114 = tpu.memref_slice %arg12[%add3A_41, %dma_wait3A_113] : memref<16384x64xf32, #tpu.memory_space<vmem_shared>> -> memref<128x64xf32, #tpu.memory_space<vmem_shared>>
      tpu.wait_dma2 semaphore(%run_scoped3A : memref<!tpu.dma_semaphore, #tpu.memory_space<semaphore_mem>>) src(%arg11 : memref<128x64xf32, #tpu.memory_space<vmem>>) dst(%dma_wait3A_114 : memref<128x64xf32, #tpu.memory_space<vmem_shared>>)
      tpu.yield
    }) : () -> ()
    %mul3A_42 = arith.constant 1024 : i32
    %mul3A_43 = arith.muli %arg1, %mul3A_42 : i32
    %add3A_44 = arith.constant 256 : i32
    %add3A_45 = arith.addi %mul3A_43, %add3A_44 : i32
    "tpu.region"() ({
      %run_scoped3A = tpu.sem_alloc : memref<!tpu.dma_semaphore, #tpu.memory_space<semaphore_mem>>
      %dma_start3A_107 = arith.constant 0 : i32
      %dma_start3A_108 = tpu.memref_slice %arg12[%add3A_45, %dma_start3A_107] : memref<16384x64xf32, #tpu.memory_space<vmem_shared>> -> memref<128x64xf32, #tpu.memory_space<vmem_shared>>
      %dma_start3A_109 = arith.constant 0 : i32
      %dma_start3A_110 = tpu.memref_slice %arg12[%add3A_45, %dma_start3A_109] : memref<16384x64xf32, #tpu.memory_space<vmem_shared>> -> memref<128x64xf32, #tpu.memory_space<vmem_shared>>
      tpu.enqueue_dma source(%arg11 : memref<128x64xf32, #tpu.memory_space<vmem>>) target(%dma_start3A_110 : memref<128x64xf32, #tpu.memory_space<vmem_shared>>) target_semaphore(%run_scoped3A : memref<!tpu.dma_semaphore, #tpu.memory_space<semaphore_mem>>)
      %dma_wait3A_111 = arith.constant 0 : i32
      %dma_wait3A_112 = tpu.memref_slice %arg12[%add3A_45, %dma_wait3A_111] : memref<16384x64xf32, #tpu.memory_space<vmem_shared>> -> memref<128x64xf32, #tpu.memory_space<vmem_shared>>
      %dma_wait3A_113 = arith.constant 0 : i32
      %dma_wait3A_114 = tpu.memref_slice %arg12[%add3A_45, %dma_wait3A_113] : memref<16384x64xf32, #tpu.memory_space<vmem_shared>> -> memref<128x64xf32, #tpu.memory_space<vmem_shared>>
      tpu.wait_dma2 semaphore(%run_scoped3A : memref<!tpu.dma_semaphore, #tpu.memory_space<semaphore_mem>>) src(%arg11 : memref<128x64xf32, #tpu.memory_space<vmem>>) dst(%dma_wait3A_114 : memref<128x64xf32, #tpu.memory_space<vmem_shared>>)
      tpu.yield
    }) : () -> ()
    %mul3A_46 = arith.constant 1024 : i32
    %mul3A_47 = arith.muli %arg1, %mul3A_46 : i32
    %add3A_48 = arith.constant 384 : i32
    %add3A_49 = arith.addi %mul3A_47, %add3A_48 : i32
    "tpu.region"() ({
      %run_scoped3A = tpu.sem_alloc : memref<!tpu.dma_semaphore, #tpu.memory_space<semaphore_mem>>
      %dma_start3A_107 = arith.constant 0 : i32
      %dma_start3A_108 = tpu.memref_slice %arg12[%add3A_49, %dma_start3A_107] : memref<16384x64xf32, #tpu.memory_space<vmem_shared>> -> memref<128x64xf32, #tpu.memory_space<vmem_shared>>
      %dma_start3A_109 = arith.constant 0 : i32
      %dma_start3A_110 = tpu.memref_slice %arg12[%add3A_49, %dma_start3A_109] : memref<16384x64xf32, #tpu.memory_space<vmem_shared>> -> memref<128x64xf32, #tpu.memory_space<vmem_shared>>
      tpu.enqueue_dma source(%arg11 : memref<128x64xf32, #tpu.memory_space<vmem>>) target(%dma_start3A_110 : memref<128x64xf32, #tpu.memory_space<vmem_shared>>) target_semaphore(%run_scoped3A : memref<!tpu.dma_semaphore, #tpu.memory_space<semaphore_mem>>)
      %dma_wait3A_111 = arith.constant 0 : i32
      %dma_wait3A_112 = tpu.memref_slice %arg12[%add3A_49, %dma_wait3A_111] : memref<16384x64xf32, #tpu.memory_space<vmem_shared>> -> memref<128x64xf32, #tpu.memory_space<vmem_shared>>
      %dma_wait3A_113 = arith.constant 0 : i32
      %dma_wait3A_114 = tpu.memref_slice %arg12[%add3A_49, %dma_wait3A_113] : memref<16384x64xf32, #tpu.memory_space<vmem_shared>> -> memref<128x64xf32, #tpu.memory_space<vmem_shared>>
      tpu.wait_dma2 semaphore(%run_scoped3A : memref<!tpu.dma_semaphore, #tpu.memory_space<semaphore_mem>>) src(%arg11 : memref<128x64xf32, #tpu.memory_space<vmem>>) dst(%dma_wait3A_114 : memref<128x64xf32, #tpu.memory_space<vmem_shared>>)
      tpu.yield
    }) : () -> ()
    %mul3A_50 = arith.constant 1024 : i32
    %mul3A_51 = arith.muli %arg1, %mul3A_50 : i32
    %add3A_52 = arith.constant 512 : i32
    %add3A_53 = arith.addi %mul3A_51, %add3A_52 : i32
    "tpu.region"() ({
      %run_scoped3A = tpu.sem_alloc : memref<!tpu.dma_semaphore, #tpu.memory_space<semaphore_mem>>
      %dma_start3A_107 = arith.constant 0 : i32
      %dma_start3A_108 = tpu.memref_slice %arg12[%add3A_53, %dma_start3A_107] : memref<16384x64xf32, #tpu.memory_space<vmem_shared>> -> memref<128x64xf32, #tpu.memory_space<vmem_shared>>
      %dma_start3A_109 = arith.constant 0 : i32
      %dma_start3A_110 = tpu.memref_slice %arg12[%add3A_53, %dma_start3A_109] : memref<16384x64xf32, #tpu.memory_space<vmem_shared>> -> memref<128x64xf32, #tpu.memory_space<vmem_shared>>
      tpu.enqueue_dma source(%arg11 : memref<128x64xf32, #tpu.memory_space<vmem>>) target(%dma_start3A_110 : memref<128x64xf32, #tpu.memory_space<vmem_shared>>) target_semaphore(%run_scoped3A : memref<!tpu.dma_semaphore, #tpu.memory_space<semaphore_mem>>)
      %dma_wait3A_111 = arith.constant 0 : i32
      %dma_wait3A_112 = tpu.memref_slice %arg12[%add3A_53, %dma_wait3A_111] : memref<16384x64xf32, #tpu.memory_space<vmem_shared>> -> memref<128x64xf32, #tpu.memory_space<vmem_shared>>
      %dma_wait3A_113 = arith.constant 0 : i32
      %dma_wait3A_114 = tpu.memref_slice %arg12[%add3A_53, %dma_wait3A_113] : memref<16384x64xf32, #tpu.memory_space<vmem_shared>> -> memref<128x64xf32, #tpu.memory_space<vmem_shared>>
      tpu.wait_dma2 semaphore(%run_scoped3A : memref<!tpu.dma_semaphore, #tpu.memory_space<semaphore_mem>>) src(%arg11 : memref<128x64xf32, #tpu.memory_space<vmem>>) dst(%dma_wait3A_114 : memref<128x64xf32, #tpu.memory_space<vmem_shared>>)
      tpu.yield
    }) : () -> ()
    %mul3A_54 = arith.constant 1024 : i32
    %mul3A_55 = arith.muli %arg1, %mul3A_54 : i32
    %add3A_56 = arith.constant 640 : i32
    %add3A_57 = arith.addi %mul3A_55, %add3A_56 : i32
    "tpu.region"() ({
      %run_scoped3A = tpu.sem_alloc : memref<!tpu.dma_semaphore, #tpu.memory_space<semaphore_mem>>
      %dma_start3A_107 = arith.constant 0 : i32
      %dma_start3A_108 = tpu.memref_slice %arg12[%add3A_57, %dma_start3A_107] : memref<16384x64xf32, #tpu.memory_space<vmem_shared>> -> memref<128x64xf32, #tpu.memory_space<vmem_shared>>
      %dma_start3A_109 = arith.constant 0 : i32
      %dma_start3A_110 = tpu.memref_slice %arg12[%add3A_57, %dma_start3A_109] : memref<16384x64xf32, #tpu.memory_space<vmem_shared>> -> memref<128x64xf32, #tpu.memory_space<vmem_shared>>
      tpu.enqueue_dma source(%arg11 : memref<128x64xf32, #tpu.memory_space<vmem>>) target(%dma_start3A_110 : memref<128x64xf32, #tpu.memory_space<vmem_shared>>) target_semaphore(%run_scoped3A : memref<!tpu.dma_semaphore, #tpu.memory_space<semaphore_mem>>)
      %dma_wait3A_111 = arith.constant 0 : i32
      %dma_wait3A_112 = tpu.memref_slice %arg12[%add3A_57, %dma_wait3A_111] : memref<16384x64xf32, #tpu.memory_space<vmem_shared>> -> memref<128x64xf32, #tpu.memory_space<vmem_shared>>
      %dma_wait3A_113 = arith.constant 0 : i32
      %dma_wait3A_114 = tpu.memref_slice %arg12[%add3A_57, %dma_wait3A_113] : memref<16384x64xf32, #tpu.memory_space<vmem_shared>> -> memref<128x64xf32, #tpu.memory_space<vmem_shared>>
      tpu.wait_dma2 semaphore(%run_scoped3A : memref<!tpu.dma_semaphore, #tpu.memory_space<semaphore_mem>>) src(%arg11 : memref<128x64xf32, #tpu.memory_space<vmem>>) dst(%dma_wait3A_114 : memref<128x64xf32, #tpu.memory_space<vmem_shared>>)
      tpu.yield
    }) : () -> ()
    %mul3A_58 = arith.constant 1024 : i32
    %mul3A_59 = arith.muli %arg1, %mul3A_58 : i32
    %add3A_60 = arith.constant 768 : i32
    %add3A_61 = arith.addi %mul3A_59, %add3A_60 : i32
    "tpu.region"() ({
      %run_scoped3A = tpu.sem_alloc : memref<!tpu.dma_semaphore, #tpu.memory_space<semaphore_mem>>
      %dma_start3A_107 = arith.constant 0 : i32
      %dma_start3A_108 = tpu.memref_slice %arg12[%add3A_61, %dma_start3A_107] : memref<16384x64xf32, #tpu.memory_space<vmem_shared>> -> memref<128x64xf32, #tpu.memory_space<vmem_shared>>
      %dma_start3A_109 = arith.constant 0 : i32
      %dma_start3A_110 = tpu.memref_slice %arg12[%add3A_61, %dma_start3A_109] : memref<16384x64xf32, #tpu.memory_space<vmem_shared>> -> memref<128x64xf32, #tpu.memory_space<vmem_shared>>
      tpu.enqueue_dma source(%arg11 : memref<128x64xf32, #tpu.memory_space<vmem>>) target(%dma_start3A_110 : memref<128x64xf32, #tpu.memory_space<vmem_shared>>) target_semaphore(%run_scoped3A : memref<!tpu.dma_semaphore, #tpu.memory_space<semaphore_mem>>)
      %dma_wait3A_111 = arith.constant 0 : i32
      %dma_wait3A_112 = tpu.memref_slice %arg12[%add3A_61, %dma_wait3A_111] : memref<16384x64xf32, #tpu.memory_space<vmem_shared>> -> memref<128x64xf32, #tpu.memory_space<vmem_shared>>
      %dma_wait3A_113 = arith.constant 0 : i32
      %dma_wait3A_114 = tpu.memref_slice %arg12[%add3A_61, %dma_wait3A_113] : memref<16384x64xf32, #tpu.memory_space<vmem_shared>> -> memref<128x64xf32, #tpu.memory_space<vmem_shared>>
      tpu.wait_dma2 semaphore(%run_scoped3A : memref<!tpu.dma_semaphore, #tpu.memory_space<semaphore_mem>>) src(%arg11 : memref<128x64xf32, #tpu.memory_space<vmem>>) dst(%dma_wait3A_114 : memref<128x64xf32, #tpu.memory_space<vmem_shared>>)
      tpu.yield
    }) : () -> ()
    %mul3A_62 = arith.constant 1024 : i32
    %mul3A_63 = arith.muli %arg1, %mul3A_62 : i32
    %add3A_64 = arith.constant 896 : i32
    %add3A_65 = arith.addi %mul3A_63, %add3A_64 : i32
    "tpu.region"() ({
      %run_scoped3A = tpu.sem_alloc : memref<!tpu.dma_semaphore, #tpu.memory_space<semaphore_mem>>
      %dma_start3A_107 = arith.constant 0 : i32
      %dma_start3A_108 = tpu.memref_slice %arg12[%add3A_65, %dma_start3A_107] : memref<16384x64xf32, #tpu.memory_space<vmem_shared>> -> memref<128x64xf32, #tpu.memory_space<vmem_shared>>
      %dma_start3A_109 = arith.constant 0 : i32
      %dma_start3A_110 = tpu.memref_slice %arg12[%add3A_65, %dma_start3A_109] : memref<16384x64xf32, #tpu.memory_space<vmem_shared>> -> memref<128x64xf32, #tpu.memory_space<vmem_shared>>
      tpu.enqueue_dma source(%arg11 : memref<128x64xf32, #tpu.memory_space<vmem>>) target(%dma_start3A_110 : memref<128x64xf32, #tpu.memory_space<vmem_shared>>) target_semaphore(%run_scoped3A : memref<!tpu.dma_semaphore, #tpu.memory_space<semaphore_mem>>)
      %dma_wait3A_111 = arith.constant 0 : i32
      %dma_wait3A_112 = tpu.memref_slice %arg12[%add3A_65, %dma_wait3A_111] : memref<16384x64xf32, #tpu.memory_space<vmem_shared>> -> memref<128x64xf32, #tpu.memory_space<vmem_shared>>
      %dma_wait3A_113 = arith.constant 0 : i32
      %dma_wait3A_114 = tpu.memref_slice %arg12[%add3A_65, %dma_wait3A_113] : memref<16384x64xf32, #tpu.memory_space<vmem_shared>> -> memref<128x64xf32, #tpu.memory_space<vmem_shared>>
      tpu.wait_dma2 semaphore(%run_scoped3A : memref<!tpu.dma_semaphore, #tpu.memory_space<semaphore_mem>>) src(%arg11 : memref<128x64xf32, #tpu.memory_space<vmem>>) dst(%dma_wait3A_114 : memref<128x64xf32, #tpu.memory_space<vmem_shared>>)
      tpu.yield
    }) : () -> ()
    %barrier3A = arith.constant 0 : index
    tpu.barrier barrier_id(%barrier3A)
    %scan3A_66 = arith.constant 0 : i32
    %scan3A_67 = arith.constant 0 : i32
    %scan3A_68 = arith.constant 32 : i32
    %scan3A_69 = arith.addi %scan3A_67, %scan3A_68 : i32
    %scan3A_70 = arith.constant 1 : i32
    scf.for %scan3A_107 = %scan3A_67 to %scan3A_69 step %scan3A_70  : i32 {
      %mul3A_108 = arith.constant 4 : i32
      %mul3A_109 = arith.muli %scan3A_107, %mul3A_108 : i32
      %add3A_110 = arith.constant 0 : i32
      %add3A_111 = arith.addi %mul3A_109, %add3A_110 : i32
      %dma_wait3A_112 = arith.constant 0 : i32
      %dma_wait3A_113 = tpu.memref_slice %arg6[%dma_wait3A_112] : memref<16384xi32, #tpu.memory_space<vmem>> -> memref<128xi32, #tpu.memory_space<vmem>>
      %dma_wait3A_114 = arith.constant 0 : i32
      %dma_wait3A_115 = arith.constant 0 : i32
      %dma_wait3A_116 = tpu.memref_slice %arg2[%arg0, %dma_wait3A_114, %dma_wait3A_115] : memref<2x16384x64xf32, #tpu.memory_space<hbm>> -> memref<1x16384x64xf32, #tpu.memory_space<hbm>>
      %dma_wait3A_117 = tpu.memref_squeeze %dma_wait3A_116 : memref<1x16384x64xf32, #tpu.memory_space<hbm>> -> memref<16384x64xf32, #tpu.memory_space<hbm>>
      %dma_wait3A_118 = arith.constant 0 : i32
      %dma_wait3A_119 = arith.constant 0 : i32
      %dma_wait3A_120 = tpu.memref_slice %dma_wait3A_117[%dma_wait3A_118, %dma_wait3A_119] : memref<16384x64xf32, #tpu.memory_space<hbm>> -> memref<16384x64xf32, #tpu.memory_space<hbm>>
      tpu.wait_indirect_dma semaphore(%arg13 : memref<!tpu.dma_semaphore, #tpu.memory_space<semaphore_mem>>) src(%dma_wait3A_120 : memref<16384x64xf32, #tpu.memory_space<hbm>>) dst(%arg8 : memref<128x64xf32, #tpu.memory_space<vmem>>)
      %dma_start3A_121 = arith.constant 0 : i32
      %dma_start3A_122 = tpu.memref_slice %arg7[%add3A_111, %dma_start3A_121] : memref<128x128xi32, #tpu.memory_space<vmem>> -> memref<1x128xi32, #tpu.memory_space<vmem>>
      %dma_start3A_123 = tpu.memref_squeeze %dma_start3A_122 : memref<1x128xi32, #tpu.memory_space<vmem>> -> memref<128xi32, #tpu.memory_space<vmem>>
      %dma_start3A_124 = arith.constant 0 : i32
      %dma_start3A_125 = arith.constant 0 : i32
      %dma_start3A_126 = tpu.memref_slice %arg12[%dma_start3A_124, %dma_start3A_125] : memref<16384x64xf32, #tpu.memory_space<vmem_shared>> -> memref<16384x64xf32, #tpu.memory_space<vmem_shared>>
      tpu.enqueue_indirect_dma source(%arg8 : memref<128x64xf32, #tpu.memory_space<vmem>>) target(%dma_start3A_126 : memref<16384x64xf32, #tpu.memory_space<vmem_shared>>) offsets(%dma_start3A_123 : memref<128xi32, #tpu.memory_space<vmem>>) semaphore(%arg17 : memref<!tpu.dma_semaphore, #tpu.memory_space<semaphore_mem>>) {add = true}
      %add3A_127 = arith.constant 4 : i32
      %add3A_128 = arith.addi %add3A_111, %add3A_127 : i32
      %sub3A = arith.constant 1 : i32
      %sub3A_129 = arith.subi %add3A_128, %sub3A : i32
      %lt3A = arith.constant 128 : i32
      %lt3A_130 = arith.cmpi slt, %sub3A_129, %lt3A : i32
      %convert_element_type3A = arith.extui %lt3A_130 : i1 to i32
      %cond3A = arith.constant 0 : i32
      %cond3A_131 = arith.cmpi ne, %convert_element_type3A, %cond3A : i32
      scf.if %cond3A_131 {
        %ge3A = arith.constant 1 : i32
        %ge3A_216 = arith.cmpi sge, %add3A_111, %ge3A : i32
        %convert_element_type3A_217 = arith.extui %ge3A_216 : i1 to i32
        %cond3A_218 = arith.constant 0 : i32
        %cond3A_219 = arith.cmpi ne, %convert_element_type3A_217, %cond3A_218 : i32
        scf.if %cond3A_219 {
          %dma_wait3A_230 = arith.constant 0 : i32
          %dma_wait3A_231 = arith.constant 0 : i32
          %dma_wait3A_232 = tpu.memref_slice %arg7[%dma_wait3A_230, %dma_wait3A_231] : memref<128x128xi32, #tpu.memory_space<vmem>> -> memref<1x128xi32, #tpu.memory_space<vmem>>
          %dma_wait3A_233 = tpu.memref_squeeze %dma_wait3A_232 : memref<1x128xi32, #tpu.memory_space<vmem>> -> memref<128xi32, #tpu.memory_space<vmem>>
          %dma_wait3A_234 = arith.constant 0 : i32
          %dma_wait3A_235 = arith.constant 0 : i32
          %dma_wait3A_236 = tpu.memref_slice %arg12[%dma_wait3A_234, %dma_wait3A_235] : memref<16384x64xf32, #tpu.memory_space<vmem_shared>> -> memref<16384x64xf32, #tpu.memory_space<vmem_shared>>
          tpu.wait_indirect_dma semaphore(%arg20 : memref<!tpu.dma_semaphore, #tpu.memory_space<semaphore_mem>>) src(%arg11 : memref<128x64xf32, #tpu.memory_space<vmem>>) dst(%dma_wait3A_236 : memref<16384x64xf32, #tpu.memory_space<vmem_shared>>)
        } else {
        }
        %mul3A_220 = arith.constant 128 : i32
        %mul3A_221 = arith.muli %sub3A_129, %mul3A_220 : i32
        %dma_start3A_222 = tpu.memref_slice %arg6[%mul3A_221] : memref<16384xi32, #tpu.memory_space<vmem>> -> memref<128xi32, #tpu.memory_space<vmem>>
        %dma_start3A_223 = arith.constant 0 : i32
        %dma_start3A_224 = arith.constant 0 : i32
        %dma_start3A_225 = tpu.memref_slice %arg2[%arg0, %dma_start3A_223, %dma_start3A_224] : memref<2x16384x64xf32, #tpu.memory_space<hbm>> -> memref<1x16384x64xf32, #tpu.memory_space<hbm>>
        %dma_start3A_226 = tpu.memref_squeeze %dma_start3A_225 : memref<1x16384x64xf32, #tpu.memory_space<hbm>> -> memref<16384x64xf32, #tpu.memory_space<hbm>>
        %dma_start3A_227 = arith.constant 0 : i32
        %dma_start3A_228 = arith.constant 0 : i32
        %dma_start3A_229 = tpu.memref_slice %dma_start3A_226[%dma_start3A_227, %dma_start3A_228] : memref<16384x64xf32, #tpu.memory_space<hbm>> -> memref<16384x64xf32, #tpu.memory_space<hbm>>
        tpu.enqueue_indirect_dma source(%dma_start3A_229 : memref<16384x64xf32, #tpu.memory_space<hbm>>) target(%arg11 : memref<128x64xf32, #tpu.memory_space<vmem>>) offsets(%dma_start3A_222 : memref<128xi32, #tpu.memory_space<vmem>>) semaphore(%arg16 : memref<!tpu.dma_semaphore, #tpu.memory_space<semaphore_mem>>)
      } else {
      }
      %mul3A_132 = arith.constant 4 : i32
      %mul3A_133 = arith.muli %scan3A_107, %mul3A_132 : i32
      %add3A_134 = arith.constant 1 : i32
      %add3A_135 = arith.addi %mul3A_133, %add3A_134 : i32
      %dma_wait3A_136 = arith.constant 0 : i32
      %dma_wait3A_137 = tpu.memref_slice %arg6[%dma_wait3A_136] : memref<16384xi32, #tpu.memory_space<vmem>> -> memref<128xi32, #tpu.memory_space<vmem>>
      %dma_wait3A_138 = arith.constant 0 : i32
      %dma_wait3A_139 = arith.constant 0 : i32
      %dma_wait3A_140 = tpu.memref_slice %arg2[%arg0, %dma_wait3A_138, %dma_wait3A_139] : memref<2x16384x64xf32, #tpu.memory_space<hbm>> -> memref<1x16384x64xf32, #tpu.memory_space<hbm>>
      %dma_wait3A_141 = tpu.memref_squeeze %dma_wait3A_140 : memref<1x16384x64xf32, #tpu.memory_space<hbm>> -> memref<16384x64xf32, #tpu.memory_space<hbm>>
      %dma_wait3A_142 = arith.constant 0 : i32
      %dma_wait3A_143 = arith.constant 0 : i32
      %dma_wait3A_144 = tpu.memref_slice %dma_wait3A_141[%dma_wait3A_142, %dma_wait3A_143] : memref<16384x64xf32, #tpu.memory_space<hbm>> -> memref<16384x64xf32, #tpu.memory_space<hbm>>
      tpu.wait_indirect_dma semaphore(%arg14 : memref<!tpu.dma_semaphore, #tpu.memory_space<semaphore_mem>>) src(%dma_wait3A_144 : memref<16384x64xf32, #tpu.memory_space<hbm>>) dst(%arg9 : memref<128x64xf32, #tpu.memory_space<vmem>>)
      %dma_start3A_145 = arith.constant 0 : i32
      %dma_start3A_146 = tpu.memref_slice %arg7[%add3A_135, %dma_start3A_145] : memref<128x128xi32, #tpu.memory_space<vmem>> -> memref<1x128xi32, #tpu.memory_space<vmem>>
      %dma_start3A_147 = tpu.memref_squeeze %dma_start3A_146 : memref<1x128xi32, #tpu.memory_space<vmem>> -> memref<128xi32, #tpu.memory_space<vmem>>
      %dma_start3A_148 = arith.constant 0 : i32
      %dma_start3A_149 = arith.constant 0 : i32
      %dma_start3A_150 = tpu.memref_slice %arg12[%dma_start3A_148, %dma_start3A_149] : memref<16384x64xf32, #tpu.memory_space<vmem_shared>> -> memref<16384x64xf32, #tpu.memory_space<vmem_shared>>
      tpu.enqueue_indirect_dma source(%arg9 : memref<128x64xf32, #tpu.memory_space<vmem>>) target(%dma_start3A_150 : memref<16384x64xf32, #tpu.memory_space<vmem_shared>>) offsets(%dma_start3A_147 : memref<128xi32, #tpu.memory_space<vmem>>) semaphore(%arg18 : memref<!tpu.dma_semaphore, #tpu.memory_space<semaphore_mem>>) {add = true}
      %add3A_151 = arith.constant 4 : i32
      %add3A_152 = arith.addi %add3A_135, %add3A_151 : i32
      %sub3A_153 = arith.constant 1 : i32
      %sub3A_154 = arith.subi %add3A_152, %sub3A_153 : i32
      %lt3A_155 = arith.constant 128 : i32
      %lt3A_156 = arith.cmpi slt, %sub3A_154, %lt3A_155 : i32
      %convert_element_type3A_157 = arith.extui %lt3A_156 : i1 to i32
      %cond3A_158 = arith.constant 0 : i32
      %cond3A_159 = arith.cmpi ne, %convert_element_type3A_157, %cond3A_158 : i32
      scf.if %cond3A_159 {
        %ge3A = arith.constant 1 : i32
        %ge3A_216 = arith.cmpi sge, %add3A_135, %ge3A : i32
        %convert_element_type3A_217 = arith.extui %ge3A_216 : i1 to i32
        %cond3A_218 = arith.constant 0 : i32
        %cond3A_219 = arith.cmpi ne, %convert_element_type3A_217, %cond3A_218 : i32
        scf.if %cond3A_219 {
          %dma_wait3A_230 = arith.constant 0 : i32
          %dma_wait3A_231 = arith.constant 0 : i32
          %dma_wait3A_232 = tpu.memref_slice %arg7[%dma_wait3A_230, %dma_wait3A_231] : memref<128x128xi32, #tpu.memory_space<vmem>> -> memref<1x128xi32, #tpu.memory_space<vmem>>
          %dma_wait3A_233 = tpu.memref_squeeze %dma_wait3A_232 : memref<1x128xi32, #tpu.memory_space<vmem>> -> memref<128xi32, #tpu.memory_space<vmem>>
          %dma_wait3A_234 = arith.constant 0 : i32
          %dma_wait3A_235 = arith.constant 0 : i32
          %dma_wait3A_236 = tpu.memref_slice %arg12[%dma_wait3A_234, %dma_wait3A_235] : memref<16384x64xf32, #tpu.memory_space<vmem_shared>> -> memref<16384x64xf32, #tpu.memory_space<vmem_shared>>
          tpu.wait_indirect_dma semaphore(%arg17 : memref<!tpu.dma_semaphore, #tpu.memory_space<semaphore_mem>>) src(%arg8 : memref<128x64xf32, #tpu.memory_space<vmem>>) dst(%dma_wait3A_236 : memref<16384x64xf32, #tpu.memory_space<vmem_shared>>)
        } else {
        }
        %mul3A_220 = arith.constant 128 : i32
        %mul3A_221 = arith.muli %sub3A_154, %mul3A_220 : i32
        %dma_start3A_222 = tpu.memref_slice %arg6[%mul3A_221] : memref<16384xi32, #tpu.memory_space<vmem>> -> memref<128xi32, #tpu.memory_space<vmem>>
        %dma_start3A_223 = arith.constant 0 : i32
        %dma_start3A_224 = arith.constant 0 : i32
        %dma_start3A_225 = tpu.memref_slice %arg2[%arg0, %dma_start3A_223, %dma_start3A_224] : memref<2x16384x64xf32, #tpu.memory_space<hbm>> -> memref<1x16384x64xf32, #tpu.memory_space<hbm>>
        %dma_start3A_226 = tpu.memref_squeeze %dma_start3A_225 : memref<1x16384x64xf32, #tpu.memory_space<hbm>> -> memref<16384x64xf32, #tpu.memory_space<hbm>>
        %dma_start3A_227 = arith.constant 0 : i32
        %dma_start3A_228 = arith.constant 0 : i32
        %dma_start3A_229 = tpu.memref_slice %dma_start3A_226[%dma_start3A_227, %dma_start3A_228] : memref<16384x64xf32, #tpu.memory_space<hbm>> -> memref<16384x64xf32, #tpu.memory_space<hbm>>
        tpu.enqueue_indirect_dma source(%dma_start3A_229 : memref<16384x64xf32, #tpu.memory_space<hbm>>) target(%arg8 : memref<128x64xf32, #tpu.memory_space<vmem>>) offsets(%dma_start3A_222 : memref<128xi32, #tpu.memory_space<vmem>>) semaphore(%arg13 : memref<!tpu.dma_semaphore, #tpu.memory_space<semaphore_mem>>)
      } else {
      }
      %mul3A_160 = arith.constant 4 : i32
      %mul3A_161 = arith.muli %scan3A_107, %mul3A_160 : i32
      %add3A_162 = arith.constant 2 : i32
      %add3A_163 = arith.addi %mul3A_161, %add3A_162 : i32
      %dma_wait3A_164 = arith.constant 0 : i32
      %dma_wait3A_165 = tpu.memref_slice %arg6[%dma_wait3A_164] : memref<16384xi32, #tpu.memory_space<vmem>> -> memref<128xi32, #tpu.memory_space<vmem>>
      %dma_wait3A_166 = arith.constant 0 : i32
      %dma_wait3A_167 = arith.constant 0 : i32
      %dma_wait3A_168 = tpu.memref_slice %arg2[%arg0, %dma_wait3A_166, %dma_wait3A_167] : memref<2x16384x64xf32, #tpu.memory_space<hbm>> -> memref<1x16384x64xf32, #tpu.memory_space<hbm>>
      %dma_wait3A_169 = tpu.memref_squeeze %dma_wait3A_168 : memref<1x16384x64xf32, #tpu.memory_space<hbm>> -> memref<16384x64xf32, #tpu.memory_space<hbm>>
      %dma_wait3A_170 = arith.constant 0 : i32
      %dma_wait3A_171 = arith.constant 0 : i32
      %dma_wait3A_172 = tpu.memref_slice %dma_wait3A_169[%dma_wait3A_170, %dma_wait3A_171] : memref<16384x64xf32, #tpu.memory_space<hbm>> -> memref<16384x64xf32, #tpu.memory_space<hbm>>
      tpu.wait_indirect_dma semaphore(%arg15 : memref<!tpu.dma_semaphore, #tpu.memory_space<semaphore_mem>>) src(%dma_wait3A_172 : memref<16384x64xf32, #tpu.memory_space<hbm>>) dst(%arg10 : memref<128x64xf32, #tpu.memory_space<vmem>>)
      %dma_start3A_173 = arith.constant 0 : i32
      %dma_start3A_174 = tpu.memref_slice %arg7[%add3A_163, %dma_start3A_173] : memref<128x128xi32, #tpu.memory_space<vmem>> -> memref<1x128xi32, #tpu.memory_space<vmem>>
      %dma_start3A_175 = tpu.memref_squeeze %dma_start3A_174 : memref<1x128xi32, #tpu.memory_space<vmem>> -> memref<128xi32, #tpu.memory_space<vmem>>
      %dma_start3A_176 = arith.constant 0 : i32
      %dma_start3A_177 = arith.constant 0 : i32
      %dma_start3A_178 = tpu.memref_slice %arg12[%dma_start3A_176, %dma_start3A_177] : memref<16384x64xf32, #tpu.memory_space<vmem_shared>> -> memref<16384x64xf32, #tpu.memory_space<vmem_shared>>
      tpu.enqueue_indirect_dma source(%arg10 : memref<128x64xf32, #tpu.memory_space<vmem>>) target(%dma_start3A_178 : memref<16384x64xf32, #tpu.memory_space<vmem_shared>>) offsets(%dma_start3A_175 : memref<128xi32, #tpu.memory_space<vmem>>) semaphore(%arg19 : memref<!tpu.dma_semaphore, #tpu.memory_space<semaphore_mem>>) {add = true}
      %add3A_179 = arith.constant 4 : i32
      %add3A_180 = arith.addi %add3A_163, %add3A_179 : i32
      %sub3A_181 = arith.constant 1 : i32
      %sub3A_182 = arith.subi %add3A_180, %sub3A_181 : i32
      %lt3A_183 = arith.constant 128 : i32
      %lt3A_184 = arith.cmpi slt, %sub3A_182, %lt3A_183 : i32
      %convert_element_type3A_185 = arith.extui %lt3A_184 : i1 to i32
      %cond3A_186 = arith.constant 0 : i32
      %cond3A_187 = arith.cmpi ne, %convert_element_type3A_185, %cond3A_186 : i32
      scf.if %cond3A_187 {
        %ge3A = arith.constant 1 : i32
        %ge3A_216 = arith.cmpi sge, %add3A_163, %ge3A : i32
        %convert_element_type3A_217 = arith.extui %ge3A_216 : i1 to i32
        %cond3A_218 = arith.constant 0 : i32
        %cond3A_219 = arith.cmpi ne, %convert_element_type3A_217, %cond3A_218 : i32
        scf.if %cond3A_219 {
          %dma_wait3A_230 = arith.constant 0 : i32
          %dma_wait3A_231 = arith.constant 0 : i32
          %dma_wait3A_232 = tpu.memref_slice %arg7[%dma_wait3A_230, %dma_wait3A_231] : memref<128x128xi32, #tpu.memory_space<vmem>> -> memref<1x128xi32, #tpu.memory_space<vmem>>
          %dma_wait3A_233 = tpu.memref_squeeze %dma_wait3A_232 : memref<1x128xi32, #tpu.memory_space<vmem>> -> memref<128xi32, #tpu.memory_space<vmem>>
          %dma_wait3A_234 = arith.constant 0 : i32
          %dma_wait3A_235 = arith.constant 0 : i32
          %dma_wait3A_236 = tpu.memref_slice %arg12[%dma_wait3A_234, %dma_wait3A_235] : memref<16384x64xf32, #tpu.memory_space<vmem_shared>> -> memref<16384x64xf32, #tpu.memory_space<vmem_shared>>
          tpu.wait_indirect_dma semaphore(%arg18 : memref<!tpu.dma_semaphore, #tpu.memory_space<semaphore_mem>>) src(%arg9 : memref<128x64xf32, #tpu.memory_space<vmem>>) dst(%dma_wait3A_236 : memref<16384x64xf32, #tpu.memory_space<vmem_shared>>)
        } else {
        }
        %mul3A_220 = arith.constant 128 : i32
        %mul3A_221 = arith.muli %sub3A_182, %mul3A_220 : i32
        %dma_start3A_222 = tpu.memref_slice %arg6[%mul3A_221] : memref<16384xi32, #tpu.memory_space<vmem>> -> memref<128xi32, #tpu.memory_space<vmem>>
        %dma_start3A_223 = arith.constant 0 : i32
        %dma_start3A_224 = arith.constant 0 : i32
        %dma_start3A_225 = tpu.memref_slice %arg2[%arg0, %dma_start3A_223, %dma_start3A_224] : memref<2x16384x64xf32, #tpu.memory_space<hbm>> -> memref<1x16384x64xf32, #tpu.memory_space<hbm>>
        %dma_start3A_226 = tpu.memref_squeeze %dma_start3A_225 : memref<1x16384x64xf32, #tpu.memory_space<hbm>> -> memref<16384x64xf32, #tpu.memory_space<hbm>>
        %dma_start3A_227 = arith.constant 0 : i32
        %dma_start3A_228 = arith.constant 0 : i32
        %dma_start3A_229 = tpu.memref_slice %dma_start3A_226[%dma_start3A_227, %dma_start3A_228] : memref<16384x64xf32, #tpu.memory_space<hbm>> -> memref<16384x64xf32, #tpu.memory_space<hbm>>
        tpu.enqueue_indirect_dma source(%dma_start3A_229 : memref<16384x64xf32, #tpu.memory_space<hbm>>) target(%arg9 : memref<128x64xf32, #tpu.memory_space<vmem>>) offsets(%dma_start3A_222 : memref<128xi32, #tpu.memory_space<vmem>>) semaphore(%arg14 : memref<!tpu.dma_semaphore, #tpu.memory_space<semaphore_mem>>)
      } else {
      }
      %mul3A_188 = arith.constant 4 : i32
      %mul3A_189 = arith.muli %scan3A_107, %mul3A_188 : i32
      %add3A_190 = arith.constant 3 : i32
      %add3A_191 = arith.addi %mul3A_189, %add3A_190 : i32
      %dma_wait3A_192 = arith.constant 0 : i32
      %dma_wait3A_193 = tpu.memref_slice %arg6[%dma_wait3A_192] : memref<16384xi32, #tpu.memory_space<vmem>> -> memref<128xi32, #tpu.memory_space<vmem>>
      %dma_wait3A_194 = arith.constant 0 : i32
      %dma_wait3A_195 = arith.constant 0 : i32
      %dma_wait3A_196 = tpu.memref_slice %arg2[%arg0, %dma_wait3A_194, %dma_wait3A_195] : memref<2x16384x64xf32, #tpu.memory_space<hbm>> -> memref<1x16384x64xf32, #tpu.memory_space<hbm>>
      %dma_wait3A_197 = tpu.memref_squeeze %dma_wait3A_196 : memref<1x16384x64xf32, #tpu.memory_space<hbm>> -> memref<16384x64xf32, #tpu.memory_space<hbm>>
      %dma_wait3A_198 = arith.constant 0 : i32
      %dma_wait3A_199 = arith.constant 0 : i32
      %dma_wait3A_200 = tpu.memref_slice %dma_wait3A_197[%dma_wait3A_198, %dma_wait3A_199] : memref<16384x64xf32, #tpu.memory_space<hbm>> -> memref<16384x64xf32, #tpu.memory_space<hbm>>
      tpu.wait_indirect_dma semaphore(%arg16 : memref<!tpu.dma_semaphore, #tpu.memory_space<semaphore_mem>>) src(%dma_wait3A_200 : memref<16384x64xf32, #tpu.memory_space<hbm>>) dst(%arg11 : memref<128x64xf32, #tpu.memory_space<vmem>>)
      %dma_start3A_201 = arith.constant 0 : i32
      %dma_start3A_202 = tpu.memref_slice %arg7[%add3A_191, %dma_start3A_201] : memref<128x128xi32, #tpu.memory_space<vmem>> -> memref<1x128xi32, #tpu.memory_space<vmem>>
      %dma_start3A_203 = tpu.memref_squeeze %dma_start3A_202 : memref<1x128xi32, #tpu.memory_space<vmem>> -> memref<128xi32, #tpu.memory_space<vmem>>
      %dma_start3A_204 = arith.constant 0 : i32
      %dma_start3A_205 = arith.constant 0 : i32
      %dma_start3A_206 = tpu.memref_slice %arg12[%dma_start3A_204, %dma_start3A_205] : memref<16384x64xf32, #tpu.memory_space<vmem_shared>> -> memref<16384x64xf32, #tpu.memory_space<vmem_shared>>
      tpu.enqueue_indirect_dma source(%arg11 : memref<128x64xf32, #tpu.memory_space<vmem>>) target(%dma_start3A_206 : memref<16384x64xf32, #tpu.memory_space<vmem_shared>>) offsets(%dma_start3A_203 : memref<128xi32, #tpu.memory_space<vmem>>) semaphore(%arg20 : memref<!tpu.dma_semaphore, #tpu.memory_space<semaphore_mem>>) {add = true}
      %add3A_207 = arith.constant 4 : i32
      %add3A_208 = arith.addi %add3A_191, %add3A_207 : i32
      %sub3A_209 = arith.constant 1 : i32
      %sub3A_210 = arith.subi %add3A_208, %sub3A_209 : i32
      %lt3A_211 = arith.constant 128 : i32
      %lt3A_212 = arith.cmpi slt, %sub3A_210, %lt3A_211 : i32
      %convert_element_type3A_213 = arith.extui %lt3A_212 : i1 to i32
      %cond3A_214 = arith.constant 0 : i32
      %cond3A_215 = arith.cmpi ne, %convert_element_type3A_213, %cond3A_214 : i32
      scf.if %cond3A_215 {
        %ge3A = arith.constant 1 : i32
        %ge3A_216 = arith.cmpi sge, %add3A_191, %ge3A : i32
        %convert_element_type3A_217 = arith.extui %ge3A_216 : i1 to i32
        %cond3A_218 = arith.constant 0 : i32
        %cond3A_219 = arith.cmpi ne, %convert_element_type3A_217, %cond3A_218 : i32
        scf.if %cond3A_219 {
          %dma_wait3A_230 = arith.constant 0 : i32
          %dma_wait3A_231 = arith.constant 0 : i32
          %dma_wait3A_232 = tpu.memref_slice %arg7[%dma_wait3A_230, %dma_wait3A_231] : memref<128x128xi32, #tpu.memory_space<vmem>> -> memref<1x128xi32, #tpu.memory_space<vmem>>
          %dma_wait3A_233 = tpu.memref_squeeze %dma_wait3A_232 : memref<1x128xi32, #tpu.memory_space<vmem>> -> memref<128xi32, #tpu.memory_space<vmem>>
          %dma_wait3A_234 = arith.constant 0 : i32
          %dma_wait3A_235 = arith.constant 0 : i32
          %dma_wait3A_236 = tpu.memref_slice %arg12[%dma_wait3A_234, %dma_wait3A_235] : memref<16384x64xf32, #tpu.memory_space<vmem_shared>> -> memref<16384x64xf32, #tpu.memory_space<vmem_shared>>
          tpu.wait_indirect_dma semaphore(%arg19 : memref<!tpu.dma_semaphore, #tpu.memory_space<semaphore_mem>>) src(%arg10 : memref<128x64xf32, #tpu.memory_space<vmem>>) dst(%dma_wait3A_236 : memref<16384x64xf32, #tpu.memory_space<vmem_shared>>)
        } else {
        }
        %mul3A_220 = arith.constant 128 : i32
        %mul3A_221 = arith.muli %sub3A_210, %mul3A_220 : i32
        %dma_start3A_222 = tpu.memref_slice %arg6[%mul3A_221] : memref<16384xi32, #tpu.memory_space<vmem>> -> memref<128xi32, #tpu.memory_space<vmem>>
        %dma_start3A_223 = arith.constant 0 : i32
        %dma_start3A_224 = arith.constant 0 : i32
        %dma_start3A_225 = tpu.memref_slice %arg2[%arg0, %dma_start3A_223, %dma_start3A_224] : memref<2x16384x64xf32, #tpu.memory_space<hbm>> -> memref<1x16384x64xf32, #tpu.memory_space<hbm>>
        %dma_start3A_226 = tpu.memref_squeeze %dma_start3A_225 : memref<1x16384x64xf32, #tpu.memory_space<hbm>> -> memref<16384x64xf32, #tpu.memory_space<hbm>>
        %dma_start3A_227 = arith.constant 0 : i32
        %dma_start3A_228 = arith.constant 0 : i32
        %dma_start3A_229 = tpu.memref_slice %dma_start3A_226[%dma_start3A_227, %dma_start3A_228] : memref<16384x64xf32, #tpu.memory_space<hbm>> -> memref<16384x64xf32, #tpu.memory_space<hbm>>
        tpu.enqueue_indirect_dma source(%dma_start3A_229 : memref<16384x64xf32, #tpu.memory_space<hbm>>) target(%arg10 : memref<128x64xf32, #tpu.memory_space<vmem>>) offsets(%dma_start3A_222 : memref<128xi32, #tpu.memory_space<vmem>>) semaphore(%arg15 : memref<!tpu.dma_semaphore, #tpu.memory_space<semaphore_mem>>)
      } else {
      }
    }
    %scan3A_71 = arith.constant 32 : i32
    %dma_wait3A = arith.constant 0 : i32
    %dma_wait3A_72 = arith.constant 0 : i32
    %dma_wait3A_73 = tpu.memref_slice %arg7[%dma_wait3A, %dma_wait3A_72] : memref<128x128xi32, #tpu.memory_space<vmem>> -> memref<1x128xi32, #tpu.memory_space<vmem>>
    %dma_wait3A_74 = tpu.memref_squeeze %dma_wait3A_73 : memref<1x128xi32, #tpu.memory_space<vmem>> -> memref<128xi32, #tpu.memory_space<vmem>>
    %dma_wait3A_75 = arith.constant 0 : i32
    %dma_wait3A_76 = arith.constant 0 : i32
    %dma_wait3A_77 = tpu.memref_slice %arg12[%dma_wait3A_75, %dma_wait3A_76] : memref<16384x64xf32, #tpu.memory_space<vmem_shared>> -> memref<16384x64xf32, #tpu.memory_space<vmem_shared>>
    tpu.wait_indirect_dma semaphore(%arg17 : memref<!tpu.dma_semaphore, #tpu.memory_space<semaphore_mem>>) src(%arg8 : memref<128x64xf32, #tpu.memory_space<vmem>>) dst(%dma_wait3A_77 : memref<16384x64xf32, #tpu.memory_space<vmem_shared>>)
    %dma_wait3A_78 = arith.constant 0 : i32
    %dma_wait3A_79 = arith.constant 0 : i32
    %dma_wait3A_80 = tpu.memref_slice %arg7[%dma_wait3A_78, %dma_wait3A_79] : memref<128x128xi32, #tpu.memory_space<vmem>> -> memref<1x128xi32, #tpu.memory_space<vmem>>
    %dma_wait3A_81 = tpu.memref_squeeze %dma_wait3A_80 : memref<1x128xi32, #tpu.memory_space<vmem>> -> memref<128xi32, #tpu.memory_space<vmem>>
    %dma_wait3A_82 = arith.constant 0 : i32
    %dma_wait3A_83 = arith.constant 0 : i32
    %dma_wait3A_84 = tpu.memref_slice %arg12[%dma_wait3A_82, %dma_wait3A_83] : memref<16384x64xf32, #tpu.memory_space<vmem_shared>> -> memref<16384x64xf32, #tpu.memory_space<vmem_shared>>
    tpu.wait_indirect_dma semaphore(%arg18 : memref<!tpu.dma_semaphore, #tpu.memory_space<semaphore_mem>>) src(%arg9 : memref<128x64xf32, #tpu.memory_space<vmem>>) dst(%dma_wait3A_84 : memref<16384x64xf32, #tpu.memory_space<vmem_shared>>)
    %dma_wait3A_85 = arith.constant 0 : i32
    %dma_wait3A_86 = arith.constant 0 : i32
    %dma_wait3A_87 = tpu.memref_slice %arg7[%dma_wait3A_85, %dma_wait3A_86] : memref<128x128xi32, #tpu.memory_space<vmem>> -> memref<1x128xi32, #tpu.memory_space<vmem>>
    %dma_wait3A_88 = tpu.memref_squeeze %dma_wait3A_87 : memref<1x128xi32, #tpu.memory_space<vmem>> -> memref<128xi32, #tpu.memory_space<vmem>>
    %dma_wait3A_89 = arith.constant 0 : i32
    %dma_wait3A_90 = arith.constant 0 : i32
    %dma_wait3A_91 = tpu.memref_slice %arg12[%dma_wait3A_89, %dma_wait3A_90] : memref<16384x64xf32, #tpu.memory_space<vmem_shared>> -> memref<16384x64xf32, #tpu.memory_space<vmem_shared>>
    tpu.wait_indirect_dma semaphore(%arg19 : memref<!tpu.dma_semaphore, #tpu.memory_space<semaphore_mem>>) src(%arg10 : memref<128x64xf32, #tpu.memory_space<vmem>>) dst(%dma_wait3A_91 : memref<16384x64xf32, #tpu.memory_space<vmem_shared>>)
    %dma_wait3A_92 = arith.constant 0 : i32
    %dma_wait3A_93 = arith.constant 0 : i32
    %dma_wait3A_94 = tpu.memref_slice %arg7[%dma_wait3A_92, %dma_wait3A_93] : memref<128x128xi32, #tpu.memory_space<vmem>> -> memref<1x128xi32, #tpu.memory_space<vmem>>
    %dma_wait3A_95 = tpu.memref_squeeze %dma_wait3A_94 : memref<1x128xi32, #tpu.memory_space<vmem>> -> memref<128xi32, #tpu.memory_space<vmem>>
    %dma_wait3A_96 = arith.constant 0 : i32
    %dma_wait3A_97 = arith.constant 0 : i32
    %dma_wait3A_98 = tpu.memref_slice %arg12[%dma_wait3A_96, %dma_wait3A_97] : memref<16384x64xf32, #tpu.memory_space<vmem_shared>> -> memref<16384x64xf32, #tpu.memory_space<vmem_shared>>
    tpu.wait_indirect_dma semaphore(%arg20 : memref<!tpu.dma_semaphore, #tpu.memory_space<semaphore_mem>>) src(%arg11 : memref<128x64xf32, #tpu.memory_space<vmem>>) dst(%dma_wait3A_98 : memref<16384x64xf32, #tpu.memory_space<vmem_shared>>)
    %barrier3A_99 = arith.constant 0 : index
    tpu.barrier barrier_id(%barrier3A_99)
    %mul3A_100 = arith.constant 1024 : i32
    %mul3A_101 = arith.muli %arg1, %mul3A_100 : i32
    %mul3A_102 = arith.constant 16384 : i32
    %mul3A_103 = arith.muli %arg0, %mul3A_102 : i32
    %mul3A_104 = arith.constant 1024 : i32
    %mul3A_105 = arith.muli %arg1, %mul3A_104 : i32
    %add3A_106 = arith.addi %mul3A_103, %mul3A_105 : i32
    "tpu.region"() ({
      %run_scoped3A = tpu.sem_alloc : memref<!tpu.dma_semaphore, #tpu.memory_space<semaphore_mem>>
      %dma_start3A_107 = arith.constant 0 : i32
      %dma_start3A_108 = tpu.memref_slice %arg5[%add3A_106, %dma_start3A_107] : memref<32768x64xf32, #tpu.memory_space<hbm>> -> memref<1024x64xf32, #tpu.memory_space<hbm>>
      %dma_start3A_109 = arith.constant 0 : i32
      %dma_start3A_110 = tpu.memref_slice %arg12[%mul3A_101, %dma_start3A_109] : memref<16384x64xf32, #tpu.memory_space<vmem_shared>> -> memref<1024x64xf32, #tpu.memory_space<vmem_shared>>
      tpu.enqueue_dma source(%dma_start3A_110 : memref<1024x64xf32, #tpu.memory_space<vmem_shared>>) target(%dma_start3A_108 : memref<1024x64xf32, #tpu.memory_space<hbm>>) target_semaphore(%run_scoped3A : memref<!tpu.dma_semaphore, #tpu.memory_space<semaphore_mem>>)
      %dma_wait3A_111 = arith.constant 0 : i32
      %dma_wait3A_112 = tpu.memref_slice %arg5[%add3A_106, %dma_wait3A_111] : memref<32768x64xf32, #tpu.memory_space<hbm>> -> memref<1024x64xf32, #tpu.memory_space<hbm>>
      %dma_wait3A_113 = arith.constant 0 : i32
      %dma_wait3A_114 = tpu.memref_slice %arg12[%mul3A_101, %dma_wait3A_113] : memref<16384x64xf32, #tpu.memory_space<vmem_shared>> -> memref<1024x64xf32, #tpu.memory_space<vmem_shared>>
      tpu.wait_dma2 semaphore(%run_scoped3A : memref<!tpu.dma_semaphore, #tpu.memory_space<semaphore_mem>>) src(%dma_wait3A_114 : memref<1024x64xf32, #tpu.memory_space<vmem_shared>>) dst(%dma_wait3A_112 : memref<1024x64xf32, #tpu.memory_space<hbm>>)
      tpu.yield
    }) : () -> ()
    return
  }
}

#map = affine_map<(d0, d1) -> (0, 0, 0)>
#map1 = affine_map<(d0, d1) -> (0)>
#map2 = affine_map<(d0, d1) -> (0, 0)>
module attributes {stable_mosaic.version = 14 : i64} {
  func.func @_sc_segsum_body(%arg0: i32, %arg1: i32, %arg2: memref<2x16384x64xf32, #tpu.memory_space<hbm>>, %arg3: memref<262144xi32, #tpu.memory_space<hbm>>, %arg4: memref<2048x128xi32, #tpu.memory_space<hbm>>, %arg5: memref<32768x64xf32, #tpu.memory_space<hbm>>, %arg6: memref<16384xi32, #tpu.memory_space<vmem>>, %arg7: memref<128x128xi32, #tpu.memory_space<vmem>>, %arg8: memref<128x64xf32, #tpu.memory_space<vmem>>, %arg9: memref<128x64xf32, #tpu.memory_space<vmem>>, %arg10: memref<128x64xf32, #tpu.memory_space<vmem>>, %arg11: memref<128x64xf32, #tpu.memory_space<vmem>>, %arg12: memref<16384x64xf32, #tpu.memory_space<vmem_shared>>, %arg13: memref<!tpu.dma_semaphore, #tpu.memory_space<semaphore_mem>>, %arg14: memref<!tpu.dma_semaphore, #tpu.memory_space<semaphore_mem>>, %arg15: memref<!tpu.dma_semaphore, #tpu.memory_space<semaphore_mem>>, %arg16: memref<!tpu.dma_semaphore, #tpu.memory_space<semaphore_mem>>, %arg17: memref<!tpu.dma_semaphore, #tpu.memory_space<semaphore_mem>>, %arg18: memref<!tpu.dma_semaphore, #tpu.memory_space<semaphore_mem>>, %arg19: memref<!tpu.dma_semaphore, #tpu.memory_space<semaphore_mem>>, %arg20: memref<!tpu.dma_semaphore, #tpu.memory_space<semaphore_mem>>) attributes {dimension_semantics = [#tpu.dimension_semantics<core_parallel>, #tpu.dimension_semantics<subcore_parallel>], iteration_bounds = array<i64: 2, 16>, scalar_prefetch = 0 : i64, scratch_operands = 15 : i64, tpu.core_type = #tpu.core_type<sc_vector_subcore>, window_params = [{transform_indices = #map}, {transform_indices = #map1}, {transform_indices = #map2}, {transform_indices = #map2}]} {
    %mul3A = arith.constant 16384 : i32
    %mul3A_0 = arith.muli %arg1, %mul3A : i32
    "tpu.region"() ({
      %run_scoped3A = tpu.sem_alloc : memref<!tpu.dma_semaphore, #tpu.memory_space<semaphore_mem>>
      %dma_start3A_107 = tpu.memref_slice %arg3[%mul3A_0] : memref<262144xi32, #tpu.memory_space<hbm>> -> memref<16384xi32, #tpu.memory_space<hbm>>
      %dma_start3A_108 = tpu.memref_slice %arg3[%mul3A_0] : memref<262144xi32, #tpu.memory_space<hbm>> -> memref<16384xi32, #tpu.memory_space<hbm>>
      tpu.enqueue_dma source(%dma_start3A_108 : memref<16384xi32, #tpu.memory_space<hbm>>) target(%arg6 : memref<16384xi32, #tpu.memory_space<vmem>>) target_semaphore(%run_scoped3A : memref<!tpu.dma_semaphore, #tpu.memory_space<semaphore_mem>>)
      %dma_wait3A_109 = tpu.memref_slice %arg3[%mul3A_0] : memref<262144xi32, #tpu.memory_space<hbm>> -> memref<16384xi32, #tpu.memory_space<hbm>>
      %dma_wait3A_110 = tpu.memref_slice %arg3[%mul3A_0] : memref<262144xi32, #tpu.memory_space<hbm>> -> memref<16384xi32, #tpu.memory_space<hbm>>
      tpu.wait_dma2 semaphore(%run_scoped3A : memref<!tpu.dma_semaphore, #tpu.memory_space<semaphore_mem>>) src(%dma_wait3A_110 : memref<16384xi32, #tpu.memory_space<hbm>>) dst(%arg6 : memref<16384xi32, #tpu.memory_space<vmem>>)
      tpu.yield
    }) : () -> ()
    %mul3A_1 = arith.constant 128 : i32
    %mul3A_2 = arith.muli %arg1, %mul3A_1 : i32
    "tpu.region"() ({
      %run_scoped3A = tpu.sem_alloc : memref<!tpu.dma_semaphore, #tpu.memory_space<semaphore_mem>>
      %dma_start3A_107 = arith.constant 0 : i32
      %dma_start3A_108 = tpu.memref_slice %arg4[%mul3A_2, %dma_start3A_107] : memref<2048x128xi32, #tpu.memory_space<hbm>> -> memref<128x128xi32, #tpu.memory_space<hbm>>
      %dma_start3A_109 = arith.constant 0 : i32
      %dma_start3A_110 = tpu.memref_slice %arg4[%mul3A_2, %dma_start3A_109] : memref<2048x128xi32, #tpu.memory_space<hbm>> -> memref<128x128xi32, #tpu.memory_space<hbm>>
      tpu.enqueue_dma source(%dma_start3A_110 : memref<128x128xi32, #tpu.memory_space<hbm>>) target(%arg7 : memref<128x128xi32, #tpu.memory_space<vmem>>) target_semaphore(%run_scoped3A : memref<!tpu.dma_semaphore, #tpu.memory_space<semaphore_mem>>)
      %dma_wait3A_111 = arith.constant 0 : i32
      %dma_wait3A_112 = tpu.memref_slice %arg4[%mul3A_2, %dma_wait3A_111] : memref<2048x128xi32, #tpu.memory_space<hbm>> -> memref<128x128xi32, #tpu.memory_space<hbm>>
      %dma_wait3A_113 = arith.constant 0 : i32
      %dma_wait3A_114 = tpu.memref_slice %arg4[%mul3A_2, %dma_wait3A_113] : memref<2048x128xi32, #tpu.memory_space<hbm>> -> memref<128x128xi32, #tpu.memory_space<hbm>>
      tpu.wait_dma2 semaphore(%run_scoped3A : memref<!tpu.dma_semaphore, #tpu.memory_space<semaphore_mem>>) src(%dma_wait3A_114 : memref<128x128xi32, #tpu.memory_space<hbm>>) dst(%arg7 : memref<128x128xi32, #tpu.memory_space<vmem>>)
      tpu.yield
    }) : () -> ()
    %dma_start3A = arith.constant 0 : i32
    %dma_start3A_3 = tpu.memref_slice %arg6[%dma_start3A] : memref<16384xi32, #tpu.memory_space<vmem>> -> memref<128xi32, #tpu.memory_space<vmem>>
    %dma_start3A_4 = arith.constant 0 : i32
    %dma_start3A_5 = arith.constant 0 : i32
    %dma_start3A_6 = tpu.memref_slice %arg2[%arg0, %dma_start3A_4, %dma_start3A_5] : memref<2x16384x64xf32, #tpu.memory_space<hbm>> -> memref<1x16384x64xf32, #tpu.memory_space<hbm>>
    %dma_start3A_7 = tpu.memref_squeeze %dma_start3A_6 : memref<1x16384x64xf32, #tpu.memory_space<hbm>> -> memref<16384x64xf32, #tpu.memory_space<hbm>>
    %dma_start3A_8 = arith.constant 0 : i32
    %dma_start3A_9 = arith.constant 0 : i32
    %dma_start3A_10 = tpu.memref_slice %dma_start3A_7[%dma_start3A_8, %dma_start3A_9] : memref<16384x64xf32, #tpu.memory_space<hbm>> -> memref<16384x64xf32, #tpu.memory_space<hbm>>
    tpu.enqueue_indirect_dma source(%dma_start3A_10 : memref<16384x64xf32, #tpu.memory_space<hbm>>) target(%arg8 : memref<128x64xf32, #tpu.memory_space<vmem>>) offsets(%dma_start3A_3 : memref<128xi32, #tpu.memory_space<vmem>>) semaphore(%arg13 : memref<!tpu.dma_semaphore, #tpu.memory_space<semaphore_mem>>)
    %dma_start3A_11 = arith.constant 128 : i32
    %dma_start3A_12 = tpu.memref_slice %arg6[%dma_start3A_11] : memref<16384xi32, #tpu.memory_space<vmem>> -> memref<128xi32, #tpu.memory_space<vmem>>
    %dma_start3A_13 = arith.constant 0 : i32
    %dma_start3A_14 = arith.constant 0 : i32
    %dma_start3A_15 = tpu.memref_slice %arg2[%arg0, %dma_start3A_13, %dma_start3A_14] : memref<2x16384x64xf32, #tpu.memory_space<hbm>> -> memref<1x16384x64xf32, #tpu.memory_space<hbm>>
    %dma_start3A_16 = tpu.memref_squeeze %dma_start3A_15 : memref<1x16384x64xf32, #tpu.memory_space<hbm>> -> memref<16384x64xf32, #tpu.memory_space<hbm>>
    %dma_start3A_17 = arith.constant 0 : i32
    %dma_start3A_18 = arith.constant 0 : i32
    %dma_start3A_19 = tpu.memref_slice %dma_start3A_16[%dma_start3A_17, %dma_start3A_18] : memref<16384x64xf32, #tpu.memory_space<hbm>> -> memref<16384x64xf32, #tpu.memory_space<hbm>>
    tpu.enqueue_indirect_dma source(%dma_start3A_19 : memref<16384x64xf32, #tpu.memory_space<hbm>>) target(%arg9 : memref<128x64xf32, #tpu.memory_space<vmem>>) offsets(%dma_start3A_12 : memref<128xi32, #tpu.memory_space<vmem>>) semaphore(%arg14 : memref<!tpu.dma_semaphore, #tpu.memory_space<semaphore_mem>>)
    %dma_start3A_20 = arith.constant 256 : i32
    %dma_start3A_21 = tpu.memref_slice %arg6[%dma_start3A_20] : memref<16384xi32, #tpu.memory_space<vmem>> -> memref<128xi32, #tpu.memory_space<vmem>>
    %dma_start3A_22 = arith.constant 0 : i32
    %dma_start3A_23 = arith.constant 0 : i32
    %dma_start3A_24 = tpu.memref_slice %arg2[%arg0, %dma_start3A_22, %dma_start3A_23] : memref<2x16384x64xf32, #tpu.memory_space<hbm>> -> memref<1x16384x64xf32, #tpu.memory_space<hbm>>
    %dma_start3A_25 = tpu.memref_squeeze %dma_start3A_24 : memref<1x16384x64xf32, #tpu.memory_space<hbm>> -> memref<16384x64xf32, #tpu.memory_space<hbm>>
    %dma_start3A_26 = arith.constant 0 : i32
    %dma_start3A_27 = arith.constant 0 : i32
    %dma_start3A_28 = tpu.memref_slice %dma_start3A_25[%dma_start3A_26, %dma_start3A_27] : memref<16384x64xf32, #tpu.memory_space<hbm>> -> memref<16384x64xf32, #tpu.memory_space<hbm>>
    tpu.enqueue_indirect_dma source(%dma_start3A_28 : memref<16384x64xf32, #tpu.memory_space<hbm>>) target(%arg10 : memref<128x64xf32, #tpu.memory_space<vmem>>) offsets(%dma_start3A_21 : memref<128xi32, #tpu.memory_space<vmem>>) semaphore(%arg15 : memref<!tpu.dma_semaphore, #tpu.memory_space<semaphore_mem>>)
    %broadcast_in_dim3A = arith.constant 0.000000e+00 : f32
    %broadcast_in_dim3A_29 = vector.broadcast %broadcast_in_dim3A : f32 to vector<16xf32>
    %scan3A = arith.constant 0 : i32
    %scan3A_30 = arith.constant 0 : i32
    %scan3A_31 = arith.constant 128 : i32
    %scan3A_32 = arith.addi %scan3A_30, %scan3A_31 : i32
    %scan3A_33 = arith.constant 1 : i32
    scf.for %scan3A_107 = %scan3A_30 to %scan3A_32 step %scan3A_33  : i32 {
      %swap3A = arith.index_cast %scan3A_107 : i32 to index
      %swap3A_108 = arith.constant 0 : index
      %swap3A_109 = tpu.vector_load %arg11[%swap3A, %swap3A_108] {strides = array<i32>} : memref<128x64xf32, #tpu.memory_space<vmem>>, vector<1x16xf32>,
      %swap3A_110 = vector.shape_cast %swap3A_109 : vector<1x16xf32> to vector<16xf32>
      %swap3A_111 = vector.shape_cast %broadcast_in_dim3A_29 : vector<16xf32> to vector<1x16xf32>
      tpu.vector_store %arg11[%swap3A, %swap3A_108], %swap3A_111 {strides = array<i32>} : memref<128x64xf32, #tpu.memory_space<vmem>>, vector<1x16xf32>,
      %swap3A_112 = arith.index_cast %scan3A_107 : i32 to index
      %swap3A_113 = arith.constant 16 : index
      %swap3A_114 = tpu.vector_load %arg11[%swap3A_112, %swap3A_113] {strides = array<i32>} : memref<128x64xf32, #tpu.memory_space<vmem>>, vector<1x16xf32>,
      %swap3A_115 = vector.shape_cast %swap3A_114 : vector<1x16xf32> to vector<16xf32>
      %swap3A_116 = vector.shape_cast %broadcast_in_dim3A_29 : vector<16xf32> to vector<1x16xf32>
      tpu.vector_store %arg11[%swap3A_112, %swap3A_113], %swap3A_116 {strides = array<i32>} : memref<128x64xf32, #tpu.memory_space<vmem>>, vector<1x16xf32>,
      %swap3A_117 = arith.index_cast %scan3A_107 : i32 to index
      %swap3A_118 = arith.constant 32 : index
      %swap3A_119 = tpu.vector_load %arg11[%swap3A_117, %swap3A_118] {strides = array<i32>} : memref<128x64xf32, #tpu.memory_space<vmem>>, vector<1x16xf32>,
      %swap3A_120 = vector.shape_cast %swap3A_119 : vector<1x16xf32> to vector<16xf32>
      %swap3A_121 = vector.shape_cast %broadcast_in_dim3A_29 : vector<16xf32> to vector<1x16xf32>
      tpu.vector_store %arg11[%swap3A_117, %swap3A_118], %swap3A_121 {strides = array<i32>} : memref<128x64xf32, #tpu.memory_space<vmem>>, vector<1x16xf32>,
      %swap3A_122 = arith.index_cast %scan3A_107 : i32 to index
      %swap3A_123 = arith.constant 48 : index
      %swap3A_124 = tpu.vector_load %arg11[%swap3A_122, %swap3A_123] {strides = array<i32>} : memref<128x64xf32, #tpu.memory_space<vmem>>, vector<1x16xf32>,
      %swap3A_125 = vector.shape_cast %swap3A_124 : vector<1x16xf32> to vector<16xf32>
      %swap3A_126 = vector.shape_cast %broadcast_in_dim3A_29 : vector<16xf32> to vector<1x16xf32>
      tpu.vector_store %arg11[%swap3A_122, %swap3A_123], %swap3A_126 {strides = array<i32>} : memref<128x64xf32, #tpu.memory_space<vmem>>, vector<1x16xf32>,
    }
    %scan3A_34 = arith.constant 128 : i32
    %mul3A_35 = arith.constant 1024 : i32
    %mul3A_36 = arith.muli %arg1, %mul3A_35 : i32
    %add3A = arith.constant 0 : i32
    %add3A_37 = arith.addi %mul3A_36, %add3A : i32
    "tpu.region"() ({
      %run_scoped3A = tpu.sem_alloc : memref<!tpu.dma_semaphore, #tpu.memory_space<semaphore_mem>>
      %dma_start3A_107 = arith.constant 0 : i32
      %dma_start3A_108 = tpu.memref_slice %arg12[%add3A_37, %dma_start3A_107] : memref<16384x64xf32, #tpu.memory_space<vmem_shared>> -> memref<128x64xf32, #tpu.memory_space<vmem_shared>>
      %dma_start3A_109 = arith.constant 0 : i32
      %dma_start3A_110 = tpu.memref_slice %arg12[%add3A_37, %dma_start3A_109] : memref<16384x64xf32, #tpu.memory_space<vmem_shared>> -> memref<128x64xf32, #tpu.memory_space<vmem_shared>>
      tpu.enqueue_dma source(%arg11 : memref<128x64xf32, #tpu.memory_space<vmem>>) target(%dma_start3A_110 : memref<128x64xf32, #tpu.memory_space<vmem_shared>>) target_semaphore(%run_scoped3A : memref<!tpu.dma_semaphore, #tpu.memory_space<semaphore_mem>>)
      %dma_wait3A_111 = arith.constant 0 : i32
      %dma_wait3A_112 = tpu.memref_slice %arg12[%add3A_37, %dma_wait3A_111] : memref<16384x64xf32, #tpu.memory_space<vmem_shared>> -> memref<128x64xf32, #tpu.memory_space<vmem_shared>>
      %dma_wait3A_113 = arith.constant 0 : i32
      %dma_wait3A_114 = tpu.memref_slice %arg12[%add3A_37, %dma_wait3A_113] : memref<16384x64xf32, #tpu.memory_space<vmem_shared>> -> memref<128x64xf32, #tpu.memory_space<vmem_shared>>
      tpu.wait_dma2 semaphore(%run_scoped3A : memref<!tpu.dma_semaphore, #tpu.memory_space<semaphore_mem>>) src(%arg11 : memref<128x64xf32, #tpu.memory_space<vmem>>) dst(%dma_wait3A_114 : memref<128x64xf32, #tpu.memory_space<vmem_shared>>)
      tpu.yield
    }) : () -> ()
    %mul3A_38 = arith.constant 1024 : i32
    %mul3A_39 = arith.muli %arg1, %mul3A_38 : i32
    %add3A_40 = arith.constant 128 : i32
    %add3A_41 = arith.addi %mul3A_39, %add3A_40 : i32
    "tpu.region"() ({
      %run_scoped3A = tpu.sem_alloc : memref<!tpu.dma_semaphore, #tpu.memory_space<semaphore_mem>>
      %dma_start3A_107 = arith.constant 0 : i32
      %dma_start3A_108 = tpu.memref_slice %arg12[%add3A_41, %dma_start3A_107] : memref<16384x64xf32, #tpu.memory_space<vmem_shared>> -> memref<128x64xf32, #tpu.memory_space<vmem_shared>>
      %dma_start3A_109 = arith.constant 0 : i32
      %dma_start3A_110 = tpu.memref_slice %arg12[%add3A_41, %dma_start3A_109] : memref<16384x64xf32, #tpu.memory_space<vmem_shared>> -> memref<128x64xf32, #tpu.memory_space<vmem_shared>>
      tpu.enqueue_dma source(%arg11 : memref<128x64xf32, #tpu.memory_space<vmem>>) target(%dma_start3A_110 : memref<128x64xf32, #tpu.memory_space<vmem_shared>>) target_semaphore(%run_scoped3A : memref<!tpu.dma_semaphore, #tpu.memory_space<semaphore_mem>>)
      %dma_wait3A_111 = arith.constant 0 : i32
      %dma_wait3A_112 = tpu.memref_slice %arg12[%add3A_41, %dma_wait3A_111] : memref<16384x64xf32, #tpu.memory_space<vmem_shared>> -> memref<128x64xf32, #tpu.memory_space<vmem_shared>>
      %dma_wait3A_113 = arith.constant 0 : i32
      %dma_wait3A_114 = tpu.memref_slice %arg12[%add3A_41, %dma_wait3A_113] : memref<16384x64xf32, #tpu.memory_space<vmem_shared>> -> memref<128x64xf32, #tpu.memory_space<vmem_shared>>
      tpu.wait_dma2 semaphore(%run_scoped3A : memref<!tpu.dma_semaphore, #tpu.memory_space<semaphore_mem>>) src(%arg11 : memref<128x64xf32, #tpu.memory_space<vmem>>) dst(%dma_wait3A_114 : memref<128x64xf32, #tpu.memory_space<vmem_shared>>)
      tpu.yield
    }) : () -> ()
    %mul3A_42 = arith.constant 1024 : i32
    %mul3A_43 = arith.muli %arg1, %mul3A_42 : i32
    %add3A_44 = arith.constant 256 : i32
    %add3A_45 = arith.addi %mul3A_43, %add3A_44 : i32
    "tpu.region"() ({
      %run_scoped3A = tpu.sem_alloc : memref<!tpu.dma_semaphore, #tpu.memory_space<semaphore_mem>>
      %dma_start3A_107 = arith.constant 0 : i32
      %dma_start3A_108 = tpu.memref_slice %arg12[%add3A_45, %dma_start3A_107] : memref<16384x64xf32, #tpu.memory_space<vmem_shared>> -> memref<128x64xf32, #tpu.memory_space<vmem_shared>>
      %dma_start3A_109 = arith.constant 0 : i32
      %dma_start3A_110 = tpu.memref_slice %arg12[%add3A_45, %dma_start3A_109] : memref<16384x64xf32, #tpu.memory_space<vmem_shared>> -> memref<128x64xf32, #tpu.memory_space<vmem_shared>>
      tpu.enqueue_dma source(%arg11 : memref<128x64xf32, #tpu.memory_space<vmem>>) target(%dma_start3A_110 : memref<128x64xf32, #tpu.memory_space<vmem_shared>>) target_semaphore(%run_scoped3A : memref<!tpu.dma_semaphore, #tpu.memory_space<semaphore_mem>>)
      %dma_wait3A_111 = arith.constant 0 : i32
      %dma_wait3A_112 = tpu.memref_slice %arg12[%add3A_45, %dma_wait3A_111] : memref<16384x64xf32, #tpu.memory_space<vmem_shared>> -> memref<128x64xf32, #tpu.memory_space<vmem_shared>>
      %dma_wait3A_113 = arith.constant 0 : i32
      %dma_wait3A_114 = tpu.memref_slice %arg12[%add3A_45, %dma_wait3A_113] : memref<16384x64xf32, #tpu.memory_space<vmem_shared>> -> memref<128x64xf32, #tpu.memory_space<vmem_shared>>
      tpu.wait_dma2 semaphore(%run_scoped3A : memref<!tpu.dma_semaphore, #tpu.memory_space<semaphore_mem>>) src(%arg11 : memref<128x64xf32, #tpu.memory_space<vmem>>) dst(%dma_wait3A_114 : memref<128x64xf32, #tpu.memory_space<vmem_shared>>)
      tpu.yield
    }) : () -> ()
    %mul3A_46 = arith.constant 1024 : i32
    %mul3A_47 = arith.muli %arg1, %mul3A_46 : i32
    %add3A_48 = arith.constant 384 : i32
    %add3A_49 = arith.addi %mul3A_47, %add3A_48 : i32
    "tpu.region"() ({
      %run_scoped3A = tpu.sem_alloc : memref<!tpu.dma_semaphore, #tpu.memory_space<semaphore_mem>>
      %dma_start3A_107 = arith.constant 0 : i32
      %dma_start3A_108 = tpu.memref_slice %arg12[%add3A_49, %dma_start3A_107] : memref<16384x64xf32, #tpu.memory_space<vmem_shared>> -> memref<128x64xf32, #tpu.memory_space<vmem_shared>>
      %dma_start3A_109 = arith.constant 0 : i32
      %dma_start3A_110 = tpu.memref_slice %arg12[%add3A_49, %dma_start3A_109] : memref<16384x64xf32, #tpu.memory_space<vmem_shared>> -> memref<128x64xf32, #tpu.memory_space<vmem_shared>>
      tpu.enqueue_dma source(%arg11 : memref<128x64xf32, #tpu.memory_space<vmem>>) target(%dma_start3A_110 : memref<128x64xf32, #tpu.memory_space<vmem_shared>>) target_semaphore(%run_scoped3A : memref<!tpu.dma_semaphore, #tpu.memory_space<semaphore_mem>>)
      %dma_wait3A_111 = arith.constant 0 : i32
      %dma_wait3A_112 = tpu.memref_slice %arg12[%add3A_49, %dma_wait3A_111] : memref<16384x64xf32, #tpu.memory_space<vmem_shared>> -> memref<128x64xf32, #tpu.memory_space<vmem_shared>>
      %dma_wait3A_113 = arith.constant 0 : i32
      %dma_wait3A_114 = tpu.memref_slice %arg12[%add3A_49, %dma_wait3A_113] : memref<16384x64xf32, #tpu.memory_space<vmem_shared>> -> memref<128x64xf32, #tpu.memory_space<vmem_shared>>
      tpu.wait_dma2 semaphore(%run_scoped3A : memref<!tpu.dma_semaphore, #tpu.memory_space<semaphore_mem>>) src(%arg11 : memref<128x64xf32, #tpu.memory_space<vmem>>) dst(%dma_wait3A_114 : memref<128x64xf32, #tpu.memory_space<vmem_shared>>)
      tpu.yield
    }) : () -> ()
    %mul3A_50 = arith.constant 1024 : i32
    %mul3A_51 = arith.muli %arg1, %mul3A_50 : i32
    %add3A_52 = arith.constant 512 : i32
    %add3A_53 = arith.addi %mul3A_51, %add3A_52 : i32
    "tpu.region"() ({
      %run_scoped3A = tpu.sem_alloc : memref<!tpu.dma_semaphore, #tpu.memory_space<semaphore_mem>>
      %dma_start3A_107 = arith.constant 0 : i32
      %dma_start3A_108 = tpu.memref_slice %arg12[%add3A_53, %dma_start3A_107] : memref<16384x64xf32, #tpu.memory_space<vmem_shared>> -> memref<128x64xf32, #tpu.memory_space<vmem_shared>>
      %dma_start3A_109 = arith.constant 0 : i32
      %dma_start3A_110 = tpu.memref_slice %arg12[%add3A_53, %dma_start3A_109] : memref<16384x64xf32, #tpu.memory_space<vmem_shared>> -> memref<128x64xf32, #tpu.memory_space<vmem_shared>>
      tpu.enqueue_dma source(%arg11 : memref<128x64xf32, #tpu.memory_space<vmem>>) target(%dma_start3A_110 : memref<128x64xf32, #tpu.memory_space<vmem_shared>>) target_semaphore(%run_scoped3A : memref<!tpu.dma_semaphore, #tpu.memory_space<semaphore_mem>>)
      %dma_wait3A_111 = arith.constant 0 : i32
      %dma_wait3A_112 = tpu.memref_slice %arg12[%add3A_53, %dma_wait3A_111] : memref<16384x64xf32, #tpu.memory_space<vmem_shared>> -> memref<128x64xf32, #tpu.memory_space<vmem_shared>>
      %dma_wait3A_113 = arith.constant 0 : i32
      %dma_wait3A_114 = tpu.memref_slice %arg12[%add3A_53, %dma_wait3A_113] : memref<16384x64xf32, #tpu.memory_space<vmem_shared>> -> memref<128x64xf32, #tpu.memory_space<vmem_shared>>
      tpu.wait_dma2 semaphore(%run_scoped3A : memref<!tpu.dma_semaphore, #tpu.memory_space<semaphore_mem>>) src(%arg11 : memref<128x64xf32, #tpu.memory_space<vmem>>) dst(%dma_wait3A_114 : memref<128x64xf32, #tpu.memory_space<vmem_shared>>)
      tpu.yield
    }) : () -> ()
    %mul3A_54 = arith.constant 1024 : i32
    %mul3A_55 = arith.muli %arg1, %mul3A_54 : i32
    %add3A_56 = arith.constant 640 : i32
    %add3A_57 = arith.addi %mul3A_55, %add3A_56 : i32
    "tpu.region"() ({
      %run_scoped3A = tpu.sem_alloc : memref<!tpu.dma_semaphore, #tpu.memory_space<semaphore_mem>>
      %dma_start3A_107 = arith.constant 0 : i32
      %dma_start3A_108 = tpu.memref_slice %arg12[%add3A_57, %dma_start3A_107] : memref<16384x64xf32, #tpu.memory_space<vmem_shared>> -> memref<128x64xf32, #tpu.memory_space<vmem_shared>>
      %dma_start3A_109 = arith.constant 0 : i32
      %dma_start3A_110 = tpu.memref_slice %arg12[%add3A_57, %dma_start3A_109] : memref<16384x64xf32, #tpu.memory_space<vmem_shared>> -> memref<128x64xf32, #tpu.memory_space<vmem_shared>>
      tpu.enqueue_dma source(%arg11 : memref<128x64xf32, #tpu.memory_space<vmem>>) target(%dma_start3A_110 : memref<128x64xf32, #tpu.memory_space<vmem_shared>>) target_semaphore(%run_scoped3A : memref<!tpu.dma_semaphore, #tpu.memory_space<semaphore_mem>>)
      %dma_wait3A_111 = arith.constant 0 : i32
      %dma_wait3A_112 = tpu.memref_slice %arg12[%add3A_57, %dma_wait3A_111] : memref<16384x64xf32, #tpu.memory_space<vmem_shared>> -> memref<128x64xf32, #tpu.memory_space<vmem_shared>>
      %dma_wait3A_113 = arith.constant 0 : i32
      %dma_wait3A_114 = tpu.memref_slice %arg12[%add3A_57, %dma_wait3A_113] : memref<16384x64xf32, #tpu.memory_space<vmem_shared>> -> memref<128x64xf32, #tpu.memory_space<vmem_shared>>
      tpu.wait_dma2 semaphore(%run_scoped3A : memref<!tpu.dma_semaphore, #tpu.memory_space<semaphore_mem>>) src(%arg11 : memref<128x64xf32, #tpu.memory_space<vmem>>) dst(%dma_wait3A_114 : memref<128x64xf32, #tpu.memory_space<vmem_shared>>)
      tpu.yield
    }) : () -> ()
    %mul3A_58 = arith.constant 1024 : i32
    %mul3A_59 = arith.muli %arg1, %mul3A_58 : i32
    %add3A_60 = arith.constant 768 : i32
    %add3A_61 = arith.addi %mul3A_59, %add3A_60 : i32
    "tpu.region"() ({
      %run_scoped3A = tpu.sem_alloc : memref<!tpu.dma_semaphore, #tpu.memory_space<semaphore_mem>>
      %dma_start3A_107 = arith.constant 0 : i32
      %dma_start3A_108 = tpu.memref_slice %arg12[%add3A_61, %dma_start3A_107] : memref<16384x64xf32, #tpu.memory_space<vmem_shared>> -> memref<128x64xf32, #tpu.memory_space<vmem_shared>>
      %dma_start3A_109 = arith.constant 0 : i32
      %dma_start3A_110 = tpu.memref_slice %arg12[%add3A_61, %dma_start3A_109] : memref<16384x64xf32, #tpu.memory_space<vmem_shared>> -> memref<128x64xf32, #tpu.memory_space<vmem_shared>>
      tpu.enqueue_dma source(%arg11 : memref<128x64xf32, #tpu.memory_space<vmem>>) target(%dma_start3A_110 : memref<128x64xf32, #tpu.memory_space<vmem_shared>>) target_semaphore(%run_scoped3A : memref<!tpu.dma_semaphore, #tpu.memory_space<semaphore_mem>>)
      %dma_wait3A_111 = arith.constant 0 : i32
      %dma_wait3A_112 = tpu.memref_slice %arg12[%add3A_61, %dma_wait3A_111] : memref<16384x64xf32, #tpu.memory_space<vmem_shared>> -> memref<128x64xf32, #tpu.memory_space<vmem_shared>>
      %dma_wait3A_113 = arith.constant 0 : i32
      %dma_wait3A_114 = tpu.memref_slice %arg12[%add3A_61, %dma_wait3A_113] : memref<16384x64xf32, #tpu.memory_space<vmem_shared>> -> memref<128x64xf32, #tpu.memory_space<vmem_shared>>
      tpu.wait_dma2 semaphore(%run_scoped3A : memref<!tpu.dma_semaphore, #tpu.memory_space<semaphore_mem>>) src(%arg11 : memref<128x64xf32, #tpu.memory_space<vmem>>) dst(%dma_wait3A_114 : memref<128x64xf32, #tpu.memory_space<vmem_shared>>)
      tpu.yield
    }) : () -> ()
    %mul3A_62 = arith.constant 1024 : i32
    %mul3A_63 = arith.muli %arg1, %mul3A_62 : i32
    %add3A_64 = arith.constant 896 : i32
    %add3A_65 = arith.addi %mul3A_63, %add3A_64 : i32
    "tpu.region"() ({
      %run_scoped3A = tpu.sem_alloc : memref<!tpu.dma_semaphore, #tpu.memory_space<semaphore_mem>>
      %dma_start3A_107 = arith.constant 0 : i32
      %dma_start3A_108 = tpu.memref_slice %arg12[%add3A_65, %dma_start3A_107] : memref<16384x64xf32, #tpu.memory_space<vmem_shared>> -> memref<128x64xf32, #tpu.memory_space<vmem_shared>>
      %dma_start3A_109 = arith.constant 0 : i32
      %dma_start3A_110 = tpu.memref_slice %arg12[%add3A_65, %dma_start3A_109] : memref<16384x64xf32, #tpu.memory_space<vmem_shared>> -> memref<128x64xf32, #tpu.memory_space<vmem_shared>>
      tpu.enqueue_dma source(%arg11 : memref<128x64xf32, #tpu.memory_space<vmem>>) target(%dma_start3A_110 : memref<128x64xf32, #tpu.memory_space<vmem_shared>>) target_semaphore(%run_scoped3A : memref<!tpu.dma_semaphore, #tpu.memory_space<semaphore_mem>>)
      %dma_wait3A_111 = arith.constant 0 : i32
      %dma_wait3A_112 = tpu.memref_slice %arg12[%add3A_65, %dma_wait3A_111] : memref<16384x64xf32, #tpu.memory_space<vmem_shared>> -> memref<128x64xf32, #tpu.memory_space<vmem_shared>>
      %dma_wait3A_113 = arith.constant 0 : i32
      %dma_wait3A_114 = tpu.memref_slice %arg12[%add3A_65, %dma_wait3A_113] : memref<16384x64xf32, #tpu.memory_space<vmem_shared>> -> memref<128x64xf32, #tpu.memory_space<vmem_shared>>
      tpu.wait_dma2 semaphore(%run_scoped3A : memref<!tpu.dma_semaphore, #tpu.memory_space<semaphore_mem>>) src(%arg11 : memref<128x64xf32, #tpu.memory_space<vmem>>) dst(%dma_wait3A_114 : memref<128x64xf32, #tpu.memory_space<vmem_shared>>)
      tpu.yield
    }) : () -> ()
    %barrier3A = arith.constant 0 : index
    tpu.barrier barrier_id(%barrier3A)
    %scan3A_66 = arith.constant 0 : i32
    %scan3A_67 = arith.constant 0 : i32
    %scan3A_68 = arith.constant 32 : i32
    %scan3A_69 = arith.addi %scan3A_67, %scan3A_68 : i32
    %scan3A_70 = arith.constant 1 : i32
    scf.for %scan3A_107 = %scan3A_67 to %scan3A_69 step %scan3A_70  : i32 {
      %mul3A_108 = arith.constant 4 : i32
      %mul3A_109 = arith.muli %scan3A_107, %mul3A_108 : i32
      %add3A_110 = arith.constant 0 : i32
      %add3A_111 = arith.addi %mul3A_109, %add3A_110 : i32
      %dma_wait3A_112 = arith.constant 0 : i32
      %dma_wait3A_113 = tpu.memref_slice %arg6[%dma_wait3A_112] : memref<16384xi32, #tpu.memory_space<vmem>> -> memref<128xi32, #tpu.memory_space<vmem>>
      %dma_wait3A_114 = arith.constant 0 : i32
      %dma_wait3A_115 = arith.constant 0 : i32
      %dma_wait3A_116 = tpu.memref_slice %arg2[%arg0, %dma_wait3A_114, %dma_wait3A_115] : memref<2x16384x64xf32, #tpu.memory_space<hbm>> -> memref<1x16384x64xf32, #tpu.memory_space<hbm>>
      %dma_wait3A_117 = tpu.memref_squeeze %dma_wait3A_116 : memref<1x16384x64xf32, #tpu.memory_space<hbm>> -> memref<16384x64xf32, #tpu.memory_space<hbm>>
      %dma_wait3A_118 = arith.constant 0 : i32
      %dma_wait3A_119 = arith.constant 0 : i32
      %dma_wait3A_120 = tpu.memref_slice %dma_wait3A_117[%dma_wait3A_118, %dma_wait3A_119] : memref<16384x64xf32, #tpu.memory_space<hbm>> -> memref<16384x64xf32, #tpu.memory_space<hbm>>
      tpu.wait_indirect_dma semaphore(%arg13 : memref<!tpu.dma_semaphore, #tpu.memory_space<semaphore_mem>>) src(%dma_wait3A_120 : memref<16384x64xf32, #tpu.memory_space<hbm>>) dst(%arg8 : memref<128x64xf32, #tpu.memory_space<vmem>>)
      %dma_start3A_121 = arith.constant 0 : i32
      %dma_start3A_122 = tpu.memref_slice %arg7[%add3A_111, %dma_start3A_121] : memref<128x128xi32, #tpu.memory_space<vmem>> -> memref<1x128xi32, #tpu.memory_space<vmem>>
      %dma_start3A_123 = tpu.memref_squeeze %dma_start3A_122 : memref<1x128xi32, #tpu.memory_space<vmem>> -> memref<128xi32, #tpu.memory_space<vmem>>
      %dma_start3A_124 = arith.constant 0 : i32
      %dma_start3A_125 = arith.constant 0 : i32
      %dma_start3A_126 = tpu.memref_slice %arg12[%dma_start3A_124, %dma_start3A_125] : memref<16384x64xf32, #tpu.memory_space<vmem_shared>> -> memref<16384x64xf32, #tpu.memory_space<vmem_shared>>
      tpu.enqueue_indirect_dma source(%arg8 : memref<128x64xf32, #tpu.memory_space<vmem>>) target(%dma_start3A_126 : memref<16384x64xf32, #tpu.memory_space<vmem_shared>>) offsets(%dma_start3A_123 : memref<128xi32, #tpu.memory_space<vmem>>) semaphore(%arg17 : memref<!tpu.dma_semaphore, #tpu.memory_space<semaphore_mem>>) {add = true}
      %add3A_127 = arith.constant 4 : i32
      %add3A_128 = arith.addi %add3A_111, %add3A_127 : i32
      %sub3A = arith.constant 1 : i32
      %sub3A_129 = arith.subi %add3A_128, %sub3A : i32
      %lt3A = arith.constant 128 : i32
      %lt3A_130 = arith.cmpi slt, %sub3A_129, %lt3A : i32
      %convert_element_type3A = arith.extui %lt3A_130 : i1 to i32
      %cond3A = arith.constant 0 : i32
      %cond3A_131 = arith.cmpi ne, %convert_element_type3A, %cond3A : i32
      scf.if %cond3A_131 {
        %ge3A = arith.constant 1 : i32
        %ge3A_216 = arith.cmpi sge, %add3A_111, %ge3A : i32
        %convert_element_type3A_217 = arith.extui %ge3A_216 : i1 to i32
        %cond3A_218 = arith.constant 0 : i32
        %cond3A_219 = arith.cmpi ne, %convert_element_type3A_217, %cond3A_218 : i32
        scf.if %cond3A_219 {
          %dma_wait3A_230 = arith.constant 0 : i32
          %dma_wait3A_231 = arith.constant 0 : i32
          %dma_wait3A_232 = tpu.memref_slice %arg7[%dma_wait3A_230, %dma_wait3A_231] : memref<128x128xi32, #tpu.memory_space<vmem>> -> memref<1x128xi32, #tpu.memory_space<vmem>>
          %dma_wait3A_233 = tpu.memref_squeeze %dma_wait3A_232 : memref<1x128xi32, #tpu.memory_space<vmem>> -> memref<128xi32, #tpu.memory_space<vmem>>
          %dma_wait3A_234 = arith.constant 0 : i32
          %dma_wait3A_235 = arith.constant 0 : i32
          %dma_wait3A_236 = tpu.memref_slice %arg12[%dma_wait3A_234, %dma_wait3A_235] : memref<16384x64xf32, #tpu.memory_space<vmem_shared>> -> memref<16384x64xf32, #tpu.memory_space<vmem_shared>>
          tpu.wait_indirect_dma semaphore(%arg20 : memref<!tpu.dma_semaphore, #tpu.memory_space<semaphore_mem>>) src(%arg11 : memref<128x64xf32, #tpu.memory_space<vmem>>) dst(%dma_wait3A_236 : memref<16384x64xf32, #tpu.memory_space<vmem_shared>>)
        } else {
        }
        %mul3A_220 = arith.constant 128 : i32
        %mul3A_221 = arith.muli %sub3A_129, %mul3A_220 : i32
        %dma_start3A_222 = tpu.memref_slice %arg6[%mul3A_221] : memref<16384xi32, #tpu.memory_space<vmem>> -> memref<128xi32, #tpu.memory_space<vmem>>
        %dma_start3A_223 = arith.constant 0 : i32
        %dma_start3A_224 = arith.constant 0 : i32
        %dma_start3A_225 = tpu.memref_slice %arg2[%arg0, %dma_start3A_223, %dma_start3A_224] : memref<2x16384x64xf32, #tpu.memory_space<hbm>> -> memref<1x16384x64xf32, #tpu.memory_space<hbm>>
        %dma_start3A_226 = tpu.memref_squeeze %dma_start3A_225 : memref<1x16384x64xf32, #tpu.memory_space<hbm>> -> memref<16384x64xf32, #tpu.memory_space<hbm>>
        %dma_start3A_227 = arith.constant 0 : i32
        %dma_start3A_228 = arith.constant 0 : i32
        %dma_start3A_229 = tpu.memref_slice %dma_start3A_226[%dma_start3A_227, %dma_start3A_228] : memref<16384x64xf32, #tpu.memory_space<hbm>> -> memref<16384x64xf32, #tpu.memory_space<hbm>>
        tpu.enqueue_indirect_dma source(%dma_start3A_229 : memref<16384x64xf32, #tpu.memory_space<hbm>>) target(%arg11 : memref<128x64xf32, #tpu.memory_space<vmem>>) offsets(%dma_start3A_222 : memref<128xi32, #tpu.memory_space<vmem>>) semaphore(%arg16 : memref<!tpu.dma_semaphore, #tpu.memory_space<semaphore_mem>>)
      } else {
      }
      %mul3A_132 = arith.constant 4 : i32
      %mul3A_133 = arith.muli %scan3A_107, %mul3A_132 : i32
      %add3A_134 = arith.constant 1 : i32
      %add3A_135 = arith.addi %mul3A_133, %add3A_134 : i32
      %dma_wait3A_136 = arith.constant 0 : i32
      %dma_wait3A_137 = tpu.memref_slice %arg6[%dma_wait3A_136] : memref<16384xi32, #tpu.memory_space<vmem>> -> memref<128xi32, #tpu.memory_space<vmem>>
      %dma_wait3A_138 = arith.constant 0 : i32
      %dma_wait3A_139 = arith.constant 0 : i32
      %dma_wait3A_140 = tpu.memref_slice %arg2[%arg0, %dma_wait3A_138, %dma_wait3A_139] : memref<2x16384x64xf32, #tpu.memory_space<hbm>> -> memref<1x16384x64xf32, #tpu.memory_space<hbm>>
      %dma_wait3A_141 = tpu.memref_squeeze %dma_wait3A_140 : memref<1x16384x64xf32, #tpu.memory_space<hbm>> -> memref<16384x64xf32, #tpu.memory_space<hbm>>
      %dma_wait3A_142 = arith.constant 0 : i32
      %dma_wait3A_143 = arith.constant 0 : i32
      %dma_wait3A_144 = tpu.memref_slice %dma_wait3A_141[%dma_wait3A_142, %dma_wait3A_143] : memref<16384x64xf32, #tpu.memory_space<hbm>> -> memref<16384x64xf32, #tpu.memory_space<hbm>>
      tpu.wait_indirect_dma semaphore(%arg14 : memref<!tpu.dma_semaphore, #tpu.memory_space<semaphore_mem>>) src(%dma_wait3A_144 : memref<16384x64xf32, #tpu.memory_space<hbm>>) dst(%arg9 : memref<128x64xf32, #tpu.memory_space<vmem>>)
      %dma_start3A_145 = arith.constant 0 : i32
      %dma_start3A_146 = tpu.memref_slice %arg7[%add3A_135, %dma_start3A_145] : memref<128x128xi32, #tpu.memory_space<vmem>> -> memref<1x128xi32, #tpu.memory_space<vmem>>
      %dma_start3A_147 = tpu.memref_squeeze %dma_start3A_146 : memref<1x128xi32, #tpu.memory_space<vmem>> -> memref<128xi32, #tpu.memory_space<vmem>>
      %dma_start3A_148 = arith.constant 0 : i32
      %dma_start3A_149 = arith.constant 0 : i32
      %dma_start3A_150 = tpu.memref_slice %arg12[%dma_start3A_148, %dma_start3A_149] : memref<16384x64xf32, #tpu.memory_space<vmem_shared>> -> memref<16384x64xf32, #tpu.memory_space<vmem_shared>>
      tpu.enqueue_indirect_dma source(%arg9 : memref<128x64xf32, #tpu.memory_space<vmem>>) target(%dma_start3A_150 : memref<16384x64xf32, #tpu.memory_space<vmem_shared>>) offsets(%dma_start3A_147 : memref<128xi32, #tpu.memory_space<vmem>>) semaphore(%arg18 : memref<!tpu.dma_semaphore, #tpu.memory_space<semaphore_mem>>) {add = true}
      %add3A_151 = arith.constant 4 : i32
      %add3A_152 = arith.addi %add3A_135, %add3A_151 : i32
      %sub3A_153 = arith.constant 1 : i32
      %sub3A_154 = arith.subi %add3A_152, %sub3A_153 : i32
      %lt3A_155 = arith.constant 128 : i32
      %lt3A_156 = arith.cmpi slt, %sub3A_154, %lt3A_155 : i32
      %convert_element_type3A_157 = arith.extui %lt3A_156 : i1 to i32
      %cond3A_158 = arith.constant 0 : i32
      %cond3A_159 = arith.cmpi ne, %convert_element_type3A_157, %cond3A_158 : i32
      scf.if %cond3A_159 {
        %ge3A = arith.constant 1 : i32
        %ge3A_216 = arith.cmpi sge, %add3A_135, %ge3A : i32
        %convert_element_type3A_217 = arith.extui %ge3A_216 : i1 to i32
        %cond3A_218 = arith.constant 0 : i32
        %cond3A_219 = arith.cmpi ne, %convert_element_type3A_217, %cond3A_218 : i32
        scf.if %cond3A_219 {
          %dma_wait3A_230 = arith.constant 0 : i32
          %dma_wait3A_231 = arith.constant 0 : i32
          %dma_wait3A_232 = tpu.memref_slice %arg7[%dma_wait3A_230, %dma_wait3A_231] : memref<128x128xi32, #tpu.memory_space<vmem>> -> memref<1x128xi32, #tpu.memory_space<vmem>>
          %dma_wait3A_233 = tpu.memref_squeeze %dma_wait3A_232 : memref<1x128xi32, #tpu.memory_space<vmem>> -> memref<128xi32, #tpu.memory_space<vmem>>
          %dma_wait3A_234 = arith.constant 0 : i32
          %dma_wait3A_235 = arith.constant 0 : i32
          %dma_wait3A_236 = tpu.memref_slice %arg12[%dma_wait3A_234, %dma_wait3A_235] : memref<16384x64xf32, #tpu.memory_space<vmem_shared>> -> memref<16384x64xf32, #tpu.memory_space<vmem_shared>>
          tpu.wait_indirect_dma semaphore(%arg17 : memref<!tpu.dma_semaphore, #tpu.memory_space<semaphore_mem>>) src(%arg8 : memref<128x64xf32, #tpu.memory_space<vmem>>) dst(%dma_wait3A_236 : memref<16384x64xf32, #tpu.memory_space<vmem_shared>>)
        } else {
        }
        %mul3A_220 = arith.constant 128 : i32
        %mul3A_221 = arith.muli %sub3A_154, %mul3A_220 : i32
        %dma_start3A_222 = tpu.memref_slice %arg6[%mul3A_221] : memref<16384xi32, #tpu.memory_space<vmem>> -> memref<128xi32, #tpu.memory_space<vmem>>
        %dma_start3A_223 = arith.constant 0 : i32
        %dma_start3A_224 = arith.constant 0 : i32
        %dma_start3A_225 = tpu.memref_slice %arg2[%arg0, %dma_start3A_223, %dma_start3A_224] : memref<2x16384x64xf32, #tpu.memory_space<hbm>> -> memref<1x16384x64xf32, #tpu.memory_space<hbm>>
        %dma_start3A_226 = tpu.memref_squeeze %dma_start3A_225 : memref<1x16384x64xf32, #tpu.memory_space<hbm>> -> memref<16384x64xf32, #tpu.memory_space<hbm>>
        %dma_start3A_227 = arith.constant 0 : i32
        %dma_start3A_228 = arith.constant 0 : i32
        %dma_start3A_229 = tpu.memref_slice %dma_start3A_226[%dma_start3A_227, %dma_start3A_228] : memref<16384x64xf32, #tpu.memory_space<hbm>> -> memref<16384x64xf32, #tpu.memory_space<hbm>>
        tpu.enqueue_indirect_dma source(%dma_start3A_229 : memref<16384x64xf32, #tpu.memory_space<hbm>>) target(%arg8 : memref<128x64xf32, #tpu.memory_space<vmem>>) offsets(%dma_start3A_222 : memref<128xi32, #tpu.memory_space<vmem>>) semaphore(%arg13 : memref<!tpu.dma_semaphore, #tpu.memory_space<semaphore_mem>>)
      } else {
      }
      %mul3A_160 = arith.constant 4 : i32
      %mul3A_161 = arith.muli %scan3A_107, %mul3A_160 : i32
      %add3A_162 = arith.constant 2 : i32
      %add3A_163 = arith.addi %mul3A_161, %add3A_162 : i32
      %dma_wait3A_164 = arith.constant 0 : i32
      %dma_wait3A_165 = tpu.memref_slice %arg6[%dma_wait3A_164] : memref<16384xi32, #tpu.memory_space<vmem>> -> memref<128xi32, #tpu.memory_space<vmem>>
      %dma_wait3A_166 = arith.constant 0 : i32
      %dma_wait3A_167 = arith.constant 0 : i32
      %dma_wait3A_168 = tpu.memref_slice %arg2[%arg0, %dma_wait3A_166, %dma_wait3A_167] : memref<2x16384x64xf32, #tpu.memory_space<hbm>> -> memref<1x16384x64xf32, #tpu.memory_space<hbm>>
      %dma_wait3A_169 = tpu.memref_squeeze %dma_wait3A_168 : memref<1x16384x64xf32, #tpu.memory_space<hbm>> -> memref<16384x64xf32, #tpu.memory_space<hbm>>
      %dma_wait3A_170 = arith.constant 0 : i32
      %dma_wait3A_171 = arith.constant 0 : i32
      %dma_wait3A_172 = tpu.memref_slice %dma_wait3A_169[%dma_wait3A_170, %dma_wait3A_171] : memref<16384x64xf32, #tpu.memory_space<hbm>> -> memref<16384x64xf32, #tpu.memory_space<hbm>>
      tpu.wait_indirect_dma semaphore(%arg15 : memref<!tpu.dma_semaphore, #tpu.memory_space<semaphore_mem>>) src(%dma_wait3A_172 : memref<16384x64xf32, #tpu.memory_space<hbm>>) dst(%arg10 : memref<128x64xf32, #tpu.memory_space<vmem>>)
      %dma_start3A_173 = arith.constant 0 : i32
      %dma_start3A_174 = tpu.memref_slice %arg7[%add3A_163, %dma_start3A_173] : memref<128x128xi32, #tpu.memory_space<vmem>> -> memref<1x128xi32, #tpu.memory_space<vmem>>
      %dma_start3A_175 = tpu.memref_squeeze %dma_start3A_174 : memref<1x128xi32, #tpu.memory_space<vmem>> -> memref<128xi32, #tpu.memory_space<vmem>>
      %dma_start3A_176 = arith.constant 0 : i32
      %dma_start3A_177 = arith.constant 0 : i32
      %dma_start3A_178 = tpu.memref_slice %arg12[%dma_start3A_176, %dma_start3A_177] : memref<16384x64xf32, #tpu.memory_space<vmem_shared>> -> memref<16384x64xf32, #tpu.memory_space<vmem_shared>>
      tpu.enqueue_indirect_dma source(%arg10 : memref<128x64xf32, #tpu.memory_space<vmem>>) target(%dma_start3A_178 : memref<16384x64xf32, #tpu.memory_space<vmem_shared>>) offsets(%dma_start3A_175 : memref<128xi32, #tpu.memory_space<vmem>>) semaphore(%arg19 : memref<!tpu.dma_semaphore, #tpu.memory_space<semaphore_mem>>) {add = true}
      %add3A_179 = arith.constant 4 : i32
      %add3A_180 = arith.addi %add3A_163, %add3A_179 : i32
      %sub3A_181 = arith.constant 1 : i32
      %sub3A_182 = arith.subi %add3A_180, %sub3A_181 : i32
      %lt3A_183 = arith.constant 128 : i32
      %lt3A_184 = arith.cmpi slt, %sub3A_182, %lt3A_183 : i32
      %convert_element_type3A_185 = arith.extui %lt3A_184 : i1 to i32
      %cond3A_186 = arith.constant 0 : i32
      %cond3A_187 = arith.cmpi ne, %convert_element_type3A_185, %cond3A_186 : i32
      scf.if %cond3A_187 {
        %ge3A = arith.constant 1 : i32
        %ge3A_216 = arith.cmpi sge, %add3A_163, %ge3A : i32
        %convert_element_type3A_217 = arith.extui %ge3A_216 : i1 to i32
        %cond3A_218 = arith.constant 0 : i32
        %cond3A_219 = arith.cmpi ne, %convert_element_type3A_217, %cond3A_218 : i32
        scf.if %cond3A_219 {
          %dma_wait3A_230 = arith.constant 0 : i32
          %dma_wait3A_231 = arith.constant 0 : i32
          %dma_wait3A_232 = tpu.memref_slice %arg7[%dma_wait3A_230, %dma_wait3A_231] : memref<128x128xi32, #tpu.memory_space<vmem>> -> memref<1x128xi32, #tpu.memory_space<vmem>>
          %dma_wait3A_233 = tpu.memref_squeeze %dma_wait3A_232 : memref<1x128xi32, #tpu.memory_space<vmem>> -> memref<128xi32, #tpu.memory_space<vmem>>
          %dma_wait3A_234 = arith.constant 0 : i32
          %dma_wait3A_235 = arith.constant 0 : i32
          %dma_wait3A_236 = tpu.memref_slice %arg12[%dma_wait3A_234, %dma_wait3A_235] : memref<16384x64xf32, #tpu.memory_space<vmem_shared>> -> memref<16384x64xf32, #tpu.memory_space<vmem_shared>>
          tpu.wait_indirect_dma semaphore(%arg18 : memref<!tpu.dma_semaphore, #tpu.memory_space<semaphore_mem>>) src(%arg9 : memref<128x64xf32, #tpu.memory_space<vmem>>) dst(%dma_wait3A_236 : memref<16384x64xf32, #tpu.memory_space<vmem_shared>>)
        } else {
        }
        %mul3A_220 = arith.constant 128 : i32
        %mul3A_221 = arith.muli %sub3A_182, %mul3A_220 : i32
        %dma_start3A_222 = tpu.memref_slice %arg6[%mul3A_221] : memref<16384xi32, #tpu.memory_space<vmem>> -> memref<128xi32, #tpu.memory_space<vmem>>
        %dma_start3A_223 = arith.constant 0 : i32
        %dma_start3A_224 = arith.constant 0 : i32
        %dma_start3A_225 = tpu.memref_slice %arg2[%arg0, %dma_start3A_223, %dma_start3A_224] : memref<2x16384x64xf32, #tpu.memory_space<hbm>> -> memref<1x16384x64xf32, #tpu.memory_space<hbm>>
        %dma_start3A_226 = tpu.memref_squeeze %dma_start3A_225 : memref<1x16384x64xf32, #tpu.memory_space<hbm>> -> memref<16384x64xf32, #tpu.memory_space<hbm>>
        %dma_start3A_227 = arith.constant 0 : i32
        %dma_start3A_228 = arith.constant 0 : i32
        %dma_start3A_229 = tpu.memref_slice %dma_start3A_226[%dma_start3A_227, %dma_start3A_228] : memref<16384x64xf32, #tpu.memory_space<hbm>> -> memref<16384x64xf32, #tpu.memory_space<hbm>>
        tpu.enqueue_indirect_dma source(%dma_start3A_229 : memref<16384x64xf32, #tpu.memory_space<hbm>>) target(%arg9 : memref<128x64xf32, #tpu.memory_space<vmem>>) offsets(%dma_start3A_222 : memref<128xi32, #tpu.memory_space<vmem>>) semaphore(%arg14 : memref<!tpu.dma_semaphore, #tpu.memory_space<semaphore_mem>>)
      } else {
      }
      %mul3A_188 = arith.constant 4 : i32
      %mul3A_189 = arith.muli %scan3A_107, %mul3A_188 : i32
      %add3A_190 = arith.constant 3 : i32
      %add3A_191 = arith.addi %mul3A_189, %add3A_190 : i32
      %dma_wait3A_192 = arith.constant 0 : i32
      %dma_wait3A_193 = tpu.memref_slice %arg6[%dma_wait3A_192] : memref<16384xi32, #tpu.memory_space<vmem>> -> memref<128xi32, #tpu.memory_space<vmem>>
      %dma_wait3A_194 = arith.constant 0 : i32
      %dma_wait3A_195 = arith.constant 0 : i32
      %dma_wait3A_196 = tpu.memref_slice %arg2[%arg0, %dma_wait3A_194, %dma_wait3A_195] : memref<2x16384x64xf32, #tpu.memory_space<hbm>> -> memref<1x16384x64xf32, #tpu.memory_space<hbm>>
      %dma_wait3A_197 = tpu.memref_squeeze %dma_wait3A_196 : memref<1x16384x64xf32, #tpu.memory_space<hbm>> -> memref<16384x64xf32, #tpu.memory_space<hbm>>
      %dma_wait3A_198 = arith.constant 0 : i32
      %dma_wait3A_199 = arith.constant 0 : i32
      %dma_wait3A_200 = tpu.memref_slice %dma_wait3A_197[%dma_wait3A_198, %dma_wait3A_199] : memref<16384x64xf32, #tpu.memory_space<hbm>> -> memref<16384x64xf32, #tpu.memory_space<hbm>>
      tpu.wait_indirect_dma semaphore(%arg16 : memref<!tpu.dma_semaphore, #tpu.memory_space<semaphore_mem>>) src(%dma_wait3A_200 : memref<16384x64xf32, #tpu.memory_space<hbm>>) dst(%arg11 : memref<128x64xf32, #tpu.memory_space<vmem>>)
      %dma_start3A_201 = arith.constant 0 : i32
      %dma_start3A_202 = tpu.memref_slice %arg7[%add3A_191, %dma_start3A_201] : memref<128x128xi32, #tpu.memory_space<vmem>> -> memref<1x128xi32, #tpu.memory_space<vmem>>
      %dma_start3A_203 = tpu.memref_squeeze %dma_start3A_202 : memref<1x128xi32, #tpu.memory_space<vmem>> -> memref<128xi32, #tpu.memory_space<vmem>>
      %dma_start3A_204 = arith.constant 0 : i32
      %dma_start3A_205 = arith.constant 0 : i32
      %dma_start3A_206 = tpu.memref_slice %arg12[%dma_start3A_204, %dma_start3A_205] : memref<16384x64xf32, #tpu.memory_space<vmem_shared>> -> memref<16384x64xf32, #tpu.memory_space<vmem_shared>>
      tpu.enqueue_indirect_dma source(%arg11 : memref<128x64xf32, #tpu.memory_space<vmem>>) target(%dma_start3A_206 : memref<16384x64xf32, #tpu.memory_space<vmem_shared>>) offsets(%dma_start3A_203 : memref<128xi32, #tpu.memory_space<vmem>>) semaphore(%arg20 : memref<!tpu.dma_semaphore, #tpu.memory_space<semaphore_mem>>) {add = true}
      %add3A_207 = arith.constant 4 : i32
      %add3A_208 = arith.addi %add3A_191, %add3A_207 : i32
      %sub3A_209 = arith.constant 1 : i32
      %sub3A_210 = arith.subi %add3A_208, %sub3A_209 : i32
      %lt3A_211 = arith.constant 128 : i32
      %lt3A_212 = arith.cmpi slt, %sub3A_210, %lt3A_211 : i32
      %convert_element_type3A_213 = arith.extui %lt3A_212 : i1 to i32
      %cond3A_214 = arith.constant 0 : i32
      %cond3A_215 = arith.cmpi ne, %convert_element_type3A_213, %cond3A_214 : i32
      scf.if %cond3A_215 {
        %ge3A = arith.constant 1 : i32
        %ge3A_216 = arith.cmpi sge, %add3A_191, %ge3A : i32
        %convert_element_type3A_217 = arith.extui %ge3A_216 : i1 to i32
        %cond3A_218 = arith.constant 0 : i32
        %cond3A_219 = arith.cmpi ne, %convert_element_type3A_217, %cond3A_218 : i32
        scf.if %cond3A_219 {
          %dma_wait3A_230 = arith.constant 0 : i32
          %dma_wait3A_231 = arith.constant 0 : i32
          %dma_wait3A_232 = tpu.memref_slice %arg7[%dma_wait3A_230, %dma_wait3A_231] : memref<128x128xi32, #tpu.memory_space<vmem>> -> memref<1x128xi32, #tpu.memory_space<vmem>>
          %dma_wait3A_233 = tpu.memref_squeeze %dma_wait3A_232 : memref<1x128xi32, #tpu.memory_space<vmem>> -> memref<128xi32, #tpu.memory_space<vmem>>
          %dma_wait3A_234 = arith.constant 0 : i32
          %dma_wait3A_235 = arith.constant 0 : i32
          %dma_wait3A_236 = tpu.memref_slice %arg12[%dma_wait3A_234, %dma_wait3A_235] : memref<16384x64xf32, #tpu.memory_space<vmem_shared>> -> memref<16384x64xf32, #tpu.memory_space<vmem_shared>>
          tpu.wait_indirect_dma semaphore(%arg19 : memref<!tpu.dma_semaphore, #tpu.memory_space<semaphore_mem>>) src(%arg10 : memref<128x64xf32, #tpu.memory_space<vmem>>) dst(%dma_wait3A_236 : memref<16384x64xf32, #tpu.memory_space<vmem_shared>>)
        } else {
        }
        %mul3A_220 = arith.constant 128 : i32
        %mul3A_221 = arith.muli %sub3A_210, %mul3A_220 : i32
        %dma_start3A_222 = tpu.memref_slice %arg6[%mul3A_221] : memref<16384xi32, #tpu.memory_space<vmem>> -> memref<128xi32, #tpu.memory_space<vmem>>
        %dma_start3A_223 = arith.constant 0 : i32
        %dma_start3A_224 = arith.constant 0 : i32
        %dma_start3A_225 = tpu.memref_slice %arg2[%arg0, %dma_start3A_223, %dma_start3A_224] : memref<2x16384x64xf32, #tpu.memory_space<hbm>> -> memref<1x16384x64xf32, #tpu.memory_space<hbm>>
        %dma_start3A_226 = tpu.memref_squeeze %dma_start3A_225 : memref<1x16384x64xf32, #tpu.memory_space<hbm>> -> memref<16384x64xf32, #tpu.memory_space<hbm>>
        %dma_start3A_227 = arith.constant 0 : i32
        %dma_start3A_228 = arith.constant 0 : i32
        %dma_start3A_229 = tpu.memref_slice %dma_start3A_226[%dma_start3A_227, %dma_start3A_228] : memref<16384x64xf32, #tpu.memory_space<hbm>> -> memref<16384x64xf32, #tpu.memory_space<hbm>>
        tpu.enqueue_indirect_dma source(%dma_start3A_229 : memref<16384x64xf32, #tpu.memory_space<hbm>>) target(%arg10 : memref<128x64xf32, #tpu.memory_space<vmem>>) offsets(%dma_start3A_222 : memref<128xi32, #tpu.memory_space<vmem>>) semaphore(%arg15 : memref<!tpu.dma_semaphore, #tpu.memory_space<semaphore_mem>>)
      } else {
      }
    }
    %scan3A_71 = arith.constant 32 : i32
    %dma_wait3A = arith.constant 0 : i32
    %dma_wait3A_72 = arith.constant 0 : i32
    %dma_wait3A_73 = tpu.memref_slice %arg7[%dma_wait3A, %dma_wait3A_72] : memref<128x128xi32, #tpu.memory_space<vmem>> -> memref<1x128xi32, #tpu.memory_space<vmem>>
    %dma_wait3A_74 = tpu.memref_squeeze %dma_wait3A_73 : memref<1x128xi32, #tpu.memory_space<vmem>> -> memref<128xi32, #tpu.memory_space<vmem>>
    %dma_wait3A_75 = arith.constant 0 : i32
    %dma_wait3A_76 = arith.constant 0 : i32
    %dma_wait3A_77 = tpu.memref_slice %arg12[%dma_wait3A_75, %dma_wait3A_76] : memref<16384x64xf32, #tpu.memory_space<vmem_shared>> -> memref<16384x64xf32, #tpu.memory_space<vmem_shared>>
    tpu.wait_indirect_dma semaphore(%arg17 : memref<!tpu.dma_semaphore, #tpu.memory_space<semaphore_mem>>) src(%arg8 : memref<128x64xf32, #tpu.memory_space<vmem>>) dst(%dma_wait3A_77 : memref<16384x64xf32, #tpu.memory_space<vmem_shared>>)
    %dma_wait3A_78 = arith.constant 0 : i32
    %dma_wait3A_79 = arith.constant 0 : i32
    %dma_wait3A_80 = tpu.memref_slice %arg7[%dma_wait3A_78, %dma_wait3A_79] : memref<128x128xi32, #tpu.memory_space<vmem>> -> memref<1x128xi32, #tpu.memory_space<vmem>>
    %dma_wait3A_81 = tpu.memref_squeeze %dma_wait3A_80 : memref<1x128xi32, #tpu.memory_space<vmem>> -> memref<128xi32, #tpu.memory_space<vmem>>
    %dma_wait3A_82 = arith.constant 0 : i32
    %dma_wait3A_83 = arith.constant 0 : i32
    %dma_wait3A_84 = tpu.memref_slice %arg12[%dma_wait3A_82, %dma_wait3A_83] : memref<16384x64xf32, #tpu.memory_space<vmem_shared>> -> memref<16384x64xf32, #tpu.memory_space<vmem_shared>>
    tpu.wait_indirect_dma semaphore(%arg18 : memref<!tpu.dma_semaphore, #tpu.memory_space<semaphore_mem>>) src(%arg9 : memref<128x64xf32, #tpu.memory_space<vmem>>) dst(%dma_wait3A_84 : memref<16384x64xf32, #tpu.memory_space<vmem_shared>>)
    %dma_wait3A_85 = arith.constant 0 : i32
    %dma_wait3A_86 = arith.constant 0 : i32
    %dma_wait3A_87 = tpu.memref_slice %arg7[%dma_wait3A_85, %dma_wait3A_86] : memref<128x128xi32, #tpu.memory_space<vmem>> -> memref<1x128xi32, #tpu.memory_space<vmem>>
    %dma_wait3A_88 = tpu.memref_squeeze %dma_wait3A_87 : memref<1x128xi32, #tpu.memory_space<vmem>> -> memref<128xi32, #tpu.memory_space<vmem>>
    %dma_wait3A_89 = arith.constant 0 : i32
    %dma_wait3A_90 = arith.constant 0 : i32
    %dma_wait3A_91 = tpu.memref_slice %arg12[%dma_wait3A_89, %dma_wait3A_90] : memref<16384x64xf32, #tpu.memory_space<vmem_shared>> -> memref<16384x64xf32, #tpu.memory_space<vmem_shared>>
    tpu.wait_indirect_dma semaphore(%arg19 : memref<!tpu.dma_semaphore, #tpu.memory_space<semaphore_mem>>) src(%arg10 : memref<128x64xf32, #tpu.memory_space<vmem>>) dst(%dma_wait3A_91 : memref<16384x64xf32, #tpu.memory_space<vmem_shared>>)
    %dma_wait3A_92 = arith.constant 0 : i32
    %dma_wait3A_93 = arith.constant 0 : i32
    %dma_wait3A_94 = tpu.memref_slice %arg7[%dma_wait3A_92, %dma_wait3A_93] : memref<128x128xi32, #tpu.memory_space<vmem>> -> memref<1x128xi32, #tpu.memory_space<vmem>>
    %dma_wait3A_95 = tpu.memref_squeeze %dma_wait3A_94 : memref<1x128xi32, #tpu.memory_space<vmem>> -> memref<128xi32, #tpu.memory_space<vmem>>
    %dma_wait3A_96 = arith.constant 0 : i32
    %dma_wait3A_97 = arith.constant 0 : i32
    %dma_wait3A_98 = tpu.memref_slice %arg12[%dma_wait3A_96, %dma_wait3A_97] : memref<16384x64xf32, #tpu.memory_space<vmem_shared>> -> memref<16384x64xf32, #tpu.memory_space<vmem_shared>>
    tpu.wait_indirect_dma semaphore(%arg20 : memref<!tpu.dma_semaphore, #tpu.memory_space<semaphore_mem>>) src(%arg11 : memref<128x64xf32, #tpu.memory_space<vmem>>) dst(%dma_wait3A_98 : memref<16384x64xf32, #tpu.memory_space<vmem_shared>>)
    %barrier3A_99 = arith.constant 0 : index
    tpu.barrier barrier_id(%barrier3A_99)
    %mul3A_100 = arith.constant 1024 : i32
    %mul3A_101 = arith.muli %arg1, %mul3A_100 : i32
    %mul3A_102 = arith.constant 16384 : i32
    %mul3A_103 = arith.muli %arg0, %mul3A_102 : i32
    %mul3A_104 = arith.constant 1024 : i32
    %mul3A_105 = arith.muli %arg1, %mul3A_104 : i32
    %add3A_106 = arith.addi %mul3A_103, %mul3A_105 : i32
    "tpu.region"() ({
      %run_scoped3A = tpu.sem_alloc : memref<!tpu.dma_semaphore, #tpu.memory_space<semaphore_mem>>
      %dma_start3A_107 = arith.constant 0 : i32
      %dma_start3A_108 = tpu.memref_slice %arg5[%add3A_106, %dma_start3A_107] : memref<32768x64xf32, #tpu.memory_space<hbm>> -> memref<1024x64xf32, #tpu.memory_space<hbm>>
      %dma_start3A_109 = arith.constant 0 : i32
      %dma_start3A_110 = tpu.memref_slice %arg12[%mul3A_101, %dma_start3A_109] : memref<16384x64xf32, #tpu.memory_space<vmem_shared>> -> memref<1024x64xf32, #tpu.memory_space<vmem_shared>>
      tpu.enqueue_dma source(%dma_start3A_110 : memref<1024x64xf32, #tpu.memory_space<vmem_shared>>) target(%dma_start3A_108 : memref<1024x64xf32, #tpu.memory_space<hbm>>) target_semaphore(%run_scoped3A : memref<!tpu.dma_semaphore, #tpu.memory_space<semaphore_mem>>)
      %dma_wait3A_111 = arith.constant 0 : i32
      %dma_wait3A_112 = tpu.memref_slice %arg5[%add3A_106, %dma_wait3A_111] : memref<32768x64xf32, #tpu.memory_space<hbm>> -> memref<1024x64xf32, #tpu.memory_space<hbm>>
      %dma_wait3A_113 = arith.constant 0 : i32
      %dma_wait3A_114 = tpu.memref_slice %arg12[%mul3A_101, %dma_wait3A_113] : memref<16384x64xf32, #tpu.memory_space<vmem_shared>> -> memref<1024x64xf32, #tpu.memory_space<vmem_shared>>
      tpu.wait_dma2 semaphore(%run_scoped3A : memref<!tpu.dma_semaphore, #tpu.memory_space<semaphore_mem>>) src(%dma_wait3A_114 : memref<1024x64xf32, #tpu.memory_space<vmem_shared>>) dst(%dma_wait3A_112 : memref<1024x64xf32, #tpu.memory_space<hbm>>)
      tpu.yield
    }) : () -> ()
    return
  }
}

#map = affine_map<(d0, d1) -> (0, 0, 0)>
#map1 = affine_map<(d0, d1) -> (0)>
#map2 = affine_map<(d0, d1) -> (0, 0)>
module attributes {stable_mosaic.version = 14 : i64} {
  func.func @_sc_segsum_body(%arg0: i32, %arg1: i32, %arg2: memref<2x16384x64xf32, #tpu.memory_space<hbm>>, %arg3: memref<262144xi32, #tpu.memory_space<hbm>>, %arg4: memref<2048x128xi32, #tpu.memory_space<hbm>>, %arg5: memref<32768x64xf32, #tpu.memory_space<hbm>>, %arg6: memref<16384xi32, #tpu.memory_space<vmem>>, %arg7: memref<128x128xi32, #tpu.memory_space<vmem>>, %arg8: memref<128x64xf32, #tpu.memory_space<vmem>>, %arg9: memref<128x64xf32, #tpu.memory_space<vmem>>, %arg10: memref<128x64xf32, #tpu.memory_space<vmem>>, %arg11: memref<128x64xf32, #tpu.memory_space<vmem>>, %arg12: memref<16384x64xf32, #tpu.memory_space<vmem_shared>>, %arg13: memref<!tpu.dma_semaphore, #tpu.memory_space<semaphore_mem>>, %arg14: memref<!tpu.dma_semaphore, #tpu.memory_space<semaphore_mem>>, %arg15: memref<!tpu.dma_semaphore, #tpu.memory_space<semaphore_mem>>, %arg16: memref<!tpu.dma_semaphore, #tpu.memory_space<semaphore_mem>>, %arg17: memref<!tpu.dma_semaphore, #tpu.memory_space<semaphore_mem>>, %arg18: memref<!tpu.dma_semaphore, #tpu.memory_space<semaphore_mem>>, %arg19: memref<!tpu.dma_semaphore, #tpu.memory_space<semaphore_mem>>, %arg20: memref<!tpu.dma_semaphore, #tpu.memory_space<semaphore_mem>>) attributes {dimension_semantics = [#tpu.dimension_semantics<core_parallel>, #tpu.dimension_semantics<subcore_parallel>], iteration_bounds = array<i64: 2, 16>, scalar_prefetch = 0 : i64, scratch_operands = 15 : i64, tpu.core_type = #tpu.core_type<sc_vector_subcore>, window_params = [{transform_indices = #map}, {transform_indices = #map1}, {transform_indices = #map2}, {transform_indices = #map2}]} {
    %mul3A = arith.constant 16384 : i32
    %mul3A_0 = arith.muli %arg1, %mul3A : i32
    "tpu.region"() ({
      %run_scoped3A = tpu.sem_alloc : memref<!tpu.dma_semaphore, #tpu.memory_space<semaphore_mem>>
      %dma_start3A_107 = tpu.memref_slice %arg3[%mul3A_0] : memref<262144xi32, #tpu.memory_space<hbm>> -> memref<16384xi32, #tpu.memory_space<hbm>>
      %dma_start3A_108 = tpu.memref_slice %arg3[%mul3A_0] : memref<262144xi32, #tpu.memory_space<hbm>> -> memref<16384xi32, #tpu.memory_space<hbm>>
      tpu.enqueue_dma source(%dma_start3A_108 : memref<16384xi32, #tpu.memory_space<hbm>>) target(%arg6 : memref<16384xi32, #tpu.memory_space<vmem>>) target_semaphore(%run_scoped3A : memref<!tpu.dma_semaphore, #tpu.memory_space<semaphore_mem>>)
      %dma_wait3A_109 = tpu.memref_slice %arg3[%mul3A_0] : memref<262144xi32, #tpu.memory_space<hbm>> -> memref<16384xi32, #tpu.memory_space<hbm>>
      %dma_wait3A_110 = tpu.memref_slice %arg3[%mul3A_0] : memref<262144xi32, #tpu.memory_space<hbm>> -> memref<16384xi32, #tpu.memory_space<hbm>>
      tpu.wait_dma2 semaphore(%run_scoped3A : memref<!tpu.dma_semaphore, #tpu.memory_space<semaphore_mem>>) src(%dma_wait3A_110 : memref<16384xi32, #tpu.memory_space<hbm>>) dst(%arg6 : memref<16384xi32, #tpu.memory_space<vmem>>)
      tpu.yield
    }) : () -> ()
    %mul3A_1 = arith.constant 128 : i32
    %mul3A_2 = arith.muli %arg1, %mul3A_1 : i32
    "tpu.region"() ({
      %run_scoped3A = tpu.sem_alloc : memref<!tpu.dma_semaphore, #tpu.memory_space<semaphore_mem>>
      %dma_start3A_107 = arith.constant 0 : i32
      %dma_start3A_108 = tpu.memref_slice %arg4[%mul3A_2, %dma_start3A_107] : memref<2048x128xi32, #tpu.memory_space<hbm>> -> memref<128x128xi32, #tpu.memory_space<hbm>>
      %dma_start3A_109 = arith.constant 0 : i32
      %dma_start3A_110 = tpu.memref_slice %arg4[%mul3A_2, %dma_start3A_109] : memref<2048x128xi32, #tpu.memory_space<hbm>> -> memref<128x128xi32, #tpu.memory_space<hbm>>
      tpu.enqueue_dma source(%dma_start3A_110 : memref<128x128xi32, #tpu.memory_space<hbm>>) target(%arg7 : memref<128x128xi32, #tpu.memory_space<vmem>>) target_semaphore(%run_scoped3A : memref<!tpu.dma_semaphore, #tpu.memory_space<semaphore_mem>>)
      %dma_wait3A_111 = arith.constant 0 : i32
      %dma_wait3A_112 = tpu.memref_slice %arg4[%mul3A_2, %dma_wait3A_111] : memref<2048x128xi32, #tpu.memory_space<hbm>> -> memref<128x128xi32, #tpu.memory_space<hbm>>
      %dma_wait3A_113 = arith.constant 0 : i32
      %dma_wait3A_114 = tpu.memref_slice %arg4[%mul3A_2, %dma_wait3A_113] : memref<2048x128xi32, #tpu.memory_space<hbm>> -> memref<128x128xi32, #tpu.memory_space<hbm>>
      tpu.wait_dma2 semaphore(%run_scoped3A : memref<!tpu.dma_semaphore, #tpu.memory_space<semaphore_mem>>) src(%dma_wait3A_114 : memref<128x128xi32, #tpu.memory_space<hbm>>) dst(%arg7 : memref<128x128xi32, #tpu.memory_space<vmem>>)
      tpu.yield
    }) : () -> ()
    %dma_start3A = arith.constant 0 : i32
    %dma_start3A_3 = tpu.memref_slice %arg6[%dma_start3A] : memref<16384xi32, #tpu.memory_space<vmem>> -> memref<128xi32, #tpu.memory_space<vmem>>
    %dma_start3A_4 = arith.constant 0 : i32
    %dma_start3A_5 = arith.constant 0 : i32
    %dma_start3A_6 = tpu.memref_slice %arg2[%arg0, %dma_start3A_4, %dma_start3A_5] : memref<2x16384x64xf32, #tpu.memory_space<hbm>> -> memref<1x16384x64xf32, #tpu.memory_space<hbm>>
    %dma_start3A_7 = tpu.memref_squeeze %dma_start3A_6 : memref<1x16384x64xf32, #tpu.memory_space<hbm>> -> memref<16384x64xf32, #tpu.memory_space<hbm>>
    %dma_start3A_8 = arith.constant 0 : i32
    %dma_start3A_9 = arith.constant 0 : i32
    %dma_start3A_10 = tpu.memref_slice %dma_start3A_7[%dma_start3A_8, %dma_start3A_9] : memref<16384x64xf32, #tpu.memory_space<hbm>> -> memref<16384x64xf32, #tpu.memory_space<hbm>>
    tpu.enqueue_indirect_dma source(%dma_start3A_10 : memref<16384x64xf32, #tpu.memory_space<hbm>>) target(%arg8 : memref<128x64xf32, #tpu.memory_space<vmem>>) offsets(%dma_start3A_3 : memref<128xi32, #tpu.memory_space<vmem>>) semaphore(%arg13 : memref<!tpu.dma_semaphore, #tpu.memory_space<semaphore_mem>>)
    %dma_start3A_11 = arith.constant 128 : i32
    %dma_start3A_12 = tpu.memref_slice %arg6[%dma_start3A_11] : memref<16384xi32, #tpu.memory_space<vmem>> -> memref<128xi32, #tpu.memory_space<vmem>>
    %dma_start3A_13 = arith.constant 0 : i32
    %dma_start3A_14 = arith.constant 0 : i32
    %dma_start3A_15 = tpu.memref_slice %arg2[%arg0, %dma_start3A_13, %dma_start3A_14] : memref<2x16384x64xf32, #tpu.memory_space<hbm>> -> memref<1x16384x64xf32, #tpu.memory_space<hbm>>
    %dma_start3A_16 = tpu.memref_squeeze %dma_start3A_15 : memref<1x16384x64xf32, #tpu.memory_space<hbm>> -> memref<16384x64xf32, #tpu.memory_space<hbm>>
    %dma_start3A_17 = arith.constant 0 : i32
    %dma_start3A_18 = arith.constant 0 : i32
    %dma_start3A_19 = tpu.memref_slice %dma_start3A_16[%dma_start3A_17, %dma_start3A_18] : memref<16384x64xf32, #tpu.memory_space<hbm>> -> memref<16384x64xf32, #tpu.memory_space<hbm>>
    tpu.enqueue_indirect_dma source(%dma_start3A_19 : memref<16384x64xf32, #tpu.memory_space<hbm>>) target(%arg9 : memref<128x64xf32, #tpu.memory_space<vmem>>) offsets(%dma_start3A_12 : memref<128xi32, #tpu.memory_space<vmem>>) semaphore(%arg14 : memref<!tpu.dma_semaphore, #tpu.memory_space<semaphore_mem>>)
    %dma_start3A_20 = arith.constant 256 : i32
    %dma_start3A_21 = tpu.memref_slice %arg6[%dma_start3A_20] : memref<16384xi32, #tpu.memory_space<vmem>> -> memref<128xi32, #tpu.memory_space<vmem>>
    %dma_start3A_22 = arith.constant 0 : i32
    %dma_start3A_23 = arith.constant 0 : i32
    %dma_start3A_24 = tpu.memref_slice %arg2[%arg0, %dma_start3A_22, %dma_start3A_23] : memref<2x16384x64xf32, #tpu.memory_space<hbm>> -> memref<1x16384x64xf32, #tpu.memory_space<hbm>>
    %dma_start3A_25 = tpu.memref_squeeze %dma_start3A_24 : memref<1x16384x64xf32, #tpu.memory_space<hbm>> -> memref<16384x64xf32, #tpu.memory_space<hbm>>
    %dma_start3A_26 = arith.constant 0 : i32
    %dma_start3A_27 = arith.constant 0 : i32
    %dma_start3A_28 = tpu.memref_slice %dma_start3A_25[%dma_start3A_26, %dma_start3A_27] : memref<16384x64xf32, #tpu.memory_space<hbm>> -> memref<16384x64xf32, #tpu.memory_space<hbm>>
    tpu.enqueue_indirect_dma source(%dma_start3A_28 : memref<16384x64xf32, #tpu.memory_space<hbm>>) target(%arg10 : memref<128x64xf32, #tpu.memory_space<vmem>>) offsets(%dma_start3A_21 : memref<128xi32, #tpu.memory_space<vmem>>) semaphore(%arg15 : memref<!tpu.dma_semaphore, #tpu.memory_space<semaphore_mem>>)
    %broadcast_in_dim3A = arith.constant 0.000000e+00 : f32
    %broadcast_in_dim3A_29 = vector.broadcast %broadcast_in_dim3A : f32 to vector<16xf32>
    %scan3A = arith.constant 0 : i32
    %scan3A_30 = arith.constant 0 : i32
    %scan3A_31 = arith.constant 128 : i32
    %scan3A_32 = arith.addi %scan3A_30, %scan3A_31 : i32
    %scan3A_33 = arith.constant 1 : i32
    scf.for %scan3A_107 = %scan3A_30 to %scan3A_32 step %scan3A_33  : i32 {
      %swap3A = arith.index_cast %scan3A_107 : i32 to index
      %swap3A_108 = arith.constant 0 : index
      %swap3A_109 = tpu.vector_load %arg11[%swap3A, %swap3A_108] {strides = array<i32>} : memref<128x64xf32, #tpu.memory_space<vmem>>, vector<1x16xf32>,
      %swap3A_110 = vector.shape_cast %swap3A_109 : vector<1x16xf32> to vector<16xf32>
      %swap3A_111 = vector.shape_cast %broadcast_in_dim3A_29 : vector<16xf32> to vector<1x16xf32>
      tpu.vector_store %arg11[%swap3A, %swap3A_108], %swap3A_111 {strides = array<i32>} : memref<128x64xf32, #tpu.memory_space<vmem>>, vector<1x16xf32>,
      %swap3A_112 = arith.index_cast %scan3A_107 : i32 to index
      %swap3A_113 = arith.constant 16 : index
      %swap3A_114 = tpu.vector_load %arg11[%swap3A_112, %swap3A_113] {strides = array<i32>} : memref<128x64xf32, #tpu.memory_space<vmem>>, vector<1x16xf32>,
      %swap3A_115 = vector.shape_cast %swap3A_114 : vector<1x16xf32> to vector<16xf32>
      %swap3A_116 = vector.shape_cast %broadcast_in_dim3A_29 : vector<16xf32> to vector<1x16xf32>
      tpu.vector_store %arg11[%swap3A_112, %swap3A_113], %swap3A_116 {strides = array<i32>} : memref<128x64xf32, #tpu.memory_space<vmem>>, vector<1x16xf32>,
      %swap3A_117 = arith.index_cast %scan3A_107 : i32 to index
      %swap3A_118 = arith.constant 32 : index
      %swap3A_119 = tpu.vector_load %arg11[%swap3A_117, %swap3A_118] {strides = array<i32>} : memref<128x64xf32, #tpu.memory_space<vmem>>, vector<1x16xf32>,
      %swap3A_120 = vector.shape_cast %swap3A_119 : vector<1x16xf32> to vector<16xf32>
      %swap3A_121 = vector.shape_cast %broadcast_in_dim3A_29 : vector<16xf32> to vector<1x16xf32>
      tpu.vector_store %arg11[%swap3A_117, %swap3A_118], %swap3A_121 {strides = array<i32>} : memref<128x64xf32, #tpu.memory_space<vmem>>, vector<1x16xf32>,
      %swap3A_122 = arith.index_cast %scan3A_107 : i32 to index
      %swap3A_123 = arith.constant 48 : index
      %swap3A_124 = tpu.vector_load %arg11[%swap3A_122, %swap3A_123] {strides = array<i32>} : memref<128x64xf32, #tpu.memory_space<vmem>>, vector<1x16xf32>,
      %swap3A_125 = vector.shape_cast %swap3A_124 : vector<1x16xf32> to vector<16xf32>
      %swap3A_126 = vector.shape_cast %broadcast_in_dim3A_29 : vector<16xf32> to vector<1x16xf32>
      tpu.vector_store %arg11[%swap3A_122, %swap3A_123], %swap3A_126 {strides = array<i32>} : memref<128x64xf32, #tpu.memory_space<vmem>>, vector<1x16xf32>,
    }
    %scan3A_34 = arith.constant 128 : i32
    %mul3A_35 = arith.constant 1024 : i32
    %mul3A_36 = arith.muli %arg1, %mul3A_35 : i32
    %add3A = arith.constant 0 : i32
    %add3A_37 = arith.addi %mul3A_36, %add3A : i32
    "tpu.region"() ({
      %run_scoped3A = tpu.sem_alloc : memref<!tpu.dma_semaphore, #tpu.memory_space<semaphore_mem>>
      %dma_start3A_107 = arith.constant 0 : i32
      %dma_start3A_108 = tpu.memref_slice %arg12[%add3A_37, %dma_start3A_107] : memref<16384x64xf32, #tpu.memory_space<vmem_shared>> -> memref<128x64xf32, #tpu.memory_space<vmem_shared>>
      %dma_start3A_109 = arith.constant 0 : i32
      %dma_start3A_110 = tpu.memref_slice %arg12[%add3A_37, %dma_start3A_109] : memref<16384x64xf32, #tpu.memory_space<vmem_shared>> -> memref<128x64xf32, #tpu.memory_space<vmem_shared>>
      tpu.enqueue_dma source(%arg11 : memref<128x64xf32, #tpu.memory_space<vmem>>) target(%dma_start3A_110 : memref<128x64xf32, #tpu.memory_space<vmem_shared>>) target_semaphore(%run_scoped3A : memref<!tpu.dma_semaphore, #tpu.memory_space<semaphore_mem>>)
      %dma_wait3A_111 = arith.constant 0 : i32
      %dma_wait3A_112 = tpu.memref_slice %arg12[%add3A_37, %dma_wait3A_111] : memref<16384x64xf32, #tpu.memory_space<vmem_shared>> -> memref<128x64xf32, #tpu.memory_space<vmem_shared>>
      %dma_wait3A_113 = arith.constant 0 : i32
      %dma_wait3A_114 = tpu.memref_slice %arg12[%add3A_37, %dma_wait3A_113] : memref<16384x64xf32, #tpu.memory_space<vmem_shared>> -> memref<128x64xf32, #tpu.memory_space<vmem_shared>>
      tpu.wait_dma2 semaphore(%run_scoped3A : memref<!tpu.dma_semaphore, #tpu.memory_space<semaphore_mem>>) src(%arg11 : memref<128x64xf32, #tpu.memory_space<vmem>>) dst(%dma_wait3A_114 : memref<128x64xf32, #tpu.memory_space<vmem_shared>>)
      tpu.yield
    }) : () -> ()
    %mul3A_38 = arith.constant 1024 : i32
    %mul3A_39 = arith.muli %arg1, %mul3A_38 : i32
    %add3A_40 = arith.constant 128 : i32
    %add3A_41 = arith.addi %mul3A_39, %add3A_40 : i32
    "tpu.region"() ({
      %run_scoped3A = tpu.sem_alloc : memref<!tpu.dma_semaphore, #tpu.memory_space<semaphore_mem>>
      %dma_start3A_107 = arith.constant 0 : i32
      %dma_start3A_108 = tpu.memref_slice %arg12[%add3A_41, %dma_start3A_107] : memref<16384x64xf32, #tpu.memory_space<vmem_shared>> -> memref<128x64xf32, #tpu.memory_space<vmem_shared>>
      %dma_start3A_109 = arith.constant 0 : i32
      %dma_start3A_110 = tpu.memref_slice %arg12[%add3A_41, %dma_start3A_109] : memref<16384x64xf32, #tpu.memory_space<vmem_shared>> -> memref<128x64xf32, #tpu.memory_space<vmem_shared>>
      tpu.enqueue_dma source(%arg11 : memref<128x64xf32, #tpu.memory_space<vmem>>) target(%dma_start3A_110 : memref<128x64xf32, #tpu.memory_space<vmem_shared>>) target_semaphore(%run_scoped3A : memref<!tpu.dma_semaphore, #tpu.memory_space<semaphore_mem>>)
      %dma_wait3A_111 = arith.constant 0 : i32
      %dma_wait3A_112 = tpu.memref_slice %arg12[%add3A_41, %dma_wait3A_111] : memref<16384x64xf32, #tpu.memory_space<vmem_shared>> -> memref<128x64xf32, #tpu.memory_space<vmem_shared>>
      %dma_wait3A_113 = arith.constant 0 : i32
      %dma_wait3A_114 = tpu.memref_slice %arg12[%add3A_41, %dma_wait3A_113] : memref<16384x64xf32, #tpu.memory_space<vmem_shared>> -> memref<128x64xf32, #tpu.memory_space<vmem_shared>>
      tpu.wait_dma2 semaphore(%run_scoped3A : memref<!tpu.dma_semaphore, #tpu.memory_space<semaphore_mem>>) src(%arg11 : memref<128x64xf32, #tpu.memory_space<vmem>>) dst(%dma_wait3A_114 : memref<128x64xf32, #tpu.memory_space<vmem_shared>>)
      tpu.yield
    }) : () -> ()
    %mul3A_42 = arith.constant 1024 : i32
    %mul3A_43 = arith.muli %arg1, %mul3A_42 : i32
    %add3A_44 = arith.constant 256 : i32
    %add3A_45 = arith.addi %mul3A_43, %add3A_44 : i32
    "tpu.region"() ({
      %run_scoped3A = tpu.sem_alloc : memref<!tpu.dma_semaphore, #tpu.memory_space<semaphore_mem>>
      %dma_start3A_107 = arith.constant 0 : i32
      %dma_start3A_108 = tpu.memref_slice %arg12[%add3A_45, %dma_start3A_107] : memref<16384x64xf32, #tpu.memory_space<vmem_shared>> -> memref<128x64xf32, #tpu.memory_space<vmem_shared>>
      %dma_start3A_109 = arith.constant 0 : i32
      %dma_start3A_110 = tpu.memref_slice %arg12[%add3A_45, %dma_start3A_109] : memref<16384x64xf32, #tpu.memory_space<vmem_shared>> -> memref<128x64xf32, #tpu.memory_space<vmem_shared>>
      tpu.enqueue_dma source(%arg11 : memref<128x64xf32, #tpu.memory_space<vmem>>) target(%dma_start3A_110 : memref<128x64xf32, #tpu.memory_space<vmem_shared>>) target_semaphore(%run_scoped3A : memref<!tpu.dma_semaphore, #tpu.memory_space<semaphore_mem>>)
      %dma_wait3A_111 = arith.constant 0 : i32
      %dma_wait3A_112 = tpu.memref_slice %arg12[%add3A_45, %dma_wait3A_111] : memref<16384x64xf32, #tpu.memory_space<vmem_shared>> -> memref<128x64xf32, #tpu.memory_space<vmem_shared>>
      %dma_wait3A_113 = arith.constant 0 : i32
      %dma_wait3A_114 = tpu.memref_slice %arg12[%add3A_45, %dma_wait3A_113] : memref<16384x64xf32, #tpu.memory_space<vmem_shared>> -> memref<128x64xf32, #tpu.memory_space<vmem_shared>>
      tpu.wait_dma2 semaphore(%run_scoped3A : memref<!tpu.dma_semaphore, #tpu.memory_space<semaphore_mem>>) src(%arg11 : memref<128x64xf32, #tpu.memory_space<vmem>>) dst(%dma_wait3A_114 : memref<128x64xf32, #tpu.memory_space<vmem_shared>>)
      tpu.yield
    }) : () -> ()
    %mul3A_46 = arith.constant 1024 : i32
    %mul3A_47 = arith.muli %arg1, %mul3A_46 : i32
    %add3A_48 = arith.constant 384 : i32
    %add3A_49 = arith.addi %mul3A_47, %add3A_48 : i32
    "tpu.region"() ({
      %run_scoped3A = tpu.sem_alloc : memref<!tpu.dma_semaphore, #tpu.memory_space<semaphore_mem>>
      %dma_start3A_107 = arith.constant 0 : i32
      %dma_start3A_108 = tpu.memref_slice %arg12[%add3A_49, %dma_start3A_107] : memref<16384x64xf32, #tpu.memory_space<vmem_shared>> -> memref<128x64xf32, #tpu.memory_space<vmem_shared>>
      %dma_start3A_109 = arith.constant 0 : i32
      %dma_start3A_110 = tpu.memref_slice %arg12[%add3A_49, %dma_start3A_109] : memref<16384x64xf32, #tpu.memory_space<vmem_shared>> -> memref<128x64xf32, #tpu.memory_space<vmem_shared>>
      tpu.enqueue_dma source(%arg11 : memref<128x64xf32, #tpu.memory_space<vmem>>) target(%dma_start3A_110 : memref<128x64xf32, #tpu.memory_space<vmem_shared>>) target_semaphore(%run_scoped3A : memref<!tpu.dma_semaphore, #tpu.memory_space<semaphore_mem>>)
      %dma_wait3A_111 = arith.constant 0 : i32
      %dma_wait3A_112 = tpu.memref_slice %arg12[%add3A_49, %dma_wait3A_111] : memref<16384x64xf32, #tpu.memory_space<vmem_shared>> -> memref<128x64xf32, #tpu.memory_space<vmem_shared>>
      %dma_wait3A_113 = arith.constant 0 : i32
      %dma_wait3A_114 = tpu.memref_slice %arg12[%add3A_49, %dma_wait3A_113] : memref<16384x64xf32, #tpu.memory_space<vmem_shared>> -> memref<128x64xf32, #tpu.memory_space<vmem_shared>>
      tpu.wait_dma2 semaphore(%run_scoped3A : memref<!tpu.dma_semaphore, #tpu.memory_space<semaphore_mem>>) src(%arg11 : memref<128x64xf32, #tpu.memory_space<vmem>>) dst(%dma_wait3A_114 : memref<128x64xf32, #tpu.memory_space<vmem_shared>>)
      tpu.yield
    }) : () -> ()
    %mul3A_50 = arith.constant 1024 : i32
    %mul3A_51 = arith.muli %arg1, %mul3A_50 : i32
    %add3A_52 = arith.constant 512 : i32
    %add3A_53 = arith.addi %mul3A_51, %add3A_52 : i32
    "tpu.region"() ({
      %run_scoped3A = tpu.sem_alloc : memref<!tpu.dma_semaphore, #tpu.memory_space<semaphore_mem>>
      %dma_start3A_107 = arith.constant 0 : i32
      %dma_start3A_108 = tpu.memref_slice %arg12[%add3A_53, %dma_start3A_107] : memref<16384x64xf32, #tpu.memory_space<vmem_shared>> -> memref<128x64xf32, #tpu.memory_space<vmem_shared>>
      %dma_start3A_109 = arith.constant 0 : i32
      %dma_start3A_110 = tpu.memref_slice %arg12[%add3A_53, %dma_start3A_109] : memref<16384x64xf32, #tpu.memory_space<vmem_shared>> -> memref<128x64xf32, #tpu.memory_space<vmem_shared>>
      tpu.enqueue_dma source(%arg11 : memref<128x64xf32, #tpu.memory_space<vmem>>) target(%dma_start3A_110 : memref<128x64xf32, #tpu.memory_space<vmem_shared>>) target_semaphore(%run_scoped3A : memref<!tpu.dma_semaphore, #tpu.memory_space<semaphore_mem>>)
      %dma_wait3A_111 = arith.constant 0 : i32
      %dma_wait3A_112 = tpu.memref_slice %arg12[%add3A_53, %dma_wait3A_111] : memref<16384x64xf32, #tpu.memory_space<vmem_shared>> -> memref<128x64xf32, #tpu.memory_space<vmem_shared>>
      %dma_wait3A_113 = arith.constant 0 : i32
      %dma_wait3A_114 = tpu.memref_slice %arg12[%add3A_53, %dma_wait3A_113] : memref<16384x64xf32, #tpu.memory_space<vmem_shared>> -> memref<128x64xf32, #tpu.memory_space<vmem_shared>>
      tpu.wait_dma2 semaphore(%run_scoped3A : memref<!tpu.dma_semaphore, #tpu.memory_space<semaphore_mem>>) src(%arg11 : memref<128x64xf32, #tpu.memory_space<vmem>>) dst(%dma_wait3A_114 : memref<128x64xf32, #tpu.memory_space<vmem_shared>>)
      tpu.yield
    }) : () -> ()
    %mul3A_54 = arith.constant 1024 : i32
    %mul3A_55 = arith.muli %arg1, %mul3A_54 : i32
    %add3A_56 = arith.constant 640 : i32
    %add3A_57 = arith.addi %mul3A_55, %add3A_56 : i32
    "tpu.region"() ({
      %run_scoped3A = tpu.sem_alloc : memref<!tpu.dma_semaphore, #tpu.memory_space<semaphore_mem>>
      %dma_start3A_107 = arith.constant 0 : i32
      %dma_start3A_108 = tpu.memref_slice %arg12[%add3A_57, %dma_start3A_107] : memref<16384x64xf32, #tpu.memory_space<vmem_shared>> -> memref<128x64xf32, #tpu.memory_space<vmem_shared>>
      %dma_start3A_109 = arith.constant 0 : i32
      %dma_start3A_110 = tpu.memref_slice %arg12[%add3A_57, %dma_start3A_109] : memref<16384x64xf32, #tpu.memory_space<vmem_shared>> -> memref<128x64xf32, #tpu.memory_space<vmem_shared>>
      tpu.enqueue_dma source(%arg11 : memref<128x64xf32, #tpu.memory_space<vmem>>) target(%dma_start3A_110 : memref<128x64xf32, #tpu.memory_space<vmem_shared>>) target_semaphore(%run_scoped3A : memref<!tpu.dma_semaphore, #tpu.memory_space<semaphore_mem>>)
      %dma_wait3A_111 = arith.constant 0 : i32
      %dma_wait3A_112 = tpu.memref_slice %arg12[%add3A_57, %dma_wait3A_111] : memref<16384x64xf32, #tpu.memory_space<vmem_shared>> -> memref<128x64xf32, #tpu.memory_space<vmem_shared>>
      %dma_wait3A_113 = arith.constant 0 : i32
      %dma_wait3A_114 = tpu.memref_slice %arg12[%add3A_57, %dma_wait3A_113] : memref<16384x64xf32, #tpu.memory_space<vmem_shared>> -> memref<128x64xf32, #tpu.memory_space<vmem_shared>>
      tpu.wait_dma2 semaphore(%run_scoped3A : memref<!tpu.dma_semaphore, #tpu.memory_space<semaphore_mem>>) src(%arg11 : memref<128x64xf32, #tpu.memory_space<vmem>>) dst(%dma_wait3A_114 : memref<128x64xf32, #tpu.memory_space<vmem_shared>>)
      tpu.yield
    }) : () -> ()
    %mul3A_58 = arith.constant 1024 : i32
    %mul3A_59 = arith.muli %arg1, %mul3A_58 : i32
    %add3A_60 = arith.constant 768 : i32
    %add3A_61 = arith.addi %mul3A_59, %add3A_60 : i32
    "tpu.region"() ({
      %run_scoped3A = tpu.sem_alloc : memref<!tpu.dma_semaphore, #tpu.memory_space<semaphore_mem>>
      %dma_start3A_107 = arith.constant 0 : i32
      %dma_start3A_108 = tpu.memref_slice %arg12[%add3A_61, %dma_start3A_107] : memref<16384x64xf32, #tpu.memory_space<vmem_shared>> -> memref<128x64xf32, #tpu.memory_space<vmem_shared>>
      %dma_start3A_109 = arith.constant 0 : i32
      %dma_start3A_110 = tpu.memref_slice %arg12[%add3A_61, %dma_start3A_109] : memref<16384x64xf32, #tpu.memory_space<vmem_shared>> -> memref<128x64xf32, #tpu.memory_space<vmem_shared>>
      tpu.enqueue_dma source(%arg11 : memref<128x64xf32, #tpu.memory_space<vmem>>) target(%dma_start3A_110 : memref<128x64xf32, #tpu.memory_space<vmem_shared>>) target_semaphore(%run_scoped3A : memref<!tpu.dma_semaphore, #tpu.memory_space<semaphore_mem>>)
      %dma_wait3A_111 = arith.constant 0 : i32
      %dma_wait3A_112 = tpu.memref_slice %arg12[%add3A_61, %dma_wait3A_111] : memref<16384x64xf32, #tpu.memory_space<vmem_shared>> -> memref<128x64xf32, #tpu.memory_space<vmem_shared>>
      %dma_wait3A_113 = arith.constant 0 : i32
      %dma_wait3A_114 = tpu.memref_slice %arg12[%add3A_61, %dma_wait3A_113] : memref<16384x64xf32, #tpu.memory_space<vmem_shared>> -> memref<128x64xf32, #tpu.memory_space<vmem_shared>>
      tpu.wait_dma2 semaphore(%run_scoped3A : memref<!tpu.dma_semaphore, #tpu.memory_space<semaphore_mem>>) src(%arg11 : memref<128x64xf32, #tpu.memory_space<vmem>>) dst(%dma_wait3A_114 : memref<128x64xf32, #tpu.memory_space<vmem_shared>>)
      tpu.yield
    }) : () -> ()
    %mul3A_62 = arith.constant 1024 : i32
    %mul3A_63 = arith.muli %arg1, %mul3A_62 : i32
    %add3A_64 = arith.constant 896 : i32
    %add3A_65 = arith.addi %mul3A_63, %add3A_64 : i32
    "tpu.region"() ({
      %run_scoped3A = tpu.sem_alloc : memref<!tpu.dma_semaphore, #tpu.memory_space<semaphore_mem>>
      %dma_start3A_107 = arith.constant 0 : i32
      %dma_start3A_108 = tpu.memref_slice %arg12[%add3A_65, %dma_start3A_107] : memref<16384x64xf32, #tpu.memory_space<vmem_shared>> -> memref<128x64xf32, #tpu.memory_space<vmem_shared>>
      %dma_start3A_109 = arith.constant 0 : i32
      %dma_start3A_110 = tpu.memref_slice %arg12[%add3A_65, %dma_start3A_109] : memref<16384x64xf32, #tpu.memory_space<vmem_shared>> -> memref<128x64xf32, #tpu.memory_space<vmem_shared>>
      tpu.enqueue_dma source(%arg11 : memref<128x64xf32, #tpu.memory_space<vmem>>) target(%dma_start3A_110 : memref<128x64xf32, #tpu.memory_space<vmem_shared>>) target_semaphore(%run_scoped3A : memref<!tpu.dma_semaphore, #tpu.memory_space<semaphore_mem>>)
      %dma_wait3A_111 = arith.constant 0 : i32
      %dma_wait3A_112 = tpu.memref_slice %arg12[%add3A_65, %dma_wait3A_111] : memref<16384x64xf32, #tpu.memory_space<vmem_shared>> -> memref<128x64xf32, #tpu.memory_space<vmem_shared>>
      %dma_wait3A_113 = arith.constant 0 : i32
      %dma_wait3A_114 = tpu.memref_slice %arg12[%add3A_65, %dma_wait3A_113] : memref<16384x64xf32, #tpu.memory_space<vmem_shared>> -> memref<128x64xf32, #tpu.memory_space<vmem_shared>>
      tpu.wait_dma2 semaphore(%run_scoped3A : memref<!tpu.dma_semaphore, #tpu.memory_space<semaphore_mem>>) src(%arg11 : memref<128x64xf32, #tpu.memory_space<vmem>>) dst(%dma_wait3A_114 : memref<128x64xf32, #tpu.memory_space<vmem_shared>>)
      tpu.yield
    }) : () -> ()
    %barrier3A = arith.constant 0 : index
    tpu.barrier barrier_id(%barrier3A)
    %scan3A_66 = arith.constant 0 : i32
    %scan3A_67 = arith.constant 0 : i32
    %scan3A_68 = arith.constant 32 : i32
    %scan3A_69 = arith.addi %scan3A_67, %scan3A_68 : i32
    %scan3A_70 = arith.constant 1 : i32
    scf.for %scan3A_107 = %scan3A_67 to %scan3A_69 step %scan3A_70  : i32 {
      %mul3A_108 = arith.constant 4 : i32
      %mul3A_109 = arith.muli %scan3A_107, %mul3A_108 : i32
      %add3A_110 = arith.constant 0 : i32
      %add3A_111 = arith.addi %mul3A_109, %add3A_110 : i32
      %dma_wait3A_112 = arith.constant 0 : i32
      %dma_wait3A_113 = tpu.memref_slice %arg6[%dma_wait3A_112] : memref<16384xi32, #tpu.memory_space<vmem>> -> memref<128xi32, #tpu.memory_space<vmem>>
      %dma_wait3A_114 = arith.constant 0 : i32
      %dma_wait3A_115 = arith.constant 0 : i32
      %dma_wait3A_116 = tpu.memref_slice %arg2[%arg0, %dma_wait3A_114, %dma_wait3A_115] : memref<2x16384x64xf32, #tpu.memory_space<hbm>> -> memref<1x16384x64xf32, #tpu.memory_space<hbm>>
      %dma_wait3A_117 = tpu.memref_squeeze %dma_wait3A_116 : memref<1x16384x64xf32, #tpu.memory_space<hbm>> -> memref<16384x64xf32, #tpu.memory_space<hbm>>
      %dma_wait3A_118 = arith.constant 0 : i32
      %dma_wait3A_119 = arith.constant 0 : i32
      %dma_wait3A_120 = tpu.memref_slice %dma_wait3A_117[%dma_wait3A_118, %dma_wait3A_119] : memref<16384x64xf32, #tpu.memory_space<hbm>> -> memref<16384x64xf32, #tpu.memory_space<hbm>>
      tpu.wait_indirect_dma semaphore(%arg13 : memref<!tpu.dma_semaphore, #tpu.memory_space<semaphore_mem>>) src(%dma_wait3A_120 : memref<16384x64xf32, #tpu.memory_space<hbm>>) dst(%arg8 : memref<128x64xf32, #tpu.memory_space<vmem>>)
      %dma_start3A_121 = arith.constant 0 : i32
      %dma_start3A_122 = tpu.memref_slice %arg7[%add3A_111, %dma_start3A_121] : memref<128x128xi32, #tpu.memory_space<vmem>> -> memref<1x128xi32, #tpu.memory_space<vmem>>
      %dma_start3A_123 = tpu.memref_squeeze %dma_start3A_122 : memref<1x128xi32, #tpu.memory_space<vmem>> -> memref<128xi32, #tpu.memory_space<vmem>>
      %dma_start3A_124 = arith.constant 0 : i32
      %dma_start3A_125 = arith.constant 0 : i32
      %dma_start3A_126 = tpu.memref_slice %arg12[%dma_start3A_124, %dma_start3A_125] : memref<16384x64xf32, #tpu.memory_space<vmem_shared>> -> memref<16384x64xf32, #tpu.memory_space<vmem_shared>>
      tpu.enqueue_indirect_dma source(%arg8 : memref<128x64xf32, #tpu.memory_space<vmem>>) target(%dma_start3A_126 : memref<16384x64xf32, #tpu.memory_space<vmem_shared>>) offsets(%dma_start3A_123 : memref<128xi32, #tpu.memory_space<vmem>>) semaphore(%arg17 : memref<!tpu.dma_semaphore, #tpu.memory_space<semaphore_mem>>) {add = true}
      %add3A_127 = arith.constant 4 : i32
      %add3A_128 = arith.addi %add3A_111, %add3A_127 : i32
      %sub3A = arith.constant 1 : i32
      %sub3A_129 = arith.subi %add3A_128, %sub3A : i32
      %lt3A = arith.constant 128 : i32
      %lt3A_130 = arith.cmpi slt, %sub3A_129, %lt3A : i32
      %convert_element_type3A = arith.extui %lt3A_130 : i1 to i32
      %cond3A = arith.constant 0 : i32
      %cond3A_131 = arith.cmpi ne, %convert_element_type3A, %cond3A : i32
      scf.if %cond3A_131 {
        %ge3A = arith.constant 1 : i32
        %ge3A_216 = arith.cmpi sge, %add3A_111, %ge3A : i32
        %convert_element_type3A_217 = arith.extui %ge3A_216 : i1 to i32
        %cond3A_218 = arith.constant 0 : i32
        %cond3A_219 = arith.cmpi ne, %convert_element_type3A_217, %cond3A_218 : i32
        scf.if %cond3A_219 {
          %dma_wait3A_230 = arith.constant 0 : i32
          %dma_wait3A_231 = arith.constant 0 : i32
          %dma_wait3A_232 = tpu.memref_slice %arg7[%dma_wait3A_230, %dma_wait3A_231] : memref<128x128xi32, #tpu.memory_space<vmem>> -> memref<1x128xi32, #tpu.memory_space<vmem>>
          %dma_wait3A_233 = tpu.memref_squeeze %dma_wait3A_232 : memref<1x128xi32, #tpu.memory_space<vmem>> -> memref<128xi32, #tpu.memory_space<vmem>>
          %dma_wait3A_234 = arith.constant 0 : i32
          %dma_wait3A_235 = arith.constant 0 : i32
          %dma_wait3A_236 = tpu.memref_slice %arg12[%dma_wait3A_234, %dma_wait3A_235] : memref<16384x64xf32, #tpu.memory_space<vmem_shared>> -> memref<16384x64xf32, #tpu.memory_space<vmem_shared>>
          tpu.wait_indirect_dma semaphore(%arg20 : memref<!tpu.dma_semaphore, #tpu.memory_space<semaphore_mem>>) src(%arg11 : memref<128x64xf32, #tpu.memory_space<vmem>>) dst(%dma_wait3A_236 : memref<16384x64xf32, #tpu.memory_space<vmem_shared>>)
        } else {
        }
        %mul3A_220 = arith.constant 128 : i32
        %mul3A_221 = arith.muli %sub3A_129, %mul3A_220 : i32
        %dma_start3A_222 = tpu.memref_slice %arg6[%mul3A_221] : memref<16384xi32, #tpu.memory_space<vmem>> -> memref<128xi32, #tpu.memory_space<vmem>>
        %dma_start3A_223 = arith.constant 0 : i32
        %dma_start3A_224 = arith.constant 0 : i32
        %dma_start3A_225 = tpu.memref_slice %arg2[%arg0, %dma_start3A_223, %dma_start3A_224] : memref<2x16384x64xf32, #tpu.memory_space<hbm>> -> memref<1x16384x64xf32, #tpu.memory_space<hbm>>
        %dma_start3A_226 = tpu.memref_squeeze %dma_start3A_225 : memref<1x16384x64xf32, #tpu.memory_space<hbm>> -> memref<16384x64xf32, #tpu.memory_space<hbm>>
        %dma_start3A_227 = arith.constant 0 : i32
        %dma_start3A_228 = arith.constant 0 : i32
        %dma_start3A_229 = tpu.memref_slice %dma_start3A_226[%dma_start3A_227, %dma_start3A_228] : memref<16384x64xf32, #tpu.memory_space<hbm>> -> memref<16384x64xf32, #tpu.memory_space<hbm>>
        tpu.enqueue_indirect_dma source(%dma_start3A_229 : memref<16384x64xf32, #tpu.memory_space<hbm>>) target(%arg11 : memref<128x64xf32, #tpu.memory_space<vmem>>) offsets(%dma_start3A_222 : memref<128xi32, #tpu.memory_space<vmem>>) semaphore(%arg16 : memref<!tpu.dma_semaphore, #tpu.memory_space<semaphore_mem>>)
      } else {
      }
      %mul3A_132 = arith.constant 4 : i32
      %mul3A_133 = arith.muli %scan3A_107, %mul3A_132 : i32
      %add3A_134 = arith.constant 1 : i32
      %add3A_135 = arith.addi %mul3A_133, %add3A_134 : i32
      %dma_wait3A_136 = arith.constant 0 : i32
      %dma_wait3A_137 = tpu.memref_slice %arg6[%dma_wait3A_136] : memref<16384xi32, #tpu.memory_space<vmem>> -> memref<128xi32, #tpu.memory_space<vmem>>
      %dma_wait3A_138 = arith.constant 0 : i32
      %dma_wait3A_139 = arith.constant 0 : i32
      %dma_wait3A_140 = tpu.memref_slice %arg2[%arg0, %dma_wait3A_138, %dma_wait3A_139] : memref<2x16384x64xf32, #tpu.memory_space<hbm>> -> memref<1x16384x64xf32, #tpu.memory_space<hbm>>
      %dma_wait3A_141 = tpu.memref_squeeze %dma_wait3A_140 : memref<1x16384x64xf32, #tpu.memory_space<hbm>> -> memref<16384x64xf32, #tpu.memory_space<hbm>>
      %dma_wait3A_142 = arith.constant 0 : i32
      %dma_wait3A_143 = arith.constant 0 : i32
      %dma_wait3A_144 = tpu.memref_slice %dma_wait3A_141[%dma_wait3A_142, %dma_wait3A_143] : memref<16384x64xf32, #tpu.memory_space<hbm>> -> memref<16384x64xf32, #tpu.memory_space<hbm>>
      tpu.wait_indirect_dma semaphore(%arg14 : memref<!tpu.dma_semaphore, #tpu.memory_space<semaphore_mem>>) src(%dma_wait3A_144 : memref<16384x64xf32, #tpu.memory_space<hbm>>) dst(%arg9 : memref<128x64xf32, #tpu.memory_space<vmem>>)
      %dma_start3A_145 = arith.constant 0 : i32
      %dma_start3A_146 = tpu.memref_slice %arg7[%add3A_135, %dma_start3A_145] : memref<128x128xi32, #tpu.memory_space<vmem>> -> memref<1x128xi32, #tpu.memory_space<vmem>>
      %dma_start3A_147 = tpu.memref_squeeze %dma_start3A_146 : memref<1x128xi32, #tpu.memory_space<vmem>> -> memref<128xi32, #tpu.memory_space<vmem>>
      %dma_start3A_148 = arith.constant 0 : i32
      %dma_start3A_149 = arith.constant 0 : i32
      %dma_start3A_150 = tpu.memref_slice %arg12[%dma_start3A_148, %dma_start3A_149] : memref<16384x64xf32, #tpu.memory_space<vmem_shared>> -> memref<16384x64xf32, #tpu.memory_space<vmem_shared>>
      tpu.enqueue_indirect_dma source(%arg9 : memref<128x64xf32, #tpu.memory_space<vmem>>) target(%dma_start3A_150 : memref<16384x64xf32, #tpu.memory_space<vmem_shared>>) offsets(%dma_start3A_147 : memref<128xi32, #tpu.memory_space<vmem>>) semaphore(%arg18 : memref<!tpu.dma_semaphore, #tpu.memory_space<semaphore_mem>>) {add = true}
      %add3A_151 = arith.constant 4 : i32
      %add3A_152 = arith.addi %add3A_135, %add3A_151 : i32
      %sub3A_153 = arith.constant 1 : i32
      %sub3A_154 = arith.subi %add3A_152, %sub3A_153 : i32
      %lt3A_155 = arith.constant 128 : i32
      %lt3A_156 = arith.cmpi slt, %sub3A_154, %lt3A_155 : i32
      %convert_element_type3A_157 = arith.extui %lt3A_156 : i1 to i32
      %cond3A_158 = arith.constant 0 : i32
      %cond3A_159 = arith.cmpi ne, %convert_element_type3A_157, %cond3A_158 : i32
      scf.if %cond3A_159 {
        %ge3A = arith.constant 1 : i32
        %ge3A_216 = arith.cmpi sge, %add3A_135, %ge3A : i32
        %convert_element_type3A_217 = arith.extui %ge3A_216 : i1 to i32
        %cond3A_218 = arith.constant 0 : i32
        %cond3A_219 = arith.cmpi ne, %convert_element_type3A_217, %cond3A_218 : i32
        scf.if %cond3A_219 {
          %dma_wait3A_230 = arith.constant 0 : i32
          %dma_wait3A_231 = arith.constant 0 : i32
          %dma_wait3A_232 = tpu.memref_slice %arg7[%dma_wait3A_230, %dma_wait3A_231] : memref<128x128xi32, #tpu.memory_space<vmem>> -> memref<1x128xi32, #tpu.memory_space<vmem>>
          %dma_wait3A_233 = tpu.memref_squeeze %dma_wait3A_232 : memref<1x128xi32, #tpu.memory_space<vmem>> -> memref<128xi32, #tpu.memory_space<vmem>>
          %dma_wait3A_234 = arith.constant 0 : i32
          %dma_wait3A_235 = arith.constant 0 : i32
          %dma_wait3A_236 = tpu.memref_slice %arg12[%dma_wait3A_234, %dma_wait3A_235] : memref<16384x64xf32, #tpu.memory_space<vmem_shared>> -> memref<16384x64xf32, #tpu.memory_space<vmem_shared>>
          tpu.wait_indirect_dma semaphore(%arg17 : memref<!tpu.dma_semaphore, #tpu.memory_space<semaphore_mem>>) src(%arg8 : memref<128x64xf32, #tpu.memory_space<vmem>>) dst(%dma_wait3A_236 : memref<16384x64xf32, #tpu.memory_space<vmem_shared>>)
        } else {
        }
        %mul3A_220 = arith.constant 128 : i32
        %mul3A_221 = arith.muli %sub3A_154, %mul3A_220 : i32
        %dma_start3A_222 = tpu.memref_slice %arg6[%mul3A_221] : memref<16384xi32, #tpu.memory_space<vmem>> -> memref<128xi32, #tpu.memory_space<vmem>>
        %dma_start3A_223 = arith.constant 0 : i32
        %dma_start3A_224 = arith.constant 0 : i32
        %dma_start3A_225 = tpu.memref_slice %arg2[%arg0, %dma_start3A_223, %dma_start3A_224] : memref<2x16384x64xf32, #tpu.memory_space<hbm>> -> memref<1x16384x64xf32, #tpu.memory_space<hbm>>
        %dma_start3A_226 = tpu.memref_squeeze %dma_start3A_225 : memref<1x16384x64xf32, #tpu.memory_space<hbm>> -> memref<16384x64xf32, #tpu.memory_space<hbm>>
        %dma_start3A_227 = arith.constant 0 : i32
        %dma_start3A_228 = arith.constant 0 : i32
        %dma_start3A_229 = tpu.memref_slice %dma_start3A_226[%dma_start3A_227, %dma_start3A_228] : memref<16384x64xf32, #tpu.memory_space<hbm>> -> memref<16384x64xf32, #tpu.memory_space<hbm>>
        tpu.enqueue_indirect_dma source(%dma_start3A_229 : memref<16384x64xf32, #tpu.memory_space<hbm>>) target(%arg8 : memref<128x64xf32, #tpu.memory_space<vmem>>) offsets(%dma_start3A_222 : memref<128xi32, #tpu.memory_space<vmem>>) semaphore(%arg13 : memref<!tpu.dma_semaphore, #tpu.memory_space<semaphore_mem>>)
      } else {
      }
      %mul3A_160 = arith.constant 4 : i32
      %mul3A_161 = arith.muli %scan3A_107, %mul3A_160 : i32
      %add3A_162 = arith.constant 2 : i32
      %add3A_163 = arith.addi %mul3A_161, %add3A_162 : i32
      %dma_wait3A_164 = arith.constant 0 : i32
      %dma_wait3A_165 = tpu.memref_slice %arg6[%dma_wait3A_164] : memref<16384xi32, #tpu.memory_space<vmem>> -> memref<128xi32, #tpu.memory_space<vmem>>
      %dma_wait3A_166 = arith.constant 0 : i32
      %dma_wait3A_167 = arith.constant 0 : i32
      %dma_wait3A_168 = tpu.memref_slice %arg2[%arg0, %dma_wait3A_166, %dma_wait3A_167] : memref<2x16384x64xf32, #tpu.memory_space<hbm>> -> memref<1x16384x64xf32, #tpu.memory_space<hbm>>
      %dma_wait3A_169 = tpu.memref_squeeze %dma_wait3A_168 : memref<1x16384x64xf32, #tpu.memory_space<hbm>> -> memref<16384x64xf32, #tpu.memory_space<hbm>>
      %dma_wait3A_170 = arith.constant 0 : i32
      %dma_wait3A_171 = arith.constant 0 : i32
      %dma_wait3A_172 = tpu.memref_slice %dma_wait3A_169[%dma_wait3A_170, %dma_wait3A_171] : memref<16384x64xf32, #tpu.memory_space<hbm>> -> memref<16384x64xf32, #tpu.memory_space<hbm>>
      tpu.wait_indirect_dma semaphore(%arg15 : memref<!tpu.dma_semaphore, #tpu.memory_space<semaphore_mem>>) src(%dma_wait3A_172 : memref<16384x64xf32, #tpu.memory_space<hbm>>) dst(%arg10 : memref<128x64xf32, #tpu.memory_space<vmem>>)
      %dma_start3A_173 = arith.constant 0 : i32
      %dma_start3A_174 = tpu.memref_slice %arg7[%add3A_163, %dma_start3A_173] : memref<128x128xi32, #tpu.memory_space<vmem>> -> memref<1x128xi32, #tpu.memory_space<vmem>>
      %dma_start3A_175 = tpu.memref_squeeze %dma_start3A_174 : memref<1x128xi32, #tpu.memory_space<vmem>> -> memref<128xi32, #tpu.memory_space<vmem>>
      %dma_start3A_176 = arith.constant 0 : i32
      %dma_start3A_177 = arith.constant 0 : i32
      %dma_start3A_178 = tpu.memref_slice %arg12[%dma_start3A_176, %dma_start3A_177] : memref<16384x64xf32, #tpu.memory_space<vmem_shared>> -> memref<16384x64xf32, #tpu.memory_space<vmem_shared>>
      tpu.enqueue_indirect_dma source(%arg10 : memref<128x64xf32, #tpu.memory_space<vmem>>) target(%dma_start3A_178 : memref<16384x64xf32, #tpu.memory_space<vmem_shared>>) offsets(%dma_start3A_175 : memref<128xi32, #tpu.memory_space<vmem>>) semaphore(%arg19 : memref<!tpu.dma_semaphore, #tpu.memory_space<semaphore_mem>>) {add = true}
      %add3A_179 = arith.constant 4 : i32
      %add3A_180 = arith.addi %add3A_163, %add3A_179 : i32
      %sub3A_181 = arith.constant 1 : i32
      %sub3A_182 = arith.subi %add3A_180, %sub3A_181 : i32
      %lt3A_183 = arith.constant 128 : i32
      %lt3A_184 = arith.cmpi slt, %sub3A_182, %lt3A_183 : i32
      %convert_element_type3A_185 = arith.extui %lt3A_184 : i1 to i32
      %cond3A_186 = arith.constant 0 : i32
      %cond3A_187 = arith.cmpi ne, %convert_element_type3A_185, %cond3A_186 : i32
      scf.if %cond3A_187 {
        %ge3A = arith.constant 1 : i32
        %ge3A_216 = arith.cmpi sge, %add3A_163, %ge3A : i32
        %convert_element_type3A_217 = arith.extui %ge3A_216 : i1 to i32
        %cond3A_218 = arith.constant 0 : i32
        %cond3A_219 = arith.cmpi ne, %convert_element_type3A_217, %cond3A_218 : i32
        scf.if %cond3A_219 {
          %dma_wait3A_230 = arith.constant 0 : i32
          %dma_wait3A_231 = arith.constant 0 : i32
          %dma_wait3A_232 = tpu.memref_slice %arg7[%dma_wait3A_230, %dma_wait3A_231] : memref<128x128xi32, #tpu.memory_space<vmem>> -> memref<1x128xi32, #tpu.memory_space<vmem>>
          %dma_wait3A_233 = tpu.memref_squeeze %dma_wait3A_232 : memref<1x128xi32, #tpu.memory_space<vmem>> -> memref<128xi32, #tpu.memory_space<vmem>>
          %dma_wait3A_234 = arith.constant 0 : i32
          %dma_wait3A_235 = arith.constant 0 : i32
          %dma_wait3A_236 = tpu.memref_slice %arg12[%dma_wait3A_234, %dma_wait3A_235] : memref<16384x64xf32, #tpu.memory_space<vmem_shared>> -> memref<16384x64xf32, #tpu.memory_space<vmem_shared>>
          tpu.wait_indirect_dma semaphore(%arg18 : memref<!tpu.dma_semaphore, #tpu.memory_space<semaphore_mem>>) src(%arg9 : memref<128x64xf32, #tpu.memory_space<vmem>>) dst(%dma_wait3A_236 : memref<16384x64xf32, #tpu.memory_space<vmem_shared>>)
        } else {
        }
        %mul3A_220 = arith.constant 128 : i32
        %mul3A_221 = arith.muli %sub3A_182, %mul3A_220 : i32
        %dma_start3A_222 = tpu.memref_slice %arg6[%mul3A_221] : memref<16384xi32, #tpu.memory_space<vmem>> -> memref<128xi32, #tpu.memory_space<vmem>>
        %dma_start3A_223 = arith.constant 0 : i32
        %dma_start3A_224 = arith.constant 0 : i32
        %dma_start3A_225 = tpu.memref_slice %arg2[%arg0, %dma_start3A_223, %dma_start3A_224] : memref<2x16384x64xf32, #tpu.memory_space<hbm>> -> memref<1x16384x64xf32, #tpu.memory_space<hbm>>
        %dma_start3A_226 = tpu.memref_squeeze %dma_start3A_225 : memref<1x16384x64xf32, #tpu.memory_space<hbm>> -> memref<16384x64xf32, #tpu.memory_space<hbm>>
        %dma_start3A_227 = arith.constant 0 : i32
        %dma_start3A_228 = arith.constant 0 : i32
        %dma_start3A_229 = tpu.memref_slice %dma_start3A_226[%dma_start3A_227, %dma_start3A_228] : memref<16384x64xf32, #tpu.memory_space<hbm>> -> memref<16384x64xf32, #tpu.memory_space<hbm>>
        tpu.enqueue_indirect_dma source(%dma_start3A_229 : memref<16384x64xf32, #tpu.memory_space<hbm>>) target(%arg9 : memref<128x64xf32, #tpu.memory_space<vmem>>) offsets(%dma_start3A_222 : memref<128xi32, #tpu.memory_space<vmem>>) semaphore(%arg14 : memref<!tpu.dma_semaphore, #tpu.memory_space<semaphore_mem>>)
      } else {
      }
      %mul3A_188 = arith.constant 4 : i32
      %mul3A_189 = arith.muli %scan3A_107, %mul3A_188 : i32
      %add3A_190 = arith.constant 3 : i32
      %add3A_191 = arith.addi %mul3A_189, %add3A_190 : i32
      %dma_wait3A_192 = arith.constant 0 : i32
      %dma_wait3A_193 = tpu.memref_slice %arg6[%dma_wait3A_192] : memref<16384xi32, #tpu.memory_space<vmem>> -> memref<128xi32, #tpu.memory_space<vmem>>
      %dma_wait3A_194 = arith.constant 0 : i32
      %dma_wait3A_195 = arith.constant 0 : i32
      %dma_wait3A_196 = tpu.memref_slice %arg2[%arg0, %dma_wait3A_194, %dma_wait3A_195] : memref<2x16384x64xf32, #tpu.memory_space<hbm>> -> memref<1x16384x64xf32, #tpu.memory_space<hbm>>
      %dma_wait3A_197 = tpu.memref_squeeze %dma_wait3A_196 : memref<1x16384x64xf32, #tpu.memory_space<hbm>> -> memref<16384x64xf32, #tpu.memory_space<hbm>>
      %dma_wait3A_198 = arith.constant 0 : i32
      %dma_wait3A_199 = arith.constant 0 : i32
      %dma_wait3A_200 = tpu.memref_slice %dma_wait3A_197[%dma_wait3A_198, %dma_wait3A_199] : memref<16384x64xf32, #tpu.memory_space<hbm>> -> memref<16384x64xf32, #tpu.memory_space<hbm>>
      tpu.wait_indirect_dma semaphore(%arg16 : memref<!tpu.dma_semaphore, #tpu.memory_space<semaphore_mem>>) src(%dma_wait3A_200 : memref<16384x64xf32, #tpu.memory_space<hbm>>) dst(%arg11 : memref<128x64xf32, #tpu.memory_space<vmem>>)
      %dma_start3A_201 = arith.constant 0 : i32
      %dma_start3A_202 = tpu.memref_slice %arg7[%add3A_191, %dma_start3A_201] : memref<128x128xi32, #tpu.memory_space<vmem>> -> memref<1x128xi32, #tpu.memory_space<vmem>>
      %dma_start3A_203 = tpu.memref_squeeze %dma_start3A_202 : memref<1x128xi32, #tpu.memory_space<vmem>> -> memref<128xi32, #tpu.memory_space<vmem>>
      %dma_start3A_204 = arith.constant 0 : i32
      %dma_start3A_205 = arith.constant 0 : i32
      %dma_start3A_206 = tpu.memref_slice %arg12[%dma_start3A_204, %dma_start3A_205] : memref<16384x64xf32, #tpu.memory_space<vmem_shared>> -> memref<16384x64xf32, #tpu.memory_space<vmem_shared>>
      tpu.enqueue_indirect_dma source(%arg11 : memref<128x64xf32, #tpu.memory_space<vmem>>) target(%dma_start3A_206 : memref<16384x64xf32, #tpu.memory_space<vmem_shared>>) offsets(%dma_start3A_203 : memref<128xi32, #tpu.memory_space<vmem>>) semaphore(%arg20 : memref<!tpu.dma_semaphore, #tpu.memory_space<semaphore_mem>>) {add = true}
      %add3A_207 = arith.constant 4 : i32
      %add3A_208 = arith.addi %add3A_191, %add3A_207 : i32
      %sub3A_209 = arith.constant 1 : i32
      %sub3A_210 = arith.subi %add3A_208, %sub3A_209 : i32
      %lt3A_211 = arith.constant 128 : i32
      %lt3A_212 = arith.cmpi slt, %sub3A_210, %lt3A_211 : i32
      %convert_element_type3A_213 = arith.extui %lt3A_212 : i1 to i32
      %cond3A_214 = arith.constant 0 : i32
      %cond3A_215 = arith.cmpi ne, %convert_element_type3A_213, %cond3A_214 : i32
      scf.if %cond3A_215 {
        %ge3A = arith.constant 1 : i32
        %ge3A_216 = arith.cmpi sge, %add3A_191, %ge3A : i32
        %convert_element_type3A_217 = arith.extui %ge3A_216 : i1 to i32
        %cond3A_218 = arith.constant 0 : i32
        %cond3A_219 = arith.cmpi ne, %convert_element_type3A_217, %cond3A_218 : i32
        scf.if %cond3A_219 {
          %dma_wait3A_230 = arith.constant 0 : i32
          %dma_wait3A_231 = arith.constant 0 : i32
          %dma_wait3A_232 = tpu.memref_slice %arg7[%dma_wait3A_230, %dma_wait3A_231] : memref<128x128xi32, #tpu.memory_space<vmem>> -> memref<1x128xi32, #tpu.memory_space<vmem>>
          %dma_wait3A_233 = tpu.memref_squeeze %dma_wait3A_232 : memref<1x128xi32, #tpu.memory_space<vmem>> -> memref<128xi32, #tpu.memory_space<vmem>>
          %dma_wait3A_234 = arith.constant 0 : i32
          %dma_wait3A_235 = arith.constant 0 : i32
          %dma_wait3A_236 = tpu.memref_slice %arg12[%dma_wait3A_234, %dma_wait3A_235] : memref<16384x64xf32, #tpu.memory_space<vmem_shared>> -> memref<16384x64xf32, #tpu.memory_space<vmem_shared>>
          tpu.wait_indirect_dma semaphore(%arg19 : memref<!tpu.dma_semaphore, #tpu.memory_space<semaphore_mem>>) src(%arg10 : memref<128x64xf32, #tpu.memory_space<vmem>>) dst(%dma_wait3A_236 : memref<16384x64xf32, #tpu.memory_space<vmem_shared>>)
        } else {
        }
        %mul3A_220 = arith.constant 128 : i32
        %mul3A_221 = arith.muli %sub3A_210, %mul3A_220 : i32
        %dma_start3A_222 = tpu.memref_slice %arg6[%mul3A_221] : memref<16384xi32, #tpu.memory_space<vmem>> -> memref<128xi32, #tpu.memory_space<vmem>>
        %dma_start3A_223 = arith.constant 0 : i32
        %dma_start3A_224 = arith.constant 0 : i32
        %dma_start3A_225 = tpu.memref_slice %arg2[%arg0, %dma_start3A_223, %dma_start3A_224] : memref<2x16384x64xf32, #tpu.memory_space<hbm>> -> memref<1x16384x64xf32, #tpu.memory_space<hbm>>
        %dma_start3A_226 = tpu.memref_squeeze %dma_start3A_225 : memref<1x16384x64xf32, #tpu.memory_space<hbm>> -> memref<16384x64xf32, #tpu.memory_space<hbm>>
        %dma_start3A_227 = arith.constant 0 : i32
        %dma_start3A_228 = arith.constant 0 : i32
        %dma_start3A_229 = tpu.memref_slice %dma_start3A_226[%dma_start3A_227, %dma_start3A_228] : memref<16384x64xf32, #tpu.memory_space<hbm>> -> memref<16384x64xf32, #tpu.memory_space<hbm>>
        tpu.enqueue_indirect_dma source(%dma_start3A_229 : memref<16384x64xf32, #tpu.memory_space<hbm>>) target(%arg10 : memref<128x64xf32, #tpu.memory_space<vmem>>) offsets(%dma_start3A_222 : memref<128xi32, #tpu.memory_space<vmem>>) semaphore(%arg15 : memref<!tpu.dma_semaphore, #tpu.memory_space<semaphore_mem>>)
      } else {
      }
    }
    %scan3A_71 = arith.constant 32 : i32
    %dma_wait3A = arith.constant 0 : i32
    %dma_wait3A_72 = arith.constant 0 : i32
    %dma_wait3A_73 = tpu.memref_slice %arg7[%dma_wait3A, %dma_wait3A_72] : memref<128x128xi32, #tpu.memory_space<vmem>> -> memref<1x128xi32, #tpu.memory_space<vmem>>
    %dma_wait3A_74 = tpu.memref_squeeze %dma_wait3A_73 : memref<1x128xi32, #tpu.memory_space<vmem>> -> memref<128xi32, #tpu.memory_space<vmem>>
    %dma_wait3A_75 = arith.constant 0 : i32
    %dma_wait3A_76 = arith.constant 0 : i32
    %dma_wait3A_77 = tpu.memref_slice %arg12[%dma_wait3A_75, %dma_wait3A_76] : memref<16384x64xf32, #tpu.memory_space<vmem_shared>> -> memref<16384x64xf32, #tpu.memory_space<vmem_shared>>
    tpu.wait_indirect_dma semaphore(%arg17 : memref<!tpu.dma_semaphore, #tpu.memory_space<semaphore_mem>>) src(%arg8 : memref<128x64xf32, #tpu.memory_space<vmem>>) dst(%dma_wait3A_77 : memref<16384x64xf32, #tpu.memory_space<vmem_shared>>)
    %dma_wait3A_78 = arith.constant 0 : i32
    %dma_wait3A_79 = arith.constant 0 : i32
    %dma_wait3A_80 = tpu.memref_slice %arg7[%dma_wait3A_78, %dma_wait3A_79] : memref<128x128xi32, #tpu.memory_space<vmem>> -> memref<1x128xi32, #tpu.memory_space<vmem>>
    %dma_wait3A_81 = tpu.memref_squeeze %dma_wait3A_80 : memref<1x128xi32, #tpu.memory_space<vmem>> -> memref<128xi32, #tpu.memory_space<vmem>>
    %dma_wait3A_82 = arith.constant 0 : i32
    %dma_wait3A_83 = arith.constant 0 : i32
    %dma_wait3A_84 = tpu.memref_slice %arg12[%dma_wait3A_82, %dma_wait3A_83] : memref<16384x64xf32, #tpu.memory_space<vmem_shared>> -> memref<16384x64xf32, #tpu.memory_space<vmem_shared>>
    tpu.wait_indirect_dma semaphore(%arg18 : memref<!tpu.dma_semaphore, #tpu.memory_space<semaphore_mem>>) src(%arg9 : memref<128x64xf32, #tpu.memory_space<vmem>>) dst(%dma_wait3A_84 : memref<16384x64xf32, #tpu.memory_space<vmem_shared>>)
    %dma_wait3A_85 = arith.constant 0 : i32
    %dma_wait3A_86 = arith.constant 0 : i32
    %dma_wait3A_87 = tpu.memref_slice %arg7[%dma_wait3A_85, %dma_wait3A_86] : memref<128x128xi32, #tpu.memory_space<vmem>> -> memref<1x128xi32, #tpu.memory_space<vmem>>
    %dma_wait3A_88 = tpu.memref_squeeze %dma_wait3A_87 : memref<1x128xi32, #tpu.memory_space<vmem>> -> memref<128xi32, #tpu.memory_space<vmem>>
    %dma_wait3A_89 = arith.constant 0 : i32
    %dma_wait3A_90 = arith.constant 0 : i32
    %dma_wait3A_91 = tpu.memref_slice %arg12[%dma_wait3A_89, %dma_wait3A_90] : memref<16384x64xf32, #tpu.memory_space<vmem_shared>> -> memref<16384x64xf32, #tpu.memory_space<vmem_shared>>
    tpu.wait_indirect_dma semaphore(%arg19 : memref<!tpu.dma_semaphore, #tpu.memory_space<semaphore_mem>>) src(%arg10 : memref<128x64xf32, #tpu.memory_space<vmem>>) dst(%dma_wait3A_91 : memref<16384x64xf32, #tpu.memory_space<vmem_shared>>)
    %dma_wait3A_92 = arith.constant 0 : i32
    %dma_wait3A_93 = arith.constant 0 : i32
    %dma_wait3A_94 = tpu.memref_slice %arg7[%dma_wait3A_92, %dma_wait3A_93] : memref<128x128xi32, #tpu.memory_space<vmem>> -> memref<1x128xi32, #tpu.memory_space<vmem>>
    %dma_wait3A_95 = tpu.memref_squeeze %dma_wait3A_94 : memref<1x128xi32, #tpu.memory_space<vmem>> -> memref<128xi32, #tpu.memory_space<vmem>>
    %dma_wait3A_96 = arith.constant 0 : i32
    %dma_wait3A_97 = arith.constant 0 : i32
    %dma_wait3A_98 = tpu.memref_slice %arg12[%dma_wait3A_96, %dma_wait3A_97] : memref<16384x64xf32, #tpu.memory_space<vmem_shared>> -> memref<16384x64xf32, #tpu.memory_space<vmem_shared>>
    tpu.wait_indirect_dma semaphore(%arg20 : memref<!tpu.dma_semaphore, #tpu.memory_space<semaphore_mem>>) src(%arg11 : memref<128x64xf32, #tpu.memory_space<vmem>>) dst(%dma_wait3A_98 : memref<16384x64xf32, #tpu.memory_space<vmem_shared>>)
    %barrier3A_99 = arith.constant 0 : index
    tpu.barrier barrier_id(%barrier3A_99)
    %mul3A_100 = arith.constant 1024 : i32
    %mul3A_101 = arith.muli %arg1, %mul3A_100 : i32
    %mul3A_102 = arith.constant 16384 : i32
    %mul3A_103 = arith.muli %arg0, %mul3A_102 : i32
    %mul3A_104 = arith.constant 1024 : i32
    %mul3A_105 = arith.muli %arg1, %mul3A_104 : i32
    %add3A_106 = arith.addi %mul3A_103, %mul3A_105 : i32
    "tpu.region"() ({
      %run_scoped3A = tpu.sem_alloc : memref<!tpu.dma_semaphore, #tpu.memory_space<semaphore_mem>>
      %dma_start3A_107 = arith.constant 0 : i32
      %dma_start3A_108 = tpu.memref_slice %arg5[%add3A_106, %dma_start3A_107] : memref<32768x64xf32, #tpu.memory_space<hbm>> -> memref<1024x64xf32, #tpu.memory_space<hbm>>
      %dma_start3A_109 = arith.constant 0 : i32
      %dma_start3A_110 = tpu.memref_slice %arg12[%mul3A_101, %dma_start3A_109] : memref<16384x64xf32, #tpu.memory_space<vmem_shared>> -> memref<1024x64xf32, #tpu.memory_space<vmem_shared>>
      tpu.enqueue_dma source(%dma_start3A_110 : memref<1024x64xf32, #tpu.memory_space<vmem_shared>>) target(%dma_start3A_108 : memref<1024x64xf32, #tpu.memory_space<hbm>>) target_semaphore(%run_scoped3A : memref<!tpu.dma_semaphore, #tpu.memory_space<semaphore_mem>>)
      %dma_wait3A_111 = arith.constant 0 : i32
      %dma_wait3A_112 = tpu.memref_slice %arg5[%add3A_106, %dma_wait3A_111] : memref<32768x64xf32, #tpu.memory_space<hbm>> -> memref<1024x64xf32, #tpu.memory_space<hbm>>
      %dma_wait3A_113 = arith.constant 0 : i32
      %dma_wait3A_114 = tpu.memref_slice %arg12[%mul3A_101, %dma_wait3A_113] : memref<16384x64xf32, #tpu.memory_space<vmem_shared>> -> memref<1024x64xf32, #tpu.memory_space<vmem_shared>>
      tpu.wait_dma2 semaphore(%run_scoped3A : memref<!tpu.dma_semaphore, #tpu.memory_space<semaphore_mem>>) src(%dma_wait3A_114 : memref<1024x64xf32, #tpu.memory_space<vmem_shared>>) dst(%dma_wait3A_112 : memref<1024x64xf32, #tpu.memory_space<hbm>>)
      tpu.yield
    }) : () -> ()
    return
  }
}

module attributes {stable_mosaic.version = 14 : i64} {
  func.func @_split_body(%arg0: memref<8192x256xf32, #tpu.memory_space<vmem>>, %arg1: memref<16384x128xf32, #tpu.memory_space<vmem>>) attributes {dimension_semantics = [], scalar_prefetch = 0 : i64, scratch_operands = 0 : i64, tpu.core_type = #tpu.core_type<tc>} {
    %get3A = arith.constant 0 : index
    %get3A_0 = arith.constant 0 : index
    %get3A_1 = vector.load %arg0[%get3A, %get3A_0] : memref<8192x256xf32, #tpu.memory_space<vmem>>, vector<8192x256xf32>
    %slice3A = vector.extract_strided_slice %get3A_1 {offsets = [0, 0], sizes = [8192, 64], strides = [1, 1]} : vector<8192x256xf32> to vector<8192x64xf32>
    %slice3A_2 = vector.extract_strided_slice %get3A_1 {offsets = [0, 128], sizes = [8192, 64], strides = [1, 1]} : vector<8192x256xf32> to vector<8192x64xf32>
    %concatenate3A = tpu.concatenate %slice3A, %slice3A_2 in 1 : vector<8192x64xf32>, vector<8192x64xf32> -> vector<8192x128xf32>
    %swap3A = arith.constant 0 : index
    %swap3A_3 = arith.constant 0 : index
    %swap3A_4 = vector.load %arg1[%swap3A, %swap3A_3] : memref<16384x128xf32, #tpu.memory_space<vmem>>, vector<8192x128xf32>
    tpu.vector_store %arg1[%swap3A, %swap3A_3], %concatenate3A {strides = array<i32>} : memref<16384x128xf32, #tpu.memory_space<vmem>>, vector<8192x128xf32>,
    %slice3A_5 = vector.extract_strided_slice %get3A_1 {offsets = [0, 64], sizes = [8192, 64], strides = [1, 1]} : vector<8192x256xf32> to vector<8192x64xf32>
    %slice3A_6 = vector.extract_strided_slice %get3A_1 {offsets = [0, 192], sizes = [8192, 64], strides = [1, 1]} : vector<8192x256xf32> to vector<8192x64xf32>
    %concatenate3A_7 = tpu.concatenate %slice3A_5, %slice3A_6 in 1 : vector<8192x64xf32>, vector<8192x64xf32> -> vector<8192x128xf32>
    %swap3A_8 = arith.constant 8192 : index
    %swap3A_9 = arith.constant 0 : index
    %swap3A_10 = vector.load %arg1[%swap3A_8, %swap3A_9] : memref<16384x128xf32, #tpu.memory_space<vmem>>, vector<8192x128xf32>
    tpu.vector_store %arg1[%swap3A_8, %swap3A_9], %concatenate3A_7 {strides = array<i32>} : memref<16384x128xf32, #tpu.memory_space<vmem>>, vector<8192x128xf32>,
    return
  }
}

module attributes {stable_mosaic.version = 14 : i64} {
  func.func @_mlp_body(%arg0: memref<16384x128xf32, #tpu.memory_space<vmem>>, %arg1: memref<8192x256xf32, #tpu.memory_space<vmem>>, %arg2: memref<128x128xf32, #tpu.memory_space<vmem>>, %arg3: memref<1x128xf32, #tpu.memory_space<vmem>>, %arg4: memref<1x128xf32, #tpu.memory_space<vmem>>, %arg5: memref<128x128xf32, #tpu.memory_space<vmem>>, %arg6: memref<1x128xf32, #tpu.memory_space<vmem>>, %arg7: memref<1x128xf32, #tpu.memory_space<vmem>>, %arg8: memref<1x1xf32, #tpu.memory_space<smem>>, %arg9: memref<16384x128xf32, #tpu.memory_space<vmem>>, %arg10: memref<8192x256xf32, #tpu.memory_space<vmem>>) attributes {dimension_semantics = [], scalar_prefetch = 0 : i64, scratch_operands = 0 : i64, tpu.core_type = #tpu.core_type<tc>} {
    %get3A = arith.constant 0 : index
    %get3A_0 = arith.constant 0 : index
    %get3A_1 = vector.load %arg0[%get3A, %get3A_0] : memref<16384x128xf32, #tpu.memory_space<vmem>>, vector<8192x64xf32>
    %get3A_2 = arith.constant 0 : index
    %get3A_3 = arith.constant 64 : index
    %get3A_4 = vector.load %arg0[%get3A_2, %get3A_3] : memref<16384x128xf32, #tpu.memory_space<vmem>>, vector<8192x64xf32>
    %get3A_5 = arith.constant 8192 : index
    %get3A_6 = arith.constant 0 : index
    %get3A_7 = vector.load %arg0[%get3A_5, %get3A_6] : memref<16384x128xf32, #tpu.memory_space<vmem>>, vector<8192x64xf32>
    %get3A_8 = arith.constant 8192 : index
    %get3A_9 = arith.constant 64 : index
    %get3A_10 = vector.load %arg0[%get3A_8, %get3A_9] : memref<16384x128xf32, #tpu.memory_space<vmem>>, vector<8192x64xf32>
    %get3A_11 = arith.constant 0 : index
    %get3A_12 = arith.constant 0 : index
    %get3A_13 = vector.load %arg2[%get3A_11, %get3A_12] : memref<128x128xf32, #tpu.memory_space<vmem>>, vector<128x128xf32>
    %slice3A = vector.extract_strided_slice %get3A_13 {offsets = [0, 0], sizes = [128, 64], strides = [1, 1]} : vector<128x128xf32> to vector<128x64xf32>
    %slice3A_14 = vector.extract_strided_slice %get3A_13 {offsets = [0, 64], sizes = [128, 64], strides = [1, 1]} : vector<128x128xf32> to vector<128x64xf32>
    %dot_general3A = arith.constant dense<0.000000e+00> : vector<8192x128xf32>
    %dot_general3A_15 = tpu.matmul %get3A_1, %slice3A, %dot_general3A {dimension_numbers = #tpu.dot_dimension_numbers<[1], [1], [0], [0], [0, 0, 1, 0], [], []>, transpose_lhs_hint = false} : vector<8192x64xf32>, vector<128x64xf32>, vector<8192x128xf32> -> vector<8192x128xf32>
    %dot_general3A_16 = arith.constant dense<0.000000e+00> : vector<8192x128xf32>
    %dot_general3A_17 = tpu.matmul %get3A_7, %slice3A_14, %dot_general3A_16 {dimension_numbers = #tpu.dot_dimension_numbers<[1], [1], [0], [0], [0, 0, 1, 0], [], []>, transpose_lhs_hint = false} : vector<8192x64xf32>, vector<128x64xf32>, vector<8192x128xf32> -> vector<8192x128xf32>
    %add3A = arith.addf %dot_general3A_15, %dot_general3A_17 : vector<8192x128xf32>
    %dot_general3A_18 = arith.constant dense<0.000000e+00> : vector<8192x128xf32>
    %dot_general3A_19 = tpu.matmul %get3A_4, %slice3A, %dot_general3A_18 {dimension_numbers = #tpu.dot_dimension_numbers<[1], [1], [0], [0], [0, 0, 1, 0], [], []>, transpose_lhs_hint = false} : vector<8192x64xf32>, vector<128x64xf32>, vector<8192x128xf32> -> vector<8192x128xf32>
    %dot_general3A_20 = arith.constant dense<0.000000e+00> : vector<8192x128xf32>
    %dot_general3A_21 = tpu.matmul %get3A_10, %slice3A_14, %dot_general3A_20 {dimension_numbers = #tpu.dot_dimension_numbers<[1], [1], [0], [0], [0, 0, 1, 0], [], []>, transpose_lhs_hint = false} : vector<8192x64xf32>, vector<128x64xf32>, vector<8192x128xf32> -> vector<8192x128xf32>
    %add3A_22 = arith.addf %dot_general3A_19, %dot_general3A_21 : vector<8192x128xf32>
    %reduce_sum3A = arith.constant dense<0.000000e+00> : vector<128xf32>
    %reduce_sum3A_23 = vector.multi_reduction <add>, %add3A, %reduce_sum3A [0] : vector<8192x128xf32> to vector<128xf32>
    %broadcast_in_dim3A = vector.shape_cast %reduce_sum3A_23 : vector<128xf32> to vector<1x128xf32>
    %reduce_sum3A_24 = arith.constant dense<0.000000e+00> : vector<128xf32>
    %reduce_sum3A_25 = vector.multi_reduction <add>, %add3A_22, %reduce_sum3A_24 [0] : vector<8192x128xf32> to vector<128xf32>
    %broadcast_in_dim3A_26 = vector.shape_cast %reduce_sum3A_25 : vector<128xf32> to vector<1x128xf32>
    %add3A_27 = arith.addf %broadcast_in_dim3A, %broadcast_in_dim3A_26 : vector<1x128xf32>
    %div3A = arith.constant 1.638400e+04 : f32
    %div3A_28 = vector.broadcast %div3A : f32 to vector<1x128xf32>
    %div3A_29 = arith.divf %add3A_27, %div3A_28 : vector<1x128xf32>
    %sub3A = vector.broadcast %div3A_29 : vector<1x128xf32> to vector<8192x128xf32>
    %sub3A_30 = arith.subf %add3A, %sub3A : vector<8192x128xf32>
    %sub3A_31 = vector.broadcast %div3A_29 : vector<1x128xf32> to vector<8192x128xf32>
    %sub3A_32 = arith.subf %add3A_22, %sub3A_31 : vector<8192x128xf32>
    %mul3A = arith.mulf %sub3A_30, %sub3A_30 : vector<8192x128xf32>
    %reduce_sum3A_33 = arith.constant dense<0.000000e+00> : vector<128xf32>
    %reduce_sum3A_34 = vector.multi_reduction <add>, %mul3A, %reduce_sum3A_33 [0] : vector<8192x128xf32> to vector<128xf32>
    %broadcast_in_dim3A_35 = vector.shape_cast %reduce_sum3A_34 : vector<128xf32> to vector<1x128xf32>
    %mul3A_36 = arith.mulf %sub3A_32, %sub3A_32 : vector<8192x128xf32>
    %reduce_sum3A_37 = arith.constant dense<0.000000e+00> : vector<128xf32>
    %reduce_sum3A_38 = vector.multi_reduction <add>, %mul3A_36, %reduce_sum3A_37 [0] : vector<8192x128xf32> to vector<128xf32>
    %broadcast_in_dim3A_39 = vector.shape_cast %reduce_sum3A_38 : vector<128xf32> to vector<1x128xf32>
    %add3A_40 = arith.addf %broadcast_in_dim3A_35, %broadcast_in_dim3A_39 : vector<1x128xf32>
    %div3A_41 = arith.constant 1.638400e+04 : f32
    %div3A_42 = vector.broadcast %div3A_41 : f32 to vector<1x128xf32>
    %div3A_43 = arith.divf %add3A_40, %div3A_42 : vector<1x128xf32>
    %add3A_44 = arith.constant 9.99999974E-6 : f32
    %add3A_45 = vector.broadcast %add3A_44 : f32 to vector<1x128xf32>
    %add3A_46 = arith.addf %div3A_43, %add3A_45 : vector<1x128xf32>
    %rsqrt3A = math.rsqrt %add3A_46 : vector<1x128xf32>
    %get3A_47 = arith.constant 0 : index
    %get3A_48 = arith.constant 0 : index
    %get3A_49 = vector.load %arg3[%get3A_47, %get3A_48] : memref<1x128xf32, #tpu.memory_space<vmem>>, vector<1x128xf32>
    %mul3A_50 = arith.mulf %rsqrt3A, %get3A_49 : vector<1x128xf32>
    %mul3A_51 = vector.broadcast %mul3A_50 : vector<1x128xf32> to vector<8192x128xf32>
    %mul3A_52 = arith.mulf %sub3A_30, %mul3A_51 : vector<8192x128xf32>
    %get3A_53 = arith.constant 0 : index
    %get3A_54 = arith.constant 0 : index
    %get3A_55 = vector.load %arg4[%get3A_53, %get3A_54] : memref<1x128xf32, #tpu.memory_space<vmem>>, vector<1x128xf32>
    %add3A_56 = vector.broadcast %get3A_55 : vector<1x128xf32> to vector<8192x128xf32>
    %add3A_57 = arith.addf %mul3A_52, %add3A_56 : vector<8192x128xf32>
    %max3A = arith.constant 0.000000e+00 : f32
    %max3A_58 = vector.broadcast %max3A : f32 to vector<8192x128xf32>
    %max3A_59 = arith.maximumf %add3A_57, %max3A_58 : vector<8192x128xf32>
    %mul3A_60 = vector.broadcast %mul3A_50 : vector<1x128xf32> to vector<8192x128xf32>
    %mul3A_61 = arith.mulf %sub3A_32, %mul3A_60 : vector<8192x128xf32>
    %get3A_62 = arith.constant 0 : index
    %get3A_63 = arith.constant 0 : index
    %get3A_64 = vector.load %arg4[%get3A_62, %get3A_63] : memref<1x128xf32, #tpu.memory_space<vmem>>, vector<1x128xf32>
    %add3A_65 = vector.broadcast %get3A_64 : vector<1x128xf32> to vector<8192x128xf32>
    %add3A_66 = arith.addf %mul3A_61, %add3A_65 : vector<8192x128xf32>
    %max3A_67 = arith.constant 0.000000e+00 : f32
    %max3A_68 = vector.broadcast %max3A_67 : f32 to vector<8192x128xf32>
    %max3A_69 = arith.maximumf %add3A_66, %max3A_68 : vector<8192x128xf32>
    %get3A_70 = arith.constant 0 : index
    %get3A_71 = arith.constant 0 : index
    %get3A_72 = vector.load %arg5[%get3A_70, %get3A_71] : memref<128x128xf32, #tpu.memory_space<vmem>>, vector<128x128xf32>
    %dot_general3A_73 = arith.constant dense<0.000000e+00> : vector<8192x128xf32>
    %dot_general3A_74 = tpu.matmul %max3A_59, %get3A_72, %dot_general3A_73 {dimension_numbers = #tpu.dot_dimension_numbers<[1], [1], [0], [0], [0, 0, 1, 0], [], []>, transpose_lhs_hint = false} : vector<8192x128xf32>, vector<128x128xf32>, vector<8192x128xf32> -> vector<8192x128xf32>
    %dot_general3A_75 = arith.constant dense<0.000000e+00> : vector<8192x128xf32>
    %dot_general3A_76 = tpu.matmul %max3A_69, %get3A_72, %dot_general3A_75 {dimension_numbers = #tpu.dot_dimension_numbers<[1], [1], [0], [0], [0, 0, 1, 0], [], []>, transpose_lhs_hint = false} : vector<8192x128xf32>, vector<128x128xf32>, vector<8192x128xf32> -> vector<8192x128xf32>
    %reduce_sum3A_77 = arith.constant dense<0.000000e+00> : vector<128xf32>
    %reduce_sum3A_78 = vector.multi_reduction <add>, %dot_general3A_74, %reduce_sum3A_77 [0] : vector<8192x128xf32> to vector<128xf32>
    %broadcast_in_dim3A_79 = vector.shape_cast %reduce_sum3A_78 : vector<128xf32> to vector<1x128xf32>
    %reduce_sum3A_80 = arith.constant dense<0.000000e+00> : vector<128xf32>
    %reduce_sum3A_81 = vector.multi_reduction <add>, %dot_general3A_76, %reduce_sum3A_80 [0] : vector<8192x128xf32> to vector<128xf32>
    %broadcast_in_dim3A_82 = vector.shape_cast %reduce_sum3A_81 : vector<128xf32> to vector<1x128xf32>
    %add3A_83 = arith.addf %broadcast_in_dim3A_79, %broadcast_in_dim3A_82 : vector<1x128xf32>
    %div3A_84 = arith.constant 1.638400e+04 : f32
    %div3A_85 = vector.broadcast %div3A_84 : f32 to vector<1x128xf32>
    %div3A_86 = arith.divf %add3A_83, %div3A_85 : vector<1x128xf32>
    %sub3A_87 = vector.broadcast %div3A_86 : vector<1x128xf32> to vector<8192x128xf32>
    %sub3A_88 = arith.subf %dot_general3A_74, %sub3A_87 : vector<8192x128xf32>
    %sub3A_89 = vector.broadcast %div3A_86 : vector<1x128xf32> to vector<8192x128xf32>
    %sub3A_90 = arith.subf %dot_general3A_76, %sub3A_89 : vector<8192x128xf32>
    %mul3A_91 = arith.mulf %sub3A_88, %sub3A_88 : vector<8192x128xf32>
    %reduce_sum3A_92 = arith.constant dense<0.000000e+00> : vector<128xf32>
    %reduce_sum3A_93 = vector.multi_reduction <add>, %mul3A_91, %reduce_sum3A_92 [0] : vector<8192x128xf32> to vector<128xf32>
    %broadcast_in_dim3A_94 = vector.shape_cast %reduce_sum3A_93 : vector<128xf32> to vector<1x128xf32>
    %mul3A_95 = arith.mulf %sub3A_90, %sub3A_90 : vector<8192x128xf32>
    %reduce_sum3A_96 = arith.constant dense<0.000000e+00> : vector<128xf32>
    %reduce_sum3A_97 = vector.multi_reduction <add>, %mul3A_95, %reduce_sum3A_96 [0] : vector<8192x128xf32> to vector<128xf32>
    %broadcast_in_dim3A_98 = vector.shape_cast %reduce_sum3A_97 : vector<128xf32> to vector<1x128xf32>
    %add3A_99 = arith.addf %broadcast_in_dim3A_94, %broadcast_in_dim3A_98 : vector<1x128xf32>
    %div3A_100 = arith.constant 1.638400e+04 : f32
    %div3A_101 = vector.broadcast %div3A_100 : f32 to vector<1x128xf32>
    %div3A_102 = arith.divf %add3A_99, %div3A_101 : vector<1x128xf32>
    %add3A_103 = arith.constant 9.99999974E-6 : f32
    %add3A_104 = vector.broadcast %add3A_103 : f32 to vector<1x128xf32>
    %add3A_105 = arith.addf %div3A_102, %add3A_104 : vector<1x128xf32>
    %rsqrt3A_106 = math.rsqrt %add3A_105 : vector<1x128xf32>
    %get3A_107 = arith.constant 0 : index
    %get3A_108 = arith.constant 0 : index
    %get3A_109 = vector.load %arg6[%get3A_107, %get3A_108] : memref<1x128xf32, #tpu.memory_space<vmem>>, vector<1x128xf32>
    %mul3A_110 = arith.mulf %rsqrt3A_106, %get3A_109 : vector<1x128xf32>
    %mul3A_111 = vector.broadcast %mul3A_110 : vector<1x128xf32> to vector<8192x128xf32>
    %mul3A_112 = arith.mulf %sub3A_88, %mul3A_111 : vector<8192x128xf32>
    %get3A_113 = arith.constant 0 : index
    %get3A_114 = arith.constant 0 : index
    %get3A_115 = vector.load %arg7[%get3A_113, %get3A_114] : memref<1x128xf32, #tpu.memory_space<vmem>>, vector<1x128xf32>
    %add3A_116 = vector.broadcast %get3A_115 : vector<1x128xf32> to vector<8192x128xf32>
    %add3A_117 = arith.addf %mul3A_112, %add3A_116 : vector<8192x128xf32>
    %max3A_118 = arith.constant 0.000000e+00 : f32
    %max3A_119 = vector.broadcast %max3A_118 : f32 to vector<8192x128xf32>
    %max3A_120 = arith.maximumf %add3A_117, %max3A_119 : vector<8192x128xf32>
    %mul3A_121 = vector.broadcast %mul3A_110 : vector<1x128xf32> to vector<8192x128xf32>
    %mul3A_122 = arith.mulf %sub3A_90, %mul3A_121 : vector<8192x128xf32>
    %get3A_123 = arith.constant 0 : index
    %get3A_124 = arith.constant 0 : index
    %get3A_125 = vector.load %arg7[%get3A_123, %get3A_124] : memref<1x128xf32, #tpu.memory_space<vmem>>, vector<1x128xf32>
    %add3A_126 = vector.broadcast %get3A_125 : vector<1x128xf32> to vector<8192x128xf32>
    %add3A_127 = arith.addf %mul3A_122, %add3A_126 : vector<8192x128xf32>
    %max3A_128 = arith.constant 0.000000e+00 : f32
    %max3A_129 = vector.broadcast %max3A_128 : f32 to vector<8192x128xf32>
    %max3A_130 = arith.maximumf %add3A_127, %max3A_129 : vector<8192x128xf32>
    %get3A_131 = arith.constant 0 : index
    %get3A_132 = arith.constant 0 : index
    %get3A_133 = memref.load %arg8[%get3A_131, %get3A_132] : memref<1x1xf32, #tpu.memory_space<smem>>
    %add3A_134 = arith.constant 1.000000e+00 : f32
    %add3A_135 = arith.addf %add3A_134, %get3A_133 : f32
    %get3A_136 = arith.constant 0 : index
    %get3A_137 = arith.constant 0 : index
    %get3A_138 = vector.load %arg1[%get3A_136, %get3A_137] : memref<8192x256xf32, #tpu.memory_space<vmem>>, vector<8192x256xf32>
    %slice3A_139 = vector.extract_strided_slice %get3A_138 {offsets = [0, 0], sizes = [8192, 128], strides = [1, 1]} : vector<8192x256xf32> to vector<8192x128xf32>
    %mul3A_140 = vector.broadcast %add3A_135 : f32 to vector<8192x128xf32>
    %mul3A_141 = arith.mulf %mul3A_140, %slice3A_139 : vector<8192x128xf32>
    %add3A_142 = arith.addf %mul3A_141, %max3A_120 : vector<8192x128xf32>
    %slice3A_143 = vector.extract_strided_slice %get3A_138 {offsets = [0, 128], sizes = [8192, 128], strides = [1, 1]} : vector<8192x256xf32> to vector<8192x128xf32>
    %mul3A_144 = vector.broadcast %add3A_135 : f32 to vector<8192x128xf32>
    %mul3A_145 = arith.mulf %mul3A_144, %slice3A_143 : vector<8192x128xf32>
    %add3A_146 = arith.addf %mul3A_145, %max3A_130 : vector<8192x128xf32>
    %concatenate3A = tpu.concatenate %add3A_142, %add3A_146 in 1 : vector<8192x128xf32>, vector<8192x128xf32> -> vector<8192x256xf32>
    %swap3A = arith.constant 0 : index
    %swap3A_147 = arith.constant 0 : index
    %swap3A_148 = vector.load %arg10[%swap3A, %swap3A_147] : memref<8192x256xf32, #tpu.memory_space<vmem>>, vector<8192x256xf32>
    tpu.vector_store %arg10[%swap3A, %swap3A_147], %concatenate3A {strides = array<i32>} : memref<8192x256xf32, #tpu.memory_space<vmem>>, vector<8192x256xf32>,
    %slice3A_149 = vector.extract_strided_slice %add3A_142 {offsets = [0, 0], sizes = [8192, 64], strides = [1, 1]} : vector<8192x128xf32> to vector<8192x64xf32>
    %slice3A_150 = vector.extract_strided_slice %add3A_146 {offsets = [0, 0], sizes = [8192, 64], strides = [1, 1]} : vector<8192x128xf32> to vector<8192x64xf32>
    %concatenate3A_151 = tpu.concatenate %slice3A_149, %slice3A_150 in 1 : vector<8192x64xf32>, vector<8192x64xf32> -> vector<8192x128xf32>
    %swap3A_152 = arith.constant 0 : index
    %swap3A_153 = arith.constant 0 : index
    %swap3A_154 = vector.load %arg9[%swap3A_152, %swap3A_153] : memref<16384x128xf32, #tpu.memory_space<vmem>>, vector<8192x128xf32>
    tpu.vector_store %arg9[%swap3A_152, %swap3A_153], %concatenate3A_151 {strides = array<i32>} : memref<16384x128xf32, #tpu.memory_space<vmem>>, vector<8192x128xf32>,
    %slice3A_155 = vector.extract_strided_slice %add3A_142 {offsets = [0, 64], sizes = [8192, 64], strides = [1, 1]} : vector<8192x128xf32> to vector<8192x64xf32>
    %slice3A_156 = vector.extract_strided_slice %add3A_146 {offsets = [0, 64], sizes = [8192, 64], strides = [1, 1]} : vector<8192x128xf32> to vector<8192x64xf32>
    %concatenate3A_157 = tpu.concatenate %slice3A_155, %slice3A_156 in 1 : vector<8192x64xf32>, vector<8192x64xf32> -> vector<8192x128xf32>
    %swap3A_158 = arith.constant 8192 : index
    %swap3A_159 = arith.constant 0 : index
    %swap3A_160 = vector.load %arg9[%swap3A_158, %swap3A_159] : memref<16384x128xf32, #tpu.memory_space<vmem>>, vector<8192x128xf32>
    tpu.vector_store %arg9[%swap3A_158, %swap3A_159], %concatenate3A_157 {strides = array<i32>} : memref<16384x128xf32, #tpu.memory_space<vmem>>, vector<8192x128xf32>,
    return
  }
}

module attributes {stable_mosaic.version = 14 : i64} {
  func.func @_mlp_mid_body(%arg0: memref<16384x128xf32, #tpu.memory_space<vmem>>, %arg1: memref<8192x256xf32, #tpu.memory_space<vmem>>, %arg2: memref<128x128xf32, #tpu.memory_space<vmem>>, %arg3: memref<1x128xf32, #tpu.memory_space<vmem>>, %arg4: memref<1x128xf32, #tpu.memory_space<vmem>>, %arg5: memref<128x128xf32, #tpu.memory_space<vmem>>, %arg6: memref<1x128xf32, #tpu.memory_space<vmem>>, %arg7: memref<1x128xf32, #tpu.memory_space<vmem>>, %arg8: memref<1x1xf32, #tpu.memory_space<smem>>, %arg9: memref<16384x128xf32, #tpu.memory_space<vmem>>, %arg10: memref<24576x256xf32, #tpu.memory_space<any>>, %arg11: memref<8192x256xf32, #tpu.memory_space<vmem>>, %arg12: memref<!tpu.dma_semaphore, #tpu.memory_space<semaphore_mem>>) attributes {dimension_semantics = [], scalar_prefetch = 0 : i64, scratch_operands = 2 : i64, tpu.core_type = #tpu.core_type<tc>} {
    %get3A = arith.constant 0 : index
    %get3A_0 = arith.constant 0 : index
    %get3A_1 = vector.load %arg0[%get3A, %get3A_0] : memref<16384x128xf32, #tpu.memory_space<vmem>>, vector<8192x64xf32>
    %get3A_2 = arith.constant 0 : index
    %get3A_3 = arith.constant 64 : index
    %get3A_4 = vector.load %arg0[%get3A_2, %get3A_3] : memref<16384x128xf32, #tpu.memory_space<vmem>>, vector<8192x64xf32>
    %get3A_5 = arith.constant 8192 : index
    %get3A_6 = arith.constant 0 : index
    %get3A_7 = vector.load %arg0[%get3A_5, %get3A_6] : memref<16384x128xf32, #tpu.memory_space<vmem>>, vector<8192x64xf32>
    %get3A_8 = arith.constant 8192 : index
    %get3A_9 = arith.constant 64 : index
    %get3A_10 = vector.load %arg0[%get3A_8, %get3A_9] : memref<16384x128xf32, #tpu.memory_space<vmem>>, vector<8192x64xf32>
    %get3A_11 = arith.constant 0 : index
    %get3A_12 = arith.constant 0 : index
    %get3A_13 = vector.load %arg2[%get3A_11, %get3A_12] : memref<128x128xf32, #tpu.memory_space<vmem>>, vector<128x128xf32>
    %slice3A = vector.extract_strided_slice %get3A_13 {offsets = [0, 0], sizes = [128, 64], strides = [1, 1]} : vector<128x128xf32> to vector<128x64xf32>
    %slice3A_14 = vector.extract_strided_slice %get3A_13 {offsets = [0, 64], sizes = [128, 64], strides = [1, 1]} : vector<128x128xf32> to vector<128x64xf32>
    %dot_general3A = arith.constant dense<0.000000e+00> : vector<8192x128xf32>
    %dot_general3A_15 = tpu.matmul %get3A_1, %slice3A, %dot_general3A {dimension_numbers = #tpu.dot_dimension_numbers<[1], [1], [0], [0], [0, 0, 1, 0], [], []>, transpose_lhs_hint = false} : vector<8192x64xf32>, vector<128x64xf32>, vector<8192x128xf32> -> vector<8192x128xf32>
    %dot_general3A_16 = arith.constant dense<0.000000e+00> : vector<8192x128xf32>
    %dot_general3A_17 = tpu.matmul %get3A_7, %slice3A_14, %dot_general3A_16 {dimension_numbers = #tpu.dot_dimension_numbers<[1], [1], [0], [0], [0, 0, 1, 0], [], []>, transpose_lhs_hint = false} : vector<8192x64xf32>, vector<128x64xf32>, vector<8192x128xf32> -> vector<8192x128xf32>
    %add3A = arith.addf %dot_general3A_15, %dot_general3A_17 : vector<8192x128xf32>
    %dot_general3A_18 = arith.constant dense<0.000000e+00> : vector<8192x128xf32>
    %dot_general3A_19 = tpu.matmul %get3A_4, %slice3A, %dot_general3A_18 {dimension_numbers = #tpu.dot_dimension_numbers<[1], [1], [0], [0], [0, 0, 1, 0], [], []>, transpose_lhs_hint = false} : vector<8192x64xf32>, vector<128x64xf32>, vector<8192x128xf32> -> vector<8192x128xf32>
    %dot_general3A_20 = arith.constant dense<0.000000e+00> : vector<8192x128xf32>
    %dot_general3A_21 = tpu.matmul %get3A_10, %slice3A_14, %dot_general3A_20 {dimension_numbers = #tpu.dot_dimension_numbers<[1], [1], [0], [0], [0, 0, 1, 0], [], []>, transpose_lhs_hint = false} : vector<8192x64xf32>, vector<128x64xf32>, vector<8192x128xf32> -> vector<8192x128xf32>
    %add3A_22 = arith.addf %dot_general3A_19, %dot_general3A_21 : vector<8192x128xf32>
    %reduce_sum3A = arith.constant dense<0.000000e+00> : vector<128xf32>
    %reduce_sum3A_23 = vector.multi_reduction <add>, %add3A, %reduce_sum3A [0] : vector<8192x128xf32> to vector<128xf32>
    %broadcast_in_dim3A = vector.shape_cast %reduce_sum3A_23 : vector<128xf32> to vector<1x128xf32>
    %reduce_sum3A_24 = arith.constant dense<0.000000e+00> : vector<128xf32>
    %reduce_sum3A_25 = vector.multi_reduction <add>, %add3A_22, %reduce_sum3A_24 [0] : vector<8192x128xf32> to vector<128xf32>
    %broadcast_in_dim3A_26 = vector.shape_cast %reduce_sum3A_25 : vector<128xf32> to vector<1x128xf32>
    %add3A_27 = arith.addf %broadcast_in_dim3A, %broadcast_in_dim3A_26 : vector<1x128xf32>
    %div3A = arith.constant 1.638400e+04 : f32
    %div3A_28 = vector.broadcast %div3A : f32 to vector<1x128xf32>
    %div3A_29 = arith.divf %add3A_27, %div3A_28 : vector<1x128xf32>
    %sub3A = vector.broadcast %div3A_29 : vector<1x128xf32> to vector<8192x128xf32>
    %sub3A_30 = arith.subf %add3A, %sub3A : vector<8192x128xf32>
    %sub3A_31 = vector.broadcast %div3A_29 : vector<1x128xf32> to vector<8192x128xf32>
    %sub3A_32 = arith.subf %add3A_22, %sub3A_31 : vector<8192x128xf32>
    %mul3A = arith.mulf %sub3A_30, %sub3A_30 : vector<8192x128xf32>
    %reduce_sum3A_33 = arith.constant dense<0.000000e+00> : vector<128xf32>
    %reduce_sum3A_34 = vector.multi_reduction <add>, %mul3A, %reduce_sum3A_33 [0] : vector<8192x128xf32> to vector<128xf32>
    %broadcast_in_dim3A_35 = vector.shape_cast %reduce_sum3A_34 : vector<128xf32> to vector<1x128xf32>
    %mul3A_36 = arith.mulf %sub3A_32, %sub3A_32 : vector<8192x128xf32>
    %reduce_sum3A_37 = arith.constant dense<0.000000e+00> : vector<128xf32>
    %reduce_sum3A_38 = vector.multi_reduction <add>, %mul3A_36, %reduce_sum3A_37 [0] : vector<8192x128xf32> to vector<128xf32>
    %broadcast_in_dim3A_39 = vector.shape_cast %reduce_sum3A_38 : vector<128xf32> to vector<1x128xf32>
    %add3A_40 = arith.addf %broadcast_in_dim3A_35, %broadcast_in_dim3A_39 : vector<1x128xf32>
    %div3A_41 = arith.constant 1.638400e+04 : f32
    %div3A_42 = vector.broadcast %div3A_41 : f32 to vector<1x128xf32>
    %div3A_43 = arith.divf %add3A_40, %div3A_42 : vector<1x128xf32>
    %add3A_44 = arith.constant 9.99999974E-6 : f32
    %add3A_45 = vector.broadcast %add3A_44 : f32 to vector<1x128xf32>
    %add3A_46 = arith.addf %div3A_43, %add3A_45 : vector<1x128xf32>
    %rsqrt3A = math.rsqrt %add3A_46 : vector<1x128xf32>
    %get3A_47 = arith.constant 0 : index
    %get3A_48 = arith.constant 0 : index
    %get3A_49 = vector.load %arg3[%get3A_47, %get3A_48] : memref<1x128xf32, #tpu.memory_space<vmem>>, vector<1x128xf32>
    %mul3A_50 = arith.mulf %rsqrt3A, %get3A_49 : vector<1x128xf32>
    %mul3A_51 = vector.broadcast %mul3A_50 : vector<1x128xf32> to vector<8192x128xf32>
    %mul3A_52 = arith.mulf %sub3A_30, %mul3A_51 : vector<8192x128xf32>
    %get3A_53 = arith.constant 0 : index
    %get3A_54 = arith.constant 0 : index
    %get3A_55 = vector.load %arg4[%get3A_53, %get3A_54] : memref<1x128xf32, #tpu.memory_space<vmem>>, vector<1x128xf32>
    %add3A_56 = vector.broadcast %get3A_55 : vector<1x128xf32> to vector<8192x128xf32>
    %add3A_57 = arith.addf %mul3A_52, %add3A_56 : vector<8192x128xf32>
    %max3A = arith.constant 0.000000e+00 : f32
    %max3A_58 = vector.broadcast %max3A : f32 to vector<8192x128xf32>
    %max3A_59 = arith.maximumf %add3A_57, %max3A_58 : vector<8192x128xf32>
    %mul3A_60 = vector.broadcast %mul3A_50 : vector<1x128xf32> to vector<8192x128xf32>
    %mul3A_61 = arith.mulf %sub3A_32, %mul3A_60 : vector<8192x128xf32>
    %get3A_62 = arith.constant 0 : index
    %get3A_63 = arith.constant 0 : index
    %get3A_64 = vector.load %arg4[%get3A_62, %get3A_63] : memref<1x128xf32, #tpu.memory_space<vmem>>, vector<1x128xf32>
    %add3A_65 = vector.broadcast %get3A_64 : vector<1x128xf32> to vector<8192x128xf32>
    %add3A_66 = arith.addf %mul3A_61, %add3A_65 : vector<8192x128xf32>
    %max3A_67 = arith.constant 0.000000e+00 : f32
    %max3A_68 = vector.broadcast %max3A_67 : f32 to vector<8192x128xf32>
    %max3A_69 = arith.maximumf %add3A_66, %max3A_68 : vector<8192x128xf32>
    %get3A_70 = arith.constant 0 : index
    %get3A_71 = arith.constant 0 : index
    %get3A_72 = vector.load %arg5[%get3A_70, %get3A_71] : memref<128x128xf32, #tpu.memory_space<vmem>>, vector<128x128xf32>
    %dot_general3A_73 = arith.constant dense<0.000000e+00> : vector<8192x128xf32>
    %dot_general3A_74 = tpu.matmul %max3A_59, %get3A_72, %dot_general3A_73 {dimension_numbers = #tpu.dot_dimension_numbers<[1], [1], [0], [0], [0, 0, 1, 0], [], []>, transpose_lhs_hint = false} : vector<8192x128xf32>, vector<128x128xf32>, vector<8192x128xf32> -> vector<8192x128xf32>
    %dot_general3A_75 = arith.constant dense<0.000000e+00> : vector<8192x128xf32>
    %dot_general3A_76 = tpu.matmul %max3A_69, %get3A_72, %dot_general3A_75 {dimension_numbers = #tpu.dot_dimension_numbers<[1], [1], [0], [0], [0, 0, 1, 0], [], []>, transpose_lhs_hint = false} : vector<8192x128xf32>, vector<128x128xf32>, vector<8192x128xf32> -> vector<8192x128xf32>
    %reduce_sum3A_77 = arith.constant dense<0.000000e+00> : vector<128xf32>
    %reduce_sum3A_78 = vector.multi_reduction <add>, %dot_general3A_74, %reduce_sum3A_77 [0] : vector<8192x128xf32> to vector<128xf32>
    %broadcast_in_dim3A_79 = vector.shape_cast %reduce_sum3A_78 : vector<128xf32> to vector<1x128xf32>
    %reduce_sum3A_80 = arith.constant dense<0.000000e+00> : vector<128xf32>
    %reduce_sum3A_81 = vector.multi_reduction <add>, %dot_general3A_76, %reduce_sum3A_80 [0] : vector<8192x128xf32> to vector<128xf32>
    %broadcast_in_dim3A_82 = vector.shape_cast %reduce_sum3A_81 : vector<128xf32> to vector<1x128xf32>
    %add3A_83 = arith.addf %broadcast_in_dim3A_79, %broadcast_in_dim3A_82 : vector<1x128xf32>
    %div3A_84 = arith.constant 1.638400e+04 : f32
    %div3A_85 = vector.broadcast %div3A_84 : f32 to vector<1x128xf32>
    %div3A_86 = arith.divf %add3A_83, %div3A_85 : vector<1x128xf32>
    %sub3A_87 = vector.broadcast %div3A_86 : vector<1x128xf32> to vector<8192x128xf32>
    %sub3A_88 = arith.subf %dot_general3A_74, %sub3A_87 : vector<8192x128xf32>
    %sub3A_89 = vector.broadcast %div3A_86 : vector<1x128xf32> to vector<8192x128xf32>
    %sub3A_90 = arith.subf %dot_general3A_76, %sub3A_89 : vector<8192x128xf32>
    %mul3A_91 = arith.mulf %sub3A_88, %sub3A_88 : vector<8192x128xf32>
    %reduce_sum3A_92 = arith.constant dense<0.000000e+00> : vector<128xf32>
    %reduce_sum3A_93 = vector.multi_reduction <add>, %mul3A_91, %reduce_sum3A_92 [0] : vector<8192x128xf32> to vector<128xf32>
    %broadcast_in_dim3A_94 = vector.shape_cast %reduce_sum3A_93 : vector<128xf32> to vector<1x128xf32>
    %mul3A_95 = arith.mulf %sub3A_90, %sub3A_90 : vector<8192x128xf32>
    %reduce_sum3A_96 = arith.constant dense<0.000000e+00> : vector<128xf32>
    %reduce_sum3A_97 = vector.multi_reduction <add>, %mul3A_95, %reduce_sum3A_96 [0] : vector<8192x128xf32> to vector<128xf32>
    %broadcast_in_dim3A_98 = vector.shape_cast %reduce_sum3A_97 : vector<128xf32> to vector<1x128xf32>
    %add3A_99 = arith.addf %broadcast_in_dim3A_94, %broadcast_in_dim3A_98 : vector<1x128xf32>
    %div3A_100 = arith.constant 1.638400e+04 : f32
    %div3A_101 = vector.broadcast %div3A_100 : f32 to vector<1x128xf32>
    %div3A_102 = arith.divf %add3A_99, %div3A_101 : vector<1x128xf32>
    %add3A_103 = arith.constant 9.99999974E-6 : f32
    %add3A_104 = vector.broadcast %add3A_103 : f32 to vector<1x128xf32>
    %add3A_105 = arith.addf %div3A_102, %add3A_104 : vector<1x128xf32>
    %rsqrt3A_106 = math.rsqrt %add3A_105 : vector<1x128xf32>
    %get3A_107 = arith.constant 0 : index
    %get3A_108 = arith.constant 0 : index
    %get3A_109 = vector.load %arg6[%get3A_107, %get3A_108] : memref<1x128xf32, #tpu.memory_space<vmem>>, vector<1x128xf32>
    %mul3A_110 = arith.mulf %rsqrt3A_106, %get3A_109 : vector<1x128xf32>
    %mul3A_111 = vector.broadcast %mul3A_110 : vector<1x128xf32> to vector<8192x128xf32>
    %mul3A_112 = arith.mulf %sub3A_88, %mul3A_111 : vector<8192x128xf32>
    %get3A_113 = arith.constant 0 : index
    %get3A_114 = arith.constant 0 : index
    %get3A_115 = vector.load %arg7[%get3A_113, %get3A_114] : memref<1x128xf32, #tpu.memory_space<vmem>>, vector<1x128xf32>
    %add3A_116 = vector.broadcast %get3A_115 : vector<1x128xf32> to vector<8192x128xf32>
    %add3A_117 = arith.addf %mul3A_112, %add3A_116 : vector<8192x128xf32>
    %max3A_118 = arith.constant 0.000000e+00 : f32
    %max3A_119 = vector.broadcast %max3A_118 : f32 to vector<8192x128xf32>
    %max3A_120 = arith.maximumf %add3A_117, %max3A_119 : vector<8192x128xf32>
    %mul3A_121 = vector.broadcast %mul3A_110 : vector<1x128xf32> to vector<8192x128xf32>
    %mul3A_122 = arith.mulf %sub3A_90, %mul3A_121 : vector<8192x128xf32>
    %get3A_123 = arith.constant 0 : index
    %get3A_124 = arith.constant 0 : index
    %get3A_125 = vector.load %arg7[%get3A_123, %get3A_124] : memref<1x128xf32, #tpu.memory_space<vmem>>, vector<1x128xf32>
    %add3A_126 = vector.broadcast %get3A_125 : vector<1x128xf32> to vector<8192x128xf32>
    %add3A_127 = arith.addf %mul3A_122, %add3A_126 : vector<8192x128xf32>
    %max3A_128 = arith.constant 0.000000e+00 : f32
    %max3A_129 = vector.broadcast %max3A_128 : f32 to vector<8192x128xf32>
    %max3A_130 = arith.maximumf %add3A_127, %max3A_129 : vector<8192x128xf32>
    %get3A_131 = arith.constant 0 : index
    %get3A_132 = arith.constant 0 : index
    %get3A_133 = memref.load %arg8[%get3A_131, %get3A_132] : memref<1x1xf32, #tpu.memory_space<smem>>
    %add3A_134 = arith.constant 1.000000e+00 : f32
    %add3A_135 = arith.addf %add3A_134, %get3A_133 : f32
    %get3A_136 = arith.constant 0 : index
    %get3A_137 = arith.constant 0 : index
    %get3A_138 = vector.load %arg1[%get3A_136, %get3A_137] : memref<8192x256xf32, #tpu.memory_space<vmem>>, vector<8192x256xf32>
    %slice3A_139 = vector.extract_strided_slice %get3A_138 {offsets = [0, 0], sizes = [8192, 128], strides = [1, 1]} : vector<8192x256xf32> to vector<8192x128xf32>
    %mul3A_140 = vector.broadcast %add3A_135 : f32 to vector<8192x128xf32>
    %mul3A_141 = arith.mulf %mul3A_140, %slice3A_139 : vector<8192x128xf32>
    %add3A_142 = arith.addf %mul3A_141, %max3A_120 : vector<8192x128xf32>
    %slice3A_143 = vector.extract_strided_slice %get3A_138 {offsets = [0, 128], sizes = [8192, 128], strides = [1, 1]} : vector<8192x256xf32> to vector<8192x128xf32>
    %mul3A_144 = vector.broadcast %add3A_135 : f32 to vector<8192x128xf32>
    %mul3A_145 = arith.mulf %mul3A_144, %slice3A_143 : vector<8192x128xf32>
    %add3A_146 = arith.addf %mul3A_145, %max3A_130 : vector<8192x128xf32>
    %slice3A_147 = vector.extract_strided_slice %add3A_142 {offsets = [0, 0], sizes = [8192, 64], strides = [1, 1]} : vector<8192x128xf32> to vector<8192x64xf32>
    %slice3A_148 = vector.extract_strided_slice %add3A_146 {offsets = [0, 0], sizes = [8192, 64], strides = [1, 1]} : vector<8192x128xf32> to vector<8192x64xf32>
    %concatenate3A = tpu.concatenate %slice3A_147, %slice3A_148 in 1 : vector<8192x64xf32>, vector<8192x64xf32> -> vector<8192x128xf32>
    %swap3A = arith.constant 0 : index
    %swap3A_149 = arith.constant 0 : index
    %swap3A_150 = vector.load %arg9[%swap3A, %swap3A_149] : memref<16384x128xf32, #tpu.memory_space<vmem>>, vector<8192x128xf32>
    tpu.vector_store %arg9[%swap3A, %swap3A_149], %concatenate3A {strides = array<i32>} : memref<16384x128xf32, #tpu.memory_space<vmem>>, vector<8192x128xf32>,
    %slice3A_151 = vector.extract_strided_slice %add3A_142 {offsets = [0, 64], sizes = [8192, 64], strides = [1, 1]} : vector<8192x128xf32> to vector<8192x64xf32>
    %slice3A_152 = vector.extract_strided_slice %add3A_146 {offsets = [0, 64], sizes = [8192, 64], strides = [1, 1]} : vector<8192x128xf32> to vector<8192x64xf32>
    %concatenate3A_153 = tpu.concatenate %slice3A_151, %slice3A_152 in 1 : vector<8192x64xf32>, vector<8192x64xf32> -> vector<8192x128xf32>
    %swap3A_154 = arith.constant 8192 : index
    %swap3A_155 = arith.constant 0 : index
    %swap3A_156 = vector.load %arg9[%swap3A_154, %swap3A_155] : memref<16384x128xf32, #tpu.memory_space<vmem>>, vector<8192x128xf32>
    tpu.vector_store %arg9[%swap3A_154, %swap3A_155], %concatenate3A_153 {strides = array<i32>} : memref<16384x128xf32, #tpu.memory_space<vmem>>, vector<8192x128xf32>,
    %concatenate3A_157 = tpu.concatenate %add3A_142, %add3A_146 in 1 : vector<8192x128xf32>, vector<8192x128xf32> -> vector<8192x256xf32>
    %swap3A_158 = arith.constant 0 : index
    %swap3A_159 = arith.constant 0 : index
    %swap3A_160 = vector.load %arg11[%swap3A_158, %swap3A_159] : memref<8192x256xf32, #tpu.memory_space<vmem>>, vector<8192x256xf32>
    tpu.vector_store %arg11[%swap3A_158, %swap3A_159], %concatenate3A_157 {strides = array<i32>} : memref<8192x256xf32, #tpu.memory_space<vmem>>, vector<8192x256xf32>,
    %dma_start3A = arith.constant 0 : i32
    %dma_start3A_161 = arith.constant 0 : i32
    %dma_start3A_162 = tpu.memref_slice %arg10[%dma_start3A, %dma_start3A_161] : memref<24576x256xf32, #tpu.memory_space<any>> -> memref<8192x256xf32, #tpu.memory_space<any>>
    tpu.enqueue_dma source(%arg11 : memref<8192x256xf32, #tpu.memory_space<vmem>>) target(%dma_start3A_162 : memref<8192x256xf32, #tpu.memory_space<any>>) target_semaphore(%arg12 : memref<!tpu.dma_semaphore, #tpu.memory_space<semaphore_mem>>)
    %dma_wait3A = arith.constant 0 : i32
    %dma_wait3A_163 = arith.constant 0 : i32
    %dma_wait3A_164 = tpu.memref_slice %arg10[%dma_wait3A, %dma_wait3A_163] : memref<24576x256xf32, #tpu.memory_space<any>> -> memref<8192x256xf32, #tpu.memory_space<any>>
    tpu.wait_dma2 semaphore(%arg12 : memref<!tpu.dma_semaphore, #tpu.memory_space<semaphore_mem>>) src(%arg11 : memref<8192x256xf32, #tpu.memory_space<vmem>>) dst(%dma_wait3A_164 : memref<8192x256xf32, #tpu.memory_space<any>>)
    return
  }
}

module attributes {stable_mosaic.version = 14 : i64} {
  func.func @_mlp_mid2_body(%arg0: memref<16384x128xf32, #tpu.memory_space<vmem>>, %arg1: memref<8192x256xf32, #tpu.memory_space<vmem>>, %arg2: memref<128x128xf32, #tpu.memory_space<vmem>>, %arg3: memref<1x128xf32, #tpu.memory_space<vmem>>, %arg4: memref<1x128xf32, #tpu.memory_space<vmem>>, %arg5: memref<128x128xf32, #tpu.memory_space<vmem>>, %arg6: memref<1x128xf32, #tpu.memory_space<vmem>>, %arg7: memref<1x128xf32, #tpu.memory_space<vmem>>, %arg8: memref<1x1xf32, #tpu.memory_space<smem>>, %arg9: memref<24576x256xf32, #tpu.memory_space<any>>, %arg10: memref<16384x128xf32, #tpu.memory_space<vmem>>, %arg11: memref<24576x256xf32, #tpu.memory_space<any>>, %arg12: memref<8192x256xf32, #tpu.memory_space<vmem>>, %arg13: memref<!tpu.dma_semaphore, #tpu.memory_space<semaphore_mem>>) attributes {dimension_semantics = [], scalar_prefetch = 0 : i64, scratch_operands = 2 : i64, tpu.core_type = #tpu.core_type<tc>} {
    %get3A = arith.constant 0 : index
    %get3A_0 = arith.constant 0 : index
    %get3A_1 = vector.load %arg0[%get3A, %get3A_0] : memref<16384x128xf32, #tpu.memory_space<vmem>>, vector<8192x64xf32>
    %get3A_2 = arith.constant 0 : index
    %get3A_3 = arith.constant 64 : index
    %get3A_4 = vector.load %arg0[%get3A_2, %get3A_3] : memref<16384x128xf32, #tpu.memory_space<vmem>>, vector<8192x64xf32>
    %get3A_5 = arith.constant 8192 : index
    %get3A_6 = arith.constant 0 : index
    %get3A_7 = vector.load %arg0[%get3A_5, %get3A_6] : memref<16384x128xf32, #tpu.memory_space<vmem>>, vector<8192x64xf32>
    %get3A_8 = arith.constant 8192 : index
    %get3A_9 = arith.constant 64 : index
    %get3A_10 = vector.load %arg0[%get3A_8, %get3A_9] : memref<16384x128xf32, #tpu.memory_space<vmem>>, vector<8192x64xf32>
    %get3A_11 = arith.constant 0 : index
    %get3A_12 = arith.constant 0 : index
    %get3A_13 = vector.load %arg2[%get3A_11, %get3A_12] : memref<128x128xf32, #tpu.memory_space<vmem>>, vector<128x128xf32>
    %slice3A = vector.extract_strided_slice %get3A_13 {offsets = [0, 0], sizes = [128, 64], strides = [1, 1]} : vector<128x128xf32> to vector<128x64xf32>
    %slice3A_14 = vector.extract_strided_slice %get3A_13 {offsets = [0, 64], sizes = [128, 64], strides = [1, 1]} : vector<128x128xf32> to vector<128x64xf32>
    %dot_general3A = arith.constant dense<0.000000e+00> : vector<8192x128xf32>
    %dot_general3A_15 = tpu.matmul %get3A_1, %slice3A, %dot_general3A {dimension_numbers = #tpu.dot_dimension_numbers<[1], [1], [0], [0], [0, 0, 1, 0], [], []>, transpose_lhs_hint = false} : vector<8192x64xf32>, vector<128x64xf32>, vector<8192x128xf32> -> vector<8192x128xf32>
    %dot_general3A_16 = arith.constant dense<0.000000e+00> : vector<8192x128xf32>
    %dot_general3A_17 = tpu.matmul %get3A_7, %slice3A_14, %dot_general3A_16 {dimension_numbers = #tpu.dot_dimension_numbers<[1], [1], [0], [0], [0, 0, 1, 0], [], []>, transpose_lhs_hint = false} : vector<8192x64xf32>, vector<128x64xf32>, vector<8192x128xf32> -> vector<8192x128xf32>
    %add3A = arith.addf %dot_general3A_15, %dot_general3A_17 : vector<8192x128xf32>
    %dot_general3A_18 = arith.constant dense<0.000000e+00> : vector<8192x128xf32>
    %dot_general3A_19 = tpu.matmul %get3A_4, %slice3A, %dot_general3A_18 {dimension_numbers = #tpu.dot_dimension_numbers<[1], [1], [0], [0], [0, 0, 1, 0], [], []>, transpose_lhs_hint = false} : vector<8192x64xf32>, vector<128x64xf32>, vector<8192x128xf32> -> vector<8192x128xf32>
    %dot_general3A_20 = arith.constant dense<0.000000e+00> : vector<8192x128xf32>
    %dot_general3A_21 = tpu.matmul %get3A_10, %slice3A_14, %dot_general3A_20 {dimension_numbers = #tpu.dot_dimension_numbers<[1], [1], [0], [0], [0, 0, 1, 0], [], []>, transpose_lhs_hint = false} : vector<8192x64xf32>, vector<128x64xf32>, vector<8192x128xf32> -> vector<8192x128xf32>
    %add3A_22 = arith.addf %dot_general3A_19, %dot_general3A_21 : vector<8192x128xf32>
    %reduce_sum3A = arith.constant dense<0.000000e+00> : vector<128xf32>
    %reduce_sum3A_23 = vector.multi_reduction <add>, %add3A, %reduce_sum3A [0] : vector<8192x128xf32> to vector<128xf32>
    %broadcast_in_dim3A = vector.shape_cast %reduce_sum3A_23 : vector<128xf32> to vector<1x128xf32>
    %reduce_sum3A_24 = arith.constant dense<0.000000e+00> : vector<128xf32>
    %reduce_sum3A_25 = vector.multi_reduction <add>, %add3A_22, %reduce_sum3A_24 [0] : vector<8192x128xf32> to vector<128xf32>
    %broadcast_in_dim3A_26 = vector.shape_cast %reduce_sum3A_25 : vector<128xf32> to vector<1x128xf32>
    %add3A_27 = arith.addf %broadcast_in_dim3A, %broadcast_in_dim3A_26 : vector<1x128xf32>
    %div3A = arith.constant 1.638400e+04 : f32
    %div3A_28 = vector.broadcast %div3A : f32 to vector<1x128xf32>
    %div3A_29 = arith.divf %add3A_27, %div3A_28 : vector<1x128xf32>
    %sub3A = vector.broadcast %div3A_29 : vector<1x128xf32> to vector<8192x128xf32>
    %sub3A_30 = arith.subf %add3A, %sub3A : vector<8192x128xf32>
    %sub3A_31 = vector.broadcast %div3A_29 : vector<1x128xf32> to vector<8192x128xf32>
    %sub3A_32 = arith.subf %add3A_22, %sub3A_31 : vector<8192x128xf32>
    %mul3A = arith.mulf %sub3A_30, %sub3A_30 : vector<8192x128xf32>
    %reduce_sum3A_33 = arith.constant dense<0.000000e+00> : vector<128xf32>
    %reduce_sum3A_34 = vector.multi_reduction <add>, %mul3A, %reduce_sum3A_33 [0] : vector<8192x128xf32> to vector<128xf32>
    %broadcast_in_dim3A_35 = vector.shape_cast %reduce_sum3A_34 : vector<128xf32> to vector<1x128xf32>
    %mul3A_36 = arith.mulf %sub3A_32, %sub3A_32 : vector<8192x128xf32>
    %reduce_sum3A_37 = arith.constant dense<0.000000e+00> : vector<128xf32>
    %reduce_sum3A_38 = vector.multi_reduction <add>, %mul3A_36, %reduce_sum3A_37 [0] : vector<8192x128xf32> to vector<128xf32>
    %broadcast_in_dim3A_39 = vector.shape_cast %reduce_sum3A_38 : vector<128xf32> to vector<1x128xf32>
    %add3A_40 = arith.addf %broadcast_in_dim3A_35, %broadcast_in_dim3A_39 : vector<1x128xf32>
    %div3A_41 = arith.constant 1.638400e+04 : f32
    %div3A_42 = vector.broadcast %div3A_41 : f32 to vector<1x128xf32>
    %div3A_43 = arith.divf %add3A_40, %div3A_42 : vector<1x128xf32>
    %add3A_44 = arith.constant 9.99999974E-6 : f32
    %add3A_45 = vector.broadcast %add3A_44 : f32 to vector<1x128xf32>
    %add3A_46 = arith.addf %div3A_43, %add3A_45 : vector<1x128xf32>
    %rsqrt3A = math.rsqrt %add3A_46 : vector<1x128xf32>
    %get3A_47 = arith.constant 0 : index
    %get3A_48 = arith.constant 0 : index
    %get3A_49 = vector.load %arg3[%get3A_47, %get3A_48] : memref<1x128xf32, #tpu.memory_space<vmem>>, vector<1x128xf32>
    %mul3A_50 = arith.mulf %rsqrt3A, %get3A_49 : vector<1x128xf32>
    %mul3A_51 = vector.broadcast %mul3A_50 : vector<1x128xf32> to vector<8192x128xf32>
    %mul3A_52 = arith.mulf %sub3A_30, %mul3A_51 : vector<8192x128xf32>
    %get3A_53 = arith.constant 0 : index
    %get3A_54 = arith.constant 0 : index
    %get3A_55 = vector.load %arg4[%get3A_53, %get3A_54] : memref<1x128xf32, #tpu.memory_space<vmem>>, vector<1x128xf32>
    %add3A_56 = vector.broadcast %get3A_55 : vector<1x128xf32> to vector<8192x128xf32>
    %add3A_57 = arith.addf %mul3A_52, %add3A_56 : vector<8192x128xf32>
    %max3A = arith.constant 0.000000e+00 : f32
    %max3A_58 = vector.broadcast %max3A : f32 to vector<8192x128xf32>
    %max3A_59 = arith.maximumf %add3A_57, %max3A_58 : vector<8192x128xf32>
    %mul3A_60 = vector.broadcast %mul3A_50 : vector<1x128xf32> to vector<8192x128xf32>
    %mul3A_61 = arith.mulf %sub3A_32, %mul3A_60 : vector<8192x128xf32>
    %get3A_62 = arith.constant 0 : index
    %get3A_63 = arith.constant 0 : index
    %get3A_64 = vector.load %arg4[%get3A_62, %get3A_63] : memref<1x128xf32, #tpu.memory_space<vmem>>, vector<1x128xf32>
    %add3A_65 = vector.broadcast %get3A_64 : vector<1x128xf32> to vector<8192x128xf32>
    %add3A_66 = arith.addf %mul3A_61, %add3A_65 : vector<8192x128xf32>
    %max3A_67 = arith.constant 0.000000e+00 : f32
    %max3A_68 = vector.broadcast %max3A_67 : f32 to vector<8192x128xf32>
    %max3A_69 = arith.maximumf %add3A_66, %max3A_68 : vector<8192x128xf32>
    %get3A_70 = arith.constant 0 : index
    %get3A_71 = arith.constant 0 : index
    %get3A_72 = vector.load %arg5[%get3A_70, %get3A_71] : memref<128x128xf32, #tpu.memory_space<vmem>>, vector<128x128xf32>
    %dot_general3A_73 = arith.constant dense<0.000000e+00> : vector<8192x128xf32>
    %dot_general3A_74 = tpu.matmul %max3A_59, %get3A_72, %dot_general3A_73 {dimension_numbers = #tpu.dot_dimension_numbers<[1], [1], [0], [0], [0, 0, 1, 0], [], []>, transpose_lhs_hint = false} : vector<8192x128xf32>, vector<128x128xf32>, vector<8192x128xf32> -> vector<8192x128xf32>
    %dot_general3A_75 = arith.constant dense<0.000000e+00> : vector<8192x128xf32>
    %dot_general3A_76 = tpu.matmul %max3A_69, %get3A_72, %dot_general3A_75 {dimension_numbers = #tpu.dot_dimension_numbers<[1], [1], [0], [0], [0, 0, 1, 0], [], []>, transpose_lhs_hint = false} : vector<8192x128xf32>, vector<128x128xf32>, vector<8192x128xf32> -> vector<8192x128xf32>
    %reduce_sum3A_77 = arith.constant dense<0.000000e+00> : vector<128xf32>
    %reduce_sum3A_78 = vector.multi_reduction <add>, %dot_general3A_74, %reduce_sum3A_77 [0] : vector<8192x128xf32> to vector<128xf32>
    %broadcast_in_dim3A_79 = vector.shape_cast %reduce_sum3A_78 : vector<128xf32> to vector<1x128xf32>
    %reduce_sum3A_80 = arith.constant dense<0.000000e+00> : vector<128xf32>
    %reduce_sum3A_81 = vector.multi_reduction <add>, %dot_general3A_76, %reduce_sum3A_80 [0] : vector<8192x128xf32> to vector<128xf32>
    %broadcast_in_dim3A_82 = vector.shape_cast %reduce_sum3A_81 : vector<128xf32> to vector<1x128xf32>
    %add3A_83 = arith.addf %broadcast_in_dim3A_79, %broadcast_in_dim3A_82 : vector<1x128xf32>
    %div3A_84 = arith.constant 1.638400e+04 : f32
    %div3A_85 = vector.broadcast %div3A_84 : f32 to vector<1x128xf32>
    %div3A_86 = arith.divf %add3A_83, %div3A_85 : vector<1x128xf32>
    %sub3A_87 = vector.broadcast %div3A_86 : vector<1x128xf32> to vector<8192x128xf32>
    %sub3A_88 = arith.subf %dot_general3A_74, %sub3A_87 : vector<8192x128xf32>
    %sub3A_89 = vector.broadcast %div3A_86 : vector<1x128xf32> to vector<8192x128xf32>
    %sub3A_90 = arith.subf %dot_general3A_76, %sub3A_89 : vector<8192x128xf32>
    %mul3A_91 = arith.mulf %sub3A_88, %sub3A_88 : vector<8192x128xf32>
    %reduce_sum3A_92 = arith.constant dense<0.000000e+00> : vector<128xf32>
    %reduce_sum3A_93 = vector.multi_reduction <add>, %mul3A_91, %reduce_sum3A_92 [0] : vector<8192x128xf32> to vector<128xf32>
    %broadcast_in_dim3A_94 = vector.shape_cast %reduce_sum3A_93 : vector<128xf32> to vector<1x128xf32>
    %mul3A_95 = arith.mulf %sub3A_90, %sub3A_90 : vector<8192x128xf32>
    %reduce_sum3A_96 = arith.constant dense<0.000000e+00> : vector<128xf32>
    %reduce_sum3A_97 = vector.multi_reduction <add>, %mul3A_95, %reduce_sum3A_96 [0] : vector<8192x128xf32> to vector<128xf32>
    %broadcast_in_dim3A_98 = vector.shape_cast %reduce_sum3A_97 : vector<128xf32> to vector<1x128xf32>
    %add3A_99 = arith.addf %broadcast_in_dim3A_94, %broadcast_in_dim3A_98 : vector<1x128xf32>
    %div3A_100 = arith.constant 1.638400e+04 : f32
    %div3A_101 = vector.broadcast %div3A_100 : f32 to vector<1x128xf32>
    %div3A_102 = arith.divf %add3A_99, %div3A_101 : vector<1x128xf32>
    %add3A_103 = arith.constant 9.99999974E-6 : f32
    %add3A_104 = vector.broadcast %add3A_103 : f32 to vector<1x128xf32>
    %add3A_105 = arith.addf %div3A_102, %add3A_104 : vector<1x128xf32>
    %rsqrt3A_106 = math.rsqrt %add3A_105 : vector<1x128xf32>
    %get3A_107 = arith.constant 0 : index
    %get3A_108 = arith.constant 0 : index
    %get3A_109 = vector.load %arg6[%get3A_107, %get3A_108] : memref<1x128xf32, #tpu.memory_space<vmem>>, vector<1x128xf32>
    %mul3A_110 = arith.mulf %rsqrt3A_106, %get3A_109 : vector<1x128xf32>
    %mul3A_111 = vector.broadcast %mul3A_110 : vector<1x128xf32> to vector<8192x128xf32>
    %mul3A_112 = arith.mulf %sub3A_88, %mul3A_111 : vector<8192x128xf32>
    %get3A_113 = arith.constant 0 : index
    %get3A_114 = arith.constant 0 : index
    %get3A_115 = vector.load %arg7[%get3A_113, %get3A_114] : memref<1x128xf32, #tpu.memory_space<vmem>>, vector<1x128xf32>
    %add3A_116 = vector.broadcast %get3A_115 : vector<1x128xf32> to vector<8192x128xf32>
    %add3A_117 = arith.addf %mul3A_112, %add3A_116 : vector<8192x128xf32>
    %max3A_118 = arith.constant 0.000000e+00 : f32
    %max3A_119 = vector.broadcast %max3A_118 : f32 to vector<8192x128xf32>
    %max3A_120 = arith.maximumf %add3A_117, %max3A_119 : vector<8192x128xf32>
    %mul3A_121 = vector.broadcast %mul3A_110 : vector<1x128xf32> to vector<8192x128xf32>
    %mul3A_122 = arith.mulf %sub3A_90, %mul3A_121 : vector<8192x128xf32>
    %get3A_123 = arith.constant 0 : index
    %get3A_124 = arith.constant 0 : index
    %get3A_125 = vector.load %arg7[%get3A_123, %get3A_124] : memref<1x128xf32, #tpu.memory_space<vmem>>, vector<1x128xf32>
    %add3A_126 = vector.broadcast %get3A_125 : vector<1x128xf32> to vector<8192x128xf32>
    %add3A_127 = arith.addf %mul3A_122, %add3A_126 : vector<8192x128xf32>
    %max3A_128 = arith.constant 0.000000e+00 : f32
    %max3A_129 = vector.broadcast %max3A_128 : f32 to vector<8192x128xf32>
    %max3A_130 = arith.maximumf %add3A_127, %max3A_129 : vector<8192x128xf32>
    %get3A_131 = arith.constant 0 : index
    %get3A_132 = arith.constant 0 : index
    %get3A_133 = memref.load %arg8[%get3A_131, %get3A_132] : memref<1x1xf32, #tpu.memory_space<smem>>
    %add3A_134 = arith.constant 1.000000e+00 : f32
    %add3A_135 = arith.addf %add3A_134, %get3A_133 : f32
    %get3A_136 = arith.constant 0 : index
    %get3A_137 = arith.constant 0 : index
    %get3A_138 = vector.load %arg1[%get3A_136, %get3A_137] : memref<8192x256xf32, #tpu.memory_space<vmem>>, vector<8192x256xf32>
    %slice3A_139 = vector.extract_strided_slice %get3A_138 {offsets = [0, 0], sizes = [8192, 128], strides = [1, 1]} : vector<8192x256xf32> to vector<8192x128xf32>
    %mul3A_140 = vector.broadcast %add3A_135 : f32 to vector<8192x128xf32>
    %mul3A_141 = arith.mulf %mul3A_140, %slice3A_139 : vector<8192x128xf32>
    %add3A_142 = arith.addf %mul3A_141, %max3A_120 : vector<8192x128xf32>
    %slice3A_143 = vector.extract_strided_slice %get3A_138 {offsets = [0, 128], sizes = [8192, 128], strides = [1, 1]} : vector<8192x256xf32> to vector<8192x128xf32>
    %mul3A_144 = vector.broadcast %add3A_135 : f32 to vector<8192x128xf32>
    %mul3A_145 = arith.mulf %mul3A_144, %slice3A_143 : vector<8192x128xf32>
    %add3A_146 = arith.addf %mul3A_145, %max3A_130 : vector<8192x128xf32>
    %slice3A_147 = vector.extract_strided_slice %add3A_142 {offsets = [0, 0], sizes = [8192, 64], strides = [1, 1]} : vector<8192x128xf32> to vector<8192x64xf32>
    %slice3A_148 = vector.extract_strided_slice %add3A_146 {offsets = [0, 0], sizes = [8192, 64], strides = [1, 1]} : vector<8192x128xf32> to vector<8192x64xf32>
    %concatenate3A = tpu.concatenate %slice3A_147, %slice3A_148 in 1 : vector<8192x64xf32>, vector<8192x64xf32> -> vector<8192x128xf32>
    %swap3A = arith.constant 0 : index
    %swap3A_149 = arith.constant 0 : index
    %swap3A_150 = vector.load %arg10[%swap3A, %swap3A_149] : memref<16384x128xf32, #tpu.memory_space<vmem>>, vector<8192x128xf32>
    tpu.vector_store %arg10[%swap3A, %swap3A_149], %concatenate3A {strides = array<i32>} : memref<16384x128xf32, #tpu.memory_space<vmem>>, vector<8192x128xf32>,
    %slice3A_151 = vector.extract_strided_slice %add3A_142 {offsets = [0, 64], sizes = [8192, 64], strides = [1, 1]} : vector<8192x128xf32> to vector<8192x64xf32>
    %slice3A_152 = vector.extract_strided_slice %add3A_146 {offsets = [0, 64], sizes = [8192, 64], strides = [1, 1]} : vector<8192x128xf32> to vector<8192x64xf32>
    %concatenate3A_153 = tpu.concatenate %slice3A_151, %slice3A_152 in 1 : vector<8192x64xf32>, vector<8192x64xf32> -> vector<8192x128xf32>
    %swap3A_154 = arith.constant 8192 : index
    %swap3A_155 = arith.constant 0 : index
    %swap3A_156 = vector.load %arg10[%swap3A_154, %swap3A_155] : memref<16384x128xf32, #tpu.memory_space<vmem>>, vector<8192x128xf32>
    tpu.vector_store %arg10[%swap3A_154, %swap3A_155], %concatenate3A_153 {strides = array<i32>} : memref<16384x128xf32, #tpu.memory_space<vmem>>, vector<8192x128xf32>,
    %concatenate3A_157 = tpu.concatenate %add3A_142, %add3A_146 in 1 : vector<8192x128xf32>, vector<8192x128xf32> -> vector<8192x256xf32>
    %swap3A_158 = arith.constant 0 : index
    %swap3A_159 = arith.constant 0 : index
    %swap3A_160 = vector.load %arg12[%swap3A_158, %swap3A_159] : memref<8192x256xf32, #tpu.memory_space<vmem>>, vector<8192x256xf32>
    tpu.vector_store %arg12[%swap3A_158, %swap3A_159], %concatenate3A_157 {strides = array<i32>} : memref<8192x256xf32, #tpu.memory_space<vmem>>, vector<8192x256xf32>,
    %dma_start3A = arith.constant 8192 : i32
    %dma_start3A_161 = arith.constant 0 : i32
    %dma_start3A_162 = tpu.memref_slice %arg11[%dma_start3A, %dma_start3A_161] : memref<24576x256xf32, #tpu.memory_space<any>> -> memref<8192x256xf32, #tpu.memory_space<any>>
    tpu.enqueue_dma source(%arg12 : memref<8192x256xf32, #tpu.memory_space<vmem>>) target(%dma_start3A_162 : memref<8192x256xf32, #tpu.memory_space<any>>) target_semaphore(%arg13 : memref<!tpu.dma_semaphore, #tpu.memory_space<semaphore_mem>>)
    %dma_wait3A = arith.constant 8192 : i32
    %dma_wait3A_163 = arith.constant 0 : i32
    %dma_wait3A_164 = tpu.memref_slice %arg11[%dma_wait3A, %dma_wait3A_163] : memref<24576x256xf32, #tpu.memory_space<any>> -> memref<8192x256xf32, #tpu.memory_space<any>>
    tpu.wait_dma2 semaphore(%arg13 : memref<!tpu.dma_semaphore, #tpu.memory_space<semaphore_mem>>) src(%arg12 : memref<8192x256xf32, #tpu.memory_space<vmem>>) dst(%dma_wait3A_164 : memref<8192x256xf32, #tpu.memory_space<any>>)
    return
  }
}

module attributes {stable_mosaic.version = 14 : i64} {
  func.func @_mlp_last_body(%arg0: memref<16384x128xf32, #tpu.memory_space<vmem>>, %arg1: memref<8192x256xf32, #tpu.memory_space<vmem>>, %arg2: memref<128x128xf32, #tpu.memory_space<vmem>>, %arg3: memref<1x128xf32, #tpu.memory_space<vmem>>, %arg4: memref<1x128xf32, #tpu.memory_space<vmem>>, %arg5: memref<128x128xf32, #tpu.memory_space<vmem>>, %arg6: memref<1x128xf32, #tpu.memory_space<vmem>>, %arg7: memref<1x128xf32, #tpu.memory_space<vmem>>, %arg8: memref<1x1xf32, #tpu.memory_space<smem>>, %arg9: memref<24576x256xf32, #tpu.memory_space<any>>, %arg10: memref<24576x256xf32, #tpu.memory_space<any>>, %arg11: memref<8192x256xf32, #tpu.memory_space<vmem>>, %arg12: memref<!tpu.dma_semaphore, #tpu.memory_space<semaphore_mem>>) attributes {dimension_semantics = [], scalar_prefetch = 0 : i64, scratch_operands = 2 : i64, tpu.core_type = #tpu.core_type<tc>} {
    %get3A = arith.constant 0 : index
    %get3A_0 = arith.constant 0 : index
    %get3A_1 = vector.load %arg0[%get3A, %get3A_0] : memref<16384x128xf32, #tpu.memory_space<vmem>>, vector<8192x64xf32>
    %get3A_2 = arith.constant 0 : index
    %get3A_3 = arith.constant 64 : index
    %get3A_4 = vector.load %arg0[%get3A_2, %get3A_3] : memref<16384x128xf32, #tpu.memory_space<vmem>>, vector<8192x64xf32>
    %get3A_5 = arith.constant 8192 : index
    %get3A_6 = arith.constant 0 : index
    %get3A_7 = vector.load %arg0[%get3A_5, %get3A_6] : memref<16384x128xf32, #tpu.memory_space<vmem>>, vector<8192x64xf32>
    %get3A_8 = arith.constant 8192 : index
    %get3A_9 = arith.constant 64 : index
    %get3A_10 = vector.load %arg0[%get3A_8, %get3A_9] : memref<16384x128xf32, #tpu.memory_space<vmem>>, vector<8192x64xf32>
    %get3A_11 = arith.constant 0 : index
    %get3A_12 = arith.constant 0 : index
    %get3A_13 = vector.load %arg2[%get3A_11, %get3A_12] : memref<128x128xf32, #tpu.memory_space<vmem>>, vector<128x128xf32>
    %slice3A = vector.extract_strided_slice %get3A_13 {offsets = [0, 0], sizes = [128, 64], strides = [1, 1]} : vector<128x128xf32> to vector<128x64xf32>
    %slice3A_14 = vector.extract_strided_slice %get3A_13 {offsets = [0, 64], sizes = [128, 64], strides = [1, 1]} : vector<128x128xf32> to vector<128x64xf32>
    %dot_general3A = arith.constant dense<0.000000e+00> : vector<8192x128xf32>
    %dot_general3A_15 = tpu.matmul %get3A_1, %slice3A, %dot_general3A {dimension_numbers = #tpu.dot_dimension_numbers<[1], [1], [0], [0], [0, 0, 1, 0], [], []>, transpose_lhs_hint = false} : vector<8192x64xf32>, vector<128x64xf32>, vector<8192x128xf32> -> vector<8192x128xf32>
    %dot_general3A_16 = arith.constant dense<0.000000e+00> : vector<8192x128xf32>
    %dot_general3A_17 = tpu.matmul %get3A_7, %slice3A_14, %dot_general3A_16 {dimension_numbers = #tpu.dot_dimension_numbers<[1], [1], [0], [0], [0, 0, 1, 0], [], []>, transpose_lhs_hint = false} : vector<8192x64xf32>, vector<128x64xf32>, vector<8192x128xf32> -> vector<8192x128xf32>
    %add3A = arith.addf %dot_general3A_15, %dot_general3A_17 : vector<8192x128xf32>
    %dot_general3A_18 = arith.constant dense<0.000000e+00> : vector<8192x128xf32>
    %dot_general3A_19 = tpu.matmul %get3A_4, %slice3A, %dot_general3A_18 {dimension_numbers = #tpu.dot_dimension_numbers<[1], [1], [0], [0], [0, 0, 1, 0], [], []>, transpose_lhs_hint = false} : vector<8192x64xf32>, vector<128x64xf32>, vector<8192x128xf32> -> vector<8192x128xf32>
    %dot_general3A_20 = arith.constant dense<0.000000e+00> : vector<8192x128xf32>
    %dot_general3A_21 = tpu.matmul %get3A_10, %slice3A_14, %dot_general3A_20 {dimension_numbers = #tpu.dot_dimension_numbers<[1], [1], [0], [0], [0, 0, 1, 0], [], []>, transpose_lhs_hint = false} : vector<8192x64xf32>, vector<128x64xf32>, vector<8192x128xf32> -> vector<8192x128xf32>
    %add3A_22 = arith.addf %dot_general3A_19, %dot_general3A_21 : vector<8192x128xf32>
    %reduce_sum3A = arith.constant dense<0.000000e+00> : vector<128xf32>
    %reduce_sum3A_23 = vector.multi_reduction <add>, %add3A, %reduce_sum3A [0] : vector<8192x128xf32> to vector<128xf32>
    %broadcast_in_dim3A = vector.shape_cast %reduce_sum3A_23 : vector<128xf32> to vector<1x128xf32>
    %reduce_sum3A_24 = arith.constant dense<0.000000e+00> : vector<128xf32>
    %reduce_sum3A_25 = vector.multi_reduction <add>, %add3A_22, %reduce_sum3A_24 [0] : vector<8192x128xf32> to vector<128xf32>
    %broadcast_in_dim3A_26 = vector.shape_cast %reduce_sum3A_25 : vector<128xf32> to vector<1x128xf32>
    %add3A_27 = arith.addf %broadcast_in_dim3A, %broadcast_in_dim3A_26 : vector<1x128xf32>
    %div3A = arith.constant 1.638400e+04 : f32
    %div3A_28 = vector.broadcast %div3A : f32 to vector<1x128xf32>
    %div3A_29 = arith.divf %add3A_27, %div3A_28 : vector<1x128xf32>
    %sub3A = vector.broadcast %div3A_29 : vector<1x128xf32> to vector<8192x128xf32>
    %sub3A_30 = arith.subf %add3A, %sub3A : vector<8192x128xf32>
    %sub3A_31 = vector.broadcast %div3A_29 : vector<1x128xf32> to vector<8192x128xf32>
    %sub3A_32 = arith.subf %add3A_22, %sub3A_31 : vector<8192x128xf32>
    %mul3A = arith.mulf %sub3A_30, %sub3A_30 : vector<8192x128xf32>
    %reduce_sum3A_33 = arith.constant dense<0.000000e+00> : vector<128xf32>
    %reduce_sum3A_34 = vector.multi_reduction <add>, %mul3A, %reduce_sum3A_33 [0] : vector<8192x128xf32> to vector<128xf32>
    %broadcast_in_dim3A_35 = vector.shape_cast %reduce_sum3A_34 : vector<128xf32> to vector<1x128xf32>
    %mul3A_36 = arith.mulf %sub3A_32, %sub3A_32 : vector<8192x128xf32>
    %reduce_sum3A_37 = arith.constant dense<0.000000e+00> : vector<128xf32>
    %reduce_sum3A_38 = vector.multi_reduction <add>, %mul3A_36, %reduce_sum3A_37 [0] : vector<8192x128xf32> to vector<128xf32>
    %broadcast_in_dim3A_39 = vector.shape_cast %reduce_sum3A_38 : vector<128xf32> to vector<1x128xf32>
    %add3A_40 = arith.addf %broadcast_in_dim3A_35, %broadcast_in_dim3A_39 : vector<1x128xf32>
    %div3A_41 = arith.constant 1.638400e+04 : f32
    %div3A_42 = vector.broadcast %div3A_41 : f32 to vector<1x128xf32>
    %div3A_43 = arith.divf %add3A_40, %div3A_42 : vector<1x128xf32>
    %add3A_44 = arith.constant 9.99999974E-6 : f32
    %add3A_45 = vector.broadcast %add3A_44 : f32 to vector<1x128xf32>
    %add3A_46 = arith.addf %div3A_43, %add3A_45 : vector<1x128xf32>
    %rsqrt3A = math.rsqrt %add3A_46 : vector<1x128xf32>
    %get3A_47 = arith.constant 0 : index
    %get3A_48 = arith.constant 0 : index
    %get3A_49 = vector.load %arg3[%get3A_47, %get3A_48] : memref<1x128xf32, #tpu.memory_space<vmem>>, vector<1x128xf32>
    %mul3A_50 = arith.mulf %rsqrt3A, %get3A_49 : vector<1x128xf32>
    %mul3A_51 = vector.broadcast %mul3A_50 : vector<1x128xf32> to vector<8192x128xf32>
    %mul3A_52 = arith.mulf %sub3A_30, %mul3A_51 : vector<8192x128xf32>
    %get3A_53 = arith.constant 0 : index
    %get3A_54 = arith.constant 0 : index
    %get3A_55 = vector.load %arg4[%get3A_53, %get3A_54] : memref<1x128xf32, #tpu.memory_space<vmem>>, vector<1x128xf32>
    %add3A_56 = vector.broadcast %get3A_55 : vector<1x128xf32> to vector<8192x128xf32>
    %add3A_57 = arith.addf %mul3A_52, %add3A_56 : vector<8192x128xf32>
    %max3A = arith.constant 0.000000e+00 : f32
    %max3A_58 = vector.broadcast %max3A : f32 to vector<8192x128xf32>
    %max3A_59 = arith.maximumf %add3A_57, %max3A_58 : vector<8192x128xf32>
    %mul3A_60 = vector.broadcast %mul3A_50 : vector<1x128xf32> to vector<8192x128xf32>
    %mul3A_61 = arith.mulf %sub3A_32, %mul3A_60 : vector<8192x128xf32>
    %get3A_62 = arith.constant 0 : index
    %get3A_63 = arith.constant 0 : index
    %get3A_64 = vector.load %arg4[%get3A_62, %get3A_63] : memref<1x128xf32, #tpu.memory_space<vmem>>, vector<1x128xf32>
    %add3A_65 = vector.broadcast %get3A_64 : vector<1x128xf32> to vector<8192x128xf32>
    %add3A_66 = arith.addf %mul3A_61, %add3A_65 : vector<8192x128xf32>
    %max3A_67 = arith.constant 0.000000e+00 : f32
    %max3A_68 = vector.broadcast %max3A_67 : f32 to vector<8192x128xf32>
    %max3A_69 = arith.maximumf %add3A_66, %max3A_68 : vector<8192x128xf32>
    %get3A_70 = arith.constant 0 : index
    %get3A_71 = arith.constant 0 : index
    %get3A_72 = vector.load %arg5[%get3A_70, %get3A_71] : memref<128x128xf32, #tpu.memory_space<vmem>>, vector<128x128xf32>
    %dot_general3A_73 = arith.constant dense<0.000000e+00> : vector<8192x128xf32>
    %dot_general3A_74 = tpu.matmul %max3A_59, %get3A_72, %dot_general3A_73 {dimension_numbers = #tpu.dot_dimension_numbers<[1], [1], [0], [0], [0, 0, 1, 0], [], []>, transpose_lhs_hint = false} : vector<8192x128xf32>, vector<128x128xf32>, vector<8192x128xf32> -> vector<8192x128xf32>
    %dot_general3A_75 = arith.constant dense<0.000000e+00> : vector<8192x128xf32>
    %dot_general3A_76 = tpu.matmul %max3A_69, %get3A_72, %dot_general3A_75 {dimension_numbers = #tpu.dot_dimension_numbers<[1], [1], [0], [0], [0, 0, 1, 0], [], []>, transpose_lhs_hint = false} : vector<8192x128xf32>, vector<128x128xf32>, vector<8192x128xf32> -> vector<8192x128xf32>
    %reduce_sum3A_77 = arith.constant dense<0.000000e+00> : vector<128xf32>
    %reduce_sum3A_78 = vector.multi_reduction <add>, %dot_general3A_74, %reduce_sum3A_77 [0] : vector<8192x128xf32> to vector<128xf32>
    %broadcast_in_dim3A_79 = vector.shape_cast %reduce_sum3A_78 : vector<128xf32> to vector<1x128xf32>
    %reduce_sum3A_80 = arith.constant dense<0.000000e+00> : vector<128xf32>
    %reduce_sum3A_81 = vector.multi_reduction <add>, %dot_general3A_76, %reduce_sum3A_80 [0] : vector<8192x128xf32> to vector<128xf32>
    %broadcast_in_dim3A_82 = vector.shape_cast %reduce_sum3A_81 : vector<128xf32> to vector<1x128xf32>
    %add3A_83 = arith.addf %broadcast_in_dim3A_79, %broadcast_in_dim3A_82 : vector<1x128xf32>
    %div3A_84 = arith.constant 1.638400e+04 : f32
    %div3A_85 = vector.broadcast %div3A_84 : f32 to vector<1x128xf32>
    %div3A_86 = arith.divf %add3A_83, %div3A_85 : vector<1x128xf32>
    %sub3A_87 = vector.broadcast %div3A_86 : vector<1x128xf32> to vector<8192x128xf32>
    %sub3A_88 = arith.subf %dot_general3A_74, %sub3A_87 : vector<8192x128xf32>
    %sub3A_89 = vector.broadcast %div3A_86 : vector<1x128xf32> to vector<8192x128xf32>
    %sub3A_90 = arith.subf %dot_general3A_76, %sub3A_89 : vector<8192x128xf32>
    %mul3A_91 = arith.mulf %sub3A_88, %sub3A_88 : vector<8192x128xf32>
    %reduce_sum3A_92 = arith.constant dense<0.000000e+00> : vector<128xf32>
    %reduce_sum3A_93 = vector.multi_reduction <add>, %mul3A_91, %reduce_sum3A_92 [0] : vector<8192x128xf32> to vector<128xf32>
    %broadcast_in_dim3A_94 = vector.shape_cast %reduce_sum3A_93 : vector<128xf32> to vector<1x128xf32>
    %mul3A_95 = arith.mulf %sub3A_90, %sub3A_90 : vector<8192x128xf32>
    %reduce_sum3A_96 = arith.constant dense<0.000000e+00> : vector<128xf32>
    %reduce_sum3A_97 = vector.multi_reduction <add>, %mul3A_95, %reduce_sum3A_96 [0] : vector<8192x128xf32> to vector<128xf32>
    %broadcast_in_dim3A_98 = vector.shape_cast %reduce_sum3A_97 : vector<128xf32> to vector<1x128xf32>
    %add3A_99 = arith.addf %broadcast_in_dim3A_94, %broadcast_in_dim3A_98 : vector<1x128xf32>
    %div3A_100 = arith.constant 1.638400e+04 : f32
    %div3A_101 = vector.broadcast %div3A_100 : f32 to vector<1x128xf32>
    %div3A_102 = arith.divf %add3A_99, %div3A_101 : vector<1x128xf32>
    %add3A_103 = arith.constant 9.99999974E-6 : f32
    %add3A_104 = vector.broadcast %add3A_103 : f32 to vector<1x128xf32>
    %add3A_105 = arith.addf %div3A_102, %add3A_104 : vector<1x128xf32>
    %rsqrt3A_106 = math.rsqrt %add3A_105 : vector<1x128xf32>
    %get3A_107 = arith.constant 0 : index
    %get3A_108 = arith.constant 0 : index
    %get3A_109 = vector.load %arg6[%get3A_107, %get3A_108] : memref<1x128xf32, #tpu.memory_space<vmem>>, vector<1x128xf32>
    %mul3A_110 = arith.mulf %rsqrt3A_106, %get3A_109 : vector<1x128xf32>
    %mul3A_111 = vector.broadcast %mul3A_110 : vector<1x128xf32> to vector<8192x128xf32>
    %mul3A_112 = arith.mulf %sub3A_88, %mul3A_111 : vector<8192x128xf32>
    %get3A_113 = arith.constant 0 : index
    %get3A_114 = arith.constant 0 : index
    %get3A_115 = vector.load %arg7[%get3A_113, %get3A_114] : memref<1x128xf32, #tpu.memory_space<vmem>>, vector<1x128xf32>
    %add3A_116 = vector.broadcast %get3A_115 : vector<1x128xf32> to vector<8192x128xf32>
    %add3A_117 = arith.addf %mul3A_112, %add3A_116 : vector<8192x128xf32>
    %max3A_118 = arith.constant 0.000000e+00 : f32
    %max3A_119 = vector.broadcast %max3A_118 : f32 to vector<8192x128xf32>
    %max3A_120 = arith.maximumf %add3A_117, %max3A_119 : vector<8192x128xf32>
    %mul3A_121 = vector.broadcast %mul3A_110 : vector<1x128xf32> to vector<8192x128xf32>
    %mul3A_122 = arith.mulf %sub3A_90, %mul3A_121 : vector<8192x128xf32>
    %get3A_123 = arith.constant 0 : index
    %get3A_124 = arith.constant 0 : index
    %get3A_125 = vector.load %arg7[%get3A_123, %get3A_124] : memref<1x128xf32, #tpu.memory_space<vmem>>, vector<1x128xf32>
    %add3A_126 = vector.broadcast %get3A_125 : vector<1x128xf32> to vector<8192x128xf32>
    %add3A_127 = arith.addf %mul3A_122, %add3A_126 : vector<8192x128xf32>
    %max3A_128 = arith.constant 0.000000e+00 : f32
    %max3A_129 = vector.broadcast %max3A_128 : f32 to vector<8192x128xf32>
    %max3A_130 = arith.maximumf %add3A_127, %max3A_129 : vector<8192x128xf32>
    %get3A_131 = arith.constant 0 : index
    %get3A_132 = arith.constant 0 : index
    %get3A_133 = memref.load %arg8[%get3A_131, %get3A_132] : memref<1x1xf32, #tpu.memory_space<smem>>
    %add3A_134 = arith.constant 1.000000e+00 : f32
    %add3A_135 = arith.addf %add3A_134, %get3A_133 : f32
    %get3A_136 = arith.constant 0 : index
    %get3A_137 = arith.constant 0 : index
    %get3A_138 = vector.load %arg1[%get3A_136, %get3A_137] : memref<8192x256xf32, #tpu.memory_space<vmem>>, vector<8192x256xf32>
    %slice3A_139 = vector.extract_strided_slice %get3A_138 {offsets = [0, 0], sizes = [8192, 128], strides = [1, 1]} : vector<8192x256xf32> to vector<8192x128xf32>
    %mul3A_140 = vector.broadcast %add3A_135 : f32 to vector<8192x128xf32>
    %mul3A_141 = arith.mulf %mul3A_140, %slice3A_139 : vector<8192x128xf32>
    %add3A_142 = arith.addf %mul3A_141, %max3A_120 : vector<8192x128xf32>
    %slice3A_143 = vector.extract_strided_slice %get3A_138 {offsets = [0, 128], sizes = [8192, 128], strides = [1, 1]} : vector<8192x256xf32> to vector<8192x128xf32>
    %mul3A_144 = vector.broadcast %add3A_135 : f32 to vector<8192x128xf32>
    %mul3A_145 = arith.mulf %mul3A_144, %slice3A_143 : vector<8192x128xf32>
    %add3A_146 = arith.addf %mul3A_145, %max3A_130 : vector<8192x128xf32>
    %concatenate3A = tpu.concatenate %add3A_142, %add3A_146 in 1 : vector<8192x128xf32>, vector<8192x128xf32> -> vector<8192x256xf32>
    %swap3A = arith.constant 0 : index
    %swap3A_147 = arith.constant 0 : index
    %swap3A_148 = vector.load %arg11[%swap3A, %swap3A_147] : memref<8192x256xf32, #tpu.memory_space<vmem>>, vector<8192x256xf32>
    tpu.vector_store %arg11[%swap3A, %swap3A_147], %concatenate3A {strides = array<i32>} : memref<8192x256xf32, #tpu.memory_space<vmem>>, vector<8192x256xf32>,
    %dma_start3A = arith.constant 16384 : i32
    %dma_start3A_149 = arith.constant 0 : i32
    %dma_start3A_150 = tpu.memref_slice %arg10[%dma_start3A, %dma_start3A_149] : memref<24576x256xf32, #tpu.memory_space<any>> -> memref<8192x256xf32, #tpu.memory_space<any>>
    tpu.enqueue_dma source(%arg11 : memref<8192x256xf32, #tpu.memory_space<vmem>>) target(%dma_start3A_150 : memref<8192x256xf32, #tpu.memory_space<any>>) target_semaphore(%arg12 : memref<!tpu.dma_semaphore, #tpu.memory_space<semaphore_mem>>)
    %dma_wait3A = arith.constant 16384 : i32
    %dma_wait3A_151 = arith.constant 0 : i32
    %dma_wait3A_152 = tpu.memref_slice %arg10[%dma_wait3A, %dma_wait3A_151] : memref<24576x256xf32, #tpu.memory_space<any>> -> memref<8192x256xf32, #tpu.memory_space<any>>
    tpu.wait_dma2 semaphore(%arg12 : memref<!tpu.dma_semaphore, #tpu.memory_space<semaphore_mem>>) src(%arg11 : memref<8192x256xf32, #tpu.memory_space<vmem>>) dst(%dma_wait3A_152 : memref<8192x256xf32, #tpu.memory_space<any>>)
    return
  }
}

</mosaic_0001>

<sc_bundles>
// kernel: kernel.11.cloned.1.call-start
scs
__scs_entry_jumppad:
0x0: {  	(pc) =	sbr.rel $0x88, $3  }
0x1: {  	(tag) =	ssettag $0x0;
	lr =	simm.s32 $0x1  }
0x2: {  	[smem:$0x3F91] =	sst lr;
	_ =	strace $0xD0000000  }
0x3: {  	_ = 	snop  }
0x4: {  	_ = 	snop  }
0x5: {  	_ = 	snop  }
0x6: {  	_ = 	snop  }
0x7: {  	_ = 	snop  }
__scs_overlays_trampoline_lowered:
0x8: {  	[smem:$0x3FA0] =	sst s0  }
0x9: {  	[smem:$0x3FA1] =	sst s1  }
0xa: {  	[smem:$0x3FA2] =	sst s2  }
0xb: {  	[smem:$0x3FA3] =	sst s3  }
0xc: {  	[smem:$0x3FA4] =	sst s4  }
0xd: {  	[smem:$0x3FA5] =	sst s5  }
0xe: {  	[smem:$0x3FA6] =	sst s6  }
0xf: {  	[smem:$0x3FA7] =	sst s7  }
0x10: {  	[smem:$0x3FA8] =	sst s8  }
0x11: {  	[smem:$0x3FA9] =	sst s9;
	s0 =	simm.s32 @!p0 $0x0  }
0x12: {  	s1 =	sld [smem:$0x3F8F];
	s0 =	simm.s32 @p0 $0x1  }
0x13: {  	[smem:$0x3FAA] =	sst s0;
	s0 =	simm.s32 @!p1 $0x0  }
0x14: {  	s2 =	sld [smem:$0x3F8E];
	s0 =	simm.s32 @p1 $0x1  }
0x15: {  	[smem:$0x3FAB] =	sst s0;
	s0 =	simm.s32 @!p2 $0x0  }
0x16: {  	s3 =	sld [smem:$0x3FDB];
	s0 =	simm.s32 @p2 $0x1  }
0x17: {  	s4 =	simm.s32 $0x1BF5;
	[smem:$0x3FAD] =	sst s0  }
0x18: {  	s0 =	sld [smem:$0x3F90];
	_ =	swait.ge [sflag:s4], $0x0  }
0x19: {  	s7 =	sld [smem:$0x3F91]  }
0x1a: {  	s8 =	sadd.s32 $0xFFFFE003, lr  }
0x1b: {  	s9 =	sadd.s32 $0xFFFFFEF7, lr;
	s5 =	simm.s32 $0xFFFFFFFF;
	p2 =	slt.u32 s8, $0xFFFFF086  }
0x1c: {  	p1 =	slt.u32 s9, $0xF7A;
	s5 =	simm.s32 @!p2 $0x0  }
0x1d: {  	s5 =	simm.s32 @p1 $0x1;
	p0 =	seq.s32 s7, s2  }
0x1e: {  	s7 =	smul.u32 @!p0 $0xF7A, s2;
	p2 =	seq.s32 @!p0 s5, $0x0  }
0x1f: {  	s9 =	smul.u32 $0xF7A, s1;
	s8 =	simm.s32 @!p0 $0x1BF5;
	p2 =	por !p2, p0  }
0x20: {  	[sflag:s8] =	ssyncset.s32 @!p0 $0xFFFFF086;
	s6 =	sadd.s32 @!p0 s3, s7;
	s7 =	simm.s32 @!p0 $0x108  }
0x21: {  	s3 =	sadd.s32 s3, s9;
	s6 =	sadd.s32 @!p0 $0x88, s6;
	s7 =	simm.s32 @p2 $0x1082  }
0x22: {  	[simem:s7], [sflag:s8] =	dma.local @!p0 [hbm:s6], $0xF7A  }
0x23: {  	s9 =	sor.u32 $0xD0000000, s2;
	s6 =	simm.s32 $0x108;
	_ =	swait.ge @!p0 [sflag:s8], $0x0  }
0x24: {  	s3 =	sadd.s32 $0x88, s3;
	s6 =	simm.s32 @!p1 $0x1082;
	[sflag:s4] =	ssyncset.s32 $0xFFFFF086  }
0x25: {  	[simem:s6], [sflag:s4] =	dma.local [hbm:s3], $0xF7A  }
0x26: {  	[smem:$0x3F91] =	sst s1;
	(tag) =	ssettag s2;
	_ =	strace s9  }
0x27: {  	s1 =	sld [smem:$0x3FA1]  }
0x28: {  	s2 =	sld [smem:$0x3FA2]  }
0x29: {  	s4 =	sld [smem:$0x3FA4]  }
0x2a: {  	p0 =	seq.s32 s5, $0x0;
	s5 =	sld [smem:$0x3FA5]  }
0x2b: {  	s6 =	sld [smem:$0x3FA6]  }
0x2c: {  	s7 =	sld [smem:$0x3FA7]  }
0x2d: {  	s3 =	simm.s32 $0x108;
	s8 =	sld [smem:$0x3FA8]  }
0x2e: {  	s3 =	simm.s32 @!p0 $0x1082;
	s9 =	sld [smem:$0x3FA9]  }
0x2f: {  	lr =	sadd.s32 s0, s3;
	s0 =	sld [smem:$0x3FA0]  }
0x30: {  	s3 =	sld [smem:$0x3FA3]  }
0x31: {  	[smem:$0x3FAC] =	sst s10  }
0x32: {  	s10 =	sld [smem:$0x3FAA];
	_ =	sdelay $0x3  }
0x33: {  	p0 =	seq.s32 s10, $0x1;
	s10 =	sld [smem:$0x3FAC];
	_ =	sdelay $0x3  }
0x34: {  	[smem:$0x3FAC] =	sst s10  }
0x35: {  	s10 =	sld [smem:$0x3FAB];
	_ =	sdelay $0x3  }
0x36: {  	p1 =	seq.s32 s10, $0x1;
	s10 =	sld [smem:$0x3FAC];
	_ =	sdelay $0x3  }
0x37: {  	[smem:$0x3FAC] =	sst s10  }
0x38: {  	s10 =	sld [smem:$0x3FAD]  }
0x39: {  	_ = 	snop;
	(pc) =	sbr.ind lr, $3  }
0x3a: {  	_ = 	snop  }
0x3b: {  	_ = 	snop  }
0x3c: {  	p2 =	seq.s32 s10, $0x1;
	s10 =	sld [smem:$0x3FAC]  }
0x3d: {  	_ =	shalt  }
0x3e: {  	_ =	shalt  }
0x3f: {  	_ =	shalt  }
0x40: {  	_ =	shalt  }
0x41: {  	_ =	shalt  }
0x42: {  	_ =	shalt  }
0x43: {  	_ =	shalt  }
0x44: {  	_ =	shalt  }
0x45: {  	_ =	shalt  }
0x46: {  	_ =	shalt  }
0x47: {  	_ =	shalt  }
0x48: {  	_ =	shalt  }
0x49: {  	_ =	shalt  }
0x4a: {  	_ =	shalt  }
0x4b: {  	_ =	shalt  }
0x4c: {  	_ =	shalt  }
0x4d: {  	_ =	shalt  }
0x4e: {  	_ =	shalt  }
0x4f: {  	_ =	shalt  }
0x50: {  	_ =	shalt  }
0x51: {  	_ =	shalt  }
0x52: {  	_ =	shalt  }
0x53: {  	_ =	shalt  }
0x54: {  	_ =	shalt  }
0x55: {  	_ =	shalt  }
0x56: {  	_ =	shalt  }
0x57: {  	_ =	shalt  }
0x58: {  	_ =	shalt  }
0x59: {  	_ =	shalt  }
0x5a: {  	_ =	shalt  }
0x5b: {  	_ =	shalt  }
0x5c: {  	_ =	shalt  }
0x5d: {  	_ =	shalt  }
0x5e: {  	_ =	shalt  }
0x5f: {  	_ =	shalt  }
0x60: {  	_ =	shalt  }
0x61: {  	_ =	shalt  }
0x62: {  	_ =	shalt  }
0x63: {  	_ =	shalt  }
0x64: {  	_ =	shalt  }
0x65: {  	_ =	shalt  }
0x66: {  	_ =	shalt  }
0x67: {  	_ =	shalt  }
0x68: {  	_ =	shalt  }
0x69: {  	_ =	shalt  }
0x6a: {  	_ =	shalt  }
0x6b: {  	_ =	shalt  }
0x6c: {  	_ =	shalt  }
0x6d: {  	_ =	shalt  }
0x6e: {  	_ =	shalt  }
0x6f: {  	_ =	shalt  }
0x70: {  	_ =	shalt  }
0x71: {  	_ =	shalt  }
0x72: {  	_ =	shalt  }
0x73: {  	_ =	shalt  }
0x74: {  	_ =	shalt  }
0x75: {  	_ =	shalt  }
0x76: {  	_ =	shalt  }
0x77: {  	_ =	shalt  }
0x78: {  	_ =	shalt  }
0x79: {  	_ =	shalt  }
0x7a: {  	_ =	shalt  }
0x7b: {  	_ =	shalt  }
0x7c: {  	_ =	shalt  }
0x7d: {  	_ =	shalt  }
0x7e: {  	_ =	shalt  }
0x7f: {  	_ =	shalt  }
0x80: {  	_ =	shalt  }
0x81: {  	_ =	shalt  }
0x82: {  	_ =	shalt  }
0x83: {  	_ =	shalt  }
0x84: {  	_ =	shalt  }
0x85: {  	_ =	shalt  }
0x86: {  	_ =	shalt  }
0x87: {  	_ =	shalt  }
.Lfunc_end0:
.L_simem_size_0:
called_computation_lowered:
.L_overlay_start_0:
0x88: {  	s2 =	sld [smem:$0x3FD9]  }
0x89: {  	s3 =	sld [smem:$0x3FFE];
	_ =	sdelay $0x1  }
0x8a: {  	s1 =	srdreg.scid  }
0x8b: {  	s0 =	sand.u32 $0x1, s1  }
0x8c: {  	s16 =	sshll.u32 s0, $0xA;
	s2 =	sadd.s32 s3, s2  }
0x8d: {  	s2 =	sadd.s32 s2, s16  }
0x8e: {  	[smem:$0x3FB8] =	sst s2  }
0x8f: {  	_ = 	snop  }
0x90: {  	(tm) =	ssettm $0x1  }
0x91: {  	s17 =	sld [smem:$0x3FFB];
	_ =	sdelay $0x3  }
0x92: {  	_ =	strace s17  }
0x93: {  	s2 =	sld [smem:$0x3FFC];
	_ =	sdelay $0x3  }
0x94: {  	_ =	strace s2  }
0x95: {  	s2 =	sld [smem:$0x3FFD];
	_ =	sdelay $0x3  }
0x96: {  	_ =	strace s2  }
0x97: {  	_ =	strace $0x8FFFFFFF  }
0x98: {  	s18 =	sld [smem:$0x3FDB];
	_ =	sdelay $0x1  }
0x99: {  	s19 =	simm.s32 $_scs_section_size  }
0x9a: {  	s4 =	simm.s32 $_size__tile_overlayer_lowered;
	s5 =	simm.s32 $_tile_overlayer_lowered  }
0x9b: {  	s22 =	simm.s32 $0x1BFF;
	s21 =	sshll.u32 s5, $0x1;
	s2 =	sadd.s32 s19, s18  }
0x9c: {  	s6 =	simm.s32 $0x0;
	s20 =	sshll.u32 s4, $0x1;
	s4 =	sadd.s32 s21, s2  }
0x9d: {  	[timem:s6], [sflag:s22] =	dma.local [hbm:s4], s20  }
0x9e: {  	_ =	swait.ge [sflag:s22], s20  }
0x9f: {  	s3 =	ssub.s32 $0x0, s20;
	[sflag:s22] =	ssyncset.done $0x0  }
0xa0: {  	[sflag:s22] =	ssyncadd.s32 s3;
	_ =	sdelay $0x1  }
0xa1: {  	s23 =	simm.s32 $0x1B8B  }
0xa2: {  	_ =	swait.ge [sflag:s23], $0x1  }
0xa3: {  	[sflag:s23] =	ssyncset.done $0x0  }
0xa4: {  	s25 =	simm.s32 $0x1B8E;
	s24 =	sld [smem:$0x3FFE];
	[sflag:s23] =	ssyncadd.s32 $0xFFFFFFFF  }
0xa5: {  	s26 =	simm.s32 $execute0_lowered;
	[smem:$0x3FD2] =	sst s25  }
0xa6: {  	s4 =	sshll.u32 s26, $0x1;
	_ =	strace $0x80000046;
	[dreg:$0x1] =	wrdreg $0xFFFFFFFF  }
0xa7: {  	s28 =	simm.s32 $_size_execute0_lowered;
	s2 =	sadd.s32 s2, s4;
	[dreg:$0x0] =	wrdreg $0x0  }
0xa8: {  	s4 =	sshll.u32 s28, $0x1;
	[dreg:$0x2] =	wrdreg s2  }
0xa9: {  	[dreg:$0x3] =	wrdreg s4  }
0xaa: {  	[dreg:$0x4] =	wrdreg $0xC0  }
0xab: {  	_ =	task [dreg:s6], $0x5FFFF  }
0xac: {  	[dreg:$0x1] =	wrdreg $0xFFFFFFFF  }
0xad: {  	[dreg:$0x0] =	wrdreg $0x60  }
0xae: {  	[dreg:$0x2] =	wrdreg s24  }
0xaf: {  	[dreg:$0x3] =	wrdreg $0x100000  }
0xb0: {  	[dreg:$0x4] =	wrdreg $0x9  }
0xb1: {  	_ =	task.clear_ibuf [dreg:s6], $0x5FFFF;
	_ =	strace $0x90000046  }
0xb2: {  	s29 =	simm.s32 $0x9;
	_ =	strace $0x80000048  }
0xb3: {  	_ =	swait.ge [sflag:s29], $0x1  }
0xb4: {  	[sflag:s29] =	ssyncadd.s32 $0xFFFFFFFF  }
0xb5: {  	_ =	strace $0x90000048  }
0xb6: {  	_ =	sfence  }
0xb7: {  	s30 =	sld [smem:$0x0];
	_ =	sdelay $0x2  }
0xb8: {  	s31 =	sshll.u32 s1, $0xD;
	s1 =	sshrl.u32 s1, $0x2  }
0xb9: {  	s3 =	sand.u32 $0x4000, s31;
	s1 =	sadd.s32 s1, s30  }
0xba: {  	s0 =	sor.u32 s3, s0;
	s1 =	sshll.u32 s1, $0x11  }
0xbb: {  	s0 =	sor.u32 s1, s0  }
0xbc: {  	s0 =	sadd.s32 $0x8F2B, s0  }
0xbd: {  	[sflag:s0] =	ssyncadd.remote.s32 $0x1  }
0xbe: {  	_ =	sfence.sel $0xFFFF  }
0xbf: {  	[dreg:$0x0] =	wrdreg $0xFFFFFFFF;
	(pc) =	sbr.abs _section_cstart, $3  }
0xc0: {  	[dreg:$0x1] =	wrdreg $0xFFFFFFFF  }
0xc1: {  	_ =	task.clear_ibuf [dreg:s6], $0x2FFFF;
	_ =	strace $0x9FFFFFFF  }
0xc2: {  	(tm) =	ssettm $0x7FFFFFFF  }
0xc3: {  	_ =	shalt  }
tec
execute0_lowered:
.L_overlay_start_1:
0x0: {  	(tag) =	ssettag $0x1  }
0x1: {  	s0 =	rddreg [dreg:$0x0]  }
0x2: {  	s1 =	rddreg [dreg:$0x1];
	s2 =	simm.s32 $0x0  }
0x3: {  	s3 =	srdreg.scid;
	s8 =	stileid.u32;
	s17 =	simm.s32 $0x9  }
0x4: {  	s18 =	simm.s32 $0x4000;
	s19 =	simm.s32 $0x80;
	s20 =	simm.s32 $0x8000  }
0x5: {  	s28 =	simm.s32 $0x2;
	s30 =	simm.s32 $0x5;
	s29 =	simm.s32 $0x4  }
0x6: {  	s31 =	simm.s32 $0x8;
	[smem:$0x7FF] =	sst s2;
	s3 =	sand.u32 $0x1, s3  }
0x7: {  	s5 =	sshll.u32 s8, $0xB;
	s21 =	sshll.u32 s8, $0x10;
	s23 =	sshll.u32 s8, $0xD  }
0x8: {  	_ =	strace $0x80000047;
	s4 =	sshll.u32 s3, $0x11;
	s3 =	ssub.s32 $0x2, s3  }
0x9: {  	s4 =	sadd.s32 s4, s0;
	s6 =	sshrl.u32 s3, $0x1;
	s0 =	sadd.s32 s5, s0  }
0xa: {  	s3 =	ssub.s32 s3, s6;
	s22 =	sadd.s32 $0x16000, s0;
	s0 =	sadd.s32 $0xE000, s0  }
0xb: {  	s6 =	sadd.s32 s21, s1;
	s7 =	sadd.s32 $0x1E000, s4;
	[dreg:$0x3] =	wrdreg s22  }
0xc: {  	s21 =	simm.s32 $0xA000;
	[dreg:$0x4] =	wrdreg s0;
	s5 =	sadd.s32 $0x2000, s6  }
0xd: {  	s24 =	sadd.s32 $0x4000, s6;
	s25 =	sadd.s32 $0x6000, s6;
	s26 =	sadd.s32 $0x8000, s6  }
0xe: {  	s12 =	sadd.s32 $0xA000, s6;
	s13 =	sadd.s32 $0xC000, s6;
	s0 =	sadd.s32 s23, s4  }
.Ltmp0:
0xf: {  	s14 =	sadd.s32 $0xE000, s6;
	[dreg:$0x5] =	wrdreg s5;
	(pc) =	sbr.rel .LBB2_1-.Ltmp0, $4  }
0x10: {  	s16 =	smax.u32 s3, $0x1;
	s23 =	simm.s32 $0xC000;
	[dreg:$0x6] =	wrdreg s24  }
0x11: {  	s22 =	simm.s32 $0x6;
	s3 =	simm.s32 $0x7;
	[dreg:$0x7] =	wrdreg s25  }
0x12: {  	[dreg:$0x8] =	wrdreg s26;
	s15 =	sadd.s32 $0x5E000, s0;
	s24 =	simm.s32 $0xE000  }
0x13: {  	v0 =	vimm.f32 $0.0e+00;
	s25 =	simm.s32 $0x1;
	s0 =	simm.s32 $0x3;
	s26 =	simm.s32 $0x0  }
.LBB2_6:
0x14: {  	_ =	swait.ge [sflag:s30], $0x2000  }
0x15: {  	[sflag:s30] =	ssyncset.done $0x0  }
0x16: {  	[sflag:s30] =	ssyncadd.s32 $0xFFFFE000  }
0x17: {  	_ =	swait.ge [sflag:s22], $0x2000  }
0x18: {  	[sflag:s22] =	ssyncset.done $0x0  }
0x19: {  	[sflag:s22] =	ssyncadd.s32 $0xFFFFE000  }
0x1a: {  	_ =	swait.ge [sflag:s3], $0x2000  }
0x1b: {  	[sflag:s3] =	ssyncset.done $0x0  }
0x1c: {  	[sflag:s3] =	ssyncadd.s32 $0xFFFFE000  }
0x1d: {  	s4 =	stileid.u32;
	_ =	swait.ge [sflag:s31], $0x2000  }
0x1e: {  	s5 =	sshrl.u32 s6, $0x3;
	s26 =	sadd.s32 $0x1, s26;
	[sflag:s31] =	ssyncset.done $0x0  }
0x1f: {  	s4 =	sshll.u32 s4, $0x6;
	p0 =	sne.s32 s26, s16;
	[sflag:s31] =	ssyncadd.s32 $0xFFFFE000  }
.Ltmp1:
0x20: {  	s4 =	sor.u32 $0x1C09, s4;
	[bflag:$0x0] =	sbarrier.arrive $0xFFFF;
	(pc) =	sbr.rel @!p0 .LBB2_7-.Ltmp1, $4  }
0x21: {  	[hbm:s15], [sflag:s4] =	dma.local [spmem:s5], $0x2000  }
0x22: {  	_ =	swait.ge [sflag:s17], $0x2000  }
0x23: {  	[sflag:s17] =	ssyncset.done $0x0  }
0x24: {  	[sflag:s17] =	ssyncadd.s32 $0xFFFFE000  }
.LBB2_1:
0x25: {  	s4 =	rddreg [dreg:$0x3]  }
0x26: {  	[tilespmem:s2], [sflag:$0x9] =	stream.linear.gather [hbm4b:s4+s2], $0x4000, $0x38;
	v63 =	vld [tilespmem:$0x0]  }
0x27: {  	_ =	swait.ge [sflag:s17], $0x4000  }
0x28: {  	[sflag:s17] =	ssyncset.done $0x0  }
0x29: {  	s10 =	rddreg [dreg:$0x4];
	[sflag:s17] =	ssyncadd.s32 $0xFFFFC000  }
0x2a: {  	[tilespmem:s18], [sflag:$0x9] =	stream.linear.gather [hbm4b:s10+s2], $0x4000, $0x38;
	v63 =	vld [tilespmem:$0x0]  }
0x2b: {  	_ =	swait.ge [sflag:s17], $0x4000  }
0x2c: {  	[sflag:s17] =	ssyncset.done $0x0  }
0x2d: {  	[sflag:s17] =	ssyncadd.s32 $0xFFFFC000  }
0x2e: {  	[tilespmem:s20], [sflag:$0x1] =	stream.indirect.gather [hbm4b:s7+s19], $0x40, s2, s19, $0xb8;
	v63 =	vld [tilespmem:$0x0]  }
0x2f: {  	_ = 	snop  }
0x30: {  	[tilespmem:s21], [sflag:$0x2] =	stream.indirect.gather [hbm4b:s7+s19], $0x40, s19, s19, $0xb8;
	v63 =	vld [tilespmem:$0x0]  }
0x31: {  	s11 =	simm.s32 $0x100;
	s5 =	simm.s32 $0x100;
	s4 =	simm.s32 $0x0  }
0x32: {  	[tilespmem:s23], [sflag:$0x3] =	stream.indirect.gather [hbm4b:s7+s19], $0x40, s11, s19, $0xb8;
	v63 =	vld [tilespmem:$0x0]  }
.LBB2_2:
0x33: {  	p0 =	sne.s32 s5, $0x7F00;
	[tilespmem:s4+$0xE030] =	vst v0;
	s8 =	smov.u32 s5;
	s5 =	sadd.s32 $0x100, s5  }
.Ltmp2:
0x34: {  	[tilespmem:s4+$0xE020] =	vst v0;
	(pc) =	sbr.rel @p0 .LBB2_2-.Ltmp2, $3  }
0x35: {  	[tilespmem:s4+$0xE000] =	vst v0  }
0x36: {  	[tilespmem:s4+$0xE010] =	vst v0;
	_ =	sdelay $0x1  }
0x37: {  	s4 =	sshra.s32 s8, $0x2  }
0x38: {  	[tilespmem:s4+$0xE030] =	vst v0  }
0x39: {  	[tilespmem:s4+$0xE020] =	vst v0  }
0x3a: {  	[tilespmem:s4+$0xE000] =	vst v0  }
0x3b: {  	[tilespmem:s4+$0xE010] =	vst v0  }
0x3c: {  	[spmem:s6] =	stream.linear.scatter [tilespmem:s24], [sflag:$0x9], $0x2000, $0x38;
	v63 =	vld [tilespmem:$0x0]  }
0x3d: {  	_ =	swait.ge [sflag:s17], $0x2000  }
0x3e: {  	[sflag:s17] =	ssyncset.done $0x0  }
0x3f: {  	s11 =	rddreg [dreg:$0x5];
	[sflag:s17] =	ssyncadd.s32 $0xFFFFE000  }
0x40: {  	[spmem:s11] =	stream.linear.scatter [tilespmem:s24], [sflag:$0x9], $0x2000, $0x38;
	v63 =	vld [tilespmem:$0x0]  }
0x41: {  	_ =	swait.ge [sflag:s17], $0x2000  }
0x42: {  	[sflag:s17] =	ssyncset.done $0x0  }
0x43: {  	s5 =	rddreg [dreg:$0x6];
	[sflag:s17] =	ssyncadd.s32 $0xFFFFE000  }
0x44: {  	[spmem:s5] =	stream.linear.scatter [tilespmem:s24], [sflag:$0x9], $0x2000, $0x38;
	v63 =	vld [tilespmem:$0x0]  }
0x45: {  	_ =	swait.ge [sflag:s17], $0x2000  }
0x46: {  	[sflag:s17] =	ssyncset.done $0x0  }
0x47: {  	s8 =	rddreg [dreg:$0x7];
	[sflag:s17] =	ssyncadd.s32 $0xFFFFE000  }
0x48: {  	[spmem:s8] =	stream.linear.scatter [tilespmem:s24], [sflag:$0x9], $0x2000, $0x38;
	v63 =	vld [tilespmem:$0x0]  }
0x49: {  	_ =	swait.ge [sflag:s17], $0x2000  }
0x4a: {  	[sflag:s17] =	ssyncset.done $0x0  }
0x4b: {  	s9 =	rddreg [dreg:$0x8];
	[sflag:s17] =	ssyncadd.s32 $0xFFFFE000  }
0x4c: {  	[spmem:s9] =	stream.linear.scatter [tilespmem:s24], [sflag:$0x9], $0x2000, $0x38;
	v63 =	vld [tilespmem:$0x0]  }
0x4d: {  	_ =	swait.ge [sflag:s17], $0x2000  }
0x4e: {  	[sflag:s17] =	ssyncset.done $0x0  }
0x4f: {  	[sflag:s17] =	ssyncadd.s32 $0xFFFFE000  }
0x50: {  	[spmem:s12] =	stream.linear.scatter [tilespmem:s24], [sflag:$0x9], $0x2000, $0x38;
	v63 =	vld [tilespmem:$0x0]  }
0x51: {  	_ =	swait.ge [sflag:s17], $0x2000  }
0x52: {  	[sflag:s17] =	ssyncset.done $0x0  }
0x53: {  	[sflag:s17] =	ssyncadd.s32 $0xFFFFE000  }
0x54: {  	[spmem:s13] =	stream.linear.scatter [tilespmem:s24], [sflag:$0x9], $0x2000, $0x38;
	v63 =	vld [tilespmem:$0x0]  }
0x55: {  	_ =	swait.ge [sflag:s17], $0x2000  }
0x56: {  	[sflag:s17] =	ssyncset.done $0x0  }
0x57: {  	[sflag:s17] =	ssyncadd.s32 $0xFFFFE000  }
0x58: {  	[spmem:s14] =	stream.linear.scatter [tilespmem:s24], [sflag:$0x9], $0x2000, $0x38;
	v63 =	vld [tilespmem:$0x0]  }
0x59: {  	_ =	swait.ge [sflag:s17], $0x2000  }
0x5a: {  	[sflag:s17] =	ssyncset.done $0x0  }
0x5b: {  	[sflag:s17] =	ssyncadd.s32 $0xFFFFE000  }
0x5c: {  	[bflag:$0x0] =	sbarrier.arrive $0xFFFF  }
0x5d: {  	_ =	swait.ge [sflag:s25], $0x2000  }
0x5e: {  	[sflag:s25] =	ssyncset.done $0x0  }
0x5f: {  	[sflag:s25] =	ssyncadd.s32 $0xFFFFE000  }
0x60: {  	[spmem:s1] =	stream.indirect.scatter.add.f32 [tilespmem:s20], [sflag:$0x5], $0x40, s18, s19, $0xb8;
	v63 =	vld [tilespmem:$0x0]  }
0x61: {  	s10 =	simm.s32 $0x180  }
0x62: {  	[tilespmem:s24], [sflag:$0x4] =	stream.indirect.gather [hbm4b:s7+s19], $0x40, s10, s19, $0xb8;
	v63 =	vld [tilespmem:$0x0]  }
0x63: {  	_ =	swait.ge [sflag:s28], $0x2000  }
0x64: {  	[sflag:s28] =	ssyncset.done $0x0  }
0x65: {  	s11 =	simm.s32 $0x4080;
	[sflag:s28] =	ssyncadd.s32 $0xFFFFE000  }
0x66: {  	[spmem:s1] =	stream.indirect.scatter.add.f32 [tilespmem:s21], [sflag:$0x6], $0x40, s11, s19, $0xb8;
	v63 =	vld [tilespmem:$0x0]  }
0x67: {  	_ =	swait.ge [sflag:s30], $0x2000  }
0x68: {  	[sflag:s30] =	ssyncset.done $0x0  }
0x69: {  	s5 =	simm.s32 $0x200;
	[sflag:s30] =	ssyncadd.s32 $0xFFFFE000  }
0x6a: {  	[tilespmem:s20], [sflag:$0x1] =	stream.indirect.gather [hbm4b:s7+s19], $0x40, s5, s19, $0xb8;
	v63 =	vld [tilespmem:$0x0]  }
0x6b: {  	_ =	swait.ge [sflag:s0], $0x2000  }
0x6c: {  	[sflag:s0] =	ssyncset.done $0x0  }
0x6d: {  	s8 =	simm.s32 $0x4100;
	[sflag:s0] =	ssyncadd.s32 $0xFFFFE000  }
0x6e: {  	[spmem:s1] =	stream.indirect.scatter.add.f32 [tilespmem:s23], [sflag:$0x7], $0x40, s8, s19, $0xb8;
	v63 =	vld [tilespmem:$0x0]  }
0x6f: {  	_ =	swait.ge [sflag:s22], $0x2000  }
0x70: {  	[sflag:s22] =	ssyncset.done $0x0  }
0x71: {  	s9 =	simm.s32 $0x280;
	[sflag:s22] =	ssyncadd.s32 $0xFFFFE000  }
0x72: {  	[tilespmem:s21], [sflag:$0x2] =	stream.indirect.gather [hbm4b:s7+s19], $0x40, s9, s19, $0xb8;
	v63 =	vld [tilespmem:$0x0]  }
0x73: {  	_ =	swait.ge [sflag:s29], $0x2000  }
0x74: {  	[sflag:s29] =	ssyncset.done $0x0  }
0x75: {  	s10 =	simm.s32 $0x4180;
	[sflag:s29] =	ssyncadd.s32 $0xFFFFE000  }
0x76: {  	[spmem:s1] =	stream.indirect.scatter.add.f32 [tilespmem:s24], [sflag:$0x8], $0x40, s10, s19, $0xb8;
	v63 =	vld [tilespmem:$0x0]  }
0x77: {  	_ =	swait.ge [sflag:s3], $0x2000  }
0x78: {  	[sflag:s3] =	ssyncset.done $0x0  }
0x79: {  	s4 =	simm.s32 $0x0;
	s11 =	simm.s32 $0x300;
	[sflag:s3] =	ssyncadd.s32 $0xFFFFE000  }
0x7a: {  	[tilespmem:s23], [sflag:$0x3] =	stream.indirect.gather [hbm4b:s7+s19], $0x40, s11, s19, $0xb8;
	v63 =	vld [tilespmem:$0x0]  }
.LBB2_4:
0x7b: {  	_ =	swait.ge [sflag:s25], $0x2000  }
0x7c: {  	s5 =	sshra.s32 s4, $0x2;
	[sflag:s25] =	ssyncset.done $0x0  }
0x7d: {  	s8 =	sadd.s32 $0x4200, s5;
	[sflag:s25] =	ssyncadd.s32 $0xFFFFE000  }
0x7e: {  	[spmem:s1] =	stream.indirect.scatter.add.f32 [tilespmem:s20], [sflag:$0x5], $0x40, s8, s19, $0xb8;
	v63 =	vld [tilespmem:$0x0]  }
0x7f: {  	_ =	swait.ge [sflag:s31], $0x2000  }
0x80: {  	[sflag:s31] =	ssyncset.done $0x0  }
0x81: {  	s9 =	sadd.s32 $0x380, s5;
	[sflag:s31] =	ssyncadd.s32 $0xFFFFE000  }
0x82: {  	[tilespmem:s24], [sflag:$0x4] =	stream.indirect.gather [hbm4b:s7+s19], $0x40, s9, s19, $0xb8;
	v63 =	vld [tilespmem:$0x0]  }
0x83: {  	_ =	swait.ge [sflag:s28], $0x2000  }
0x84: {  	p0 =	seq.s32 s4, $0xF000;
	[sflag:s28] =	ssyncset.done $0x0  }
0x85: {  	s10 =	sadd.s32 $0x4280, s5;
	s8 =	simm.s32 @p0 $0x3;
	[sflag:s28] =	ssyncadd.s32 $0xFFFFE000  }
0x86: {  	[spmem:s1] =	stream.indirect.scatter.add.f32 [tilespmem:s21], [sflag:$0x6], $0x40, s10, s19, $0xb8;
	v63 =	vld [tilespmem:$0x0]  }
0x87: {  	_ =	swait.ge @p0 [sflag:s8], $0x2000  }
0x88: {  	[sflag:s8] =	ssyncset.done @p0 $0x0  }
0x89: {  	[sflag:s8] =	ssyncadd.s32 @p0 $0xFFFFE000;
	s8 =	sshra.s32 @p0 s4, $0x2  }
0x8a: {  	s9 =	simm.s32 @p0 $0x80;
	s10 =	simm.s32 @p0 $0xC000;
	s8 =	sadd.s32 @p0 $0x4300, s8  }
0x8b: {  	[spmem:s1] =	stream.indirect.scatter.add.f32 @p0 [tilespmem:s10], [sflag:$0x7], $0x40, s8, s9, $0xb8;
	v63 =	vld [tilespmem:$0x0]  }
0x8c: {  	s8 =	simm.s32 @!p0 $0x5  }
0x8d: {  	_ =	swait.ge @!p0 [sflag:s8], $0x2000  }
0x8e: {  	[sflag:s8] =	ssyncset.done @!p0 $0x0  }
0x8f: {  	[sflag:s8] =	ssyncadd.s32 @!p0 $0xFFFFE000;
	s8 =	sshra.s32 @!p0 s4, $0x2  }
0x90: {  	s11 =	simm.s32 @!p0 $0x8000;
	s10 =	simm.s32 @!p0 $0x80;
	s9 =	sadd.s32 @!p0 $0x400, s8  }
0x91: {  	[tilespmem:s11], [sflag:$0x1] =	stream.indirect.gather @!p0 [hbm4b:s7+s10], $0x40, s9, s10, $0xb8;
	v63 =	vld [tilespmem:$0x0]  }
0x92: {  	s9 =	simm.s32 @!p0 $0x3  }
0x93: {  	_ =	swait.ge @!p0 [sflag:s9], $0x2000  }
0x94: {  	[sflag:s9] =	ssyncset.done @!p0 $0x0  }
0x95: {  	s11 =	simm.s32 @!p0 $0xC000;
	[sflag:s9] =	ssyncadd.s32 @!p0 $0xFFFFE000;
	s9 =	sadd.s32 @!p0 $0x4300, s8  }
0x96: {  	[spmem:s1] =	stream.indirect.scatter.add.f32 @!p0 [tilespmem:s11], [sflag:$0x7], $0x40, s9, s10, $0xb8;
	v63 =	vld [tilespmem:$0x0]  }
0x97: {  	s9 =	simm.s32 @!p0 $0x6  }
0x98: {  	_ =	swait.ge @!p0 [sflag:s9], $0x2000  }
0x99: {  	[sflag:s9] =	ssyncset.done @!p0 $0x0  }
0x9a: {  	s8 =	sadd.s32 @!p0 $0x480, s8;
	[sflag:s9] =	ssyncadd.s32 @!p0 $0xFFFFE000;
	s9 =	simm.s32 @!p0 $0xA000  }
0x9b: {  	[tilespmem:s9], [sflag:$0x2] =	stream.indirect.gather @!p0 [hbm4b:s7+s10], $0x40, s8, s10, $0xb8;
	v63 =	vld [tilespmem:$0x0]  }
.Ltmp3:
0x9c: {  	_ = 	snop;
	(pc) =	sbr.rel @p0 .LBB2_6-.Ltmp3, $4  }
0x9d: {  	_ =	swait.ge [sflag:s29], $0x2000  }
0x9e: {  	[sflag:s29] =	ssyncset.done $0x0  }
0x9f: {  	s11 =	sadd.s32 $0x4380, s5;
	[sflag:s29] =	ssyncadd.s32 $0xFFFFE000  }
0xa0: {  	[spmem:s1] =	stream.indirect.scatter.add.f32 [tilespmem:s24], [sflag:$0x8], $0x40, s11, s19, $0xb8;
	v63 =	vld [tilespmem:$0x0]  }
.Ltmp4:
0xa1: {  	(pc) =	sbr.rel .LBB2_4-.Ltmp4, $4  }
0xa2: {  	_ =	swait.ge [sflag:s3], $0x2000  }
0xa3: {  	[sflag:s3] =	ssyncset.done $0x0  }
0xa4: {  	s5 =	sadd.s32 $0x500, s5;
	s4 =	sadd.s32 $0x800, s4;
	[sflag:s3] =	ssyncadd.s32 $0xFFFFE000  }
0xa5: {  	[tilespmem:s23], [sflag:$0x3] =	stream.indirect.gather [hbm4b:s7+s19], $0x40, s5, s19, $0xb8;
	v63 =	vld [tilespmem:$0x0]  }
.LBB2_7:
0xa6: {  	_ =	sfence.sel $0x180000  }
0xa7: {  	[bflag:$0x0] =	sbarrier.arrive $0xFFFF  }
0xa8: {  	_ =	strace $0x90000047  }
0xa9: {  	s0 =	stileid.u32;
	[bflag:$0x2] =	sbarrier.arrive $0xFFFF  }
0xaa: {  	p0 =	sne.s32 s0, $0x0;
	s0 =	rddreg [dreg:$0x2]  }
0xab: {  	s0 =	sadd.s32 @!p0 $0x100000, s0  }
0xac: {  	[sflag:s0] =	ssyncadd.tile.s32 @!p0 $0x1;
	_ =	shalt  }
.Lfunc_end2:
_tile_overlayer_lowered:
.L_overlay_start_2:
0xad: {  	(tag) =	ssettag $0x2  }
0xae: {  	s0 =	rddreg [dreg:$0x0];
	s2 =	stileid.u32  }
0xaf: {  	s1 =	rddreg [dreg:$0x1];
	p0 =	sne.s32 s2, $0x0  }
0xb0: {  	s3 =	rddreg [dreg:$0x2];
	[bflag:$0x3] =	sbarrier.arrive $0xFFFF;
	s2 =	simm.s32 @!p0 $0x1C09  }
0xb1: {  	[timem:s3], [sflag:s2] =	dma.local @!p0 [hbm:s0], s1  }
0xb2: {  	s0 =	simm.s32 @!p0 $0x9  }
0xb3: {  	_ =	swait.ge @!p0 [sflag:s0], s1  }
0xb4: {  	s1 =	ssub.s32 @!p0 $0x0, s1;
	[sflag:s0] =	ssyncset.done @!p0 $0x0  }
0xb5: {  	[sflag:s0] =	ssyncadd.s32 @!p0 s1  }
0xb6: {  	[bflag:$0x3] =	sbarrier.arrive $0xFFFF  }
0xb7: {  	_ =	shalt  }

// kernel: kernel.14.cloned.1.call-start
scs
__scs_entry_jumppad:
0x0: {  	(pc) =	sbr.rel $0x88, $3  }
0x1: {  	(tag) =	ssettag $0x0;
	lr =	simm.s32 $0x1  }
0x2: {  	[smem:$0x3F91] =	sst lr;
	_ =	strace $0xD0000000  }
0x3: {  	_ = 	snop  }
0x4: {  	_ = 	snop  }
0x5: {  	_ = 	snop  }
0x6: {  	_ = 	snop  }
0x7: {  	_ = 	snop  }
__scs_overlays_trampoline_lowered:
0x8: {  	[smem:$0x3FA0] =	sst s0  }
0x9: {  	[smem:$0x3FA1] =	sst s1  }
0xa: {  	[smem:$0x3FA2] =	sst s2  }
0xb: {  	[smem:$0x3FA3] =	sst s3  }
0xc: {  	[smem:$0x3FA4] =	sst s4  }
0xd: {  	[smem:$0x3FA5] =	sst s5  }
0xe: {  	[smem:$0x3FA6] =	sst s6  }
0xf: {  	[smem:$0x3FA7] =	sst s7  }
0x10: {  	[smem:$0x3FA8] =	sst s8  }
0x11: {  	[smem:$0x3FA9] =	sst s9;
	s0 =	simm.s32 @!p0 $0x0  }
0x12: {  	s1 =	sld [smem:$0x3F8F];
	s0 =	simm.s32 @p0 $0x1  }
0x13: {  	[smem:$0x3FAA] =	sst s0;
	s0 =	simm.s32 @!p1 $0x0  }
0x14: {  	s2 =	sld [smem:$0x3F8E];
	s0 =	simm.s32 @p1 $0x1  }
0x15: {  	[smem:$0x3FAB] =	sst s0;
	s0 =	simm.s32 @!p2 $0x0  }
0x16: {  	s3 =	sld [smem:$0x3FDB];
	s0 =	simm.s32 @p2 $0x1  }
0x17: {  	s4 =	simm.s32 $0x1BF5;
	[smem:$0x3FAD] =	sst s0  }
0x18: {  	s0 =	sld [smem:$0x3F90];
	_ =	swait.ge [sflag:s4], $0x0  }
0x19: {  	s7 =	sld [smem:$0x3F91]  }
0x1a: {  	s8 =	sadd.s32 $0xFFFFE003, lr  }
0x1b: {  	s9 =	sadd.s32 $0xFFFFFEF7, lr;
	s5 =	simm.s32 $0xFFFFFFFF;
	p2 =	slt.u32 s8, $0xFFFFF086  }
0x1c: {  	p1 =	slt.u32 s9, $0xF7A;
	s5 =	simm.s32 @!p2 $0x0  }
0x1d: {  	s5 =	simm.s32 @p1 $0x1;
	p0 =	seq.s32 s7, s2  }
0x1e: {  	s7 =	smul.u32 @!p0 $0xF7A, s2;
	p2 =	seq.s32 @!p0 s5, $0x0  }
0x1f: {  	s9 =	smul.u32 $0xF7A, s1;
	s8 =	simm.s32 @!p0 $0x1BF5;
	p2 =	por !p2, p0  }
0x20: {  	[sflag:s8] =	ssyncset.s32 @!p0 $0xFFFFF086;
	s6 =	sadd.s32 @!p0 s3, s7;
	s7 =	simm.s32 @!p0 $0x108  }
0x21: {  	s3 =	sadd.s32 s3, s9;
	s6 =	sadd.s32 @!p0 $0x88, s6;
	s7 =	simm.s32 @p2 $0x1082  }
0x22: {  	[simem:s7], [sflag:s8] =	dma.local @!p0 [hbm:s6], $0xF7A  }
0x23: {  	s9 =	sor.u32 $0xD0000000, s2;
	s6 =	simm.s32 $0x108;
	_ =	swait.ge @!p0 [sflag:s8], $0x0  }
0x24: {  	s3 =	sadd.s32 $0x88, s3;
	s6 =	simm.s32 @!p1 $0x1082;
	[sflag:s4] =	ssyncset.s32 $0xFFFFF086  }
0x25: {  	[simem:s6], [sflag:s4] =	dma.local [hbm:s3], $0xF7A  }
0x26: {  	[smem:$0x3F91] =	sst s1;
	(tag) =	ssettag s2;
	_ =	strace s9  }
0x27: {  	s1 =	sld [smem:$0x3FA1]  }
0x28: {  	s2 =	sld [smem:$0x3FA2]  }
0x29: {  	s4 =	sld [smem:$0x3FA4]  }
0x2a: {  	p0 =	seq.s32 s5, $0x0;
	s5 =	sld [smem:$0x3FA5]  }
0x2b: {  	s6 =	sld [smem:$0x3FA6]  }
0x2c: {  	s7 =	sld [smem:$0x3FA7]  }
0x2d: {  	s3 =	simm.s32 $0x108;
	s8 =	sld [smem:$0x3FA8]  }
0x2e: {  	s3 =	simm.s32 @!p0 $0x1082;
	s9 =	sld [smem:$0x3FA9]  }
0x2f: {  	lr =	sadd.s32 s0, s3;
	s0 =	sld [smem:$0x3FA0]  }
0x30: {  	s3 =	sld [smem:$0x3FA3]  }
0x31: {  	[smem:$0x3FAC] =	sst s10  }
0x32: {  	s10 =	sld [smem:$0x3FAA];
	_ =	sdelay $0x3  }
0x33: {  	p0 =	seq.s32 s10, $0x1;
	s10 =	sld [smem:$0x3FAC];
	_ =	sdelay $0x3  }
0x34: {  	[smem:$0x3FAC] =	sst s10  }
0x35: {  	s10 =	sld [smem:$0x3FAB];
	_ =	sdelay $0x3  }
0x36: {  	p1 =	seq.s32 s10, $0x1;
	s10 =	sld [smem:$0x3FAC];
	_ =	sdelay $0x3  }
0x37: {  	[smem:$0x3FAC] =	sst s10  }
0x38: {  	s10 =	sld [smem:$0x3FAD]  }
0x39: {  	_ = 	snop;
	(pc) =	sbr.ind lr, $3  }
0x3a: {  	_ = 	snop  }
0x3b: {  	_ = 	snop  }
0x3c: {  	p2 =	seq.s32 s10, $0x1;
	s10 =	sld [smem:$0x3FAC]  }
0x3d: {  	_ =	shalt  }
0x3e: {  	_ =	shalt  }
0x3f: {  	_ =	shalt  }
0x40: {  	_ =	shalt  }
0x41: {  	_ =	shalt  }
0x42: {  	_ =	shalt  }
0x43: {  	_ =	shalt  }
0x44: {  	_ =	shalt  }
0x45: {  	_ =	shalt  }
0x46: {  	_ =	shalt  }
0x47: {  	_ =	shalt  }
0x48: {  	_ =	shalt  }
0x49: {  	_ =	shalt  }
0x4a: {  	_ =	shalt  }
0x4b: {  	_ =	shalt  }
0x4c: {  	_ =	shalt  }
0x4d: {  	_ =	shalt  }
0x4e: {  	_ =	shalt  }
0x4f: {  	_ =	shalt  }
0x50: {  	_ =	shalt  }
0x51: {  	_ =	shalt  }
0x52: {  	_ =	shalt  }
0x53: {  	_ =	shalt  }
0x54: {  	_ =	shalt  }
0x55: {  	_ =	shalt  }
0x56: {  	_ =	shalt  }
0x57: {  	_ =	shalt  }
0x58: {  	_ =	shalt  }
0x59: {  	_ =	shalt  }
0x5a: {  	_ =	shalt  }
0x5b: {  	_ =	shalt  }
0x5c: {  	_ =	shalt  }
0x5d: {  	_ =	shalt  }
0x5e: {  	_ =	shalt  }
0x5f: {  	_ =	shalt  }
0x60: {  	_ =	shalt  }
0x61: {  	_ =	shalt  }
0x62: {  	_ =	shalt  }
0x63: {  	_ =	shalt  }
0x64: {  	_ =	shalt  }
0x65: {  	_ =	shalt  }
0x66: {  	_ =	shalt  }
0x67: {  	_ =	shalt  }
0x68: {  	_ =	shalt  }
0x69: {  	_ =	shalt  }
0x6a: {  	_ =	shalt  }
0x6b: {  	_ =	shalt  }
0x6c: {  	_ =	shalt  }
0x6d: {  	_ =	shalt  }
0x6e: {  	_ =	shalt  }
0x6f: {  	_ =	shalt  }
0x70: {  	_ =	shalt  }
0x71: {  	_ =	shalt  }
0x72: {  	_ =	shalt  }
0x73: {  	_ =	shalt  }
0x74: {  	_ =	shalt  }
0x75: {  	_ =	shalt  }
0x76: {  	_ =	shalt  }
0x77: {  	_ =	shalt  }
0x78: {  	_ =	shalt  }
0x79: {  	_ =	shalt  }
0x7a: {  	_ =	shalt  }
0x7b: {  	_ =	shalt  }
0x7c: {  	_ =	shalt  }
0x7d: {  	_ =	shalt  }
0x7e: {  	_ =	shalt  }
0x7f: {  	_ =	shalt  }
0x80: {  	_ =	shalt  }
0x81: {  	_ =	shalt  }
0x82: {  	_ =	shalt  }
0x83: {  	_ =	shalt  }
0x84: {  	_ =	shalt  }
0x85: {  	_ =	shalt  }
0x86: {  	_ =	shalt  }
0x87: {  	_ =	shalt  }
.Lfunc_end0:
.L_simem_size_0:
called_computation.1_lowered:
.L_overlay_start_0:
0x88: {  	s2 =	sld [smem:$0x3FD9]  }
0x89: {  	s3 =	sld [smem:$0x3FFE];
	_ =	sdelay $0x1  }
0x8a: {  	s1 =	srdreg.scid  }
0x8b: {  	s0 =	sand.u32 $0x1, s1  }
0x8c: {  	s16 =	sshll.u32 s0, $0xA;
	s2 =	sadd.s32 s3, s2  }
0x8d: {  	s2 =	sadd.s32 s2, s16  }
0x8e: {  	[smem:$0x3FB8] =	sst s2  }
0x8f: {  	_ = 	snop  }
0x90: {  	(tm) =	ssettm $0x1  }
0x91: {  	s17 =	sld [smem:$0x3FFB];
	_ =	sdelay $0x3  }
0x92: {  	_ =	strace s17  }
0x93: {  	s2 =	sld [smem:$0x3FFC];
	_ =	sdelay $0x3  }
0x94: {  	_ =	strace s2  }
0x95: {  	s2 =	sld [smem:$0x3FFD];
	_ =	sdelay $0x3  }
0x96: {  	_ =	strace s2  }
0x97: {  	_ =	strace $0x8FFFFFFF  }
0x98: {  	s18 =	sld [smem:$0x3FDB];
	_ =	sdelay $0x1  }
0x99: {  	s19 =	simm.s32 $_scs_section_size  }
0x9a: {  	s4 =	simm.s32 $_size__tile_overlayer_lowered;
	s5 =	simm.s32 $_tile_overlayer_lowered  }
0x9b: {  	s22 =	simm.s32 $0x1BFF;
	s21 =	sshll.u32 s5, $0x1;
	s2 =	sadd.s32 s19, s18  }
0x9c: {  	s6 =	simm.s32 $0x0;
	s20 =	sshll.u32 s4, $0x1;
	s4 =	sadd.s32 s21, s2  }
0x9d: {  	[timem:s6], [sflag:s22] =	dma.local [hbm:s4], s20  }
0x9e: {  	_ =	swait.ge [sflag:s22], s20  }
0x9f: {  	s3 =	ssub.s32 $0x0, s20;
	[sflag:s22] =	ssyncset.done $0x0  }
0xa0: {  	[sflag:s22] =	ssyncadd.s32 s3;
	_ =	sdelay $0x1  }
0xa1: {  	s23 =	simm.s32 $0x1B8B  }
0xa2: {  	_ =	swait.ge [sflag:s23], $0x1  }
0xa3: {  	[sflag:s23] =	ssyncset.done $0x0  }
0xa4: {  	s25 =	simm.s32 $0x1B8E;
	s24 =	sld [smem:$0x3FFE];
	[sflag:s23] =	ssyncadd.s32 $0xFFFFFFFF  }
0xa5: {  	s26 =	simm.s32 $execute0_lowered;
	[smem:$0x3FD2] =	sst s25  }
0xa6: {  	s4 =	sshll.u32 s26, $0x1;
	_ =	strace $0x80000049;
	[dreg:$0x1] =	wrdreg $0xFFFFFFFF  }
0xa7: {  	s28 =	simm.s32 $_size_execute0_lowered;
	s2 =	sadd.s32 s2, s4;
	[dreg:$0x0] =	wrdreg $0x0  }
0xa8: {  	s4 =	sshll.u32 s28, $0x1;
	[dreg:$0x2] =	wrdreg s2  }
0xa9: {  	[dreg:$0x3] =	wrdreg s4  }
0xaa: {  	[dreg:$0x4] =	wrdreg $0xC0  }
0xab: {  	_ =	task [dreg:s6], $0x5FFFF  }
0xac: {  	[dreg:$0x1] =	wrdreg $0xFFFFFFFF  }
0xad: {  	[dreg:$0x0] =	wrdreg $0x60  }
0xae: {  	[dreg:$0x2] =	wrdreg s24  }
0xaf: {  	[dreg:$0x3] =	wrdreg $0x100000  }
0xb0: {  	[dreg:$0x4] =	wrdreg $0x9  }
0xb1: {  	_ =	task.clear_ibuf [dreg:s6], $0x5FFFF;
	_ =	strace $0x90000049  }
0xb2: {  	s29 =	simm.s32 $0x9;
	_ =	strace $0x8000004B  }
0xb3: {  	_ =	swait.ge [sflag:s29], $0x1  }
0xb4: {  	[sflag:s29] =	ssyncadd.s32 $0xFFFFFFFF  }
0xb5: {  	_ =	strace $0x9000004B  }
0xb6: {  	_ =	sfence  }
0xb7: {  	s30 =	sld [smem:$0x0];
	_ =	sdelay $0x2  }
0xb8: {  	s31 =	sshll.u32 s1, $0xD;
	s1 =	sshrl.u32 s1, $0x2  }
0xb9: {  	s3 =	sand.u32 $0x4000, s31;
	s1 =	sadd.s32 s1, s30  }
0xba: {  	s0 =	sor.u32 s3, s0;
	s1 =	sshll.u32 s1, $0x11  }
0xbb: {  	s0 =	sor.u32 s1, s0  }
0xbc: {  	s0 =	sadd.s32 $0x8F2B, s0  }
0xbd: {  	[sflag:s0] =	ssyncadd.remote.s32 $0x1  }
0xbe: {  	_ =	sfence.sel $0xFFFF  }
0xbf: {  	[dreg:$0x0] =	wrdreg $0xFFFFFFFF;
	(pc) =	sbr.abs _section_cstart, $3  }
0xc0: {  	[dreg:$0x1] =	wrdreg $0xFFFFFFFF  }
0xc1: {  	_ =	task.clear_ibuf [dreg:s6], $0x2FFFF;
	_ =	strace $0x9FFFFFFF  }
0xc2: {  	(tm) =	ssettm $0x7FFFFFFF  }
0xc3: {  	_ =	shalt  }
tec
execute0_lowered:
.L_overlay_start_1:
0x0: {  	(tag) =	ssettag $0x1  }
0x1: {  	s0 =	rddreg [dreg:$0x0]  }
0x2: {  	s1 =	rddreg [dreg:$0x1];
	s2 =	simm.s32 $0x0  }
0x3: {  	s3 =	srdreg.scid;
	s8 =	stileid.u32;
	s17 =	simm.s32 $0x9  }
0x4: {  	s18 =	simm.s32 $0x4000;
	s19 =	simm.s32 $0x80;
	s20 =	simm.s32 $0x8000  }
0x5: {  	s28 =	simm.s32 $0x2;
	s30 =	simm.s32 $0x5;
	s29 =	simm.s32 $0x4  }
0x6: {  	s31 =	simm.s32 $0x8;
	[smem:$0x7FF] =	sst s2;
	s3 =	sand.u32 $0x1, s3  }
0x7: {  	s5 =	sshll.u32 s8, $0xB;
	s21 =	sshll.u32 s8, $0x10;
	s23 =	sshll.u32 s8, $0xD  }
0x8: {  	_ =	strace $0x8000004A;
	s4 =	sshll.u32 s3, $0x11;
	s3 =	ssub.s32 $0x2, s3  }
0x9: {  	s4 =	sadd.s32 s4, s0;
	s6 =	sshrl.u32 s3, $0x1;
	s0 =	sadd.s32 s5, s0  }
0xa: {  	s3 =	ssub.s32 s3, s6;
	s22 =	sadd.s32 $0x9E000, s0;
	s0 =	sadd.s32 $0x6000, s0  }
0xb: {  	s6 =	sadd.s32 s21, s1;
	s7 =	sadd.s32 $0xA6000, s4;
	[dreg:$0x3] =	wrdreg s22  }
0xc: {  	s21 =	simm.s32 $0xA000;
	[dreg:$0x4] =	wrdreg s0;
	s5 =	sadd.s32 $0x2000, s6  }
0xd: {  	s24 =	sadd.s32 $0x4000, s6;
	s25 =	sadd.s32 $0x6000, s6;
	s26 =	sadd.s32 $0x8000, s6  }
0xe: {  	s12 =	sadd.s32 $0xA000, s6;
	s13 =	sadd.s32 $0xC000, s6;
	s0 =	sadd.s32 s23, s4  }
.Ltmp0:
0xf: {  	s14 =	sadd.s32 $0xE000, s6;
	[dreg:$0x5] =	wrdreg s5;
	(pc) =	sbr.rel .LBB2_1-.Ltmp0, $4  }
0x10: {  	s16 =	smax.u32 s3, $0x1;
	s23 =	simm.s32 $0xC000;
	[dreg:$0x6] =	wrdreg s24  }
0x11: {  	s22 =	simm.s32 $0x6;
	s3 =	simm.s32 $0x7;
	[dreg:$0x7] =	wrdreg s25  }
0x12: {  	[dreg:$0x8] =	wrdreg s26;
	s15 =	sadd.s32 $0x5E000, s0;
	s24 =	simm.s32 $0xE000  }
0x13: {  	v0 =	vimm.f32 $0.0e+00;
	s25 =	simm.s32 $0x1;
	s0 =	simm.s32 $0x3;
	s26 =	simm.s32 $0x0  }
.LBB2_6:
0x14: {  	_ =	swait.ge [sflag:s30], $0x2000  }
0x15: {  	[sflag:s30] =	ssyncset.done $0x0  }
0x16: {  	[sflag:s30] =	ssyncadd.s32 $0xFFFFE000  }
0x17: {  	_ =	swait.ge [sflag:s22], $0x2000  }
0x18: {  	[sflag:s22] =	ssyncset.done $0x0  }
0x19: {  	[sflag:s22] =	ssyncadd.s32 $0xFFFFE000  }
0x1a: {  	_ =	swait.ge [sflag:s3], $0x2000  }
0x1b: {  	[sflag:s3] =	ssyncset.done $0x0  }
0x1c: {  	[sflag:s3] =	ssyncadd.s32 $0xFFFFE000  }
0x1d: {  	s4 =	stileid.u32;
	_ =	swait.ge [sflag:s31], $0x2000  }
0x1e: {  	s5 =	sshrl.u32 s6, $0x3;
	s26 =	sadd.s32 $0x1, s26;
	[sflag:s31] =	ssyncset.done $0x0  }
0x1f: {  	s4 =	sshll.u32 s4, $0x6;
	p0 =	sne.s32 s26, s16;
	[sflag:s31] =	ssyncadd.s32 $0xFFFFE000  }
.Ltmp1:
0x20: {  	s4 =	sor.u32 $0x1C09, s4;
	[bflag:$0x0] =	sbarrier.arrive $0xFFFF;
	(pc) =	sbr.rel @!p0 .LBB2_7-.Ltmp1, $4  }
0x21: {  	[hbm:s15], [sflag:s4] =	dma.local [spmem:s5], $0x2000  }
0x22: {  	_ =	swait.ge [sflag:s17], $0x2000  }
0x23: {  	[sflag:s17] =	ssyncset.done $0x0  }
0x24: {  	[sflag:s17] =	ssyncadd.s32 $0xFFFFE000  }
.LBB2_1:
0x25: {  	s4 =	rddreg [dreg:$0x3]  }
0x26: {  	[tilespmem:s2], [sflag:$0x9] =	stream.linear.gather [hbm4b:s4+s2], $0x4000, $0x38;
	v63 =	vld [tilespmem:$0x0]  }
0x27: {  	_ =	swait.ge [sflag:s17], $0x4000  }
0x28: {  	[sflag:s17] =	ssyncset.done $0x0  }
0x29: {  	s10 =	rddreg [dreg:$0x4];
	[sflag:s17] =	ssyncadd.s32 $0xFFFFC000  }
0x2a: {  	[tilespmem:s18], [sflag:$0x9] =	stream.linear.gather [hbm4b:s10+s2], $0x4000, $0x38;
	v63 =	vld [tilespmem:$0x0]  }
0x2b: {  	_ =	swait.ge [sflag:s17], $0x4000  }
0x2c: {  	[sflag:s17] =	ssyncset.done $0x0  }
0x2d: {  	[sflag:s17] =	ssyncadd.s32 $0xFFFFC000  }
0x2e: {  	[tilespmem:s20], [sflag:$0x1] =	stream.indirect.gather [hbm4b:s7+s19], $0x40, s2, s19, $0xb8;
	v63 =	vld [tilespmem:$0x0]  }
0x2f: {  	_ = 	snop  }
0x30: {  	[tilespmem:s21], [sflag:$0x2] =	stream.indirect.gather [hbm4b:s7+s19], $0x40, s19, s19, $0xb8;
	v63 =	vld [tilespmem:$0x0]  }
0x31: {  	s11 =	simm.s32 $0x100;
	s5 =	simm.s32 $0x100;
	s4 =	simm.s32 $0x0  }
0x32: {  	[tilespmem:s23], [sflag:$0x3] =	stream.indirect.gather [hbm4b:s7+s19], $0x40, s11, s19, $0xb8;
	v63 =	vld [tilespmem:$0x0]  }
.LBB2_2:
0x33: {  	p0 =	sne.s32 s5, $0x7F00;
	[tilespmem:s4+$0xE030] =	vst v0;
	s8 =	smov.u32 s5;
	s5 =	sadd.s32 $0x100, s5  }
.Ltmp2:
0x34: {  	[tilespmem:s4+$0xE020] =	vst v0;
	(pc) =	sbr.rel @p0 .LBB2_2-.Ltmp2, $3  }
0x35: {  	[tilespmem:s4+$0xE000] =	vst v0  }
0x36: {  	[tilespmem:s4+$0xE010] =	vst v0;
	_ =	sdelay $0x1  }
0x37: {  	s4 =	sshra.s32 s8, $0x2  }
0x38: {  	[tilespmem:s4+$0xE030] =	vst v0  }
0x39: {  	[tilespmem:s4+$0xE020] =	vst v0  }
0x3a: {  	[tilespmem:s4+$0xE000] =	vst v0  }
0x3b: {  	[tilespmem:s4+$0xE010] =	vst v0  }
0x3c: {  	[spmem:s6] =	stream.linear.scatter [tilespmem:s24], [sflag:$0x9], $0x2000, $0x38;
	v63 =	vld [tilespmem:$0x0]  }
0x3d: {  	_ =	swait.ge [sflag:s17], $0x2000  }
0x3e: {  	[sflag:s17] =	ssyncset.done $0x0  }
0x3f: {  	s11 =	rddreg [dreg:$0x5];
	[sflag:s17] =	ssyncadd.s32 $0xFFFFE000  }
0x40: {  	[spmem:s11] =	stream.linear.scatter [tilespmem:s24], [sflag:$0x9], $0x2000, $0x38;
	v63 =	vld [tilespmem:$0x0]  }
0x41: {  	_ =	swait.ge [sflag:s17], $0x2000  }
0x42: {  	[sflag:s17] =	ssyncset.done $0x0  }
0x43: {  	s5 =	rddreg [dreg:$0x6];
	[sflag:s17] =	ssyncadd.s32 $0xFFFFE000  }
0x44: {  	[spmem:s5] =	stream.linear.scatter [tilespmem:s24], [sflag:$0x9], $0x2000, $0x38;
	v63 =	vld [tilespmem:$0x0]  }
0x45: {  	_ =	swait.ge [sflag:s17], $0x2000  }
0x46: {  	[sflag:s17] =	ssyncset.done $0x0  }
0x47: {  	s8 =	rddreg [dreg:$0x7];
	[sflag:s17] =	ssyncadd.s32 $0xFFFFE000  }
0x48: {  	[spmem:s8] =	stream.linear.scatter [tilespmem:s24], [sflag:$0x9], $0x2000, $0x38;
	v63 =	vld [tilespmem:$0x0]  }
0x49: {  	_ =	swait.ge [sflag:s17], $0x2000  }
0x4a: {  	[sflag:s17] =	ssyncset.done $0x0  }
0x4b: {  	s9 =	rddreg [dreg:$0x8];
	[sflag:s17] =	ssyncadd.s32 $0xFFFFE000  }
0x4c: {  	[spmem:s9] =	stream.linear.scatter [tilespmem:s24], [sflag:$0x9], $0x2000, $0x38;
	v63 =	vld [tilespmem:$0x0]  }
0x4d: {  	_ =	swait.ge [sflag:s17], $0x2000  }
0x4e: {  	[sflag:s17] =	ssyncset.done $0x0  }
0x4f: {  	[sflag:s17] =	ssyncadd.s32 $0xFFFFE000  }
0x50: {  	[spmem:s12] =	stream.linear.scatter [tilespmem:s24], [sflag:$0x9], $0x2000, $0x38;
	v63 =	vld [tilespmem:$0x0]  }
0x51: {  	_ =	swait.ge [sflag:s17], $0x2000  }
0x52: {  	[sflag:s17] =	ssyncset.done $0x0  }
0x53: {  	[sflag:s17] =	ssyncadd.s32 $0xFFFFE000  }
0x54: {  	[spmem:s13] =	stream.linear.scatter [tilespmem:s24], [sflag:$0x9], $0x2000, $0x38;
	v63 =	vld [tilespmem:$0x0]  }
0x55: {  	_ =	swait.ge [sflag:s17], $0x2000  }
0x56: {  	[sflag:s17] =	ssyncset.done $0x0  }
0x57: {  	[sflag:s17] =	ssyncadd.s32 $0xFFFFE000  }
0x58: {  	[spmem:s14] =	stream.linear.scatter [tilespmem:s24], [sflag:$0x9], $0x2000, $0x38;
	v63 =	vld [tilespmem:$0x0]  }
0x59: {  	_ =	swait.ge [sflag:s17], $0x2000  }
0x5a: {  	[sflag:s17] =	ssyncset.done $0x0  }
0x5b: {  	[sflag:s17] =	ssyncadd.s32 $0xFFFFE000  }
0x5c: {  	[bflag:$0x0] =	sbarrier.arrive $0xFFFF  }
0x5d: {  	_ =	swait.ge [sflag:s25], $0x2000  }
0x5e: {  	[sflag:s25] =	ssyncset.done $0x0  }
0x5f: {  	[sflag:s25] =	ssyncadd.s32 $0xFFFFE000  }
0x60: {  	[spmem:s1] =	stream.indirect.scatter.add.f32 [tilespmem:s20], [sflag:$0x5], $0x40, s18, s19, $0xb8;
	v63 =	vld [tilespmem:$0x0]  }
0x61: {  	s10 =	simm.s32 $0x180  }
0x62: {  	[tilespmem:s24], [sflag:$0x4] =	stream.indirect.gather [hbm4b:s7+s19], $0x40, s10, s19, $0xb8;
	v63 =	vld [tilespmem:$0x0]  }
0x63: {  	_ =	swait.ge [sflag:s28], $0x2000  }
0x64: {  	[sflag:s28] =	ssyncset.done $0x0  }
0x65: {  	s11 =	simm.s32 $0x4080;
	[sflag:s28] =	ssyncadd.s32 $0xFFFFE000  }
0x66: {  	[spmem:s1] =	stream.indirect.scatter.add.f32 [tilespmem:s21], [sflag:$0x6], $0x40, s11, s19, $0xb8;
	v63 =	vld [tilespmem:$0x0]  }
0x67: {  	_ =	swait.ge [sflag:s30], $0x2000  }
0x68: {  	[sflag:s30] =	ssyncset.done $0x0  }
0x69: {  	s5 =	simm.s32 $0x200;
	[sflag:s30] =	ssyncadd.s32 $0xFFFFE000  }
0x6a: {  	[tilespmem:s20], [sflag:$0x1] =	stream.indirect.gather [hbm4b:s7+s19], $0x40, s5, s19, $0xb8;
	v63 =	vld [tilespmem:$0x0]  }
0x6b: {  	_ =	swait.ge [sflag:s0], $0x2000  }
0x6c: {  	[sflag:s0] =	ssyncset.done $0x0  }
0x6d: {  	s8 =	simm.s32 $0x4100;
	[sflag:s0] =	ssyncadd.s32 $0xFFFFE000  }
0x6e: {  	[spmem:s1] =	stream.indirect.scatter.add.f32 [tilespmem:s23], [sflag:$0x7], $0x40, s8, s19, $0xb8;
	v63 =	vld [tilespmem:$0x0]  }
0x6f: {  	_ =	swait.ge [sflag:s22], $0x2000  }
0x70: {  	[sflag:s22] =	ssyncset.done $0x0  }
0x71: {  	s9 =	simm.s32 $0x280;
	[sflag:s22] =	ssyncadd.s32 $0xFFFFE000  }
0x72: {  	[tilespmem:s21], [sflag:$0x2] =	stream.indirect.gather [hbm4b:s7+s19], $0x40, s9, s19, $0xb8;
	v63 =	vld [tilespmem:$0x0]  }
0x73: {  	_ =	swait.ge [sflag:s29], $0x2000  }
0x74: {  	[sflag:s29] =	ssyncset.done $0x0  }
0x75: {  	s10 =	simm.s32 $0x4180;
	[sflag:s29] =	ssyncadd.s32 $0xFFFFE000  }
0x76: {  	[spmem:s1] =	stream.indirect.scatter.add.f32 [tilespmem:s24], [sflag:$0x8], $0x40, s10, s19, $0xb8;
	v63 =	vld [tilespmem:$0x0]  }
0x77: {  	_ =	swait.ge [sflag:s3], $0x2000  }
0x78: {  	[sflag:s3] =	ssyncset.done $0x0  }
0x79: {  	s4 =	simm.s32 $0x0;
	s11 =	simm.s32 $0x300;
	[sflag:s3] =	ssyncadd.s32 $0xFFFFE000  }
0x7a: {  	[tilespmem:s23], [sflag:$0x3] =	stream.indirect.gather [hbm4b:s7+s19], $0x40, s11, s19, $0xb8;
	v63 =	vld [tilespmem:$0x0]  }
.LBB2_4:
0x7b: {  	_ =	swait.ge [sflag:s25], $0x2000  }
0x7c: {  	s5 =	sshra.s32 s4, $0x2;
	[sflag:s25] =	ssyncset.done $0x0  }
0x7d: {  	s8 =	sadd.s32 $0x4200, s5;
	[sflag:s25] =	ssyncadd.s32 $0xFFFFE000  }
0x7e: {  	[spmem:s1] =	stream.indirect.scatter.add.f32 [tilespmem:s20], [sflag:$0x5], $0x40, s8, s19, $0xb8;
	v63 =	vld [tilespmem:$0x0]  }
0x7f: {  	_ =	swait.ge [sflag:s31], $0x2000  }
0x80: {  	[sflag:s31] =	ssyncset.done $0x0  }
0x81: {  	s9 =	sadd.s32 $0x380, s5;
	[sflag:s31] =	ssyncadd.s32 $0xFFFFE000  }
0x82: {  	[tilespmem:s24], [sflag:$0x4] =	stream.indirect.gather [hbm4b:s7+s19], $0x40, s9, s19, $0xb8;
	v63 =	vld [tilespmem:$0x0]  }
0x83: {  	_ =	swait.ge [sflag:s28], $0x2000  }
0x84: {  	p0 =	seq.s32 s4, $0xF000;
	[sflag:s28] =	ssyncset.done $0x0  }
0x85: {  	s10 =	sadd.s32 $0x4280, s5;
	s8 =	simm.s32 @p0 $0x3;
	[sflag:s28] =	ssyncadd.s32 $0xFFFFE000  }
0x86: {  	[spmem:s1] =	stream.indirect.scatter.add.f32 [tilespmem:s21], [sflag:$0x6], $0x40, s10, s19, $0xb8;
	v63 =	vld [tilespmem:$0x0]  }
0x87: {  	_ =	swait.ge @p0 [sflag:s8], $0x2000  }
0x88: {  	[sflag:s8] =	ssyncset.done @p0 $0x0  }
0x89: {  	[sflag:s8] =	ssyncadd.s32 @p0 $0xFFFFE000;
	s8 =	sshra.s32 @p0 s4, $0x2  }
0x8a: {  	s9 =	simm.s32 @p0 $0x80;
	s10 =	simm.s32 @p0 $0xC000;
	s8 =	sadd.s32 @p0 $0x4300, s8  }
0x8b: {  	[spmem:s1] =	stream.indirect.scatter.add.f32 @p0 [tilespmem:s10], [sflag:$0x7], $0x40, s8, s9, $0xb8;
	v63 =	vld [tilespmem:$0x0]  }
0x8c: {  	s8 =	simm.s32 @!p0 $0x5  }
0x8d: {  	_ =	swait.ge @!p0 [sflag:s8], $0x2000  }
0x8e: {  	[sflag:s8] =	ssyncset.done @!p0 $0x0  }
0x8f: {  	[sflag:s8] =	ssyncadd.s32 @!p0 $0xFFFFE000;
	s8 =	sshra.s32 @!p0 s4, $0x2  }
0x90: {  	s11 =	simm.s32 @!p0 $0x8000;
	s10 =	simm.s32 @!p0 $0x80;
	s9 =	sadd.s32 @!p0 $0x400, s8  }
0x91: {  	[tilespmem:s11], [sflag:$0x1] =	stream.indirect.gather @!p0 [hbm4b:s7+s10], $0x40, s9, s10, $0xb8;
	v63 =	vld [tilespmem:$0x0]  }
0x92: {  	s9 =	simm.s32 @!p0 $0x3  }
0x93: {  	_ =	swait.ge @!p0 [sflag:s9], $0x2000  }
0x94: {  	[sflag:s9] =	ssyncset.done @!p0 $0x0  }
0x95: {  	s11 =	simm.s32 @!p0 $0xC000;
	[sflag:s9] =	ssyncadd.s32 @!p0 $0xFFFFE000;
	s9 =	sadd.s32 @!p0 $0x4300, s8  }
0x96: {  	[spmem:s1] =	stream.indirect.scatter.add.f32 @!p0 [tilespmem:s11], [sflag:$0x7], $0x40, s9, s10, $0xb8;
	v63 =	vld [tilespmem:$0x0]  }
0x97: {  	s9 =	simm.s32 @!p0 $0x6  }
0x98: {  	_ =	swait.ge @!p0 [sflag:s9], $0x2000  }
0x99: {  	[sflag:s9] =	ssyncset.done @!p0 $0x0  }
0x9a: {  	s8 =	sadd.s32 @!p0 $0x480, s8;
	[sflag:s9] =	ssyncadd.s32 @!p0 $0xFFFFE000;
	s9 =	simm.s32 @!p0 $0xA000  }
0x9b: {  	[tilespmem:s9], [sflag:$0x2] =	stream.indirect.gather @!p0 [hbm4b:s7+s10], $0x40, s8, s10, $0xb8;
	v63 =	vld [tilespmem:$0x0]  }
.Ltmp3:
0x9c: {  	_ = 	snop;
	(pc) =	sbr.rel @p0 .LBB2_6-.Ltmp3, $4  }
0x9d: {  	_ =	swait.ge [sflag:s29], $0x2000  }
0x9e: {  	[sflag:s29] =	ssyncset.done $0x0  }
0x9f: {  	s11 =	sadd.s32 $0x4380, s5;
	[sflag:s29] =	ssyncadd.s32 $0xFFFFE000  }
0xa0: {  	[spmem:s1] =	stream.indirect.scatter.add.f32 [tilespmem:s24], [sflag:$0x8], $0x40, s11, s19, $0xb8;
	v63 =	vld [tilespmem:$0x0]  }
.Ltmp4:
0xa1: {  	(pc) =	sbr.rel .LBB2_4-.Ltmp4, $4  }
0xa2: {  	_ =	swait.ge [sflag:s3], $0x2000  }
0xa3: {  	[sflag:s3] =	ssyncset.done $0x0  }
0xa4: {  	s5 =	sadd.s32 $0x500, s5;
	s4 =	sadd.s32 $0x800, s4;
	[sflag:s3] =	ssyncadd.s32 $0xFFFFE000  }
0xa5: {  	[tilespmem:s23], [sflag:$0x3] =	stream.indirect.gather [hbm4b:s7+s19], $0x40, s5, s19, $0xb8;
	v63 =	vld [tilespmem:$0x0]  }
.LBB2_7:
0xa6: {  	_ =	sfence.sel $0x180000  }
0xa7: {  	[bflag:$0x0] =	sbarrier.arrive $0xFFFF  }
0xa8: {  	_ =	strace $0x9000004A  }
0xa9: {  	s0 =	stileid.u32;
	[bflag:$0x2] =	sbarrier.arrive $0xFFFF  }
0xaa: {  	p0 =	sne.s32 s0, $0x0;
	s0 =	rddreg [dreg:$0x2]  }
0xab: {  	s0 =	sadd.s32 @!p0 $0x100000, s0  }
0xac: {  	[sflag:s0] =	ssyncadd.tile.s32 @!p0 $0x1;
	_ =	shalt  }
.Lfunc_end2:
_tile_overlayer_lowered:
.L_overlay_start_2:
0xad: {  	(tag) =	ssettag $0x2  }
0xae: {  	s0 =	rddreg [dreg:$0x0];
	s2 =	stileid.u32  }
0xaf: {  	s1 =	rddreg [dreg:$0x1];
	p0 =	sne.s32 s2, $0x0  }
0xb0: {  	s3 =	rddreg [dreg:$0x2];
	[bflag:$0x3] =	sbarrier.arrive $0xFFFF;
	s2 =	simm.s32 @!p0 $0x1C09  }
0xb1: {  	[timem:s3], [sflag:s2] =	dma.local @!p0 [hbm:s0], s1  }
0xb2: {  	s0 =	simm.s32 @!p0 $0x9  }
0xb3: {  	_ =	swait.ge @!p0 [sflag:s0], s1  }
0xb4: {  	s1 =	ssub.s32 @!p0 $0x0, s1;
	[sflag:s0] =	ssyncset.done @!p0 $0x0  }
0xb5: {  	[sflag:s0] =	ssyncadd.s32 @!p0 s1  }
0xb6: {  	[bflag:$0x3] =	sbarrier.arrive $0xFFFF  }
0xb7: {  	_ =	shalt  }

// kernel: kernel.17.cloned.1.call-start
scs
__scs_entry_jumppad:
0x0: {  	(pc) =	sbr.rel $0x88, $3  }
0x1: {  	(tag) =	ssettag $0x0;
	lr =	simm.s32 $0x1  }
0x2: {  	[smem:$0x3F91] =	sst lr;
	_ =	strace $0xD0000000  }
0x3: {  	_ = 	snop  }
0x4: {  	_ = 	snop  }
0x5: {  	_ = 	snop  }
0x6: {  	_ = 	snop  }
0x7: {  	_ = 	snop  }
__scs_overlays_trampoline_lowered:
0x8: {  	[smem:$0x3FA0] =	sst s0  }
0x9: {  	[smem:$0x3FA1] =	sst s1  }
0xa: {  	[smem:$0x3FA2] =	sst s2  }
0xb: {  	[smem:$0x3FA3] =	sst s3  }
0xc: {  	[smem:$0x3FA4] =	sst s4  }
0xd: {  	[smem:$0x3FA5] =	sst s5  }
0xe: {  	[smem:$0x3FA6] =	sst s6  }
0xf: {  	[smem:$0x3FA7] =	sst s7  }
0x10: {  	[smem:$0x3FA8] =	sst s8  }
0x11: {  	[smem:$0x3FA9] =	sst s9;
	s0 =	simm.s32 @!p0 $0x0  }
0x12: {  	s1 =	sld [smem:$0x3F8F];
	s0 =	simm.s32 @p0 $0x1  }
0x13: {  	[smem:$0x3FAA] =	sst s0;
	s0 =	simm.s32 @!p1 $0x0  }
0x14: {  	s2 =	sld [smem:$0x3F8E];
	s0 =	simm.s32 @p1 $0x1  }
0x15: {  	[smem:$0x3FAB] =	sst s0;
	s0 =	simm.s32 @!p2 $0x0  }
0x16: {  	s3 =	sld [smem:$0x3FDB];
	s0 =	simm.s32 @p2 $0x1  }
0x17: {  	s4 =	simm.s32 $0x1BF5;
	[smem:$0x3FAD] =	sst s0  }
0x18: {  	s0 =	sld [smem:$0x3F90];
	_ =	swait.ge [sflag:s4], $0x0  }
0x19: {  	s7 =	sld [smem:$0x3F91]  }
0x1a: {  	s8 =	sadd.s32 $0xFFFFE003, lr  }
0x1b: {  	s9 =	sadd.s32 $0xFFFFFEF7, lr;
	s5 =	simm.s32 $0xFFFFFFFF;
	p2 =	slt.u32 s8, $0xFFFFF086  }
0x1c: {  	p1 =	slt.u32 s9, $0xF7A;
	s5 =	simm.s32 @!p2 $0x0  }
0x1d: {  	s5 =	simm.s32 @p1 $0x1;
	p0 =	seq.s32 s7, s2  }
0x1e: {  	s7 =	smul.u32 @!p0 $0xF7A, s2;
	p2 =	seq.s32 @!p0 s5, $0x0  }
0x1f: {  	s9 =	smul.u32 $0xF7A, s1;
	s8 =	simm.s32 @!p0 $0x1BF5;
	p2 =	por !p2, p0  }
0x20: {  	[sflag:s8] =	ssyncset.s32 @!p0 $0xFFFFF086;
	s6 =	sadd.s32 @!p0 s3, s7;
	s7 =	simm.s32 @!p0 $0x108  }
0x21: {  	s3 =	sadd.s32 s3, s9;
	s6 =	sadd.s32 @!p0 $0x88, s6;
	s7 =	simm.s32 @p2 $0x1082  }
0x22: {  	[simem:s7], [sflag:s8] =	dma.local @!p0 [hbm:s6], $0xF7A  }
0x23: {  	s9 =	sor.u32 $0xD0000000, s2;
	s6 =	simm.s32 $0x108;
	_ =	swait.ge @!p0 [sflag:s8], $0x0  }
0x24: {  	s3 =	sadd.s32 $0x88, s3;
	s6 =	simm.s32 @!p1 $0x1082;
	[sflag:s4] =	ssyncset.s32 $0xFFFFF086  }
0x25: {  	[simem:s6], [sflag:s4] =	dma.local [hbm:s3], $0xF7A  }
0x26: {  	[smem:$0x3F91] =	sst s1;
	(tag) =	ssettag s2;
	_ =	strace s9  }
0x27: {  	s1 =	sld [smem:$0x3FA1]  }
0x28: {  	s2 =	sld [smem:$0x3FA2]  }
0x29: {  	s4 =	sld [smem:$0x3FA4]  }
0x2a: {  	p0 =	seq.s32 s5, $0x0;
	s5 =	sld [smem:$0x3FA5]  }
0x2b: {  	s6 =	sld [smem:$0x3FA6]  }
0x2c: {  	s7 =	sld [smem:$0x3FA7]  }
0x2d: {  	s3 =	simm.s32 $0x108;
	s8 =	sld [smem:$0x3FA8]  }
0x2e: {  	s3 =	simm.s32 @!p0 $0x1082;
	s9 =	sld [smem:$0x3FA9]  }
0x2f: {  	lr =	sadd.s32 s0, s3;
	s0 =	sld [smem:$0x3FA0]  }
0x30: {  	s3 =	sld [smem:$0x3FA3]  }
0x31: {  	[smem:$0x3FAC] =	sst s10  }
0x32: {  	s10 =	sld [smem:$0x3FAA];
	_ =	sdelay $0x3  }
0x33: {  	p0 =	seq.s32 s10, $0x1;
	s10 =	sld [smem:$0x3FAC];
	_ =	sdelay $0x3  }
0x34: {  	[smem:$0x3FAC] =	sst s10  }
0x35: {  	s10 =	sld [smem:$0x3FAB];
	_ =	sdelay $0x3  }
0x36: {  	p1 =	seq.s32 s10, $0x1;
	s10 =	sld [smem:$0x3FAC];
	_ =	sdelay $0x3  }
0x37: {  	[smem:$0x3FAC] =	sst s10  }
0x38: {  	s10 =	sld [smem:$0x3FAD]  }
0x39: {  	_ = 	snop;
	(pc) =	sbr.ind lr, $3  }
0x3a: {  	_ = 	snop  }
0x3b: {  	_ = 	snop  }
0x3c: {  	p2 =	seq.s32 s10, $0x1;
	s10 =	sld [smem:$0x3FAC]  }
0x3d: {  	_ =	shalt  }
0x3e: {  	_ =	shalt  }
0x3f: {  	_ =	shalt  }
0x40: {  	_ =	shalt  }
0x41: {  	_ =	shalt  }
0x42: {  	_ =	shalt  }
0x43: {  	_ =	shalt  }
0x44: {  	_ =	shalt  }
0x45: {  	_ =	shalt  }
0x46: {  	_ =	shalt  }
0x47: {  	_ =	shalt  }
0x48: {  	_ =	shalt  }
0x49: {  	_ =	shalt  }
0x4a: {  	_ =	shalt  }
0x4b: {  	_ =	shalt  }
0x4c: {  	_ =	shalt  }
0x4d: {  	_ =	shalt  }
0x4e: {  	_ =	shalt  }
0x4f: {  	_ =	shalt  }
0x50: {  	_ =	shalt  }
0x51: {  	_ =	shalt  }
0x52: {  	_ =	shalt  }
0x53: {  	_ =	shalt  }
0x54: {  	_ =	shalt  }
0x55: {  	_ =	shalt  }
0x56: {  	_ =	shalt  }
0x57: {  	_ =	shalt  }
0x58: {  	_ =	shalt  }
0x59: {  	_ =	shalt  }
0x5a: {  	_ =	shalt  }
0x5b: {  	_ =	shalt  }
0x5c: {  	_ =	shalt  }
0x5d: {  	_ =	shalt  }
0x5e: {  	_ =	shalt  }
0x5f: {  	_ =	shalt  }
0x60: {  	_ =	shalt  }
0x61: {  	_ =	shalt  }
0x62: {  	_ =	shalt  }
0x63: {  	_ =	shalt  }
0x64: {  	_ =	shalt  }
0x65: {  	_ =	shalt  }
0x66: {  	_ =	shalt  }
0x67: {  	_ =	shalt  }
0x68: {  	_ =	shalt  }
0x69: {  	_ =	shalt  }
0x6a: {  	_ =	shalt  }
0x6b: {  	_ =	shalt  }
0x6c: {  	_ =	shalt  }
0x6d: {  	_ =	shalt  }
0x6e: {  	_ =	shalt  }
0x6f: {  	_ =	shalt  }
0x70: {  	_ =	shalt  }
0x71: {  	_ =	shalt  }
0x72: {  	_ =	shalt  }
0x73: {  	_ =	shalt  }
0x74: {  	_ =	shalt  }
0x75: {  	_ =	shalt  }
0x76: {  	_ =	shalt  }
0x77: {  	_ =	shalt  }
0x78: {  	_ =	shalt  }
0x79: {  	_ =	shalt  }
0x7a: {  	_ =	shalt  }
0x7b: {  	_ =	shalt  }
0x7c: {  	_ =	shalt  }
0x7d: {  	_ =	shalt  }
0x7e: {  	_ =	shalt  }
0x7f: {  	_ =	shalt  }
0x80: {  	_ =	shalt  }
0x81: {  	_ =	shalt  }
0x82: {  	_ =	shalt  }
0x83: {  	_ =	shalt  }
0x84: {  	_ =	shalt  }
0x85: {  	_ =	shalt  }
0x86: {  	_ =	shalt  }
0x87: {  	_ =	shalt  }
.Lfunc_end0:
.L_simem_size_0:
called_computation.2_lowered:
.L_overlay_start_0:
0x88: {  	s2 =	sld [smem:$0x3FD9]  }
0x89: {  	s3 =	sld [smem:$0x3FFE];
	_ =	sdelay $0x1  }
0x8a: {  	s1 =	srdreg.scid  }
0x8b: {  	s0 =	sand.u32 $0x1, s1  }
0x8c: {  	s17 =	sshll.u32 s0, $0xA;
	s2 =	sadd.s32 s3, s2  }
0x8d: {  	s2 =	sadd.s32 s2, s17  }
0x8e: {  	[smem:$0x3FB8] =	sst s2  }
0x8f: {  	_ = 	snop  }
0x90: {  	s2 =	sld [smem:$0x3FD0];
	(tm) =	ssettm $0x1  }
0x91: {  	s18 =	sld [smem:$0x3FFB];
	_ =	sdelay $0x3  }
0x92: {  	_ =	strace s18  }
0x93: {  	s3 =	sld [smem:$0x3FFC];
	_ =	sdelay $0x3  }
0x94: {  	_ =	strace s3  }
0x95: {  	s3 =	sld [smem:$0x3FFD];
	_ =	sdelay $0x3  }
0x96: {  	_ =	strace s3  }
0x97: {  	_ =	strace $0x8FFFFFFF  }
0x98: {  	s19 =	sld [smem:$0x3FDB];
	_ =	sdelay $0x1  }
0x99: {  	s4 =	simm.s32 $_scs_section_size  }
0x9a: {  	s5 =	simm.s32 $_size__tile_overlayer_lowered;
	s6 =	simm.s32 $_tile_overlayer_lowered  }
0x9b: {  	s22 =	simm.s32 $0x1BFF;
	s21 =	sshll.u32 s6, $0x1;
	s3 =	sadd.s32 s4, s19  }
0x9c: {  	s7 =	simm.s32 $0x0;
	s20 =	sshll.u32 s5, $0x1;
	s5 =	sadd.s32 s21, s3  }
0x9d: {  	[timem:s7], [sflag:s22] =	dma.local [hbm:s5], s20  }
0x9e: {  	_ =	swait.ge [sflag:s22], s20  }
0x9f: {  	s4 =	ssub.s32 $0x0, s20;
	[sflag:s22] =	ssyncset.done $0x0  }
0xa0: {  	[sflag:s22] =	ssyncadd.s32 s4;
	_ =	sdelay $0x1  }
0xa1: {  	s23 =	simm.s32 $0x1B8B  }
0xa2: {  	_ =	swait.ge [sflag:s23], $0x1  }
0xa3: {  	[sflag:s23] =	ssyncset.done $0x0  }
0xa4: {  	s25 =	simm.s32 $0x1B8E;
	s24 =	sld [smem:$0x3FFE];
	[sflag:s23] =	ssyncadd.s32 $0xFFFFFFFF  }
0xa5: {  	s26 =	simm.s32 $execute0_lowered;
	[smem:$0x3FD2] =	sst s25  }
0xa6: {  	s5 =	sshll.u32 s26, $0x1;
	_ =	strace $0x8000004C;
	[dreg:$0x1] =	wrdreg $0xFFFFFFFF  }
0xa7: {  	s28 =	simm.s32 $_size_execute0_lowered;
	s3 =	sadd.s32 s3, s5;
	[dreg:$0x0] =	wrdreg $0x0  }
0xa8: {  	s5 =	sshll.u32 s28, $0x1;
	[dreg:$0x2] =	wrdreg s3  }
0xa9: {  	[dreg:$0x3] =	wrdreg s5  }
0xaa: {  	[dreg:$0x4] =	wrdreg $0xC0  }
0xab: {  	_ =	task [dreg:s7], $0x5FFFF  }
0xac: {  	[dreg:$0x1] =	wrdreg $0xFFFFFFFF  }
0xad: {  	[dreg:$0x0] =	wrdreg $0x60  }
0xae: {  	[dreg:$0x2] =	wrdreg s2  }
0xaf: {  	[dreg:$0x3] =	wrdreg s24  }
0xb0: {  	[dreg:$0x4] =	wrdreg $0x100000  }
0xb1: {  	[dreg:$0x5] =	wrdreg $0x9  }
0xb2: {  	_ =	task.clear_ibuf [dreg:s7], $0x6FFFF;
	_ =	strace $0x9000004C  }
0xb3: {  	s29 =	simm.s32 $0x9;
	_ =	strace $0x8000004E  }
0xb4: {  	_ =	swait.ge [sflag:s29], $0x1  }
0xb5: {  	[sflag:s29] =	ssyncadd.s32 $0xFFFFFFFF  }
0xb6: {  	_ =	strace $0x9000004E  }
0xb7: {  	_ =	sfence  }
0xb8: {  	s30 =	sld [smem:$0x0];
	_ =	sdelay $0x2  }
0xb9: {  	s31 =	sshll.u32 s1, $0xD;
	s1 =	sshrl.u32 s1, $0x2  }
0xba: {  	s3 =	sand.u32 $0x4000, s31;
	s1 =	sadd.s32 s1, s30  }
0xbb: {  	s0 =	sor.u32 s3, s0;
	s1 =	sshll.u32 s1, $0x11  }
0xbc: {  	s0 =	sor.u32 s1, s0  }
0xbd: {  	s0 =	sadd.s32 $0x8F2B, s0  }
0xbe: {  	[sflag:s0] =	ssyncadd.remote.s32 $0x1  }
0xbf: {  	_ =	sfence.sel $0xFFFF  }
0xc0: {  	[dreg:$0x0] =	wrdreg $0xFFFFFFFF;
	(pc) =	sbr.abs _section_cstart, $3  }
0xc1: {  	[dreg:$0x1] =	wrdreg $0xFFFFFFFF  }
0xc2: {  	_ =	task.clear_ibuf [dreg:s7], $0x2FFFF;
	_ =	strace $0x9FFFFFFF  }
0xc3: {  	(tm) =	ssettm $0x7FFFFFFF  }
tec
execute0_lowered:
.L_overlay_start_1:
0x0: {  	(tag) =	ssettag $0x1  }
0x1: {  	s0 =	rddreg [dreg:$0x0]  }
0x2: {  	s2 =	rddreg [dreg:$0x1]  }
0x3: {  	s1 =	rddreg [dreg:$0x2];
	s3 =	simm.s32 $0x0  }
0x4: {  	s4 =	srdreg.scid;
	s9 =	stileid.u32;
	s17 =	simm.s32 $0x9  }
0x5: {  	s18 =	simm.s32 $0x4000;
	s28 =	simm.s32 $0x2;
	s30 =	simm.s32 $0x5  }
0x6: {  	s29 =	simm.s32 $0x4;
	s31 =	simm.s32 $0x8;
	[smem:$0x7FF] =	sst s3  }
0x7: {  	s4 =	sand.u32 $0x1, s4;
	s5 =	sshll.u32 s9, $0xB;
	s19 =	sshll.u32 s9, $0xD  }
0x8: {  	s20 =	sshll.u32 s9, $0x10;
	_ =	strace $0x8000004D;
	s6 =	ssub.s32 $0x2, s4  }
0x9: {  	s7 =	sadd.s32 s5, s2;
	s2 =	sadd.s32 s19, s2;
	s4 =	sshll.u32 s4, $0x11  }
0xa: {  	s5 =	sadd.s32 s20, s1;
	s19 =	simm.s32 $0x80;
	s20 =	simm.s32 $0x8000  }
0xb: {  	s8 =	sshrl.u32 s6, $0x1;
	s21 =	sadd.s32 $0x6000, s7;
	s7 =	sadd.s32 $0x9E000, s7  }
0xc: {  	s22 =	sadd.s32 $0x2000, s5;
	s23 =	sadd.s32 $0x4000, s5;
	[dreg:$0x4] =	wrdreg s21  }
0xd: {  	s24 =	sadd.s32 $0x6000, s5;
	s25 =	sadd.s32 $0x8000, s5;
	[dreg:$0x5] =	wrdreg s7  }
0xe: {  	s12 =	sadd.s32 $0xA000, s5;
	s13 =	sadd.s32 $0xC000, s5;
	[dreg:$0x6] =	wrdreg s22  }
0xf: {  	s26 =	sadd.s32 s4, s2;
	s14 =	sadd.s32 $0xE000, s5;
	[dreg:$0x7] =	wrdreg s23  }
.Ltmp0:
0x10: {  	s2 =	simm.s32 $0x7;
	[dreg:$0x8] =	wrdreg s24;
	(pc) =	sbr.rel .LBB2_1-.Ltmp0, $4  }
0x11: {  	s6 =	ssub.s32 s6, s8;
	s7 =	sadd.s32 s0, s4;
	[dreg:$0x9] =	wrdreg s25  }
0x12: {  	s15 =	sadd.s32 $0x5E000, s26;
	s21 =	simm.s32 $0xA000;
	s23 =	simm.s32 $0xC000  }
0x13: {  	s24 =	simm.s32 $0xE000;
	s25 =	simm.s32 $0x1;
	s0 =	simm.s32 $0x3  }
0x14: {  	v0 =	vimm.f32 $0.0e+00;
	s22 =	simm.s32 $0x6;
	s26 =	simm.s32 $0x0;
	s16 =	smax.u32 s6, $0x1  }
.LBB2_6:
0x15: {  	_ =	swait.ge [sflag:s30], $0x2000  }
0x16: {  	[sflag:s30] =	ssyncset.done $0x0  }
0x17: {  	[sflag:s30] =	ssyncadd.s32 $0xFFFFE000  }
0x18: {  	_ =	swait.ge [sflag:s22], $0x2000  }
0x19: {  	[sflag:s22] =	ssyncset.done $0x0  }
0x1a: {  	[sflag:s22] =	ssyncadd.s32 $0xFFFFE000  }
0x1b: {  	_ =	swait.ge [sflag:s2], $0x2000  }
0x1c: {  	[sflag:s2] =	ssyncset.done $0x0  }
0x1d: {  	[sflag:s2] =	ssyncadd.s32 $0xFFFFE000  }
0x1e: {  	s4 =	stileid.u32;
	_ =	swait.ge [sflag:s31], $0x2000  }
0x1f: {  	s6 =	sshrl.u32 s5, $0x3;
	s26 =	sadd.s32 $0x1, s26;
	[sflag:s31] =	ssyncset.done $0x0  }
0x20: {  	s4 =	sshll.u32 s4, $0x6;
	p0 =	sne.s32 s26, s16;
	[sflag:s31] =	ssyncadd.s32 $0xFFFFE000  }
.Ltmp1:
0x21: {  	s4 =	sor.u32 $0x1C09, s4;
	[bflag:$0x0] =	sbarrier.arrive $0xFFFF;
	(pc) =	sbr.rel @!p0 .LBB2_7-.Ltmp1, $4  }
0x22: {  	[hbm:s15], [sflag:s4] =	dma.local [spmem:s6], $0x2000  }
0x23: {  	_ =	swait.ge [sflag:s17], $0x2000  }
0x24: {  	[sflag:s17] =	ssyncset.done $0x0  }
0x25: {  	[sflag:s17] =	ssyncadd.s32 $0xFFFFE000  }
.LBB2_1:
0x26: {  	s4 =	rddreg [dreg:$0x4]  }
0x27: {  	[tilespmem:s3], [sflag:$0x9] =	stream.linear.gather [hbm4b:s4+s3], $0x4000, $0x38;
	v63 =	vld [tilespmem:$0x0]  }
0x28: {  	_ =	swait.ge [sflag:s17], $0x4000  }
0x29: {  	[sflag:s17] =	ssyncset.done $0x0  }
0x2a: {  	s10 =	rddreg [dreg:$0x5];
	[sflag:s17] =	ssyncadd.s32 $0xFFFFC000  }
0x2b: {  	[tilespmem:s18], [sflag:$0x9] =	stream.linear.gather [hbm4b:s10+s3], $0x4000, $0x38;
	v63 =	vld [tilespmem:$0x0]  }
0x2c: {  	_ =	swait.ge [sflag:s17], $0x4000  }
0x2d: {  	[sflag:s17] =	ssyncset.done $0x0  }
0x2e: {  	[sflag:s17] =	ssyncadd.s32 $0xFFFFC000  }
0x2f: {  	[tilespmem:s20], [sflag:$0x1] =	stream.indirect.gather [hbm4b:s7+s19], $0x40, s3, s19, $0xb8;
	v63 =	vld [tilespmem:$0x0]  }
0x30: {  	_ = 	snop  }
0x31: {  	[tilespmem:s21], [sflag:$0x2] =	stream.indirect.gather [hbm4b:s7+s19], $0x40, s19, s19, $0xb8;
	v63 =	vld [tilespmem:$0x0]  }
0x32: {  	s11 =	simm.s32 $0x100;
	s6 =	simm.s32 $0x100;
	s4 =	simm.s32 $0x0  }
0x33: {  	[tilespmem:s23], [sflag:$0x3] =	stream.indirect.gather [hbm4b:s7+s19], $0x40, s11, s19, $0xb8;
	v63 =	vld [tilespmem:$0x0]  }
.LBB2_2:
0x34: {  	p0 =	sne.s32 s6, $0x7F00;
	[tilespmem:s4+$0xE030] =	vst v0;
	s8 =	smov.u32 s6;
	s6 =	sadd.s32 $0x100, s6  }
.Ltmp2:
0x35: {  	[tilespmem:s4+$0xE020] =	vst v0;
	(pc) =	sbr.rel @p0 .LBB2_2-.Ltmp2, $3  }
0x36: {  	[tilespmem:s4+$0xE000] =	vst v0  }
0x37: {  	[tilespmem:s4+$0xE010] =	vst v0;
	_ =	sdelay $0x1  }
0x38: {  	s4 =	sshra.s32 s8, $0x2  }
0x39: {  	[tilespmem:s4+$0xE030] =	vst v0  }
0x3a: {  	[tilespmem:s4+$0xE020] =	vst v0  }
0x3b: {  	[tilespmem:s4+$0xE000] =	vst v0  }
0x3c: {  	[tilespmem:s4+$0xE010] =	vst v0  }
0x3d: {  	[spmem:s5] =	stream.linear.scatter [tilespmem:s24], [sflag:$0x9], $0x2000, $0x38;
	v63 =	vld [tilespmem:$0x0]  }
0x3e: {  	_ =	swait.ge [sflag:s17], $0x2000  }
0x3f: {  	[sflag:s17] =	ssyncset.done $0x0  }
0x40: {  	s11 =	rddreg [dreg:$0x6];
	[sflag:s17] =	ssyncadd.s32 $0xFFFFE000  }
0x41: {  	[spmem:s11] =	stream.linear.scatter [tilespmem:s24], [sflag:$0x9], $0x2000, $0x38;
	v63 =	vld [tilespmem:$0x0]  }
0x42: {  	_ =	swait.ge [sflag:s17], $0x2000  }
0x43: {  	[sflag:s17] =	ssyncset.done $0x0  }
0x44: {  	s6 =	rddreg [dreg:$0x7];
	[sflag:s17] =	ssyncadd.s32 $0xFFFFE000  }
0x45: {  	[spmem:s6] =	stream.linear.scatter [tilespmem:s24], [sflag:$0x9], $0x2000, $0x38;
	v63 =	vld [tilespmem:$0x0]  }
0x46: {  	_ =	swait.ge [sflag:s17], $0x2000  }
0x47: {  	[sflag:s17] =	ssyncset.done $0x0  }
0x48: {  	s8 =	rddreg [dreg:$0x8];
	[sflag:s17] =	ssyncadd.s32 $0xFFFFE000  }
0x49: {  	[spmem:s8] =	stream.linear.scatter [tilespmem:s24], [sflag:$0x9], $0x2000, $0x38;
	v63 =	vld [tilespmem:$0x0]  }
0x4a: {  	_ =	swait.ge [sflag:s17], $0x2000  }
0x4b: {  	[sflag:s17] =	ssyncset.done $0x0  }
0x4c: {  	s9 =	rddreg [dreg:$0x9];
	[sflag:s17] =	ssyncadd.s32 $0xFFFFE000  }
0x4d: {  	[spmem:s9] =	stream.linear.scatter [tilespmem:s24], [sflag:$0x9], $0x2000, $0x38;
	v63 =	vld [tilespmem:$0x0]  }
0x4e: {  	_ =	swait.ge [sflag:s17], $0x2000  }
0x4f: {  	[sflag:s17] =	ssyncset.done $0x0  }
0x50: {  	[sflag:s17] =	ssyncadd.s32 $0xFFFFE000  }
0x51: {  	[spmem:s12] =	stream.linear.scatter [tilespmem:s24], [sflag:$0x9], $0x2000, $0x38;
	v63 =	vld [tilespmem:$0x0]  }
0x52: {  	_ =	swait.ge [sflag:s17], $0x2000  }
0x53: {  	[sflag:s17] =	ssyncset.done $0x0  }
0x54: {  	[sflag:s17] =	ssyncadd.s32 $0xFFFFE000  }
0x55: {  	[spmem:s13] =	stream.linear.scatter [tilespmem:s24], [sflag:$0x9], $0x2000, $0x38;
	v63 =	vld [tilespmem:$0x0]  }
0x56: {  	_ =	swait.ge [sflag:s17], $0x2000  }
0x57: {  	[sflag:s17] =	ssyncset.done $0x0  }
0x58: {  	[sflag:s17] =	ssyncadd.s32 $0xFFFFE000  }
0x59: {  	[spmem:s14] =	stream.linear.scatter [tilespmem:s24], [sflag:$0x9], $0x2000, $0x38;
	v63 =	vld [tilespmem:$0x0]  }
0x5a: {  	_ =	swait.ge [sflag:s17], $0x2000  }
0x5b: {  	[sflag:s17] =	ssyncset.done $0x0  }
0x5c: {  	[sflag:s17] =	ssyncadd.s32 $0xFFFFE000  }
0x5d: {  	[bflag:$0x0] =	sbarrier.arrive $0xFFFF  }
0x5e: {  	_ =	swait.ge [sflag:s25], $0x2000  }
0x5f: {  	[sflag:s25] =	ssyncset.done $0x0  }
0x60: {  	[sflag:s25] =	ssyncadd.s32 $0xFFFFE000  }
0x61: {  	[spmem:s1] =	stream.indirect.scatter.add.f32 [tilespmem:s20], [sflag:$0x5], $0x40, s18, s19, $0xb8;
	v63 =	vld [tilespmem:$0x0]  }
0x62: {  	s10 =	simm.s32 $0x180  }
0x63: {  	[tilespmem:s24], [sflag:$0x4] =	stream.indirect.gather [hbm4b:s7+s19], $0x40, s10, s19, $0xb8;
	v63 =	vld [tilespmem:$0x0]  }
0x64: {  	_ =	swait.ge [sflag:s28], $0x2000  }
0x65: {  	[sflag:s28] =	ssyncset.done $0x0  }
0x66: {  	s11 =	simm.s32 $0x4080;
	[sflag:s28] =	ssyncadd.s32 $0xFFFFE000  }
0x67: {  	[spmem:s1] =	stream.indirect.scatter.add.f32 [tilespmem:s21], [sflag:$0x6], $0x40, s11, s19, $0xb8;
	v63 =	vld [tilespmem:$0x0]  }
0x68: {  	_ =	swait.ge [sflag:s30], $0x2000  }
0x69: {  	[sflag:s30] =	ssyncset.done $0x0  }
0x6a: {  	s6 =	simm.s32 $0x200;
	[sflag:s30] =	ssyncadd.s32 $0xFFFFE000  }
0x6b: {  	[tilespmem:s20], [sflag:$0x1] =	stream.indirect.gather [hbm4b:s7+s19], $0x40, s6, s19, $0xb8;
	v63 =	vld [tilespmem:$0x0]  }
0x6c: {  	_ =	swait.ge [sflag:s0], $0x2000  }
0x6d: {  	[sflag:s0] =	ssyncset.done $0x0  }
0x6e: {  	s8 =	simm.s32 $0x4100;
	[sflag:s0] =	ssyncadd.s32 $0xFFFFE000  }
0x6f: {  	[spmem:s1] =	stream.indirect.scatter.add.f32 [tilespmem:s23], [sflag:$0x7], $0x40, s8, s19, $0xb8;
	v63 =	vld [tilespmem:$0x0]  }
0x70: {  	_ =	swait.ge [sflag:s22], $0x2000  }
0x71: {  	[sflag:s22] =	ssyncset.done $0x0  }
0x72: {  	s9 =	simm.s32 $0x280;
	[sflag:s22] =	ssyncadd.s32 $0xFFFFE000  }
0x73: {  	[tilespmem:s21], [sflag:$0x2] =	stream.indirect.gather [hbm4b:s7+s19], $0x40, s9, s19, $0xb8;
	v63 =	vld [tilespmem:$0x0]  }
0x74: {  	_ =	swait.ge [sflag:s29], $0x2000  }
0x75: {  	[sflag:s29] =	ssyncset.done $0x0  }
0x76: {  	s10 =	simm.s32 $0x4180;
	[sflag:s29] =	ssyncadd.s32 $0xFFFFE000  }
0x77: {  	[spmem:s1] =	stream.indirect.scatter.add.f32 [tilespmem:s24], [sflag:$0x8], $0x40, s10, s19, $0xb8;
	v63 =	vld [tilespmem:$0x0]  }
0x78: {  	_ =	swait.ge [sflag:s2], $0x2000  }
0x79: {  	[sflag:s2] =	ssyncset.done $0x0  }
0x7a: {  	s4 =	simm.s32 $0x0;
	s11 =	simm.s32 $0x300;
	[sflag:s2] =	ssyncadd.s32 $0xFFFFE000  }
0x7b: {  	[tilespmem:s23], [sflag:$0x3] =	stream.indirect.gather [hbm4b:s7+s19], $0x40, s11, s19, $0xb8;
	v63 =	vld [tilespmem:$0x0]  }
.LBB2_4:
0x7c: {  	_ =	swait.ge [sflag:s25], $0x2000  }
0x7d: {  	s6 =	sshra.s32 s4, $0x2;
	[sflag:s25] =	ssyncset.done $0x0  }
0x7e: {  	s8 =	sadd.s32 $0x4200, s6;
	[sflag:s25] =	ssyncadd.s32 $0xFFFFE000  }
0x7f: {  	[spmem:s1] =	stream.indirect.scatter.add.f32 [tilespmem:s20], [sflag:$0x5], $0x40, s8, s19, $0xb8;
	v63 =	vld [tilespmem:$0x0]  }
0x80: {  	_ =	swait.ge [sflag:s31], $0x2000  }
0x81: {  	[sflag:s31] =	ssyncset.done $0x0  }
0x82: {  	s9 =	sadd.s32 $0x380, s6;
	[sflag:s31] =	ssyncadd.s32 $0xFFFFE000  }
0x83: {  	[tilespmem:s24], [sflag:$0x4] =	stream.indirect.gather [hbm4b:s7+s19], $0x40, s9, s19, $0xb8;
	v63 =	vld [tilespmem:$0x0]  }
0x84: {  	_ =	swait.ge [sflag:s28], $0x2000  }
0x85: {  	p0 =	seq.s32 s4, $0xF000;
	[sflag:s28] =	ssyncset.done $0x0  }
0x86: {  	s10 =	sadd.s32 $0x4280, s6;
	s8 =	simm.s32 @p0 $0x3;
	[sflag:s28] =	ssyncadd.s32 $0xFFFFE000  }
0x87: {  	[spmem:s1] =	stream.indirect.scatter.add.f32 [tilespmem:s21], [sflag:$0x6], $0x40, s10, s19, $0xb8;
	v63 =	vld [tilespmem:$0x0]  }
0x88: {  	_ =	swait.ge @p0 [sflag:s8], $0x2000  }
0x89: {  	[sflag:s8] =	ssyncset.done @p0 $0x0  }
0x8a: {  	[sflag:s8] =	ssyncadd.s32 @p0 $0xFFFFE000;
	s8 =	sshra.s32 @p0 s4, $0x2  }
0x8b: {  	s9 =	simm.s32 @p0 $0x80;
	s10 =	simm.s32 @p0 $0xC000;
	s8 =	sadd.s32 @p0 $0x4300, s8  }
0x8c: {  	[spmem:s1] =	stream.indirect.scatter.add.f32 @p0 [tilespmem:s10], [sflag:$0x7], $0x40, s8, s9, $0xb8;
	v63 =	vld [tilespmem:$0x0]  }
0x8d: {  	s8 =	simm.s32 @!p0 $0x5  }
0x8e: {  	_ =	swait.ge @!p0 [sflag:s8], $0x2000  }
0x8f: {  	[sflag:s8] =	ssyncset.done @!p0 $0x0  }
0x90: {  	[sflag:s8] =	ssyncadd.s32 @!p0 $0xFFFFE000;
	s8 =	sshra.s32 @!p0 s4, $0x2  }
0x91: {  	s11 =	simm.s32 @!p0 $0x8000;
	s10 =	simm.s32 @!p0 $0x80;
	s9 =	sadd.s32 @!p0 $0x400, s8  }
0x92: {  	[tilespmem:s11], [sflag:$0x1] =	stream.indirect.gather @!p0 [hbm4b:s7+s10], $0x40, s9, s10, $0xb8;
	v63 =	vld [tilespmem:$0x0]  }
0x93: {  	s9 =	simm.s32 @!p0 $0x3  }
0x94: {  	_ =	swait.ge @!p0 [sflag:s9], $0x2000  }
0x95: {  	[sflag:s9] =	ssyncset.done @!p0 $0x0  }
0x96: {  	s11 =	simm.s32 @!p0 $0xC000;
	[sflag:s9] =	ssyncadd.s32 @!p0 $0xFFFFE000;
	s9 =	sadd.s32 @!p0 $0x4300, s8  }
0x97: {  	[spmem:s1] =	stream.indirect.scatter.add.f32 @!p0 [tilespmem:s11], [sflag:$0x7], $0x40, s9, s10, $0xb8;
	v63 =	vld [tilespmem:$0x0]  }
0x98: {  	s9 =	simm.s32 @!p0 $0x6  }
0x99: {  	_ =	swait.ge @!p0 [sflag:s9], $0x2000  }
0x9a: {  	[sflag:s9] =	ssyncset.done @!p0 $0x0  }
0x9b: {  	s8 =	sadd.s32 @!p0 $0x480, s8;
	[sflag:s9] =	ssyncadd.s32 @!p0 $0xFFFFE000;
	s9 =	simm.s32 @!p0 $0xA000  }
0x9c: {  	[tilespmem:s9], [sflag:$0x2] =	stream.indirect.gather @!p0 [hbm4b:s7+s10], $0x40, s8, s10, $0xb8;
	v63 =	vld [tilespmem:$0x0]  }
.Ltmp3:
0x9d: {  	_ = 	snop;
	(pc) =	sbr.rel @p0 .LBB2_6-.Ltmp3, $4  }
0x9e: {  	_ =	swait.ge [sflag:s29], $0x2000  }
0x9f: {  	[sflag:s29] =	ssyncset.done $0x0  }
0xa0: {  	s11 =	sadd.s32 $0x4380, s6;
	[sflag:s29] =	ssyncadd.s32 $0xFFFFE000  }
0xa1: {  	[spmem:s1] =	stream.indirect.scatter.add.f32 [tilespmem:s24], [sflag:$0x8], $0x40, s11, s19, $0xb8;
	v63 =	vld [tilespmem:$0x0]  }
.Ltmp4:
0xa2: {  	(pc) =	sbr.rel .LBB2_4-.Ltmp4, $4  }
0xa3: {  	_ =	swait.ge [sflag:s2], $0x2000  }
0xa4: {  	[sflag:s2] =	ssyncset.done $0x0  }
0xa5: {  	s6 =	sadd.s32 $0x500, s6;
	s4 =	sadd.s32 $0x800, s4;
	[sflag:s2] =	ssyncadd.s32 $0xFFFFE000  }
0xa6: {  	[tilespmem:s23], [sflag:$0x3] =	stream.indirect.gather [hbm4b:s7+s19], $0x40, s6, s19, $0xb8;
	v63 =	vld [tilespmem:$0x0]  }
.LBB2_7:
0xa7: {  	_ =	sfence.sel $0x180000  }
0xa8: {  	[bflag:$0x0] =	sbarrier.arrive $0xFFFF  }
0xa9: {  	_ =	strace $0x9000004D  }
0xaa: {  	s0 =	stileid.u32;
	[bflag:$0x2] =	sbarrier.arrive $0xFFFF  }
0xab: {  	p0 =	sne.s32 s0, $0x0;
	s0 =	rddreg [dreg:$0x3]  }
0xac: {  	s0 =	sadd.s32 @!p0 $0x100000, s0  }
0xad: {  	[sflag:s0] =	ssyncadd.tile.s32 @!p0 $0x1;
	_ =	shalt  }
.Lfunc_end2:
_tile_overlayer_lowered:
.L_overlay_start_2:
0xae: {  	(tag) =	ssettag $0x2  }
0xaf: {  	s0 =	rddreg [dreg:$0x0];
	s2 =	stileid.u32  }
0xb0: {  	s1 =	rddreg [dreg:$0x1];
	p0 =	sne.s32 s2, $0x0  }
0xb1: {  	s3 =	rddreg [dreg:$0x2];
	[bflag:$0x3] =	sbarrier.arrive $0xFFFF;
	s2 =	simm.s32 @!p0 $0x1C09  }
0xb2: {  	[timem:s3], [sflag:s2] =	dma.local @!p0 [hbm:s0], s1  }
0xb3: {  	s0 =	simm.s32 @!p0 $0x9  }
0xb4: {  	_ =	swait.ge @!p0 [sflag:s0], s1  }
0xb5: {  	s1 =	ssub.s32 @!p0 $0x0, s1;
	[sflag:s0] =	ssyncset.done @!p0 $0x0  }
0xb6: {  	[sflag:s0] =	ssyncadd.s32 @!p0 s1  }
0xb7: {  	[bflag:$0x3] =	sbarrier.arrive $0xFFFF  }
0xb8: {  	_ =	shalt  }

// kernel: kernel.20.cloned.1.call-start
scs
__scs_entry_jumppad:
0x0: {  	(pc) =	sbr.rel $0x88, $3  }
0x1: {  	(tag) =	ssettag $0x0;
	lr =	simm.s32 $0x1  }
0x2: {  	[smem:$0x3F91] =	sst lr;
	_ =	strace $0xD0000000  }
0x3: {  	_ = 	snop  }
0x4: {  	_ = 	snop  }
0x5: {  	_ = 	snop  }
0x6: {  	_ = 	snop  }
0x7: {  	_ = 	snop  }
__scs_overlays_trampoline_lowered:
0x8: {  	[smem:$0x3FA0] =	sst s0  }
0x9: {  	[smem:$0x3FA1] =	sst s1  }
0xa: {  	[smem:$0x3FA2] =	sst s2  }
0xb: {  	[smem:$0x3FA3] =	sst s3  }
0xc: {  	[smem:$0x3FA4] =	sst s4  }
0xd: {  	[smem:$0x3FA5] =	sst s5  }
0xe: {  	[smem:$0x3FA6] =	sst s6  }
0xf: {  	[smem:$0x3FA7] =	sst s7  }
0x10: {  	[smem:$0x3FA8] =	sst s8  }
0x11: {  	[smem:$0x3FA9] =	sst s9;
	s0 =	simm.s32 @!p0 $0x0  }
0x12: {  	s1 =	sld [smem:$0x3F8F];
	s0 =	simm.s32 @p0 $0x1  }
0x13: {  	[smem:$0x3FAA] =	sst s0;
	s0 =	simm.s32 @!p1 $0x0  }
0x14: {  	s2 =	sld [smem:$0x3F8E];
	s0 =	simm.s32 @p1 $0x1  }
0x15: {  	[smem:$0x3FAB] =	sst s0;
	s0 =	simm.s32 @!p2 $0x0  }
0x16: {  	s3 =	sld [smem:$0x3FDB];
	s0 =	simm.s32 @p2 $0x1  }
0x17: {  	s4 =	simm.s32 $0x1BF5;
	[smem:$0x3FAD] =	sst s0  }
0x18: {  	s0 =	sld [smem:$0x3F90];
	_ =	swait.ge [sflag:s4], $0x0  }
0x19: {  	s7 =	sld [smem:$0x3F91]  }
0x1a: {  	s8 =	sadd.s32 $0xFFFFE003, lr  }
0x1b: {  	s9 =	sadd.s32 $0xFFFFFEF7, lr;
	s5 =	simm.s32 $0xFFFFFFFF;
	p2 =	slt.u32 s8, $0xFFFFF086  }
0x1c: {  	p1 =	slt.u32 s9, $0xF7A;
	s5 =	simm.s32 @!p2 $0x0  }
0x1d: {  	s5 =	simm.s32 @p1 $0x1;
	p0 =	seq.s32 s7, s2  }
0x1e: {  	s7 =	smul.u32 @!p0 $0xF7A, s2;
	p2 =	seq.s32 @!p0 s5, $0x0  }
0x1f: {  	s9 =	smul.u32 $0xF7A, s1;
	s8 =	simm.s32 @!p0 $0x1BF5;
	p2 =	por !p2, p0  }
0x20: {  	[sflag:s8] =	ssyncset.s32 @!p0 $0xFFFFF086;
	s6 =	sadd.s32 @!p0 s3, s7;
	s7 =	simm.s32 @!p0 $0x108  }
0x21: {  	s3 =	sadd.s32 s3, s9;
	s6 =	sadd.s32 @!p0 $0x88, s6;
	s7 =	simm.s32 @p2 $0x1082  }
0x22: {  	[simem:s7], [sflag:s8] =	dma.local @!p0 [hbm:s6], $0xF7A  }
0x23: {  	s9 =	sor.u32 $0xD0000000, s2;
	s6 =	simm.s32 $0x108;
	_ =	swait.ge @!p0 [sflag:s8], $0x0  }
0x24: {  	s3 =	sadd.s32 $0x88, s3;
	s6 =	simm.s32 @!p1 $0x1082;
	[sflag:s4] =	ssyncset.s32 $0xFFFFF086  }
0x25: {  	[simem:s6], [sflag:s4] =	dma.local [hbm:s3], $0xF7A  }
0x26: {  	[smem:$0x3F91] =	sst s1;
	(tag) =	ssettag s2;
	_ =	strace s9  }
0x27: {  	s1 =	sld [smem:$0x3FA1]  }
0x28: {  	s2 =	sld [smem:$0x3FA2]  }
0x29: {  	s4 =	sld [smem:$0x3FA4]  }
0x2a: {  	p0 =	seq.s32 s5, $0x0;
	s5 =	sld [smem:$0x3FA5]  }
0x2b: {  	s6 =	sld [smem:$0x3FA6]  }
0x2c: {  	s7 =	sld [smem:$0x3FA7]  }
0x2d: {  	s3 =	simm.s32 $0x108;
	s8 =	sld [smem:$0x3FA8]  }
0x2e: {  	s3 =	simm.s32 @!p0 $0x1082;
	s9 =	sld [smem:$0x3FA9]  }
0x2f: {  	lr =	sadd.s32 s0, s3;
	s0 =	sld [smem:$0x3FA0]  }
0x30: {  	s3 =	sld [smem:$0x3FA3]  }
0x31: {  	[smem:$0x3FAC] =	sst s10  }
0x32: {  	s10 =	sld [smem:$0x3FAA];
	_ =	sdelay $0x3  }
0x33: {  	p0 =	seq.s32 s10, $0x1;
	s10 =	sld [smem:$0x3FAC];
	_ =	sdelay $0x3  }
0x34: {  	[smem:$0x3FAC] =	sst s10  }
0x35: {  	s10 =	sld [smem:$0x3FAB];
	_ =	sdelay $0x3  }
0x36: {  	p1 =	seq.s32 s10, $0x1;
	s10 =	sld [smem:$0x3FAC];
	_ =	sdelay $0x3  }
0x37: {  	[smem:$0x3FAC] =	sst s10  }
0x38: {  	s10 =	sld [smem:$0x3FAD]  }
0x39: {  	_ = 	snop;
	(pc) =	sbr.ind lr, $3  }
0x3a: {  	_ = 	snop  }
0x3b: {  	_ = 	snop  }
0x3c: {  	p2 =	seq.s32 s10, $0x1;
	s10 =	sld [smem:$0x3FAC]  }
0x3d: {  	_ =	shalt  }
0x3e: {  	_ =	shalt  }
0x3f: {  	_ =	shalt  }
0x40: {  	_ =	shalt  }
0x41: {  	_ =	shalt  }
0x42: {  	_ =	shalt  }
0x43: {  	_ =	shalt  }
0x44: {  	_ =	shalt  }
0x45: {  	_ =	shalt  }
0x46: {  	_ =	shalt  }
0x47: {  	_ =	shalt  }
0x48: {  	_ =	shalt  }
0x49: {  	_ =	shalt  }
0x4a: {  	_ =	shalt  }
0x4b: {  	_ =	shalt  }
0x4c: {  	_ =	shalt  }
0x4d: {  	_ =	shalt  }
0x4e: {  	_ =	shalt  }
0x4f: {  	_ =	shalt  }
0x50: {  	_ =	shalt  }
0x51: {  	_ =	shalt  }
0x52: {  	_ =	shalt  }
0x53: {  	_ =	shalt  }
0x54: {  	_ =	shalt  }
0x55: {  	_ =	shalt  }
0x56: {  	_ =	shalt  }
0x57: {  	_ =	shalt  }
0x58: {  	_ =	shalt  }
0x59: {  	_ =	shalt  }
0x5a: {  	_ =	shalt  }
0x5b: {  	_ =	shalt  }
0x5c: {  	_ =	shalt  }
0x5d: {  	_ =	shalt  }
0x5e: {  	_ =	shalt  }
0x5f: {  	_ =	shalt  }
0x60: {  	_ =	shalt  }
0x61: {  	_ =	shalt  }
0x62: {  	_ =	shalt  }
0x63: {  	_ =	shalt  }
0x64: {  	_ =	shalt  }
0x65: {  	_ =	shalt  }
0x66: {  	_ =	shalt  }
0x67: {  	_ =	shalt  }
0x68: {  	_ =	shalt  }
0x69: {  	_ =	shalt  }
0x6a: {  	_ =	shalt  }
0x6b: {  	_ =	shalt  }
0x6c: {  	_ =	shalt  }
0x6d: {  	_ =	shalt  }
0x6e: {  	_ =	shalt  }
0x6f: {  	_ =	shalt  }
0x70: {  	_ =	shalt  }
0x71: {  	_ =	shalt  }
0x72: {  	_ =	shalt  }
0x73: {  	_ =	shalt  }
0x74: {  	_ =	shalt  }
0x75: {  	_ =	shalt  }
0x76: {  	_ =	shalt  }
0x77: {  	_ =	shalt  }
0x78: {  	_ =	shalt  }
0x79: {  	_ =	shalt  }
0x7a: {  	_ =	shalt  }
0x7b: {  	_ =	shalt  }
0x7c: {  	_ =	shalt  }
0x7d: {  	_ =	shalt  }
0x7e: {  	_ =	shalt  }
0x7f: {  	_ =	shalt  }
0x80: {  	_ =	shalt  }
0x81: {  	_ =	shalt  }
0x82: {  	_ =	shalt  }
0x83: {  	_ =	shalt  }
0x84: {  	_ =	shalt  }
0x85: {  	_ =	shalt  }
0x86: {  	_ =	shalt  }
0x87: {  	_ =	shalt  }
.Lfunc_end0:
.L_simem_size_0:
called_computation.3_lowered:
.L_overlay_start_0:
0x88: {  	s2 =	sld [smem:$0x3FD9]  }
0x89: {  	s3 =	sld [smem:$0x3FFE];
	_ =	sdelay $0x1  }
0x8a: {  	s1 =	srdreg.scid  }
0x8b: {  	s0 =	sand.u32 $0x1, s1  }
0x8c: {  	s17 =	sshll.u32 s0, $0xA;
	s2 =	sadd.s32 s3, s2  }
0x8d: {  	s2 =	sadd.s32 s2, s17  }
0x8e: {  	[smem:$0x3FB8] =	sst s2  }
0x8f: {  	_ = 	snop  }
0x90: {  	s2 =	sld [smem:$0x3FD0];
	(tm) =	ssettm $0x1  }
0x91: {  	s18 =	sld [smem:$0x3FFB];
	_ =	sdelay $0x3  }
0x92: {  	_ =	strace s18  }
0x93: {  	s3 =	sld [smem:$0x3FFC];
	_ =	sdelay $0x3  }
0x94: {  	_ =	strace s3  }
0x95: {  	s3 =	sld [smem:$0x3FFD];
	_ =	sdelay $0x3  }
0x96: {  	_ =	strace s3  }
0x97: {  	_ =	strace $0x8FFFFFFF  }
0x98: {  	s19 =	sld [smem:$0x3FDB];
	_ =	sdelay $0x1  }
0x99: {  	s4 =	simm.s32 $_scs_section_size  }
0x9a: {  	s5 =	simm.s32 $_size__tile_overlayer_lowered;
	s6 =	simm.s32 $_tile_overlayer_lowered  }
0x9b: {  	s22 =	simm.s32 $0x1BFF;
	s21 =	sshll.u32 s6, $0x1;
	s3 =	sadd.s32 s4, s19  }
0x9c: {  	s7 =	simm.s32 $0x0;
	s20 =	sshll.u32 s5, $0x1;
	s5 =	sadd.s32 s21, s3  }
0x9d: {  	[timem:s7], [sflag:s22] =	dma.local [hbm:s5], s20  }
0x9e: {  	_ =	swait.ge [sflag:s22], s20  }
0x9f: {  	s4 =	ssub.s32 $0x0, s20;
	[sflag:s22] =	ssyncset.done $0x0  }
0xa0: {  	[sflag:s22] =	ssyncadd.s32 s4;
	_ =	sdelay $0x1  }
0xa1: {  	s23 =	simm.s32 $0x1B8B  }
0xa2: {  	_ =	swait.ge [sflag:s23], $0x1  }
0xa3: {  	[sflag:s23] =	ssyncset.done $0x0  }
0xa4: {  	s25 =	simm.s32 $0x1B8E;
	s24 =	sld [smem:$0x3FFE];
	[sflag:s23] =	ssyncadd.s32 $0xFFFFFFFF  }
0xa5: {  	s26 =	simm.s32 $execute0_lowered;
	[smem:$0x3FD2] =	sst s25  }
0xa6: {  	s5 =	sshll.u32 s26, $0x1;
	_ =	strace $0x8000004F;
	[dreg:$0x1] =	wrdreg $0xFFFFFFFF  }
0xa7: {  	s28 =	simm.s32 $_size_execute0_lowered;
	s3 =	sadd.s32 s3, s5;
	[dreg:$0x0] =	wrdreg $0x0  }
0xa8: {  	s5 =	sshll.u32 s28, $0x1;
	[dreg:$0x2] =	wrdreg s3  }
0xa9: {  	[dreg:$0x3] =	wrdreg s5  }
0xaa: {  	[dreg:$0x4] =	wrdreg $0xC0  }
0xab: {  	_ =	task [dreg:s7], $0x5FFFF  }
0xac: {  	[dreg:$0x1] =	wrdreg $0xFFFFFFFF  }
0xad: {  	[dreg:$0x0] =	wrdreg $0x60  }
0xae: {  	[dreg:$0x2] =	wrdreg s2  }
0xaf: {  	[dreg:$0x3] =	wrdreg s24  }
0xb0: {  	[dreg:$0x4] =	wrdreg $0x100000  }
0xb1: {  	[dreg:$0x5] =	wrdreg $0x9  }
0xb2: {  	_ =	task.clear_ibuf [dreg:s7], $0x6FFFF;
	_ =	strace $0x9000004F  }
0xb3: {  	s29 =	simm.s32 $0x9;
	_ =	strace $0x80000051  }
0xb4: {  	_ =	swait.ge [sflag:s29], $0x1  }
0xb5: {  	[sflag:s29] =	ssyncadd.s32 $0xFFFFFFFF  }
0xb6: {  	_ =	strace $0x90000051  }
0xb7: {  	_ =	sfence  }
0xb8: {  	s30 =	sld [smem:$0x0];
	_ =	sdelay $0x2  }
0xb9: {  	s31 =	sshll.u32 s1, $0xD;
	s1 =	sshrl.u32 s1, $0x2  }
0xba: {  	s3 =	sand.u32 $0x4000, s31;
	s1 =	sadd.s32 s1, s30  }
0xbb: {  	s0 =	sor.u32 s3, s0;
	s1 =	sshll.u32 s1, $0x11  }
0xbc: {  	s0 =	sor.u32 s1, s0  }
0xbd: {  	s0 =	sadd.s32 $0x8F2B, s0  }
0xbe: {  	[sflag:s0] =	ssyncadd.remote.s32 $0x1  }
0xbf: {  	_ =	sfence.sel $0xFFFF  }
0xc0: {  	[dreg:$0x0] =	wrdreg $0xFFFFFFFF;
	(pc) =	sbr.abs _section_cstart, $3  }
0xc1: {  	[dreg:$0x1] =	wrdreg $0xFFFFFFFF  }
0xc2: {  	_ =	task.clear_ibuf [dreg:s7], $0x2FFFF;
	_ =	strace $0x9FFFFFFF  }
0xc3: {  	(tm) =	ssettm $0x7FFFFFFF  }
tec
execute0_lowered:
.L_overlay_start_1:
0x0: {  	(tag) =	ssettag $0x1  }
0x1: {  	s0 =	rddreg [dreg:$0x0]  }
0x2: {  	s2 =	rddreg [dreg:$0x1]  }
0x3: {  	s1 =	rddreg [dreg:$0x2];
	s3 =	simm.s32 $0x0  }
0x4: {  	s4 =	srdreg.scid;
	s9 =	stileid.u32;
	s17 =	simm.s32 $0x9  }
0x5: {  	s18 =	simm.s32 $0x4000;
	s28 =	simm.s32 $0x2;
	s30 =	simm.s32 $0x5  }
0x6: {  	s29 =	simm.s32 $0x4;
	s31 =	simm.s32 $0x8;
	[smem:$0x7FF] =	sst s3  }
0x7: {  	s4 =	sand.u32 $0x1, s4;
	s5 =	sshll.u32 s9, $0xB;
	s19 =	sshll.u32 s9, $0xD  }
0x8: {  	s20 =	sshll.u32 s9, $0x10;
	_ =	strace $0x80000050;
	s6 =	ssub.s32 $0x2, s4  }
0x9: {  	s7 =	sadd.s32 s5, s2;
	s2 =	sadd.s32 s19, s2;
	s4 =	sshll.u32 s4, $0x11  }
0xa: {  	s5 =	sadd.s32 s20, s1;
	s19 =	simm.s32 $0x80;
	s20 =	simm.s32 $0x8000  }
0xb: {  	s8 =	sshrl.u32 s6, $0x1;
	s21 =	sadd.s32 $0xE000, s7;
	s7 =	sadd.s32 $0x16000, s7  }
0xc: {  	s22 =	sadd.s32 $0x2000, s5;
	s23 =	sadd.s32 $0x4000, s5;
	[dreg:$0x4] =	wrdreg s21  }
0xd: {  	s24 =	sadd.s32 $0x6000, s5;
	s25 =	sadd.s32 $0x8000, s5;
	[dreg:$0x5] =	wrdreg s7  }
0xe: {  	s12 =	sadd.s32 $0xA000, s5;
	s13 =	sadd.s32 $0xC000, s5;
	[dreg:$0x6] =	wrdreg s22  }
0xf: {  	s26 =	sadd.s32 s4, s2;
	s14 =	sadd.s32 $0xE000, s5;
	[dreg:$0x7] =	wrdreg s23  }
.Ltmp0:
0x10: {  	s2 =	simm.s32 $0x7;
	[dreg:$0x8] =	wrdreg s24;
	(pc) =	sbr.rel .LBB2_1-.Ltmp0, $4  }
0x11: {  	s6 =	ssub.s32 s6, s8;
	s7 =	sadd.s32 s0, s4;
	[dreg:$0x9] =	wrdreg s25  }
0x12: {  	s15 =	sadd.s32 $0x1E000, s26;
	s21 =	simm.s32 $0xA000;
	s23 =	simm.s32 $0xC000  }
0x13: {  	s24 =	simm.s32 $0xE000;
	s25 =	simm.s32 $0x1;
	s0 =	simm.s32 $0x3  }
0x14: {  	v0 =	vimm.f32 $0.0e+00;
	s22 =	simm.s32 $0x6;
	s26 =	simm.s32 $0x0;
	s16 =	smax.u32 s6, $0x1  }
.LBB2_6:
0x15: {  	_ =	swait.ge [sflag:s30], $0x2000  }
0x16: {  	[sflag:s30] =	ssyncset.done $0x0  }
0x17: {  	[sflag:s30] =	ssyncadd.s32 $0xFFFFE000  }
0x18: {  	_ =	swait.ge [sflag:s22], $0x2000  }
0x19: {  	[sflag:s22] =	ssyncset.done $0x0  }
0x1a: {  	[sflag:s22] =	ssyncadd.s32 $0xFFFFE000  }
0x1b: {  	_ =	swait.ge [sflag:s2], $0x2000  }
0x1c: {  	[sflag:s2] =	ssyncset.done $0x0  }
0x1d: {  	[sflag:s2] =	ssyncadd.s32 $0xFFFFE000  }
0x1e: {  	s4 =	stileid.u32;
	_ =	swait.ge [sflag:s31], $0x2000  }
0x1f: {  	s6 =	sshrl.u32 s5, $0x3;
	s26 =	sadd.s32 $0x1, s26;
	[sflag:s31] =	ssyncset.done $0x0  }
0x20: {  	s4 =	sshll.u32 s4, $0x6;
	p0 =	sne.s32 s26, s16;
	[sflag:s31] =	ssyncadd.s32 $0xFFFFE000  }
.Ltmp1:
0x21: {  	s4 =	sor.u32 $0x1C09, s4;
	[bflag:$0x0] =	sbarrier.arrive $0xFFFF;
	(pc) =	sbr.rel @!p0 .LBB2_7-.Ltmp1, $4  }
0x22: {  	[hbm:s15], [sflag:s4] =	dma.local [spmem:s6], $0x2000  }
0x23: {  	_ =	swait.ge [sflag:s17], $0x2000  }
0x24: {  	[sflag:s17] =	ssyncset.done $0x0  }
0x25: {  	[sflag:s17] =	ssyncadd.s32 $0xFFFFE000  }
.LBB2_1:
0x26: {  	s4 =	rddreg [dreg:$0x4]  }
0x27: {  	[tilespmem:s3], [sflag:$0x9] =	stream.linear.gather [hbm4b:s4+s3], $0x4000, $0x38;
	v63 =	vld [tilespmem:$0x0]  }
0x28: {  	_ =	swait.ge [sflag:s17], $0x4000  }
0x29: {  	[sflag:s17] =	ssyncset.done $0x0  }
0x2a: {  	s10 =	rddreg [dreg:$0x5];
	[sflag:s17] =	ssyncadd.s32 $0xFFFFC000  }
0x2b: {  	[tilespmem:s18], [sflag:$0x9] =	stream.linear.gather [hbm4b:s10+s3], $0x4000, $0x38;
	v63 =	vld [tilespmem:$0x0]  }
0x2c: {  	_ =	swait.ge [sflag:s17], $0x4000  }
0x2d: {  	[sflag:s17] =	ssyncset.done $0x0  }
0x2e: {  	[sflag:s17] =	ssyncadd.s32 $0xFFFFC000  }
0x2f: {  	[tilespmem:s20], [sflag:$0x1] =	stream.indirect.gather [hbm4b:s7+s19], $0x40, s3, s19, $0xb8;
	v63 =	vld [tilespmem:$0x0]  }
0x30: {  	_ = 	snop  }
0x31: {  	[tilespmem:s21], [sflag:$0x2] =	stream.indirect.gather [hbm4b:s7+s19], $0x40, s19, s19, $0xb8;
	v63 =	vld [tilespmem:$0x0]  }
0x32: {  	s11 =	simm.s32 $0x100;
	s6 =	simm.s32 $0x100;
	s4 =	simm.s32 $0x0  }
0x33: {  	[tilespmem:s23], [sflag:$0x3] =	stream.indirect.gather [hbm4b:s7+s19], $0x40, s11, s19, $0xb8;
	v63 =	vld [tilespmem:$0x0]  }
.LBB2_2:
0x34: {  	p0 =	sne.s32 s6, $0x7F00;
	[tilespmem:s4+$0xE030] =	vst v0;
	s8 =	smov.u32 s6;
	s6 =	sadd.s32 $0x100, s6  }
.Ltmp2:
0x35: {  	[tilespmem:s4+$0xE020] =	vst v0;
	(pc) =	sbr.rel @p0 .LBB2_2-.Ltmp2, $3  }
0x36: {  	[tilespmem:s4+$0xE000] =	vst v0  }
0x37: {  	[tilespmem:s4+$0xE010] =	vst v0;
	_ =	sdelay $0x1  }
0x38: {  	s4 =	sshra.s32 s8, $0x2  }
0x39: {  	[tilespmem:s4+$0xE030] =	vst v0  }
0x3a: {  	[tilespmem:s4+$0xE020] =	vst v0  }
0x3b: {  	[tilespmem:s4+$0xE000] =	vst v0  }
0x3c: {  	[tilespmem:s4+$0xE010] =	vst v0  }
0x3d: {  	[spmem:s5] =	stream.linear.scatter [tilespmem:s24], [sflag:$0x9], $0x2000, $0x38;
	v63 =	vld [tilespmem:$0x0]  }
0x3e: {  	_ =	swait.ge [sflag:s17], $0x2000  }
0x3f: {  	[sflag:s17] =	ssyncset.done $0x0  }
0x40: {  	s11 =	rddreg [dreg:$0x6];
	[sflag:s17] =	ssyncadd.s32 $0xFFFFE000  }
0x41: {  	[spmem:s11] =	stream.linear.scatter [tilespmem:s24], [sflag:$0x9], $0x2000, $0x38;
	v63 =	vld [tilespmem:$0x0]  }
0x42: {  	_ =	swait.ge [sflag:s17], $0x2000  }
0x43: {  	[sflag:s17] =	ssyncset.done $0x0  }
0x44: {  	s6 =	rddreg [dreg:$0x7];
	[sflag:s17] =	ssyncadd.s32 $0xFFFFE000  }
0x45: {  	[spmem:s6] =	stream.linear.scatter [tilespmem:s24], [sflag:$0x9], $0x2000, $0x38;
	v63 =	vld [tilespmem:$0x0]  }
0x46: {  	_ =	swait.ge [sflag:s17], $0x2000  }
0x47: {  	[sflag:s17] =	ssyncset.done $0x0  }
0x48: {  	s8 =	rddreg [dreg:$0x8];
	[sflag:s17] =	ssyncadd.s32 $0xFFFFE000  }
0x49: {  	[spmem:s8] =	stream.linear.scatter [tilespmem:s24], [sflag:$0x9], $0x2000, $0x38;
	v63 =	vld [tilespmem:$0x0]  }
0x4a: {  	_ =	swait.ge [sflag:s17], $0x2000  }
0x4b: {  	[sflag:s17] =	ssyncset.done $0x0  }
0x4c: {  	s9 =	rddreg [dreg:$0x9];
	[sflag:s17] =	ssyncadd.s32 $0xFFFFE000  }
0x4d: {  	[spmem:s9] =	stream.linear.scatter [tilespmem:s24], [sflag:$0x9], $0x2000, $0x38;
	v63 =	vld [tilespmem:$0x0]  }
0x4e: {  	_ =	swait.ge [sflag:s17], $0x2000  }
0x4f: {  	[sflag:s17] =	ssyncset.done $0x0  }
0x50: {  	[sflag:s17] =	ssyncadd.s32 $0xFFFFE000  }
0x51: {  	[spmem:s12] =	stream.linear.scatter [tilespmem:s24], [sflag:$0x9], $0x2000, $0x38;
	v63 =	vld [tilespmem:$0x0]  }
0x52: {  	_ =	swait.ge [sflag:s17], $0x2000  }
0x53: {  	[sflag:s17] =	ssyncset.done $0x0  }
0x54: {  	[sflag:s17] =	ssyncadd.s32 $0xFFFFE000  }
0x55: {  	[spmem:s13] =	stream.linear.scatter [tilespmem:s24], [sflag:$0x9], $0x2000, $0x38;
	v63 =	vld [tilespmem:$0x0]  }
0x56: {  	_ =	swait.ge [sflag:s17], $0x2000  }
0x57: {  	[sflag:s17] =	ssyncset.done $0x0  }
0x58: {  	[sflag:s17] =	ssyncadd.s32 $0xFFFFE000  }
0x59: {  	[spmem:s14] =	stream.linear.scatter [tilespmem:s24], [sflag:$0x9], $0x2000, $0x38;
	v63 =	vld [tilespmem:$0x0]  }
0x5a: {  	_ =	swait.ge [sflag:s17], $0x2000  }
0x5b: {  	[sflag:s17] =	ssyncset.done $0x0  }
0x5c: {  	[sflag:s17] =	ssyncadd.s32 $0xFFFFE000  }
0x5d: {  	[bflag:$0x0] =	sbarrier.arrive $0xFFFF  }
0x5e: {  	_ =	swait.ge [sflag:s25], $0x2000  }
0x5f: {  	[sflag:s25] =	ssyncset.done $0x0  }
0x60: {  	[sflag:s25] =	ssyncadd.s32 $0xFFFFE000  }
0x61: {  	[spmem:s1] =	stream.indirect.scatter.add.f32 [tilespmem:s20], [sflag:$0x5], $0x40, s18, s19, $0xb8;
	v63 =	vld [tilespmem:$0x0]  }
0x62: {  	s10 =	simm.s32 $0x180  }
0x63: {  	[tilespmem:s24], [sflag:$0x4] =	stream.indirect.gather [hbm4b:s7+s19], $0x40, s10, s19, $0xb8;
	v63 =	vld [tilespmem:$0x0]  }
0x64: {  	_ =	swait.ge [sflag:s28], $0x2000  }
0x65: {  	[sflag:s28] =	ssyncset.done $0x0  }
0x66: {  	s11 =	simm.s32 $0x4080;
	[sflag:s28] =	ssyncadd.s32 $0xFFFFE000  }
0x67: {  	[spmem:s1] =	stream.indirect.scatter.add.f32 [tilespmem:s21], [sflag:$0x6], $0x40, s11, s19, $0xb8;
	v63 =	vld [tilespmem:$0x0]  }
0x68: {  	_ =	swait.ge [sflag:s30], $0x2000  }
0x69: {  	[sflag:s30] =	ssyncset.done $0x0  }
0x6a: {  	s6 =	simm.s32 $0x200;
	[sflag:s30] =	ssyncadd.s32 $0xFFFFE000  }
0x6b: {  	[tilespmem:s20], [sflag:$0x1] =	stream.indirect.gather [hbm4b:s7+s19], $0x40, s6, s19, $0xb8;
	v63 =	vld [tilespmem:$0x0]  }
0x6c: {  	_ =	swait.ge [sflag:s0], $0x2000  }
0x6d: {  	[sflag:s0] =	ssyncset.done $0x0  }
0x6e: {  	s8 =	simm.s32 $0x4100;
	[sflag:s0] =	ssyncadd.s32 $0xFFFFE000  }
0x6f: {  	[spmem:s1] =	stream.indirect.scatter.add.f32 [tilespmem:s23], [sflag:$0x7], $0x40, s8, s19, $0xb8;
	v63 =	vld [tilespmem:$0x0]  }
0x70: {  	_ =	swait.ge [sflag:s22], $0x2000  }
0x71: {  	[sflag:s22] =	ssyncset.done $0x0  }
0x72: {  	s9 =	simm.s32 $0x280;
	[sflag:s22] =	ssyncadd.s32 $0xFFFFE000  }
0x73: {  	[tilespmem:s21], [sflag:$0x2] =	stream.indirect.gather [hbm4b:s7+s19], $0x40, s9, s19, $0xb8;
	v63 =	vld [tilespmem:$0x0]  }
0x74: {  	_ =	swait.ge [sflag:s29], $0x2000  }
0x75: {  	[sflag:s29] =	ssyncset.done $0x0  }
0x76: {  	s10 =	simm.s32 $0x4180;
	[sflag:s29] =	ssyncadd.s32 $0xFFFFE000  }
0x77: {  	[spmem:s1] =	stream.indirect.scatter.add.f32 [tilespmem:s24], [sflag:$0x8], $0x40, s10, s19, $0xb8;
	v63 =	vld [tilespmem:$0x0]  }
0x78: {  	_ =	swait.ge [sflag:s2], $0x2000  }
0x79: {  	[sflag:s2] =	ssyncset.done $0x0  }
0x7a: {  	s4 =	simm.s32 $0x0;
	s11 =	simm.s32 $0x300;
	[sflag:s2] =	ssyncadd.s32 $0xFFFFE000  }
0x7b: {  	[tilespmem:s23], [sflag:$0x3] =	stream.indirect.gather [hbm4b:s7+s19], $0x40, s11, s19, $0xb8;
	v63 =	vld [tilespmem:$0x0]  }
.LBB2_4:
0x7c: {  	_ =	swait.ge [sflag:s25], $0x2000  }
0x7d: {  	s6 =	sshra.s32 s4, $0x2;
	[sflag:s25] =	ssyncset.done $0x0  }
0x7e: {  	s8 =	sadd.s32 $0x4200, s6;
	[sflag:s25] =	ssyncadd.s32 $0xFFFFE000  }
0x7f: {  	[spmem:s1] =	stream.indirect.scatter.add.f32 [tilespmem:s20], [sflag:$0x5], $0x40, s8, s19, $0xb8;
	v63 =	vld [tilespmem:$0x0]  }
0x80: {  	_ =	swait.ge [sflag:s31], $0x2000  }
0x81: {  	[sflag:s31] =	ssyncset.done $0x0  }
0x82: {  	s9 =	sadd.s32 $0x380, s6;
	[sflag:s31] =	ssyncadd.s32 $0xFFFFE000  }
0x83: {  	[tilespmem:s24], [sflag:$0x4] =	stream.indirect.gather [hbm4b:s7+s19], $0x40, s9, s19, $0xb8;
	v63 =	vld [tilespmem:$0x0]  }
0x84: {  	_ =	swait.ge [sflag:s28], $0x2000  }
0x85: {  	p0 =	seq.s32 s4, $0xF000;
	[sflag:s28] =	ssyncset.done $0x0  }
0x86: {  	s10 =	sadd.s32 $0x4280, s6;
	s8 =	simm.s32 @p0 $0x3;
	[sflag:s28] =	ssyncadd.s32 $0xFFFFE000  }
0x87: {  	[spmem:s1] =	stream.indirect.scatter.add.f32 [tilespmem:s21], [sflag:$0x6], $0x40, s10, s19, $0xb8;
	v63 =	vld [tilespmem:$0x0]  }
0x88: {  	_ =	swait.ge @p0 [sflag:s8], $0x2000  }
0x89: {  	[sflag:s8] =	ssyncset.done @p0 $0x0  }
0x8a: {  	[sflag:s8] =	ssyncadd.s32 @p0 $0xFFFFE000;
	s8 =	sshra.s32 @p0 s4, $0x2  }
0x8b: {  	s9 =	simm.s32 @p0 $0x80;
	s10 =	simm.s32 @p0 $0xC000;
	s8 =	sadd.s32 @p0 $0x4300, s8  }
0x8c: {  	[spmem:s1] =	stream.indirect.scatter.add.f32 @p0 [tilespmem:s10], [sflag:$0x7], $0x40, s8, s9, $0xb8;
	v63 =	vld [tilespmem:$0x0]  }
0x8d: {  	s8 =	simm.s32 @!p0 $0x5  }
0x8e: {  	_ =	swait.ge @!p0 [sflag:s8], $0x2000  }
0x8f: {  	[sflag:s8] =	ssyncset.done @!p0 $0x0  }
0x90: {  	[sflag:s8] =	ssyncadd.s32 @!p0 $0xFFFFE000;
	s8 =	sshra.s32 @!p0 s4, $0x2  }
0x91: {  	s11 =	simm.s32 @!p0 $0x8000;
	s10 =	simm.s32 @!p0 $0x80;
	s9 =	sadd.s32 @!p0 $0x400, s8  }
0x92: {  	[tilespmem:s11], [sflag:$0x1] =	stream.indirect.gather @!p0 [hbm4b:s7+s10], $0x40, s9, s10, $0xb8;
	v63 =	vld [tilespmem:$0x0]  }
0x93: {  	s9 =	simm.s32 @!p0 $0x3  }
0x94: {  	_ =	swait.ge @!p0 [sflag:s9], $0x2000  }
0x95: {  	[sflag:s9] =	ssyncset.done @!p0 $0x0  }
0x96: {  	s11 =	simm.s32 @!p0 $0xC000;
	[sflag:s9] =	ssyncadd.s32 @!p0 $0xFFFFE000;
	s9 =	sadd.s32 @!p0 $0x4300, s8  }
0x97: {  	[spmem:s1] =	stream.indirect.scatter.add.f32 @!p0 [tilespmem:s11], [sflag:$0x7], $0x40, s9, s10, $0xb8;
	v63 =	vld [tilespmem:$0x0]  }
0x98: {  	s9 =	simm.s32 @!p0 $0x6  }
0x99: {  	_ =	swait.ge @!p0 [sflag:s9], $0x2000  }
0x9a: {  	[sflag:s9] =	ssyncset.done @!p0 $0x0  }
0x9b: {  	s8 =	sadd.s32 @!p0 $0x480, s8;
	[sflag:s9] =	ssyncadd.s32 @!p0 $0xFFFFE000;
	s9 =	simm.s32 @!p0 $0xA000  }
0x9c: {  	[tilespmem:s9], [sflag:$0x2] =	stream.indirect.gather @!p0 [hbm4b:s7+s10], $0x40, s8, s10, $0xb8;
	v63 =	vld [tilespmem:$0x0]  }
.Ltmp3:
0x9d: {  	_ = 	snop;
	(pc) =	sbr.rel @p0 .LBB2_6-.Ltmp3, $4  }
0x9e: {  	_ =	swait.ge [sflag:s29], $0x2000  }
0x9f: {  	[sflag:s29] =	ssyncset.done $0x0  }
0xa0: {  	s11 =	sadd.s32 $0x4380, s6;
	[sflag:s29] =	ssyncadd.s32 $0xFFFFE000  }
0xa1: {  	[spmem:s1] =	stream.indirect.scatter.add.f32 [tilespmem:s24], [sflag:$0x8], $0x40, s11, s19, $0xb8;
	v63 =	vld [tilespmem:$0x0]  }
.Ltmp4:
0xa2: {  	(pc) =	sbr.rel .LBB2_4-.Ltmp4, $4  }
0xa3: {  	_ =	swait.ge [sflag:s2], $0x2000  }
0xa4: {  	[sflag:s2] =	ssyncset.done $0x0  }
0xa5: {  	s6 =	sadd.s32 $0x500, s6;
	s4 =	sadd.s32 $0x800, s4;
	[sflag:s2] =	ssyncadd.s32 $0xFFFFE000  }
0xa6: {  	[tilespmem:s23], [sflag:$0x3] =	stream.indirect.gather [hbm4b:s7+s19], $0x40, s6, s19, $0xb8;
	v63 =	vld [tilespmem:$0x0]  }
.LBB2_7:
0xa7: {  	_ =	sfence.sel $0x180000  }
0xa8: {  	[bflag:$0x0] =	sbarrier.arrive $0xFFFF  }
0xa9: {  	_ =	strace $0x90000050  }
0xaa: {  	s0 =	stileid.u32;
	[bflag:$0x2] =	sbarrier.arrive $0xFFFF  }
0xab: {  	p0 =	sne.s32 s0, $0x0;
	s0 =	rddreg [dreg:$0x3]  }
0xac: {  	s0 =	sadd.s32 @!p0 $0x100000, s0  }
0xad: {  	[sflag:s0] =	ssyncadd.tile.s32 @!p0 $0x1;
	_ =	shalt  }
.Lfunc_end2:
_tile_overlayer_lowered:
.L_overlay_start_2:
0xae: {  	(tag) =	ssettag $0x2  }
0xaf: {  	s0 =	rddreg [dreg:$0x0];
	s2 =	stileid.u32  }
0xb0: {  	s1 =	rddreg [dreg:$0x1];
	p0 =	sne.s32 s2, $0x0  }
0xb1: {  	s3 =	rddreg [dreg:$0x2];
	[bflag:$0x3] =	sbarrier.arrive $0xFFFF;
	s2 =	simm.s32 @!p0 $0x1C09  }
0xb2: {  	[timem:s3], [sflag:s2] =	dma.local @!p0 [hbm:s0], s1  }
0xb3: {  	s0 =	simm.s32 @!p0 $0x9  }
0xb4: {  	_ =	swait.ge @!p0 [sflag:s0], s1  }
0xb5: {  	s1 =	ssub.s32 @!p0 $0x0, s1;
	[sflag:s0] =	ssyncset.done @!p0 $0x0  }
0xb6: {  	[sflag:s0] =	ssyncadd.s32 @!p0 s1  }
0xb7: {  	[bflag:$0x3] =	sbarrier.arrive $0xFFFF  }
0xb8: {  	_ =	shalt  }

</sc_bundles>
